<compile_context>
chip_gen: v7x
topology: tpu7x:2x2x1
jax: 0.10.2.dev20260603
libtpu: 0.0.44.dev20260713+nightly
codegen_flags: <defaults>
</compile_context>

<pallas_src>
import functools

import jax
import jax.numpy as jnp
from jax import lax
from jax.experimental import pallas as pl
from jax.experimental.pallas import tpu as pltpu
from jax.experimental.pallas import tpu_sc as plsc

N = 10000
E = 320000
D = 128
H = 256

NC = 2
NS = 16
K = 128
IB = 40
CH1 = 80
CH23 = 160
E_PAD = NC * NS * CH1 * K
ACC = 10240
RPT = ACC // NS


def _make_agg(chunks):
  mesh = plsc.VectorSubcoreMesh(core_axis_name="c", subcore_axis_name="s")
  nblocks = chunks // IB

  @functools.partial(
      pl.kernel,
      out_type=jax.ShapeDtypeStruct((NC, ACC, D), jnp.float32),
      mesh=mesh,
      scratch_types=[
          pltpu.VMEM((IB, K), jnp.int32),
          pltpu.VMEM((IB, K), jnp.int32),
          pltpu.VMEM((K, D), jnp.float32),
          pltpu.VMEM((K, D), jnp.float32),
          pltpu.VMEM_SHARED((ACC, D), jnp.float32),
          pltpu.SemaphoreType.DMA,
          pltpu.SemaphoreType.DMA,
          pltpu.SemaphoreType.DMA,
          pltpu.SemaphoreType.DMA,
      ],
  )
  def agg(table, srcs, dsts, zeros, out, src_v, dst_v, buf0, buf1, acc,
          gs0, gs1, ss0, ss1):
    c = lax.axis_index("c")
    s = lax.axis_index("s")
    pltpu.sync_copy(zeros, acc.at[pl.ds(s * RPT, RPT)])
    plsc.subcore_barrier()

    def wait_gather(buf, sem):
      pltpu.make_async_copy(table.at[src_v.at[0]], buf, sem).wait()

    def wait_scatter(buf, sem):
      pltpu.make_async_copy(buf, acc.at[dst_v.at[0]], sem).wait()

    for blk in range(nblocks):
      pltpu.sync_copy(srcs.at[c, s, pl.ds(blk * IB, IB)], src_v)
      pltpu.sync_copy(dsts.at[c, s, pl.ds(blk * IB, IB)], dst_v)
      pltpu.async_copy(table.at[src_v.at[0]], buf0, gs0)
      pltpu.async_copy(table.at[src_v.at[1]], buf1, gs1)

      def pair(i, carry):
        j0 = 2 * i
        wait_gather(buf0, gs0)
        pltpu.async_copy(buf0, acc.at[dst_v.at[j0]], ss0, add=True)
        wait_gather(buf1, gs1)
        pltpu.async_copy(buf1, acc.at[dst_v.at[j0 + 1]], ss1, add=True)

        @pl.when(j0 + 2 < IB)
        def _():
          wait_scatter(buf0, ss0)
          pltpu.async_copy(table.at[src_v.at[j0 + 2]], buf0, gs0)

        @pl.when(j0 + 3 < IB)
        def _():
          wait_scatter(buf1, ss1)
          pltpu.async_copy(table.at[src_v.at[j0 + 3]], buf1, gs1)

        return carry

      lax.fori_loop(0, IB // 2, pair, 0)
      wait_scatter(buf0, ss0)
      wait_scatter(buf1, ss1)

    plsc.subcore_barrier()
    pltpu.sync_copy(acc.at[pl.ds(s * RPT, RPT)],
                    out.at[c, pl.ds(s * RPT, RPT)])

  return agg


def _dot(a, b):
  return jax.lax.dot_general(a.astype(jnp.bfloat16), b.astype(jnp.bfloat16),
                             (((1,), (0,)), ((), ())),
                             preferred_element_type=jnp.float32)


def _make_mlp1(bn):

  def body(x_ref, agg_ref, w1_ref, b1_ref, w2_ref, b2_ref, out_ref):
    z = x_ref[...] + agg_ref[0] + agg_ref[1]
    h = jnp.maximum(_dot(z, w1_ref[...]) + b1_ref[...], 0.0)
    o = _dot(h, w2_ref[...]) + b2_ref[...]
    out_ref[0] = o[:, : H // 2]
    out_ref[1] = o[:, H // 2 :]

  return pl.pallas_call(
      body,
      grid=(N // bn,),
      in_specs=[
          pl.BlockSpec((bn, D), lambda i: (i, 0)),
          pl.BlockSpec((2, bn, D), lambda i: (0, i, 0)),
          pl.BlockSpec((D, H), lambda i: (0, 0)),
          pl.BlockSpec((1, H), lambda i: (0, 0)),
          pl.BlockSpec((H, H), lambda i: (0, 0)),
          pl.BlockSpec((1, H), lambda i: (0, 0)),
      ],
      out_specs=pl.BlockSpec((2, bn, H // 2), lambda i: (0, i, 0)),
      out_shape=jax.ShapeDtypeStruct((2, N, H // 2), jnp.float32),
  )


def _make_mlp23(d_out, bn, last):

  def body(xh_ref, agg_ref, w1_ref, b1_ref, w2_ref, b2_ref, out_ref):
    z = jnp.concatenate([xh_ref[0] + agg_ref[0], xh_ref[1] + agg_ref[1]],
                        axis=1)
    h = _dot(z, w1_ref[...]) + b1_ref[...]
    h = jnp.maximum(h, 0.0)
    o = _dot(h, w2_ref[...]) + b2_ref[...]
    if last:
      out_ref[...] = o
    else:
      out_ref[0] = o[:, : d_out // 2]
      out_ref[1] = o[:, d_out // 2 :]

  in_specs = [
      pl.BlockSpec((2, bn, D), lambda i: (0, i, 0)),
      pl.BlockSpec((2, bn, D), lambda i: (0, i, 0)),
      pl.BlockSpec((H, H), lambda i: (0, 0)),
      pl.BlockSpec((1, H), lambda i: (0, 0)),
      pl.BlockSpec((H, d_out), lambda i: (0, 0)),
      pl.BlockSpec((1, d_out), lambda i: (0, 0)),
  ]
  if last:
    out_spec = pl.BlockSpec((bn, d_out), lambda i: (i, 0))
    out_shape = jax.ShapeDtypeStruct((N, d_out), jnp.float32)
  else:
    out_spec = pl.BlockSpec((2, bn, d_out // 2), lambda i: (0, i, 0))
    out_shape = jax.ShapeDtypeStruct((2, N, d_out // 2), jnp.float32)
  return pl.pallas_call(body, grid=(N // bn,), in_specs=in_specs,
                        out_specs=out_spec, out_shape=out_shape)


_agg1 = _make_agg(CH1)
_agg23 = _make_agg(CH23)
_mlp1 = _make_mlp1(400)
_mlp2 = _make_mlp23(H, 400, last=False)
_mlp3 = _make_mlp23(1, 400, last=True)


def _pad_idx(idx, fill):
  return jnp.concatenate([idx, fill[: E_PAD - E]])


def kernel(x, edge_index, W1a, b1a, W2a, b2a, W1b, b1b, W2b, b2b,
           W1c, b1c, W2c, b2c):
  src = edge_index[0].astype(jnp.int32)
  dst = edge_index[1].astype(jnp.int32)
  ar = jnp.arange(E_PAD - E, dtype=jnp.int32)
  src_fill = ar % N
  dst_fill = N + ar % (ACC - N)

  src_p = _pad_idx(src, src_fill)
  dst_p = _pad_idx(dst, dst_fill)
  srcs1 = src_p.reshape(NC, NS, CH1, K)
  dsts1 = dst_p.reshape(NC, NS, CH1, K)
  srcs23 = jnp.stack([src_p, src_p + N]).reshape(NC, NS, CH23, K)
  dsts23 = jnp.broadcast_to(dst_p.reshape(1, NS, CH23, K), (NC, NS, CH23, K))
  zeros = jnp.zeros((RPT, D), jnp.float32)

  agg1 = _agg1(x, srcs1, dsts1, zeros)
  h1 = _mlp1(x, agg1, W1a, b1a.reshape(1, H), W2a, b2a.reshape(1, H))

  agg2 = _agg23(h1.reshape(2 * N, D), srcs23, dsts23, zeros)
  h2 = _mlp2(h1, agg2, W1b, b1b.reshape(1, H), W2b, b2b.reshape(1, H))

  agg3 = _agg23(h2.reshape(2 * N, D), srcs23, dsts23, zeros)
  out = _mlp3(h2, agg3, W1c, b1c.reshape(1, H), W2c, b2c.reshape(1, 1))
  return out

# --- scband reference (transcript-rebuilt; emitter-appended) ---
"""Pipeline reference for scband-net-78073915506767 (READ-ONLY COPY).

The authoritative reference and input builder live on the scoring server;
editing this copy changes nothing except your own understanding.
"""

import jax, jax.numpy as jnp
import numpy as np

N_NODES = 10000
N_EDGES = 320000
D_FEAT = 128
HIDDEN = 256


def setup_inputs(seed: int = 0) -> dict:
    key = jax.random.key(seed)
    ks = jax.random.split(key, 16)
    x = jax.random.normal(ks[0], (N_NODES, D_FEAT), dtype=jnp.float32)
    edge_index = jax.random.randint(ks[1], (2, N_EDGES), 0, N_NODES, dtype=jnp.int64)

    def lin(k, fan_in, fan_out):
        bound = 1.0 / np.sqrt(fan_in)
        kw, kb = jax.random.split(k)
        W = jax.random.uniform(kw, (fan_in, fan_out), minval=-bound, maxval=bound, dtype=jnp.float32)
        b = jax.random.uniform(kb, (fan_out,), minval=-bound, maxval=bound, dtype=jnp.float32)
        return W, b

    W1a, b1a = lin(ks[2], D_FEAT, HIDDEN)
    W2a, b2a = lin(ks[3], HIDDEN, HIDDEN)
    W1b, b1b = lin(ks[4], HIDDEN, HIDDEN)
    W2b, b2b = lin(ks[5], HIDDEN, HIDDEN)
    W1c, b1c = lin(ks[6], HIDDEN, HIDDEN)
    W2c, b2c = lin(ks[7], HIDDEN, 1)
    return {
        "x": x, "edge_index": edge_index,
        "W1a": W1a, "b1a": b1a, "W2a": W2a, "b2a": b2a,
        "W1b": W1b, "b1b": b1b, "W2b": W2b, "b2b": b2b,
        "W1c": W1c, "b1c": b1c, "W2c": W2c, "b2c": b2c,
    }


def _gin_conv(x, src, dst, num_nodes, W1, b1, W2, b2, eps=0.0):
    # GINConv: out = MLP((1+eps)*x + sum_{j->i} x_j)
    msgs = jnp.take(x, src, axis=0)
    agg = jax.ops.segment_sum(msgs, dst, num_segments=num_nodes)
    h = (1.0 + eps) * x + agg
    h = jnp.maximum(h @ W1 + b1, 0.0)
    h = h @ W2 + b2
    return h


def reference(x, edge_index, W1a, b1a, W2a, b2a, W1b, b1b, W2b, b2b, W1c, b1c, W2c, b2c):
    src = edge_index[0]
    dst = edge_index[1]
    n = x.shape[0]
    # residual=False, jk=False -> plain stack of 3 GIN convs
    h = _gin_conv(x, src, dst, n, W1a, b1a, W2a, b2a)
    h = _gin_conv(h, src, dst, n, W1b, b1b, W2b, b2b)
    h = _gin_conv(h, src, dst, n, W1c, b1c, W2c, b2c)
    return h

if __name__ == "__main__":
    import jax
    _d = setup_inputs()
    print(jax.jit(kernel)(*tuple(_d.values())))

</pallas_src>

<mosaic_0001>
#map = affine_map<(d0, d1) -> (0, 0)>
#map1 = affine_map<(d0, d1) -> (0, 0, 0, 0)>
#map2 = affine_map<(d0, d1) -> (0, 0, 0)>
module attributes {stable_mosaic.version = 14 : i64} {
  func.func @agg(%arg0: i32, %arg1: i32, %arg2: memref<10000x128xf32, #tpu.memory_space<hbm>>, %arg3: memref<2x16x80x128xi32, #tpu.memory_space<hbm>>, %arg4: memref<2x16x80x128xi32, #tpu.memory_space<hbm>>, %arg5: memref<640x128xf32, #tpu.memory_space<hbm>>, %arg6: memref<2x10240x128xf32, #tpu.memory_space<hbm>>, %arg7: memref<40x128xi32, #tpu.memory_space<vmem>>, %arg8: memref<40x128xi32, #tpu.memory_space<vmem>>, %arg9: memref<128x128xf32, #tpu.memory_space<vmem>>, %arg10: memref<128x128xf32, #tpu.memory_space<vmem>>, %arg11: memref<10240x128xf32, #tpu.memory_space<vmem_shared>>, %arg12: memref<!tpu.dma_semaphore, #tpu.memory_space<semaphore_mem>>, %arg13: memref<!tpu.dma_semaphore, #tpu.memory_space<semaphore_mem>>, %arg14: memref<!tpu.dma_semaphore, #tpu.memory_space<semaphore_mem>>, %arg15: memref<!tpu.dma_semaphore, #tpu.memory_space<semaphore_mem>>) attributes {dimension_semantics = [#tpu.dimension_semantics<core_parallel>, #tpu.dimension_semantics<subcore_parallel>], iteration_bounds = array<i64: 2, 16>, scalar_prefetch = 0 : i64, scratch_operands = 9 : i64, tpu.core_type = #tpu.core_type<sc_vector_subcore>, window_params = [{transform_indices = #map}, {transform_indices = #map1}, {transform_indices = #map1}, {transform_indices = #map}, {transform_indices = #map2}]} {
    %mul3A = arith.constant 640 : i32
    %mul3A_0 = arith.muli %arg1, %mul3A : i32
    "tpu.region"() ({
      %run_scoped3A = tpu.sem_alloc : memref<!tpu.dma_semaphore, #tpu.memory_space<semaphore_mem>>
      %dma_start3A_71 = arith.constant 0 : i32
      %dma_start3A_72 = tpu.memref_slice %arg11[%mul3A_0, %dma_start3A_71] : memref<10240x128xf32, #tpu.memory_space<vmem_shared>> -> memref<640x128xf32, #tpu.memory_space<vmem_shared>>
      tpu.enqueue_dma source(%arg5 : memref<640x128xf32, #tpu.memory_space<hbm>>) target(%dma_start3A_72 : memref<640x128xf32, #tpu.memory_space<vmem_shared>>) target_semaphore(%run_scoped3A : memref<!tpu.dma_semaphore, #tpu.memory_space<semaphore_mem>>)
      %dma_wait3A_73 = arith.constant 0 : i32
      %dma_wait3A_74 = tpu.memref_slice %arg11[%mul3A_0, %dma_wait3A_73] : memref<10240x128xf32, #tpu.memory_space<vmem_shared>> -> memref<640x128xf32, #tpu.memory_space<vmem_shared>>
      tpu.wait_dma2 semaphore(%run_scoped3A : memref<!tpu.dma_semaphore, #tpu.memory_space<semaphore_mem>>) src(%arg5 : memref<640x128xf32, #tpu.memory_space<hbm>>) dst(%dma_wait3A_74 : memref<640x128xf32, #tpu.memory_space<vmem_shared>>)
      tpu.yield
    }) : () -> ()
    %barrier3A = arith.constant 0 : index
    tpu.barrier barrier_id(%barrier3A)
    "tpu.region"() ({
      %run_scoped3A = tpu.sem_alloc : memref<!tpu.dma_semaphore, #tpu.memory_space<semaphore_mem>>
      %dma_start3A_71 = arith.constant 0 : i32
      %dma_start3A_72 = arith.constant 0 : i32
      %dma_start3A_73 = tpu.memref_slice %arg3[%arg0, %arg1, %dma_start3A_71, %dma_start3A_72] : memref<2x16x80x128xi32, #tpu.memory_space<hbm>> -> memref<1x1x40x128xi32, #tpu.memory_space<hbm>>
      %dma_start3A_74 = tpu.memref_squeeze %dma_start3A_73 : memref<1x1x40x128xi32, #tpu.memory_space<hbm>> -> memref<40x128xi32, #tpu.memory_space<hbm>>
      %dma_start3A_75 = arith.constant 0 : i32
      %dma_start3A_76 = arith.constant 0 : i32
      %dma_start3A_77 = tpu.memref_slice %arg3[%arg0, %arg1, %dma_start3A_75, %dma_start3A_76] : memref<2x16x80x128xi32, #tpu.memory_space<hbm>> -> memref<1x1x40x128xi32, #tpu.memory_space<hbm>>
      %dma_start3A_78 = tpu.memref_squeeze %dma_start3A_77 : memref<1x1x40x128xi32, #tpu.memory_space<hbm>> -> memref<40x128xi32, #tpu.memory_space<hbm>>
      tpu.enqueue_dma source(%dma_start3A_78 : memref<40x128xi32, #tpu.memory_space<hbm>>) target(%arg7 : memref<40x128xi32, #tpu.memory_space<vmem>>) target_semaphore(%run_scoped3A : memref<!tpu.dma_semaphore, #tpu.memory_space<semaphore_mem>>)
      %dma_wait3A_79 = arith.constant 0 : i32
      %dma_wait3A_80 = arith.constant 0 : i32
      %dma_wait3A_81 = tpu.memref_slice %arg3[%arg0, %arg1, %dma_wait3A_79, %dma_wait3A_80] : memref<2x16x80x128xi32, #tpu.memory_space<hbm>> -> memref<1x1x40x128xi32, #tpu.memory_space<hbm>>
      %dma_wait3A_82 = tpu.memref_squeeze %dma_wait3A_81 : memref<1x1x40x128xi32, #tpu.memory_space<hbm>> -> memref<40x128xi32, #tpu.memory_space<hbm>>
      %dma_wait3A_83 = arith.constant 0 : i32
      %dma_wait3A_84 = arith.constant 0 : i32
      %dma_wait3A_85 = tpu.memref_slice %arg3[%arg0, %arg1, %dma_wait3A_83, %dma_wait3A_84] : memref<2x16x80x128xi32, #tpu.memory_space<hbm>> -> memref<1x1x40x128xi32, #tpu.memory_space<hbm>>
      %dma_wait3A_86 = tpu.memref_squeeze %dma_wait3A_85 : memref<1x1x40x128xi32, #tpu.memory_space<hbm>> -> memref<40x128xi32, #tpu.memory_space<hbm>>
      tpu.wait_dma2 semaphore(%run_scoped3A : memref<!tpu.dma_semaphore, #tpu.memory_space<semaphore_mem>>) src(%dma_wait3A_86 : memref<40x128xi32, #tpu.memory_space<hbm>>) dst(%arg7 : memref<40x128xi32, #tpu.memory_space<vmem>>)
      tpu.yield
    }) : () -> ()
    "tpu.region"() ({
      %run_scoped3A = tpu.sem_alloc : memref<!tpu.dma_semaphore, #tpu.memory_space<semaphore_mem>>
      %dma_start3A_71 = arith.constant 0 : i32
      %dma_start3A_72 = arith.constant 0 : i32
      %dma_start3A_73 = tpu.memref_slice %arg4[%arg0, %arg1, %dma_start3A_71, %dma_start3A_72] : memref<2x16x80x128xi32, #tpu.memory_space<hbm>> -> memref<1x1x40x128xi32, #tpu.memory_space<hbm>>
      %dma_start3A_74 = tpu.memref_squeeze %dma_start3A_73 : memref<1x1x40x128xi32, #tpu.memory_space<hbm>> -> memref<40x128xi32, #tpu.memory_space<hbm>>
      %dma_start3A_75 = arith.constant 0 : i32
      %dma_start3A_76 = arith.constant 0 : i32
      %dma_start3A_77 = tpu.memref_slice %arg4[%arg0, %arg1, %dma_start3A_75, %dma_start3A_76] : memref<2x16x80x128xi32, #tpu.memory_space<hbm>> -> memref<1x1x40x128xi32, #tpu.memory_space<hbm>>
      %dma_start3A_78 = tpu.memref_squeeze %dma_start3A_77 : memref<1x1x40x128xi32, #tpu.memory_space<hbm>> -> memref<40x128xi32, #tpu.memory_space<hbm>>
      tpu.enqueue_dma source(%dma_start3A_78 : memref<40x128xi32, #tpu.memory_space<hbm>>) target(%arg8 : memref<40x128xi32, #tpu.memory_space<vmem>>) target_semaphore(%run_scoped3A : memref<!tpu.dma_semaphore, #tpu.memory_space<semaphore_mem>>)
      %dma_wait3A_79 = arith.constant 0 : i32
      %dma_wait3A_80 = arith.constant 0 : i32
      %dma_wait3A_81 = tpu.memref_slice %arg4[%arg0, %arg1, %dma_wait3A_79, %dma_wait3A_80] : memref<2x16x80x128xi32, #tpu.memory_space<hbm>> -> memref<1x1x40x128xi32, #tpu.memory_space<hbm>>
      %dma_wait3A_82 = tpu.memref_squeeze %dma_wait3A_81 : memref<1x1x40x128xi32, #tpu.memory_space<hbm>> -> memref<40x128xi32, #tpu.memory_space<hbm>>
      %dma_wait3A_83 = arith.constant 0 : i32
      %dma_wait3A_84 = arith.constant 0 : i32
      %dma_wait3A_85 = tpu.memref_slice %arg4[%arg0, %arg1, %dma_wait3A_83, %dma_wait3A_84] : memref<2x16x80x128xi32, #tpu.memory_space<hbm>> -> memref<1x1x40x128xi32, #tpu.memory_space<hbm>>
      %dma_wait3A_86 = tpu.memref_squeeze %dma_wait3A_85 : memref<1x1x40x128xi32, #tpu.memory_space<hbm>> -> memref<40x128xi32, #tpu.memory_space<hbm>>
      tpu.wait_dma2 semaphore(%run_scoped3A : memref<!tpu.dma_semaphore, #tpu.memory_space<semaphore_mem>>) src(%dma_wait3A_86 : memref<40x128xi32, #tpu.memory_space<hbm>>) dst(%arg8 : memref<40x128xi32, #tpu.memory_space<vmem>>)
      tpu.yield
    }) : () -> ()
    %dma_start3A = arith.constant 0 : i32
    %dma_start3A_1 = arith.constant 0 : i32
    %dma_start3A_2 = tpu.memref_slice %arg7[%dma_start3A, %dma_start3A_1] : memref<40x128xi32, #tpu.memory_space<vmem>> -> memref<1x128xi32, #tpu.memory_space<vmem>>
    %dma_start3A_3 = tpu.memref_squeeze %dma_start3A_2 : memref<1x128xi32, #tpu.memory_space<vmem>> -> memref<128xi32, #tpu.memory_space<vmem>>
    %dma_start3A_4 = arith.constant 0 : i32
    %dma_start3A_5 = arith.constant 0 : i32
    %dma_start3A_6 = tpu.memref_slice %arg2[%dma_start3A_4, %dma_start3A_5] : memref<10000x128xf32, #tpu.memory_space<hbm>> -> memref<10000x128xf32, #tpu.memory_space<hbm>>
    tpu.enqueue_indirect_dma source(%dma_start3A_6 : memref<10000x128xf32, #tpu.memory_space<hbm>>) target(%arg9 : memref<128x128xf32, #tpu.memory_space<vmem>>) offsets(%dma_start3A_3 : memref<128xi32, #tpu.memory_space<vmem>>) semaphore(%arg12 : memref<!tpu.dma_semaphore, #tpu.memory_space<semaphore_mem>>)
    %dma_start3A_7 = arith.constant 1 : i32
    %dma_start3A_8 = arith.constant 0 : i32
    %dma_start3A_9 = tpu.memref_slice %arg7[%dma_start3A_7, %dma_start3A_8] : memref<40x128xi32, #tpu.memory_space<vmem>> -> memref<1x128xi32, #tpu.memory_space<vmem>>
    %dma_start3A_10 = tpu.memref_squeeze %dma_start3A_9 : memref<1x128xi32, #tpu.memory_space<vmem>> -> memref<128xi32, #tpu.memory_space<vmem>>
    %dma_start3A_11 = arith.constant 0 : i32
    %dma_start3A_12 = arith.constant 0 : i32
    %dma_start3A_13 = tpu.memref_slice %arg2[%dma_start3A_11, %dma_start3A_12] : memref<10000x128xf32, #tpu.memory_space<hbm>> -> memref<10000x128xf32, #tpu.memory_space<hbm>>
    tpu.enqueue_indirect_dma source(%dma_start3A_13 : memref<10000x128xf32, #tpu.memory_space<hbm>>) target(%arg10 : memref<128x128xf32, #tpu.memory_space<vmem>>) offsets(%dma_start3A_10 : memref<128xi32, #tpu.memory_space<vmem>>) semaphore(%arg13 : memref<!tpu.dma_semaphore, #tpu.memory_space<semaphore_mem>>)
    %scan3A = arith.constant 0 : i32
    %scan3A_14 = arith.constant 0 : i32
    %scan3A_15 = arith.constant 20 : i32
    %scan3A_16 = arith.addi %scan3A_14, %scan3A_15 : i32
    %scan3A_17 = arith.constant 1 : i32
    scf.for %scan3A_71 = %scan3A_14 to %scan3A_16 step %scan3A_17  : i32 {
      %mul3A_72 = arith.constant 2 : i32
      %mul3A_73 = arith.muli %mul3A_72, %scan3A_71 : i32
      %dma_wait3A_74 = arith.constant 0 : i32
      %dma_wait3A_75 = arith.constant 0 : i32
      %dma_wait3A_76 = tpu.memref_slice %arg7[%dma_wait3A_74, %dma_wait3A_75] : memref<40x128xi32, #tpu.memory_space<vmem>> -> memref<1x128xi32, #tpu.memory_space<vmem>>
      %dma_wait3A_77 = tpu.memref_squeeze %dma_wait3A_76 : memref<1x128xi32, #tpu.memory_space<vmem>> -> memref<128xi32, #tpu.memory_space<vmem>>
      %dma_wait3A_78 = arith.constant 0 : i32
      %dma_wait3A_79 = arith.constant 0 : i32
      %dma_wait3A_80 = tpu.memref_slice %arg2[%dma_wait3A_78, %dma_wait3A_79] : memref<10000x128xf32, #tpu.memory_space<hbm>> -> memref<10000x128xf32, #tpu.memory_space<hbm>>
      tpu.wait_indirect_dma semaphore(%arg12 : memref<!tpu.dma_semaphore, #tpu.memory_space<semaphore_mem>>) src(%dma_wait3A_80 : memref<10000x128xf32, #tpu.memory_space<hbm>>) dst(%arg9 : memref<128x128xf32, #tpu.memory_space<vmem>>)
      %dma_start3A_81 = arith.constant 0 : i32
      %dma_start3A_82 = tpu.memref_slice %arg8[%mul3A_73, %dma_start3A_81] : memref<40x128xi32, #tpu.memory_space<vmem>> -> memref<1x128xi32, #tpu.memory_space<vmem>>
      %dma_start3A_83 = tpu.memref_squeeze %dma_start3A_82 : memref<1x128xi32, #tpu.memory_space<vmem>> -> memref<128xi32, #tpu.memory_space<vmem>>
      %dma_start3A_84 = arith.constant 0 : i32
      %dma_start3A_85 = arith.constant 0 : i32
      %dma_start3A_86 = tpu.memref_slice %arg11[%dma_start3A_84, %dma_start3A_85] : memref<10240x128xf32, #tpu.memory_space<vmem_shared>> -> memref<10240x128xf32, #tpu.memory_space<vmem_shared>>
      tpu.enqueue_indirect_dma source(%arg9 : memref<128x128xf32, #tpu.memory_space<vmem>>) target(%dma_start3A_86 : memref<10240x128xf32, #tpu.memory_space<vmem_shared>>) offsets(%dma_start3A_83 : memref<128xi32, #tpu.memory_space<vmem>>) semaphore(%arg14 : memref<!tpu.dma_semaphore, #tpu.memory_space<semaphore_mem>>) {add = true}
      %dma_wait3A_87 = arith.constant 0 : i32
      %dma_wait3A_88 = arith.constant 0 : i32
      %dma_wait3A_89 = tpu.memref_slice %arg7[%dma_wait3A_87, %dma_wait3A_88] : memref<40x128xi32, #tpu.memory_space<vmem>> -> memref<1x128xi32, #tpu.memory_space<vmem>>
      %dma_wait3A_90 = tpu.memref_squeeze %dma_wait3A_89 : memref<1x128xi32, #tpu.memory_space<vmem>> -> memref<128xi32, #tpu.memory_space<vmem>>
      %dma_wait3A_91 = arith.constant 0 : i32
      %dma_wait3A_92 = arith.constant 0 : i32
      %dma_wait3A_93 = tpu.memref_slice %arg2[%dma_wait3A_91, %dma_wait3A_92] : memref<10000x128xf32, #tpu.memory_space<hbm>> -> memref<10000x128xf32, #tpu.memory_space<hbm>>
      tpu.wait_indirect_dma semaphore(%arg13 : memref<!tpu.dma_semaphore, #tpu.memory_space<semaphore_mem>>) src(%dma_wait3A_93 : memref<10000x128xf32, #tpu.memory_space<hbm>>) dst(%arg10 : memref<128x128xf32, #tpu.memory_space<vmem>>)
      %add3A = arith.constant 1 : i32
      %add3A_94 = arith.addi %mul3A_73, %add3A : i32
      %dma_start3A_95 = arith.constant 0 : i32
      %dma_start3A_96 = tpu.memref_slice %arg8[%add3A_94, %dma_start3A_95] : memref<40x128xi32, #tpu.memory_space<vmem>> -> memref<1x128xi32, #tpu.memory_space<vmem>>
      %dma_start3A_97 = tpu.memref_squeeze %dma_start3A_96 : memref<1x128xi32, #tpu.memory_space<vmem>> -> memref<128xi32, #tpu.memory_space<vmem>>
      %dma_start3A_98 = arith.constant 0 : i32
      %dma_start3A_99 = arith.constant 0 : i32
      %dma_start3A_100 = tpu.memref_slice %arg11[%dma_start3A_98, %dma_start3A_99] : memref<10240x128xf32, #tpu.memory_space<vmem_shared>> -> memref<10240x128xf32, #tpu.memory_space<vmem_shared>>
      tpu.enqueue_indirect_dma source(%arg10 : memref<128x128xf32, #tpu.memory_space<vmem>>) target(%dma_start3A_100 : memref<10240x128xf32, #tpu.memory_space<vmem_shared>>) offsets(%dma_start3A_97 : memref<128xi32, #tpu.memory_space<vmem>>) semaphore(%arg15 : memref<!tpu.dma_semaphore, #tpu.memory_space<semaphore_mem>>) {add = true}
      %add3A_101 = arith.constant 2 : i32
      %add3A_102 = arith.addi %mul3A_73, %add3A_101 : i32
      %lt3A = arith.constant 40 : i32
      %lt3A_103 = arith.cmpi slt, %add3A_102, %lt3A : i32
      %convert_element_type3A = arith.extui %lt3A_103 : i1 to i32
      %cond3A = arith.constant 0 : i32
      %cond3A_104 = arith.cmpi ne, %convert_element_type3A, %cond3A : i32
      scf.if %cond3A_104 {
        %dma_wait3A_112 = arith.constant 0 : i32
        %dma_wait3A_113 = arith.constant 0 : i32
        %dma_wait3A_114 = tpu.memref_slice %arg8[%dma_wait3A_112, %dma_wait3A_113] : memref<40x128xi32, #tpu.memory_space<vmem>> -> memref<1x128xi32, #tpu.memory_space<vmem>>
        %dma_wait3A_115 = tpu.memref_squeeze %dma_wait3A_114 : memref<1x128xi32, #tpu.memory_space<vmem>> -> memref<128xi32, #tpu.memory_space<vmem>>
        %dma_wait3A_116 = arith.constant 0 : i32
        %dma_wait3A_117 = arith.constant 0 : i32
        %dma_wait3A_118 = tpu.memref_slice %arg11[%dma_wait3A_116, %dma_wait3A_117] : memref<10240x128xf32, #tpu.memory_space<vmem_shared>> -> memref<10240x128xf32, #tpu.memory_space<vmem_shared>>
        tpu.wait_indirect_dma semaphore(%arg14 : memref<!tpu.dma_semaphore, #tpu.memory_space<semaphore_mem>>) src(%arg9 : memref<128x128xf32, #tpu.memory_space<vmem>>) dst(%dma_wait3A_118 : memref<10240x128xf32, #tpu.memory_space<vmem_shared>>)
        %add3A_119 = arith.constant 2 : i32
        %add3A_120 = arith.addi %mul3A_73, %add3A_119 : i32
        %dma_start3A_121 = arith.constant 0 : i32
        %dma_start3A_122 = tpu.memref_slice %arg7[%add3A_120, %dma_start3A_121] : memref<40x128xi32, #tpu.memory_space<vmem>> -> memref<1x128xi32, #tpu.memory_space<vmem>>
        %dma_start3A_123 = tpu.memref_squeeze %dma_start3A_122 : memref<1x128xi32, #tpu.memory_space<vmem>> -> memref<128xi32, #tpu.memory_space<vmem>>
        %dma_start3A_124 = arith.constant 0 : i32
        %dma_start3A_125 = arith.constant 0 : i32
        %dma_start3A_126 = tpu.memref_slice %arg2[%dma_start3A_124, %dma_start3A_125] : memref<10000x128xf32, #tpu.memory_space<hbm>> -> memref<10000x128xf32, #tpu.memory_space<hbm>>
        tpu.enqueue_indirect_dma source(%dma_start3A_126 : memref<10000x128xf32, #tpu.memory_space<hbm>>) target(%arg9 : memref<128x128xf32, #tpu.memory_space<vmem>>) offsets(%dma_start3A_123 : memref<128xi32, #tpu.memory_space<vmem>>) semaphore(%arg12 : memref<!tpu.dma_semaphore, #tpu.memory_space<semaphore_mem>>)
      } else {
      }
      %add3A_105 = arith.constant 3 : i32
      %add3A_106 = arith.addi %mul3A_73, %add3A_105 : i32
      %lt3A_107 = arith.constant 40 : i32
      %lt3A_108 = arith.cmpi slt, %add3A_106, %lt3A_107 : i32
      %convert_element_type3A_109 = arith.extui %lt3A_108 : i1 to i32
      %cond3A_110 = arith.constant 0 : i32
      %cond3A_111 = arith.cmpi ne, %convert_element_type3A_109, %cond3A_110 : i32
      scf.if %cond3A_111 {
        %dma_wait3A_112 = arith.constant 0 : i32
        %dma_wait3A_113 = arith.constant 0 : i32
        %dma_wait3A_114 = tpu.memref_slice %arg8[%dma_wait3A_112, %dma_wait3A_113] : memref<40x128xi32, #tpu.memory_space<vmem>> -> memref<1x128xi32, #tpu.memory_space<vmem>>
        %dma_wait3A_115 = tpu.memref_squeeze %dma_wait3A_114 : memref<1x128xi32, #tpu.memory_space<vmem>> -> memref<128xi32, #tpu.memory_space<vmem>>
        %dma_wait3A_116 = arith.constant 0 : i32
        %dma_wait3A_117 = arith.constant 0 : i32
        %dma_wait3A_118 = tpu.memref_slice %arg11[%dma_wait3A_116, %dma_wait3A_117] : memref<10240x128xf32, #tpu.memory_space<vmem_shared>> -> memref<10240x128xf32, #tpu.memory_space<vmem_shared>>
        tpu.wait_indirect_dma semaphore(%arg15 : memref<!tpu.dma_semaphore, #tpu.memory_space<semaphore_mem>>) src(%arg10 : memref<128x128xf32, #tpu.memory_space<vmem>>) dst(%dma_wait3A_118 : memref<10240x128xf32, #tpu.memory_space<vmem_shared>>)
        %add3A_119 = arith.constant 3 : i32
        %add3A_120 = arith.addi %mul3A_73, %add3A_119 : i32
        %dma_start3A_121 = arith.constant 0 : i32
        %dma_start3A_122 = tpu.memref_slice %arg7[%add3A_120, %dma_start3A_121] : memref<40x128xi32, #tpu.memory_space<vmem>> -> memref<1x128xi32, #tpu.memory_space<vmem>>
        %dma_start3A_123 = tpu.memref_squeeze %dma_start3A_122 : memref<1x128xi32, #tpu.memory_space<vmem>> -> memref<128xi32, #tpu.memory_space<vmem>>
        %dma_start3A_124 = arith.constant 0 : i32
        %dma_start3A_125 = arith.constant 0 : i32
        %dma_start3A_126 = tpu.memref_slice %arg2[%dma_start3A_124, %dma_start3A_125] : memref<10000x128xf32, #tpu.memory_space<hbm>> -> memref<10000x128xf32, #tpu.memory_space<hbm>>
        tpu.enqueue_indirect_dma source(%dma_start3A_126 : memref<10000x128xf32, #tpu.memory_space<hbm>>) target(%arg10 : memref<128x128xf32, #tpu.memory_space<vmem>>) offsets(%dma_start3A_123 : memref<128xi32, #tpu.memory_space<vmem>>) semaphore(%arg13 : memref<!tpu.dma_semaphore, #tpu.memory_space<semaphore_mem>>)
      } else {
      }
    }
    %scan3A_18 = arith.constant 20 : i32
    %dma_wait3A = arith.constant 0 : i32
    %dma_wait3A_19 = arith.constant 0 : i32
    %dma_wait3A_20 = tpu.memref_slice %arg8[%dma_wait3A, %dma_wait3A_19] : memref<40x128xi32, #tpu.memory_space<vmem>> -> memref<1x128xi32, #tpu.memory_space<vmem>>
    %dma_wait3A_21 = tpu.memref_squeeze %dma_wait3A_20 : memref<1x128xi32, #tpu.memory_space<vmem>> -> memref<128xi32, #tpu.memory_space<vmem>>
    %dma_wait3A_22 = arith.constant 0 : i32
    %dma_wait3A_23 = arith.constant 0 : i32
    %dma_wait3A_24 = tpu.memref_slice %arg11[%dma_wait3A_22, %dma_wait3A_23] : memref<10240x128xf32, #tpu.memory_space<vmem_shared>> -> memref<10240x128xf32, #tpu.memory_space<vmem_shared>>
    tpu.wait_indirect_dma semaphore(%arg14 : memref<!tpu.dma_semaphore, #tpu.memory_space<semaphore_mem>>) src(%arg9 : memref<128x128xf32, #tpu.memory_space<vmem>>) dst(%dma_wait3A_24 : memref<10240x128xf32, #tpu.memory_space<vmem_shared>>)
    %dma_wait3A_25 = arith.constant 0 : i32
    %dma_wait3A_26 = arith.constant 0 : i32
    %dma_wait3A_27 = tpu.memref_slice %arg8[%dma_wait3A_25, %dma_wait3A_26] : memref<40x128xi32, #tpu.memory_space<vmem>> -> memref<1x128xi32, #tpu.memory_space<vmem>>
    %dma_wait3A_28 = tpu.memref_squeeze %dma_wait3A_27 : memref<1x128xi32, #tpu.memory_space<vmem>> -> memref<128xi32, #tpu.memory_space<vmem>>
    %dma_wait3A_29 = arith.constant 0 : i32
    %dma_wait3A_30 = arith.constant 0 : i32
    %dma_wait3A_31 = tpu.memref_slice %arg11[%dma_wait3A_29, %dma_wait3A_30] : memref<10240x128xf32, #tpu.memory_space<vmem_shared>> -> memref<10240x128xf32, #tpu.memory_space<vmem_shared>>
    tpu.wait_indirect_dma semaphore(%arg15 : memref<!tpu.dma_semaphore, #tpu.memory_space<semaphore_mem>>) src(%arg10 : memref<128x128xf32, #tpu.memory_space<vmem>>) dst(%dma_wait3A_31 : memref<10240x128xf32, #tpu.memory_space<vmem_shared>>)
    "tpu.region"() ({
      %run_scoped3A = tpu.sem_alloc : memref<!tpu.dma_semaphore, #tpu.memory_space<semaphore_mem>>
      %dma_start3A_71 = arith.constant 40 : i32
      %dma_start3A_72 = arith.constant 0 : i32
      %dma_start3A_73 = tpu.memref_slice %arg3[%arg0, %arg1, %dma_start3A_71, %dma_start3A_72] : memref<2x16x80x128xi32, #tpu.memory_space<hbm>> -> memref<1x1x40x128xi32, #tpu.memory_space<hbm>>
      %dma_start3A_74 = tpu.memref_squeeze %dma_start3A_73 : memref<1x1x40x128xi32, #tpu.memory_space<hbm>> -> memref<40x128xi32, #tpu.memory_space<hbm>>
      %dma_start3A_75 = arith.constant 40 : i32
      %dma_start3A_76 = arith.constant 0 : i32
      %dma_start3A_77 = tpu.memref_slice %arg3[%arg0, %arg1, %dma_start3A_75, %dma_start3A_76] : memref<2x16x80x128xi32, #tpu.memory_space<hbm>> -> memref<1x1x40x128xi32, #tpu.memory_space<hbm>>
      %dma_start3A_78 = tpu.memref_squeeze %dma_start3A_77 : memref<1x1x40x128xi32, #tpu.memory_space<hbm>> -> memref<40x128xi32, #tpu.memory_space<hbm>>
      tpu.enqueue_dma source(%dma_start3A_78 : memref<40x128xi32, #tpu.memory_space<hbm>>) target(%arg7 : memref<40x128xi32, #tpu.memory_space<vmem>>) target_semaphore(%run_scoped3A : memref<!tpu.dma_semaphore, #tpu.memory_space<semaphore_mem>>)
      %dma_wait3A_79 = arith.constant 40 : i32
      %dma_wait3A_80 = arith.constant 0 : i32
      %dma_wait3A_81 = tpu.memref_slice %arg3[%arg0, %arg1, %dma_wait3A_79, %dma_wait3A_80] : memref<2x16x80x128xi32, #tpu.memory_space<hbm>> -> memref<1x1x40x128xi32, #tpu.memory_space<hbm>>
      %dma_wait3A_82 = tpu.memref_squeeze %dma_wait3A_81 : memref<1x1x40x128xi32, #tpu.memory_space<hbm>> -> memref<40x128xi32, #tpu.memory_space<hbm>>
      %dma_wait3A_83 = arith.constant 40 : i32
      %dma_wait3A_84 = arith.constant 0 : i32
      %dma_wait3A_85 = tpu.memref_slice %arg3[%arg0, %arg1, %dma_wait3A_83, %dma_wait3A_84] : memref<2x16x80x128xi32, #tpu.memory_space<hbm>> -> memref<1x1x40x128xi32, #tpu.memory_space<hbm>>
      %dma_wait3A_86 = tpu.memref_squeeze %dma_wait3A_85 : memref<1x1x40x128xi32, #tpu.memory_space<hbm>> -> memref<40x128xi32, #tpu.memory_space<hbm>>
      tpu.wait_dma2 semaphore(%run_scoped3A : memref<!tpu.dma_semaphore, #tpu.memory_space<semaphore_mem>>) src(%dma_wait3A_86 : memref<40x128xi32, #tpu.memory_space<hbm>>) dst(%arg7 : memref<40x128xi32, #tpu.memory_space<vmem>>)
      tpu.yield
    }) : () -> ()
    "tpu.region"() ({
      %run_scoped3A = tpu.sem_alloc : memref<!tpu.dma_semaphore, #tpu.memory_space<semaphore_mem>>
      %dma_start3A_71 = arith.constant 40 : i32
      %dma_start3A_72 = arith.constant 0 : i32
      %dma_start3A_73 = tpu.memref_slice %arg4[%arg0, %arg1, %dma_start3A_71, %dma_start3A_72] : memref<2x16x80x128xi32, #tpu.memory_space<hbm>> -> memref<1x1x40x128xi32, #tpu.memory_space<hbm>>
      %dma_start3A_74 = tpu.memref_squeeze %dma_start3A_73 : memref<1x1x40x128xi32, #tpu.memory_space<hbm>> -> memref<40x128xi32, #tpu.memory_space<hbm>>
      %dma_start3A_75 = arith.constant 40 : i32
      %dma_start3A_76 = arith.constant 0 : i32
      %dma_start3A_77 = tpu.memref_slice %arg4[%arg0, %arg1, %dma_start3A_75, %dma_start3A_76] : memref<2x16x80x128xi32, #tpu.memory_space<hbm>> -> memref<1x1x40x128xi32, #tpu.memory_space<hbm>>
      %dma_start3A_78 = tpu.memref_squeeze %dma_start3A_77 : memref<1x1x40x128xi32, #tpu.memory_space<hbm>> -> memref<40x128xi32, #tpu.memory_space<hbm>>
      tpu.enqueue_dma source(%dma_start3A_78 : memref<40x128xi32, #tpu.memory_space<hbm>>) target(%arg8 : memref<40x128xi32, #tpu.memory_space<vmem>>) target_semaphore(%run_scoped3A : memref<!tpu.dma_semaphore, #tpu.memory_space<semaphore_mem>>)
      %dma_wait3A_79 = arith.constant 40 : i32
      %dma_wait3A_80 = arith.constant 0 : i32
      %dma_wait3A_81 = tpu.memref_slice %arg4[%arg0, %arg1, %dma_wait3A_79, %dma_wait3A_80] : memref<2x16x80x128xi32, #tpu.memory_space<hbm>> -> memref<1x1x40x128xi32, #tpu.memory_space<hbm>>
      %dma_wait3A_82 = tpu.memref_squeeze %dma_wait3A_81 : memref<1x1x40x128xi32, #tpu.memory_space<hbm>> -> memref<40x128xi32, #tpu.memory_space<hbm>>
      %dma_wait3A_83 = arith.constant 40 : i32
      %dma_wait3A_84 = arith.constant 0 : i32
      %dma_wait3A_85 = tpu.memref_slice %arg4[%arg0, %arg1, %dma_wait3A_83, %dma_wait3A_84] : memref<2x16x80x128xi32, #tpu.memory_space<hbm>> -> memref<1x1x40x128xi32, #tpu.memory_space<hbm>>
      %dma_wait3A_86 = tpu.memref_squeeze %dma_wait3A_85 : memref<1x1x40x128xi32, #tpu.memory_space<hbm>> -> memref<40x128xi32, #tpu.memory_space<hbm>>
      tpu.wait_dma2 semaphore(%run_scoped3A : memref<!tpu.dma_semaphore, #tpu.memory_space<semaphore_mem>>) src(%dma_wait3A_86 : memref<40x128xi32, #tpu.memory_space<hbm>>) dst(%arg8 : memref<40x128xi32, #tpu.memory_space<vmem>>)
      tpu.yield
    }) : () -> ()
    %dma_start3A_32 = arith.constant 0 : i32
    %dma_start3A_33 = arith.constant 0 : i32
    %dma_start3A_34 = tpu.memref_slice %arg7[%dma_start3A_32, %dma_start3A_33] : memref<40x128xi32, #tpu.memory_space<vmem>> -> memref<1x128xi32, #tpu.memory_space<vmem>>
    %dma_start3A_35 = tpu.memref_squeeze %dma_start3A_34 : memref<1x128xi32, #tpu.memory_space<vmem>> -> memref<128xi32, #tpu.memory_space<vmem>>
    %dma_start3A_36 = arith.constant 0 : i32
    %dma_start3A_37 = arith.constant 0 : i32
    %dma_start3A_38 = tpu.memref_slice %arg2[%dma_start3A_36, %dma_start3A_37] : memref<10000x128xf32, #tpu.memory_space<hbm>> -> memref<10000x128xf32, #tpu.memory_space<hbm>>
    tpu.enqueue_indirect_dma source(%dma_start3A_38 : memref<10000x128xf32, #tpu.memory_space<hbm>>) target(%arg9 : memref<128x128xf32, #tpu.memory_space<vmem>>) offsets(%dma_start3A_35 : memref<128xi32, #tpu.memory_space<vmem>>) semaphore(%arg12 : memref<!tpu.dma_semaphore, #tpu.memory_space<semaphore_mem>>)
    %dma_start3A_39 = arith.constant 1 : i32
    %dma_start3A_40 = arith.constant 0 : i32
    %dma_start3A_41 = tpu.memref_slice %arg7[%dma_start3A_39, %dma_start3A_40] : memref<40x128xi32, #tpu.memory_space<vmem>> -> memref<1x128xi32, #tpu.memory_space<vmem>>
    %dma_start3A_42 = tpu.memref_squeeze %dma_start3A_41 : memref<1x128xi32, #tpu.memory_space<vmem>> -> memref<128xi32, #tpu.memory_space<vmem>>
    %dma_start3A_43 = arith.constant 0 : i32
    %dma_start3A_44 = arith.constant 0 : i32
    %dma_start3A_45 = tpu.memref_slice %arg2[%dma_start3A_43, %dma_start3A_44] : memref<10000x128xf32, #tpu.memory_space<hbm>> -> memref<10000x128xf32, #tpu.memory_space<hbm>>
    tpu.enqueue_indirect_dma source(%dma_start3A_45 : memref<10000x128xf32, #tpu.memory_space<hbm>>) target(%arg10 : memref<128x128xf32, #tpu.memory_space<vmem>>) offsets(%dma_start3A_42 : memref<128xi32, #tpu.memory_space<vmem>>) semaphore(%arg13 : memref<!tpu.dma_semaphore, #tpu.memory_space<semaphore_mem>>)
    %scan3A_46 = arith.constant 0 : i32
    %scan3A_47 = arith.constant 0 : i32
    %scan3A_48 = arith.constant 20 : i32
    %scan3A_49 = arith.addi %scan3A_47, %scan3A_48 : i32
    %scan3A_50 = arith.constant 1 : i32
    scf.for %scan3A_71 = %scan3A_47 to %scan3A_49 step %scan3A_50  : i32 {
      %mul3A_72 = arith.constant 2 : i32
      %mul3A_73 = arith.muli %mul3A_72, %scan3A_71 : i32
      %dma_wait3A_74 = arith.constant 0 : i32
      %dma_wait3A_75 = arith.constant 0 : i32
      %dma_wait3A_76 = tpu.memref_slice %arg7[%dma_wait3A_74, %dma_wait3A_75] : memref<40x128xi32, #tpu.memory_space<vmem>> -> memref<1x128xi32, #tpu.memory_space<vmem>>
      %dma_wait3A_77 = tpu.memref_squeeze %dma_wait3A_76 : memref<1x128xi32, #tpu.memory_space<vmem>> -> memref<128xi32, #tpu.memory_space<vmem>>
      %dma_wait3A_78 = arith.constant 0 : i32
      %dma_wait3A_79 = arith.constant 0 : i32
      %dma_wait3A_80 = tpu.memref_slice %arg2[%dma_wait3A_78, %dma_wait3A_79] : memref<10000x128xf32, #tpu.memory_space<hbm>> -> memref<10000x128xf32, #tpu.memory_space<hbm>>
      tpu.wait_indirect_dma semaphore(%arg12 : memref<!tpu.dma_semaphore, #tpu.memory_space<semaphore_mem>>) src(%dma_wait3A_80 : memref<10000x128xf32, #tpu.memory_space<hbm>>) dst(%arg9 : memref<128x128xf32, #tpu.memory_space<vmem>>)
      %dma_start3A_81 = arith.constant 0 : i32
      %dma_start3A_82 = tpu.memref_slice %arg8[%mul3A_73, %dma_start3A_81] : memref<40x128xi32, #tpu.memory_space<vmem>> -> memref<1x128xi32, #tpu.memory_space<vmem>>
      %dma_start3A_83 = tpu.memref_squeeze %dma_start3A_82 : memref<1x128xi32, #tpu.memory_space<vmem>> -> memref<128xi32, #tpu.memory_space<vmem>>
      %dma_start3A_84 = arith.constant 0 : i32
      %dma_start3A_85 = arith.constant 0 : i32
      %dma_start3A_86 = tpu.memref_slice %arg11[%dma_start3A_84, %dma_start3A_85] : memref<10240x128xf32, #tpu.memory_space<vmem_shared>> -> memref<10240x128xf32, #tpu.memory_space<vmem_shared>>
      tpu.enqueue_indirect_dma source(%arg9 : memref<128x128xf32, #tpu.memory_space<vmem>>) target(%dma_start3A_86 : memref<10240x128xf32, #tpu.memory_space<vmem_shared>>) offsets(%dma_start3A_83 : memref<128xi32, #tpu.memory_space<vmem>>) semaphore(%arg14 : memref<!tpu.dma_semaphore, #tpu.memory_space<semaphore_mem>>) {add = true}
      %dma_wait3A_87 = arith.constant 0 : i32
      %dma_wait3A_88 = arith.constant 0 : i32
      %dma_wait3A_89 = tpu.memref_slice %arg7[%dma_wait3A_87, %dma_wait3A_88] : memref<40x128xi32, #tpu.memory_space<vmem>> -> memref<1x128xi32, #tpu.memory_space<vmem>>
      %dma_wait3A_90 = tpu.memref_squeeze %dma_wait3A_89 : memref<1x128xi32, #tpu.memory_space<vmem>> -> memref<128xi32, #tpu.memory_space<vmem>>
      %dma_wait3A_91 = arith.constant 0 : i32
      %dma_wait3A_92 = arith.constant 0 : i32
      %dma_wait3A_93 = tpu.memref_slice %arg2[%dma_wait3A_91, %dma_wait3A_92] : memref<10000x128xf32, #tpu.memory_space<hbm>> -> memref<10000x128xf32, #tpu.memory_space<hbm>>
      tpu.wait_indirect_dma semaphore(%arg13 : memref<!tpu.dma_semaphore, #tpu.memory_space<semaphore_mem>>) src(%dma_wait3A_93 : memref<10000x128xf32, #tpu.memory_space<hbm>>) dst(%arg10 : memref<128x128xf32, #tpu.memory_space<vmem>>)
      %add3A = arith.constant 1 : i32
      %add3A_94 = arith.addi %mul3A_73, %add3A : i32
      %dma_start3A_95 = arith.constant 0 : i32
      %dma_start3A_96 = tpu.memref_slice %arg8[%add3A_94, %dma_start3A_95] : memref<40x128xi32, #tpu.memory_space<vmem>> -> memref<1x128xi32, #tpu.memory_space<vmem>>
      %dma_start3A_97 = tpu.memref_squeeze %dma_start3A_96 : memref<1x128xi32, #tpu.memory_space<vmem>> -> memref<128xi32, #tpu.memory_space<vmem>>
      %dma_start3A_98 = arith.constant 0 : i32
      %dma_start3A_99 = arith.constant 0 : i32
      %dma_start3A_100 = tpu.memref_slice %arg11[%dma_start3A_98, %dma_start3A_99] : memref<10240x128xf32, #tpu.memory_space<vmem_shared>> -> memref<10240x128xf32, #tpu.memory_space<vmem_shared>>
      tpu.enqueue_indirect_dma source(%arg10 : memref<128x128xf32, #tpu.memory_space<vmem>>) target(%dma_start3A_100 : memref<10240x128xf32, #tpu.memory_space<vmem_shared>>) offsets(%dma_start3A_97 : memref<128xi32, #tpu.memory_space<vmem>>) semaphore(%arg15 : memref<!tpu.dma_semaphore, #tpu.memory_space<semaphore_mem>>) {add = true}
      %add3A_101 = arith.constant 2 : i32
      %add3A_102 = arith.addi %mul3A_73, %add3A_101 : i32
      %lt3A = arith.constant 40 : i32
      %lt3A_103 = arith.cmpi slt, %add3A_102, %lt3A : i32
      %convert_element_type3A = arith.extui %lt3A_103 : i1 to i32
      %cond3A = arith.constant 0 : i32
      %cond3A_104 = arith.cmpi ne, %convert_element_type3A, %cond3A : i32
      scf.if %cond3A_104 {
        %dma_wait3A_112 = arith.constant 0 : i32
        %dma_wait3A_113 = arith.constant 0 : i32
        %dma_wait3A_114 = tpu.memref_slice %arg8[%dma_wait3A_112, %dma_wait3A_113] : memref<40x128xi32, #tpu.memory_space<vmem>> -> memref<1x128xi32, #tpu.memory_space<vmem>>
        %dma_wait3A_115 = tpu.memref_squeeze %dma_wait3A_114 : memref<1x128xi32, #tpu.memory_space<vmem>> -> memref<128xi32, #tpu.memory_space<vmem>>
        %dma_wait3A_116 = arith.constant 0 : i32
        %dma_wait3A_117 = arith.constant 0 : i32
        %dma_wait3A_118 = tpu.memref_slice %arg11[%dma_wait3A_116, %dma_wait3A_117] : memref<10240x128xf32, #tpu.memory_space<vmem_shared>> -> memref<10240x128xf32, #tpu.memory_space<vmem_shared>>
        tpu.wait_indirect_dma semaphore(%arg14 : memref<!tpu.dma_semaphore, #tpu.memory_space<semaphore_mem>>) src(%arg9 : memref<128x128xf32, #tpu.memory_space<vmem>>) dst(%dma_wait3A_118 : memref<10240x128xf32, #tpu.memory_space<vmem_shared>>)
        %add3A_119 = arith.constant 2 : i32
        %add3A_120 = arith.addi %mul3A_73, %add3A_119 : i32
        %dma_start3A_121 = arith.constant 0 : i32
        %dma_start3A_122 = tpu.memref_slice %arg7[%add3A_120, %dma_start3A_121] : memref<40x128xi32, #tpu.memory_space<vmem>> -> memref<1x128xi32, #tpu.memory_space<vmem>>
        %dma_start3A_123 = tpu.memref_squeeze %dma_start3A_122 : memref<1x128xi32, #tpu.memory_space<vmem>> -> memref<128xi32, #tpu.memory_space<vmem>>
        %dma_start3A_124 = arith.constant 0 : i32
        %dma_start3A_125 = arith.constant 0 : i32
        %dma_start3A_126 = tpu.memref_slice %arg2[%dma_start3A_124, %dma_start3A_125] : memref<10000x128xf32, #tpu.memory_space<hbm>> -> memref<10000x128xf32, #tpu.memory_space<hbm>>
        tpu.enqueue_indirect_dma source(%dma_start3A_126 : memref<10000x128xf32, #tpu.memory_space<hbm>>) target(%arg9 : memref<128x128xf32, #tpu.memory_space<vmem>>) offsets(%dma_start3A_123 : memref<128xi32, #tpu.memory_space<vmem>>) semaphore(%arg12 : memref<!tpu.dma_semaphore, #tpu.memory_space<semaphore_mem>>)
      } else {
      }
      %add3A_105 = arith.constant 3 : i32
      %add3A_106 = arith.addi %mul3A_73, %add3A_105 : i32
      %lt3A_107 = arith.constant 40 : i32
      %lt3A_108 = arith.cmpi slt, %add3A_106, %lt3A_107 : i32
      %convert_element_type3A_109 = arith.extui %lt3A_108 : i1 to i32
      %cond3A_110 = arith.constant 0 : i32
      %cond3A_111 = arith.cmpi ne, %convert_element_type3A_109, %cond3A_110 : i32
      scf.if %cond3A_111 {
        %dma_wait3A_112 = arith.constant 0 : i32
        %dma_wait3A_113 = arith.constant 0 : i32
        %dma_wait3A_114 = tpu.memref_slice %arg8[%dma_wait3A_112, %dma_wait3A_113] : memref<40x128xi32, #tpu.memory_space<vmem>> -> memref<1x128xi32, #tpu.memory_space<vmem>>
        %dma_wait3A_115 = tpu.memref_squeeze %dma_wait3A_114 : memref<1x128xi32, #tpu.memory_space<vmem>> -> memref<128xi32, #tpu.memory_space<vmem>>
        %dma_wait3A_116 = arith.constant 0 : i32
        %dma_wait3A_117 = arith.constant 0 : i32
        %dma_wait3A_118 = tpu.memref_slice %arg11[%dma_wait3A_116, %dma_wait3A_117] : memref<10240x128xf32, #tpu.memory_space<vmem_shared>> -> memref<10240x128xf32, #tpu.memory_space<vmem_shared>>
        tpu.wait_indirect_dma semaphore(%arg15 : memref<!tpu.dma_semaphore, #tpu.memory_space<semaphore_mem>>) src(%arg10 : memref<128x128xf32, #tpu.memory_space<vmem>>) dst(%dma_wait3A_118 : memref<10240x128xf32, #tpu.memory_space<vmem_shared>>)
        %add3A_119 = arith.constant 3 : i32
        %add3A_120 = arith.addi %mul3A_73, %add3A_119 : i32
        %dma_start3A_121 = arith.constant 0 : i32
        %dma_start3A_122 = tpu.memref_slice %arg7[%add3A_120, %dma_start3A_121] : memref<40x128xi32, #tpu.memory_space<vmem>> -> memref<1x128xi32, #tpu.memory_space<vmem>>
        %dma_start3A_123 = tpu.memref_squeeze %dma_start3A_122 : memref<1x128xi32, #tpu.memory_space<vmem>> -> memref<128xi32, #tpu.memory_space<vmem>>
        %dma_start3A_124 = arith.constant 0 : i32
        %dma_start3A_125 = arith.constant 0 : i32
        %dma_start3A_126 = tpu.memref_slice %arg2[%dma_start3A_124, %dma_start3A_125] : memref<10000x128xf32, #tpu.memory_space<hbm>> -> memref<10000x128xf32, #tpu.memory_space<hbm>>
        tpu.enqueue_indirect_dma source(%dma_start3A_126 : memref<10000x128xf32, #tpu.memory_space<hbm>>) target(%arg10 : memref<128x128xf32, #tpu.memory_space<vmem>>) offsets(%dma_start3A_123 : memref<128xi32, #tpu.memory_space<vmem>>) semaphore(%arg13 : memref<!tpu.dma_semaphore, #tpu.memory_space<semaphore_mem>>)
      } else {
      }
    }
    %scan3A_51 = arith.constant 20 : i32
    %dma_wait3A_52 = arith.constant 0 : i32
    %dma_wait3A_53 = arith.constant 0 : i32
    %dma_wait3A_54 = tpu.memref_slice %arg8[%dma_wait3A_52, %dma_wait3A_53] : memref<40x128xi32, #tpu.memory_space<vmem>> -> memref<1x128xi32, #tpu.memory_space<vmem>>
    %dma_wait3A_55 = tpu.memref_squeeze %dma_wait3A_54 : memref<1x128xi32, #tpu.memory_space<vmem>> -> memref<128xi32, #tpu.memory_space<vmem>>
    %dma_wait3A_56 = arith.constant 0 : i32
    %dma_wait3A_57 = arith.constant 0 : i32
    %dma_wait3A_58 = tpu.memref_slice %arg11[%dma_wait3A_56, %dma_wait3A_57] : memref<10240x128xf32, #tpu.memory_space<vmem_shared>> -> memref<10240x128xf32, #tpu.memory_space<vmem_shared>>
    tpu.wait_indirect_dma semaphore(%arg14 : memref<!tpu.dma_semaphore, #tpu.memory_space<semaphore_mem>>) src(%arg9 : memref<128x128xf32, #tpu.memory_space<vmem>>) dst(%dma_wait3A_58 : memref<10240x128xf32, #tpu.memory_space<vmem_shared>>)
    %dma_wait3A_59 = arith.constant 0 : i32
    %dma_wait3A_60 = arith.constant 0 : i32
    %dma_wait3A_61 = tpu.memref_slice %arg8[%dma_wait3A_59, %dma_wait3A_60] : memref<40x128xi32, #tpu.memory_space<vmem>> -> memref<1x128xi32, #tpu.memory_space<vmem>>
    %dma_wait3A_62 = tpu.memref_squeeze %dma_wait3A_61 : memref<1x128xi32, #tpu.memory_space<vmem>> -> memref<128xi32, #tpu.memory_space<vmem>>
    %dma_wait3A_63 = arith.constant 0 : i32
    %dma_wait3A_64 = arith.constant 0 : i32
    %dma_wait3A_65 = tpu.memref_slice %arg11[%dma_wait3A_63, %dma_wait3A_64] : memref<10240x128xf32, #tpu.memory_space<vmem_shared>> -> memref<10240x128xf32, #tpu.memory_space<vmem_shared>>
    tpu.wait_indirect_dma semaphore(%arg15 : memref<!tpu.dma_semaphore, #tpu.memory_space<semaphore_mem>>) src(%arg10 : memref<128x128xf32, #tpu.memory_space<vmem>>) dst(%dma_wait3A_65 : memref<10240x128xf32, #tpu.memory_space<vmem_shared>>)
    %barrier3A_66 = arith.constant 0 : index
    tpu.barrier barrier_id(%barrier3A_66)
    %mul3A_67 = arith.constant 640 : i32
    %mul3A_68 = arith.muli %arg1, %mul3A_67 : i32
    %mul3A_69 = arith.constant 640 : i32
    %mul3A_70 = arith.muli %arg1, %mul3A_69 : i32
    "tpu.region"() ({
      %run_scoped3A = tpu.sem_alloc : memref<!tpu.dma_semaphore, #tpu.memory_space<semaphore_mem>>
      %dma_start3A_71 = arith.constant 0 : i32
      %dma_start3A_72 = tpu.memref_slice %arg6[%arg0, %mul3A_70, %dma_start3A_71] : memref<2x10240x128xf32, #tpu.memory_space<hbm>> -> memref<1x640x128xf32, #tpu.memory_space<hbm>>
      %dma_start3A_73 = tpu.memref_squeeze %dma_start3A_72 : memref<1x640x128xf32, #tpu.memory_space<hbm>> -> memref<640x128xf32, #tpu.memory_space<hbm>>
      %dma_start3A_74 = arith.constant 0 : i32
      %dma_start3A_75 = tpu.memref_slice %arg11[%mul3A_68, %dma_start3A_74] : memref<10240x128xf32, #tpu.memory_space<vmem_shared>> -> memref<640x128xf32, #tpu.memory_space<vmem_shared>>
      tpu.enqueue_dma source(%dma_start3A_75 : memref<640x128xf32, #tpu.memory_space<vmem_shared>>) target(%dma_start3A_73 : memref<640x128xf32, #tpu.memory_space<hbm>>) target_semaphore(%run_scoped3A : memref<!tpu.dma_semaphore, #tpu.memory_space<semaphore_mem>>)
      %dma_wait3A_76 = arith.constant 0 : i32
      %dma_wait3A_77 = tpu.memref_slice %arg6[%arg0, %mul3A_70, %dma_wait3A_76] : memref<2x10240x128xf32, #tpu.memory_space<hbm>> -> memref<1x640x128xf32, #tpu.memory_space<hbm>>
      %dma_wait3A_78 = tpu.memref_squeeze %dma_wait3A_77 : memref<1x640x128xf32, #tpu.memory_space<hbm>> -> memref<640x128xf32, #tpu.memory_space<hbm>>
      %dma_wait3A_79 = arith.constant 0 : i32
      %dma_wait3A_80 = tpu.memref_slice %arg11[%mul3A_68, %dma_wait3A_79] : memref<10240x128xf32, #tpu.memory_space<vmem_shared>> -> memref<640x128xf32, #tpu.memory_space<vmem_shared>>
      tpu.wait_dma2 semaphore(%run_scoped3A : memref<!tpu.dma_semaphore, #tpu.memory_space<semaphore_mem>>) src(%dma_wait3A_80 : memref<640x128xf32, #tpu.memory_space<vmem_shared>>) dst(%dma_wait3A_78 : memref<640x128xf32, #tpu.memory_space<hbm>>)
      tpu.yield
    }) : () -> ()
    return
  }
}

#map = affine_map<(d0, d1) -> (0, 0)>
#map1 = affine_map<(d0, d1) -> (0, 0, 0, 0)>
#map2 = affine_map<(d0, d1) -> (0, 0, 0)>
module attributes {stable_mosaic.version = 14 : i64} {
  func.func @agg(%arg0: i32, %arg1: i32, %arg2: memref<20000x128xf32, #tpu.memory_space<hbm>>, %arg3: memref<2x16x160x128xi32, #tpu.memory_space<hbm>>, %arg4: memref<2x16x160x128xi32, #tpu.memory_space<hbm>>, %arg5: memref<640x128xf32, #tpu.memory_space<hbm>>, %arg6: memref<2x10240x128xf32, #tpu.memory_space<hbm>>, %arg7: memref<40x128xi32, #tpu.memory_space<vmem>>, %arg8: memref<40x128xi32, #tpu.memory_space<vmem>>, %arg9: memref<128x128xf32, #tpu.memory_space<vmem>>, %arg10: memref<128x128xf32, #tpu.memory_space<vmem>>, %arg11: memref<10240x128xf32, #tpu.memory_space<vmem_shared>>, %arg12: memref<!tpu.dma_semaphore, #tpu.memory_space<semaphore_mem>>, %arg13: memref<!tpu.dma_semaphore, #tpu.memory_space<semaphore_mem>>, %arg14: memref<!tpu.dma_semaphore, #tpu.memory_space<semaphore_mem>>, %arg15: memref<!tpu.dma_semaphore, #tpu.memory_space<semaphore_mem>>) attributes {dimension_semantics = [#tpu.dimension_semantics<core_parallel>, #tpu.dimension_semantics<subcore_parallel>], iteration_bounds = array<i64: 2, 16>, scalar_prefetch = 0 : i64, scratch_operands = 9 : i64, tpu.core_type = #tpu.core_type<sc_vector_subcore>, window_params = [{transform_indices = #map}, {transform_indices = #map1}, {transform_indices = #map1}, {transform_indices = #map}, {transform_indices = #map2}]} {
    %mul3A = arith.constant 640 : i32
    %mul3A_0 = arith.muli %arg1, %mul3A : i32
    "tpu.region"() ({
      %run_scoped3A = tpu.sem_alloc : memref<!tpu.dma_semaphore, #tpu.memory_space<semaphore_mem>>
      %dma_start3A_139 = arith.constant 0 : i32
      %dma_start3A_140 = tpu.memref_slice %arg11[%mul3A_0, %dma_start3A_139] : memref<10240x128xf32, #tpu.memory_space<vmem_shared>> -> memref<640x128xf32, #tpu.memory_space<vmem_shared>>
      tpu.enqueue_dma source(%arg5 : memref<640x128xf32, #tpu.memory_space<hbm>>) target(%dma_start3A_140 : memref<640x128xf32, #tpu.memory_space<vmem_shared>>) target_semaphore(%run_scoped3A : memref<!tpu.dma_semaphore, #tpu.memory_space<semaphore_mem>>)
      %dma_wait3A_141 = arith.constant 0 : i32
      %dma_wait3A_142 = tpu.memref_slice %arg11[%mul3A_0, %dma_wait3A_141] : memref<10240x128xf32, #tpu.memory_space<vmem_shared>> -> memref<640x128xf32, #tpu.memory_space<vmem_shared>>
      tpu.wait_dma2 semaphore(%run_scoped3A : memref<!tpu.dma_semaphore, #tpu.memory_space<semaphore_mem>>) src(%arg5 : memref<640x128xf32, #tpu.memory_space<hbm>>) dst(%dma_wait3A_142 : memref<640x128xf32, #tpu.memory_space<vmem_shared>>)
      tpu.yield
    }) : () -> ()
    %barrier3A = arith.constant 0 : index
    tpu.barrier barrier_id(%barrier3A)
    "tpu.region"() ({
      %run_scoped3A = tpu.sem_alloc : memref<!tpu.dma_semaphore, #tpu.memory_space<semaphore_mem>>
      %dma_start3A_139 = arith.constant 0 : i32
      %dma_start3A_140 = arith.constant 0 : i32
      %dma_start3A_141 = tpu.memref_slice %arg3[%arg0, %arg1, %dma_start3A_139, %dma_start3A_140] : memref<2x16x160x128xi32, #tpu.memory_space<hbm>> -> memref<1x1x40x128xi32, #tpu.memory_space<hbm>>
      %dma_start3A_142 = tpu.memref_squeeze %dma_start3A_141 : memref<1x1x40x128xi32, #tpu.memory_space<hbm>> -> memref<40x128xi32, #tpu.memory_space<hbm>>
      %dma_start3A_143 = arith.constant 0 : i32
      %dma_start3A_144 = arith.constant 0 : i32
      %dma_start3A_145 = tpu.memref_slice %arg3[%arg0, %arg1, %dma_start3A_143, %dma_start3A_144] : memref<2x16x160x128xi32, #tpu.memory_space<hbm>> -> memref<1x1x40x128xi32, #tpu.memory_space<hbm>>
      %dma_start3A_146 = tpu.memref_squeeze %dma_start3A_145 : memref<1x1x40x128xi32, #tpu.memory_space<hbm>> -> memref<40x128xi32, #tpu.memory_space<hbm>>
      tpu.enqueue_dma source(%dma_start3A_146 : memref<40x128xi32, #tpu.memory_space<hbm>>) target(%arg7 : memref<40x128xi32, #tpu.memory_space<vmem>>) target_semaphore(%run_scoped3A : memref<!tpu.dma_semaphore, #tpu.memory_space<semaphore_mem>>)
      %dma_wait3A_147 = arith.constant 0 : i32
      %dma_wait3A_148 = arith.constant 0 : i32
      %dma_wait3A_149 = tpu.memref_slice %arg3[%arg0, %arg1, %dma_wait3A_147, %dma_wait3A_148] : memref<2x16x160x128xi32, #tpu.memory_space<hbm>> -> memref<1x1x40x128xi32, #tpu.memory_space<hbm>>
      %dma_wait3A_150 = tpu.memref_squeeze %dma_wait3A_149 : memref<1x1x40x128xi32, #tpu.memory_space<hbm>> -> memref<40x128xi32, #tpu.memory_space<hbm>>
      %dma_wait3A_151 = arith.constant 0 : i32
      %dma_wait3A_152 = arith.constant 0 : i32
      %dma_wait3A_153 = tpu.memref_slice %arg3[%arg0, %arg1, %dma_wait3A_151, %dma_wait3A_152] : memref<2x16x160x128xi32, #tpu.memory_space<hbm>> -> memref<1x1x40x128xi32, #tpu.memory_space<hbm>>
      %dma_wait3A_154 = tpu.memref_squeeze %dma_wait3A_153 : memref<1x1x40x128xi32, #tpu.memory_space<hbm>> -> memref<40x128xi32, #tpu.memory_space<hbm>>
      tpu.wait_dma2 semaphore(%run_scoped3A : memref<!tpu.dma_semaphore, #tpu.memory_space<semaphore_mem>>) src(%dma_wait3A_154 : memref<40x128xi32, #tpu.memory_space<hbm>>) dst(%arg7 : memref<40x128xi32, #tpu.memory_space<vmem>>)
      tpu.yield
    }) : () -> ()
    "tpu.region"() ({
      %run_scoped3A = tpu.sem_alloc : memref<!tpu.dma_semaphore, #tpu.memory_space<semaphore_mem>>
      %dma_start3A_139 = arith.constant 0 : i32
      %dma_start3A_140 = arith.constant 0 : i32
      %dma_start3A_141 = tpu.memref_slice %arg4[%arg0, %arg1, %dma_start3A_139, %dma_start3A_140] : memref<2x16x160x128xi32, #tpu.memory_space<hbm>> -> memref<1x1x40x128xi32, #tpu.memory_space<hbm>>
      %dma_start3A_142 = tpu.memref_squeeze %dma_start3A_141 : memref<1x1x40x128xi32, #tpu.memory_space<hbm>> -> memref<40x128xi32, #tpu.memory_space<hbm>>
      %dma_start3A_143 = arith.constant 0 : i32
      %dma_start3A_144 = arith.constant 0 : i32
      %dma_start3A_145 = tpu.memref_slice %arg4[%arg0, %arg1, %dma_start3A_143, %dma_start3A_144] : memref<2x16x160x128xi32, #tpu.memory_space<hbm>> -> memref<1x1x40x128xi32, #tpu.memory_space<hbm>>
      %dma_start3A_146 = tpu.memref_squeeze %dma_start3A_145 : memref<1x1x40x128xi32, #tpu.memory_space<hbm>> -> memref<40x128xi32, #tpu.memory_space<hbm>>
      tpu.enqueue_dma source(%dma_start3A_146 : memref<40x128xi32, #tpu.memory_space<hbm>>) target(%arg8 : memref<40x128xi32, #tpu.memory_space<vmem>>) target_semaphore(%run_scoped3A : memref<!tpu.dma_semaphore, #tpu.memory_space<semaphore_mem>>)
      %dma_wait3A_147 = arith.constant 0 : i32
      %dma_wait3A_148 = arith.constant 0 : i32
      %dma_wait3A_149 = tpu.memref_slice %arg4[%arg0, %arg1, %dma_wait3A_147, %dma_wait3A_148] : memref<2x16x160x128xi32, #tpu.memory_space<hbm>> -> memref<1x1x40x128xi32, #tpu.memory_space<hbm>>
      %dma_wait3A_150 = tpu.memref_squeeze %dma_wait3A_149 : memref<1x1x40x128xi32, #tpu.memory_space<hbm>> -> memref<40x128xi32, #tpu.memory_space<hbm>>
      %dma_wait3A_151 = arith.constant 0 : i32
      %dma_wait3A_152 = arith.constant 0 : i32
      %dma_wait3A_153 = tpu.memref_slice %arg4[%arg0, %arg1, %dma_wait3A_151, %dma_wait3A_152] : memref<2x16x160x128xi32, #tpu.memory_space<hbm>> -> memref<1x1x40x128xi32, #tpu.memory_space<hbm>>
      %dma_wait3A_154 = tpu.memref_squeeze %dma_wait3A_153 : memref<1x1x40x128xi32, #tpu.memory_space<hbm>> -> memref<40x128xi32, #tpu.memory_space<hbm>>
      tpu.wait_dma2 semaphore(%run_scoped3A : memref<!tpu.dma_semaphore, #tpu.memory_space<semaphore_mem>>) src(%dma_wait3A_154 : memref<40x128xi32, #tpu.memory_space<hbm>>) dst(%arg8 : memref<40x128xi32, #tpu.memory_space<vmem>>)
      tpu.yield
    }) : () -> ()
    %dma_start3A = arith.constant 0 : i32
    %dma_start3A_1 = arith.constant 0 : i32
    %dma_start3A_2 = tpu.memref_slice %arg7[%dma_start3A, %dma_start3A_1] : memref<40x128xi32, #tpu.memory_space<vmem>> -> memref<1x128xi32, #tpu.memory_space<vmem>>
    %dma_start3A_3 = tpu.memref_squeeze %dma_start3A_2 : memref<1x128xi32, #tpu.memory_space<vmem>> -> memref<128xi32, #tpu.memory_space<vmem>>
    %dma_start3A_4 = arith.constant 0 : i32
    %dma_start3A_5 = arith.constant 0 : i32
    %dma_start3A_6 = tpu.memref_slice %arg2[%dma_start3A_4, %dma_start3A_5] : memref<20000x128xf32, #tpu.memory_space<hbm>> -> memref<20000x128xf32, #tpu.memory_space<hbm>>
    tpu.enqueue_indirect_dma source(%dma_start3A_6 : memref<20000x128xf32, #tpu.memory_space<hbm>>) target(%arg9 : memref<128x128xf32, #tpu.memory_space<vmem>>) offsets(%dma_start3A_3 : memref<128xi32, #tpu.memory_space<vmem>>) semaphore(%arg12 : memref<!tpu.dma_semaphore, #tpu.memory_space<semaphore_mem>>)
    %dma_start3A_7 = arith.constant 1 : i32
    %dma_start3A_8 = arith.constant 0 : i32
    %dma_start3A_9 = tpu.memref_slice %arg7[%dma_start3A_7, %dma_start3A_8] : memref<40x128xi32, #tpu.memory_space<vmem>> -> memref<1x128xi32, #tpu.memory_space<vmem>>
    %dma_start3A_10 = tpu.memref_squeeze %dma_start3A_9 : memref<1x128xi32, #tpu.memory_space<vmem>> -> memref<128xi32, #tpu.memory_space<vmem>>
    %dma_start3A_11 = arith.constant 0 : i32
    %dma_start3A_12 = arith.constant 0 : i32
    %dma_start3A_13 = tpu.memref_slice %arg2[%dma_start3A_11, %dma_start3A_12] : memref<20000x128xf32, #tpu.memory_space<hbm>> -> memref<20000x128xf32, #tpu.memory_space<hbm>>
    tpu.enqueue_indirect_dma source(%dma_start3A_13 : memref<20000x128xf32, #tpu.memory_space<hbm>>) target(%arg10 : memref<128x128xf32, #tpu.memory_space<vmem>>) offsets(%dma_start3A_10 : memref<128xi32, #tpu.memory_space<vmem>>) semaphore(%arg13 : memref<!tpu.dma_semaphore, #tpu.memory_space<semaphore_mem>>)
    %scan3A = arith.constant 0 : i32
    %scan3A_14 = arith.constant 0 : i32
    %scan3A_15 = arith.constant 20 : i32
    %scan3A_16 = arith.addi %scan3A_14, %scan3A_15 : i32
    %scan3A_17 = arith.constant 1 : i32
    scf.for %scan3A_139 = %scan3A_14 to %scan3A_16 step %scan3A_17  : i32 {
      %mul3A_140 = arith.constant 2 : i32
      %mul3A_141 = arith.muli %mul3A_140, %scan3A_139 : i32
      %dma_wait3A_142 = arith.constant 0 : i32
      %dma_wait3A_143 = arith.constant 0 : i32
      %dma_wait3A_144 = tpu.memref_slice %arg7[%dma_wait3A_142, %dma_wait3A_143] : memref<40x128xi32, #tpu.memory_space<vmem>> -> memref<1x128xi32, #tpu.memory_space<vmem>>
      %dma_wait3A_145 = tpu.memref_squeeze %dma_wait3A_144 : memref<1x128xi32, #tpu.memory_space<vmem>> -> memref<128xi32, #tpu.memory_space<vmem>>
      %dma_wait3A_146 = arith.constant 0 : i32
      %dma_wait3A_147 = arith.constant 0 : i32
      %dma_wait3A_148 = tpu.memref_slice %arg2[%dma_wait3A_146, %dma_wait3A_147] : memref<20000x128xf32, #tpu.memory_space<hbm>> -> memref<20000x128xf32, #tpu.memory_space<hbm>>
      tpu.wait_indirect_dma semaphore(%arg12 : memref<!tpu.dma_semaphore, #tpu.memory_space<semaphore_mem>>) src(%dma_wait3A_148 : memref<20000x128xf32, #tpu.memory_space<hbm>>) dst(%arg9 : memref<128x128xf32, #tpu.memory_space<vmem>>)
      %dma_start3A_149 = arith.constant 0 : i32
      %dma_start3A_150 = tpu.memref_slice %arg8[%mul3A_141, %dma_start3A_149] : memref<40x128xi32, #tpu.memory_space<vmem>> -> memref<1x128xi32, #tpu.memory_space<vmem>>
      %dma_start3A_151 = tpu.memref_squeeze %dma_start3A_150 : memref<1x128xi32, #tpu.memory_space<vmem>> -> memref<128xi32, #tpu.memory_space<vmem>>
      %dma_start3A_152 = arith.constant 0 : i32
      %dma_start3A_153 = arith.constant 0 : i32
      %dma_start3A_154 = tpu.memref_slice %arg11[%dma_start3A_152, %dma_start3A_153] : memref<10240x128xf32, #tpu.memory_space<vmem_shared>> -> memref<10240x128xf32, #tpu.memory_space<vmem_shared>>
      tpu.enqueue_indirect_dma source(%arg9 : memref<128x128xf32, #tpu.memory_space<vmem>>) target(%dma_start3A_154 : memref<10240x128xf32, #tpu.memory_space<vmem_shared>>) offsets(%dma_start3A_151 : memref<128xi32, #tpu.memory_space<vmem>>) semaphore(%arg14 : memref<!tpu.dma_semaphore, #tpu.memory_space<semaphore_mem>>) {add = true}
      %dma_wait3A_155 = arith.constant 0 : i32
      %dma_wait3A_156 = arith.constant 0 : i32
      %dma_wait3A_157 = tpu.memref_slice %arg7[%dma_wait3A_155, %dma_wait3A_156] : memref<40x128xi32, #tpu.memory_space<vmem>> -> memref<1x128xi32, #tpu.memory_space<vmem>>
      %dma_wait3A_158 = tpu.memref_squeeze %dma_wait3A_157 : memref<1x128xi32, #tpu.memory_space<vmem>> -> memref<128xi32, #tpu.memory_space<vmem>>
      %dma_wait3A_159 = arith.constant 0 : i32
      %dma_wait3A_160 = arith.constant 0 : i32
      %dma_wait3A_161 = tpu.memref_slice %arg2[%dma_wait3A_159, %dma_wait3A_160] : memref<20000x128xf32, #tpu.memory_space<hbm>> -> memref<20000x128xf32, #tpu.memory_space<hbm>>
      tpu.wait_indirect_dma semaphore(%arg13 : memref<!tpu.dma_semaphore, #tpu.memory_space<semaphore_mem>>) src(%dma_wait3A_161 : memref<20000x128xf32, #tpu.memory_space<hbm>>) dst(%arg10 : memref<128x128xf32, #tpu.memory_space<vmem>>)
      %add3A = arith.constant 1 : i32
      %add3A_162 = arith.addi %mul3A_141, %add3A : i32
      %dma_start3A_163 = arith.constant 0 : i32
      %dma_start3A_164 = tpu.memref_slice %arg8[%add3A_162, %dma_start3A_163] : memref<40x128xi32, #tpu.memory_space<vmem>> -> memref<1x128xi32, #tpu.memory_space<vmem>>
      %dma_start3A_165 = tpu.memref_squeeze %dma_start3A_164 : memref<1x128xi32, #tpu.memory_space<vmem>> -> memref<128xi32, #tpu.memory_space<vmem>>
      %dma_start3A_166 = arith.constant 0 : i32
      %dma_start3A_167 = arith.constant 0 : i32
      %dma_start3A_168 = tpu.memref_slice %arg11[%dma_start3A_166, %dma_start3A_167] : memref<10240x128xf32, #tpu.memory_space<vmem_shared>> -> memref<10240x128xf32, #tpu.memory_space<vmem_shared>>
      tpu.enqueue_indirect_dma source(%arg10 : memref<128x128xf32, #tpu.memory_space<vmem>>) target(%dma_start3A_168 : memref<10240x128xf32, #tpu.memory_space<vmem_shared>>) offsets(%dma_start3A_165 : memref<128xi32, #tpu.memory_space<vmem>>) semaphore(%arg15 : memref<!tpu.dma_semaphore, #tpu.memory_space<semaphore_mem>>) {add = true}
      %add3A_169 = arith.constant 2 : i32
      %add3A_170 = arith.addi %mul3A_141, %add3A_169 : i32
      %lt3A = arith.constant 40 : i32
      %lt3A_171 = arith.cmpi slt, %add3A_170, %lt3A : i32
      %convert_element_type3A = arith.extui %lt3A_171 : i1 to i32
      %cond3A = arith.constant 0 : i32
      %cond3A_172 = arith.cmpi ne, %convert_element_type3A, %cond3A : i32
      scf.if %cond3A_172 {
        %dma_wait3A_180 = arith.constant 0 : i32
        %dma_wait3A_181 = arith.constant 0 : i32
        %dma_wait3A_182 = tpu.memref_slice %arg8[%dma_wait3A_180, %dma_wait3A_181] : memref<40x128xi32, #tpu.memory_space<vmem>> -> memref<1x128xi32, #tpu.memory_space<vmem>>
        %dma_wait3A_183 = tpu.memref_squeeze %dma_wait3A_182 : memref<1x128xi32, #tpu.memory_space<vmem>> -> memref<128xi32, #tpu.memory_space<vmem>>
        %dma_wait3A_184 = arith.constant 0 : i32
        %dma_wait3A_185 = arith.constant 0 : i32
        %dma_wait3A_186 = tpu.memref_slice %arg11[%dma_wait3A_184, %dma_wait3A_185] : memref<10240x128xf32, #tpu.memory_space<vmem_shared>> -> memref<10240x128xf32, #tpu.memory_space<vmem_shared>>
        tpu.wait_indirect_dma semaphore(%arg14 : memref<!tpu.dma_semaphore, #tpu.memory_space<semaphore_mem>>) src(%arg9 : memref<128x128xf32, #tpu.memory_space<vmem>>) dst(%dma_wait3A_186 : memref<10240x128xf32, #tpu.memory_space<vmem_shared>>)
        %add3A_187 = arith.constant 2 : i32
        %add3A_188 = arith.addi %mul3A_141, %add3A_187 : i32
        %dma_start3A_189 = arith.constant 0 : i32
        %dma_start3A_190 = tpu.memref_slice %arg7[%add3A_188, %dma_start3A_189] : memref<40x128xi32, #tpu.memory_space<vmem>> -> memref<1x128xi32, #tpu.memory_space<vmem>>
        %dma_start3A_191 = tpu.memref_squeeze %dma_start3A_190 : memref<1x128xi32, #tpu.memory_space<vmem>> -> memref<128xi32, #tpu.memory_space<vmem>>
        %dma_start3A_192 = arith.constant 0 : i32
        %dma_start3A_193 = arith.constant 0 : i32
        %dma_start3A_194 = tpu.memref_slice %arg2[%dma_start3A_192, %dma_start3A_193] : memref<20000x128xf32, #tpu.memory_space<hbm>> -> memref<20000x128xf32, #tpu.memory_space<hbm>>
        tpu.enqueue_indirect_dma source(%dma_start3A_194 : memref<20000x128xf32, #tpu.memory_space<hbm>>) target(%arg9 : memref<128x128xf32, #tpu.memory_space<vmem>>) offsets(%dma_start3A_191 : memref<128xi32, #tpu.memory_space<vmem>>) semaphore(%arg12 : memref<!tpu.dma_semaphore, #tpu.memory_space<semaphore_mem>>)
      } else {
      }
      %add3A_173 = arith.constant 3 : i32
      %add3A_174 = arith.addi %mul3A_141, %add3A_173 : i32
      %lt3A_175 = arith.constant 40 : i32
      %lt3A_176 = arith.cmpi slt, %add3A_174, %lt3A_175 : i32
      %convert_element_type3A_177 = arith.extui %lt3A_176 : i1 to i32
      %cond3A_178 = arith.constant 0 : i32
      %cond3A_179 = arith.cmpi ne, %convert_element_type3A_177, %cond3A_178 : i32
      scf.if %cond3A_179 {
        %dma_wait3A_180 = arith.constant 0 : i32
        %dma_wait3A_181 = arith.constant 0 : i32
        %dma_wait3A_182 = tpu.memref_slice %arg8[%dma_wait3A_180, %dma_wait3A_181] : memref<40x128xi32, #tpu.memory_space<vmem>> -> memref<1x128xi32, #tpu.memory_space<vmem>>
        %dma_wait3A_183 = tpu.memref_squeeze %dma_wait3A_182 : memref<1x128xi32, #tpu.memory_space<vmem>> -> memref<128xi32, #tpu.memory_space<vmem>>
        %dma_wait3A_184 = arith.constant 0 : i32
        %dma_wait3A_185 = arith.constant 0 : i32
        %dma_wait3A_186 = tpu.memref_slice %arg11[%dma_wait3A_184, %dma_wait3A_185] : memref<10240x128xf32, #tpu.memory_space<vmem_shared>> -> memref<10240x128xf32, #tpu.memory_space<vmem_shared>>
        tpu.wait_indirect_dma semaphore(%arg15 : memref<!tpu.dma_semaphore, #tpu.memory_space<semaphore_mem>>) src(%arg10 : memref<128x128xf32, #tpu.memory_space<vmem>>) dst(%dma_wait3A_186 : memref<10240x128xf32, #tpu.memory_space<vmem_shared>>)
        %add3A_187 = arith.constant 3 : i32
        %add3A_188 = arith.addi %mul3A_141, %add3A_187 : i32
        %dma_start3A_189 = arith.constant 0 : i32
        %dma_start3A_190 = tpu.memref_slice %arg7[%add3A_188, %dma_start3A_189] : memref<40x128xi32, #tpu.memory_space<vmem>> -> memref<1x128xi32, #tpu.memory_space<vmem>>
        %dma_start3A_191 = tpu.memref_squeeze %dma_start3A_190 : memref<1x128xi32, #tpu.memory_space<vmem>> -> memref<128xi32, #tpu.memory_space<vmem>>
        %dma_start3A_192 = arith.constant 0 : i32
        %dma_start3A_193 = arith.constant 0 : i32
        %dma_start3A_194 = tpu.memref_slice %arg2[%dma_start3A_192, %dma_start3A_193] : memref<20000x128xf32, #tpu.memory_space<hbm>> -> memref<20000x128xf32, #tpu.memory_space<hbm>>
        tpu.enqueue_indirect_dma source(%dma_start3A_194 : memref<20000x128xf32, #tpu.memory_space<hbm>>) target(%arg10 : memref<128x128xf32, #tpu.memory_space<vmem>>) offsets(%dma_start3A_191 : memref<128xi32, #tpu.memory_space<vmem>>) semaphore(%arg13 : memref<!tpu.dma_semaphore, #tpu.memory_space<semaphore_mem>>)
      } else {
      }
    }
    %scan3A_18 = arith.constant 20 : i32
    %dma_wait3A = arith.constant 0 : i32
    %dma_wait3A_19 = arith.constant 0 : i32
    %dma_wait3A_20 = tpu.memref_slice %arg8[%dma_wait3A, %dma_wait3A_19] : memref<40x128xi32, #tpu.memory_space<vmem>> -> memref<1x128xi32, #tpu.memory_space<vmem>>
    %dma_wait3A_21 = tpu.memref_squeeze %dma_wait3A_20 : memref<1x128xi32, #tpu.memory_space<vmem>> -> memref<128xi32, #tpu.memory_space<vmem>>
    %dma_wait3A_22 = arith.constant 0 : i32
    %dma_wait3A_23 = arith.constant 0 : i32
    %dma_wait3A_24 = tpu.memref_slice %arg11[%dma_wait3A_22, %dma_wait3A_23] : memref<10240x128xf32, #tpu.memory_space<vmem_shared>> -> memref<10240x128xf32, #tpu.memory_space<vmem_shared>>
    tpu.wait_indirect_dma semaphore(%arg14 : memref<!tpu.dma_semaphore, #tpu.memory_space<semaphore_mem>>) src(%arg9 : memref<128x128xf32, #tpu.memory_space<vmem>>) dst(%dma_wait3A_24 : memref<10240x128xf32, #tpu.memory_space<vmem_shared>>)
    %dma_wait3A_25 = arith.constant 0 : i32
    %dma_wait3A_26 = arith.constant 0 : i32
    %dma_wait3A_27 = tpu.memref_slice %arg8[%dma_wait3A_25, %dma_wait3A_26] : memref<40x128xi32, #tpu.memory_space<vmem>> -> memref<1x128xi32, #tpu.memory_space<vmem>>
    %dma_wait3A_28 = tpu.memref_squeeze %dma_wait3A_27 : memref<1x128xi32, #tpu.memory_space<vmem>> -> memref<128xi32, #tpu.memory_space<vmem>>
    %dma_wait3A_29 = arith.constant 0 : i32
    %dma_wait3A_30 = arith.constant 0 : i32
    %dma_wait3A_31 = tpu.memref_slice %arg11[%dma_wait3A_29, %dma_wait3A_30] : memref<10240x128xf32, #tpu.memory_space<vmem_shared>> -> memref<10240x128xf32, #tpu.memory_space<vmem_shared>>
    tpu.wait_indirect_dma semaphore(%arg15 : memref<!tpu.dma_semaphore, #tpu.memory_space<semaphore_mem>>) src(%arg10 : memref<128x128xf32, #tpu.memory_space<vmem>>) dst(%dma_wait3A_31 : memref<10240x128xf32, #tpu.memory_space<vmem_shared>>)
    "tpu.region"() ({
      %run_scoped3A = tpu.sem_alloc : memref<!tpu.dma_semaphore, #tpu.memory_space<semaphore_mem>>
      %dma_start3A_139 = arith.constant 40 : i32
      %dma_start3A_140 = arith.constant 0 : i32
      %dma_start3A_141 = tpu.memref_slice %arg3[%arg0, %arg1, %dma_start3A_139, %dma_start3A_140] : memref<2x16x160x128xi32, #tpu.memory_space<hbm>> -> memref<1x1x40x128xi32, #tpu.memory_space<hbm>>
      %dma_start3A_142 = tpu.memref_squeeze %dma_start3A_141 : memref<1x1x40x128xi32, #tpu.memory_space<hbm>> -> memref<40x128xi32, #tpu.memory_space<hbm>>
      %dma_start3A_143 = arith.constant 40 : i32
      %dma_start3A_144 = arith.constant 0 : i32
      %dma_start3A_145 = tpu.memref_slice %arg3[%arg0, %arg1, %dma_start3A_143, %dma_start3A_144] : memref<2x16x160x128xi32, #tpu.memory_space<hbm>> -> memref<1x1x40x128xi32, #tpu.memory_space<hbm>>
      %dma_start3A_146 = tpu.memref_squeeze %dma_start3A_145 : memref<1x1x40x128xi32, #tpu.memory_space<hbm>> -> memref<40x128xi32, #tpu.memory_space<hbm>>
      tpu.enqueue_dma source(%dma_start3A_146 : memref<40x128xi32, #tpu.memory_space<hbm>>) target(%arg7 : memref<40x128xi32, #tpu.memory_space<vmem>>) target_semaphore(%run_scoped3A : memref<!tpu.dma_semaphore, #tpu.memory_space<semaphore_mem>>)
      %dma_wait3A_147 = arith.constant 40 : i32
      %dma_wait3A_148 = arith.constant 0 : i32
      %dma_wait3A_149 = tpu.memref_slice %arg3[%arg0, %arg1, %dma_wait3A_147, %dma_wait3A_148] : memref<2x16x160x128xi32, #tpu.memory_space<hbm>> -> memref<1x1x40x128xi32, #tpu.memory_space<hbm>>
      %dma_wait3A_150 = tpu.memref_squeeze %dma_wait3A_149 : memref<1x1x40x128xi32, #tpu.memory_space<hbm>> -> memref<40x128xi32, #tpu.memory_space<hbm>>
      %dma_wait3A_151 = arith.constant 40 : i32
      %dma_wait3A_152 = arith.constant 0 : i32
      %dma_wait3A_153 = tpu.memref_slice %arg3[%arg0, %arg1, %dma_wait3A_151, %dma_wait3A_152] : memref<2x16x160x128xi32, #tpu.memory_space<hbm>> -> memref<1x1x40x128xi32, #tpu.memory_space<hbm>>
      %dma_wait3A_154 = tpu.memref_squeeze %dma_wait3A_153 : memref<1x1x40x128xi32, #tpu.memory_space<hbm>> -> memref<40x128xi32, #tpu.memory_space<hbm>>
      tpu.wait_dma2 semaphore(%run_scoped3A : memref<!tpu.dma_semaphore, #tpu.memory_space<semaphore_mem>>) src(%dma_wait3A_154 : memref<40x128xi32, #tpu.memory_space<hbm>>) dst(%arg7 : memref<40x128xi32, #tpu.memory_space<vmem>>)
      tpu.yield
    }) : () -> ()
    "tpu.region"() ({
      %run_scoped3A = tpu.sem_alloc : memref<!tpu.dma_semaphore, #tpu.memory_space<semaphore_mem>>
      %dma_start3A_139 = arith.constant 40 : i32
      %dma_start3A_140 = arith.constant 0 : i32
      %dma_start3A_141 = tpu.memref_slice %arg4[%arg0, %arg1, %dma_start3A_139, %dma_start3A_140] : memref<2x16x160x128xi32, #tpu.memory_space<hbm>> -> memref<1x1x40x128xi32, #tpu.memory_space<hbm>>
      %dma_start3A_142 = tpu.memref_squeeze %dma_start3A_141 : memref<1x1x40x128xi32, #tpu.memory_space<hbm>> -> memref<40x128xi32, #tpu.memory_space<hbm>>
      %dma_start3A_143 = arith.constant 40 : i32
      %dma_start3A_144 = arith.constant 0 : i32
      %dma_start3A_145 = tpu.memref_slice %arg4[%arg0, %arg1, %dma_start3A_143, %dma_start3A_144] : memref<2x16x160x128xi32, #tpu.memory_space<hbm>> -> memref<1x1x40x128xi32, #tpu.memory_space<hbm>>
      %dma_start3A_146 = tpu.memref_squeeze %dma_start3A_145 : memref<1x1x40x128xi32, #tpu.memory_space<hbm>> -> memref<40x128xi32, #tpu.memory_space<hbm>>
      tpu.enqueue_dma source(%dma_start3A_146 : memref<40x128xi32, #tpu.memory_space<hbm>>) target(%arg8 : memref<40x128xi32, #tpu.memory_space<vmem>>) target_semaphore(%run_scoped3A : memref<!tpu.dma_semaphore, #tpu.memory_space<semaphore_mem>>)
      %dma_wait3A_147 = arith.constant 40 : i32
      %dma_wait3A_148 = arith.constant 0 : i32
      %dma_wait3A_149 = tpu.memref_slice %arg4[%arg0, %arg1, %dma_wait3A_147, %dma_wait3A_148] : memref<2x16x160x128xi32, #tpu.memory_space<hbm>> -> memref<1x1x40x128xi32, #tpu.memory_space<hbm>>
      %dma_wait3A_150 = tpu.memref_squeeze %dma_wait3A_149 : memref<1x1x40x128xi32, #tpu.memory_space<hbm>> -> memref<40x128xi32, #tpu.memory_space<hbm>>
      %dma_wait3A_151 = arith.constant 40 : i32
      %dma_wait3A_152 = arith.constant 0 : i32
      %dma_wait3A_153 = tpu.memref_slice %arg4[%arg0, %arg1, %dma_wait3A_151, %dma_wait3A_152] : memref<2x16x160x128xi32, #tpu.memory_space<hbm>> -> memref<1x1x40x128xi32, #tpu.memory_space<hbm>>
      %dma_wait3A_154 = tpu.memref_squeeze %dma_wait3A_153 : memref<1x1x40x128xi32, #tpu.memory_space<hbm>> -> memref<40x128xi32, #tpu.memory_space<hbm>>
      tpu.wait_dma2 semaphore(%run_scoped3A : memref<!tpu.dma_semaphore, #tpu.memory_space<semaphore_mem>>) src(%dma_wait3A_154 : memref<40x128xi32, #tpu.memory_space<hbm>>) dst(%arg8 : memref<40x128xi32, #tpu.memory_space<vmem>>)
      tpu.yield
    }) : () -> ()
    %dma_start3A_32 = arith.constant 0 : i32
    %dma_start3A_33 = arith.constant 0 : i32
    %dma_start3A_34 = tpu.memref_slice %arg7[%dma_start3A_32, %dma_start3A_33] : memref<40x128xi32, #tpu.memory_space<vmem>> -> memref<1x128xi32, #tpu.memory_space<vmem>>
    %dma_start3A_35 = tpu.memref_squeeze %dma_start3A_34 : memref<1x128xi32, #tpu.memory_space<vmem>> -> memref<128xi32, #tpu.memory_space<vmem>>
    %dma_start3A_36 = arith.constant 0 : i32
    %dma_start3A_37 = arith.constant 0 : i32
    %dma_start3A_38 = tpu.memref_slice %arg2[%dma_start3A_36, %dma_start3A_37] : memref<20000x128xf32, #tpu.memory_space<hbm>> -> memref<20000x128xf32, #tpu.memory_space<hbm>>
    tpu.enqueue_indirect_dma source(%dma_start3A_38 : memref<20000x128xf32, #tpu.memory_space<hbm>>) target(%arg9 : memref<128x128xf32, #tpu.memory_space<vmem>>) offsets(%dma_start3A_35 : memref<128xi32, #tpu.memory_space<vmem>>) semaphore(%arg12 : memref<!tpu.dma_semaphore, #tpu.memory_space<semaphore_mem>>)
    %dma_start3A_39 = arith.constant 1 : i32
    %dma_start3A_40 = arith.constant 0 : i32
    %dma_start3A_41 = tpu.memref_slice %arg7[%dma_start3A_39, %dma_start3A_40] : memref<40x128xi32, #tpu.memory_space<vmem>> -> memref<1x128xi32, #tpu.memory_space<vmem>>
    %dma_start3A_42 = tpu.memref_squeeze %dma_start3A_41 : memref<1x128xi32, #tpu.memory_space<vmem>> -> memref<128xi32, #tpu.memory_space<vmem>>
    %dma_start3A_43 = arith.constant 0 : i32
    %dma_start3A_44 = arith.constant 0 : i32
    %dma_start3A_45 = tpu.memref_slice %arg2[%dma_start3A_43, %dma_start3A_44] : memref<20000x128xf32, #tpu.memory_space<hbm>> -> memref<20000x128xf32, #tpu.memory_space<hbm>>
    tpu.enqueue_indirect_dma source(%dma_start3A_45 : memref<20000x128xf32, #tpu.memory_space<hbm>>) target(%arg10 : memref<128x128xf32, #tpu.memory_space<vmem>>) offsets(%dma_start3A_42 : memref<128xi32, #tpu.memory_space<vmem>>) semaphore(%arg13 : memref<!tpu.dma_semaphore, #tpu.memory_space<semaphore_mem>>)
    %scan3A_46 = arith.constant 0 : i32
    %scan3A_47 = arith.constant 0 : i32
    %scan3A_48 = arith.constant 20 : i32
    %scan3A_49 = arith.addi %scan3A_47, %scan3A_48 : i32
    %scan3A_50 = arith.constant 1 : i32
    scf.for %scan3A_139 = %scan3A_47 to %scan3A_49 step %scan3A_50  : i32 {
      %mul3A_140 = arith.constant 2 : i32
      %mul3A_141 = arith.muli %mul3A_140, %scan3A_139 : i32
      %dma_wait3A_142 = arith.constant 0 : i32
      %dma_wait3A_143 = arith.constant 0 : i32
      %dma_wait3A_144 = tpu.memref_slice %arg7[%dma_wait3A_142, %dma_wait3A_143] : memref<40x128xi32, #tpu.memory_space<vmem>> -> memref<1x128xi32, #tpu.memory_space<vmem>>
      %dma_wait3A_145 = tpu.memref_squeeze %dma_wait3A_144 : memref<1x128xi32, #tpu.memory_space<vmem>> -> memref<128xi32, #tpu.memory_space<vmem>>
      %dma_wait3A_146 = arith.constant 0 : i32
      %dma_wait3A_147 = arith.constant 0 : i32
      %dma_wait3A_148 = tpu.memref_slice %arg2[%dma_wait3A_146, %dma_wait3A_147] : memref<20000x128xf32, #tpu.memory_space<hbm>> -> memref<20000x128xf32, #tpu.memory_space<hbm>>
      tpu.wait_indirect_dma semaphore(%arg12 : memref<!tpu.dma_semaphore, #tpu.memory_space<semaphore_mem>>) src(%dma_wait3A_148 : memref<20000x128xf32, #tpu.memory_space<hbm>>) dst(%arg9 : memref<128x128xf32, #tpu.memory_space<vmem>>)
      %dma_start3A_149 = arith.constant 0 : i32
      %dma_start3A_150 = tpu.memref_slice %arg8[%mul3A_141, %dma_start3A_149] : memref<40x128xi32, #tpu.memory_space<vmem>> -> memref<1x128xi32, #tpu.memory_space<vmem>>
      %dma_start3A_151 = tpu.memref_squeeze %dma_start3A_150 : memref<1x128xi32, #tpu.memory_space<vmem>> -> memref<128xi32, #tpu.memory_space<vmem>>
      %dma_start3A_152 = arith.constant 0 : i32
      %dma_start3A_153 = arith.constant 0 : i32
      %dma_start3A_154 = tpu.memref_slice %arg11[%dma_start3A_152, %dma_start3A_153] : memref<10240x128xf32, #tpu.memory_space<vmem_shared>> -> memref<10240x128xf32, #tpu.memory_space<vmem_shared>>
      tpu.enqueue_indirect_dma source(%arg9 : memref<128x128xf32, #tpu.memory_space<vmem>>) target(%dma_start3A_154 : memref<10240x128xf32, #tpu.memory_space<vmem_shared>>) offsets(%dma_start3A_151 : memref<128xi32, #tpu.memory_space<vmem>>) semaphore(%arg14 : memref<!tpu.dma_semaphore, #tpu.memory_space<semaphore_mem>>) {add = true}
      %dma_wait3A_155 = arith.constant 0 : i32
      %dma_wait3A_156 = arith.constant 0 : i32
      %dma_wait3A_157 = tpu.memref_slice %arg7[%dma_wait3A_155, %dma_wait3A_156] : memref<40x128xi32, #tpu.memory_space<vmem>> -> memref<1x128xi32, #tpu.memory_space<vmem>>
      %dma_wait3A_158 = tpu.memref_squeeze %dma_wait3A_157 : memref<1x128xi32, #tpu.memory_space<vmem>> -> memref<128xi32, #tpu.memory_space<vmem>>
      %dma_wait3A_159 = arith.constant 0 : i32
      %dma_wait3A_160 = arith.constant 0 : i32
      %dma_wait3A_161 = tpu.memref_slice %arg2[%dma_wait3A_159, %dma_wait3A_160] : memref<20000x128xf32, #tpu.memory_space<hbm>> -> memref<20000x128xf32, #tpu.memory_space<hbm>>
      tpu.wait_indirect_dma semaphore(%arg13 : memref<!tpu.dma_semaphore, #tpu.memory_space<semaphore_mem>>) src(%dma_wait3A_161 : memref<20000x128xf32, #tpu.memory_space<hbm>>) dst(%arg10 : memref<128x128xf32, #tpu.memory_space<vmem>>)
      %add3A = arith.constant 1 : i32
      %add3A_162 = arith.addi %mul3A_141, %add3A : i32
      %dma_start3A_163 = arith.constant 0 : i32
      %dma_start3A_164 = tpu.memref_slice %arg8[%add3A_162, %dma_start3A_163] : memref<40x128xi32, #tpu.memory_space<vmem>> -> memref<1x128xi32, #tpu.memory_space<vmem>>
      %dma_start3A_165 = tpu.memref_squeeze %dma_start3A_164 : memref<1x128xi32, #tpu.memory_space<vmem>> -> memref<128xi32, #tpu.memory_space<vmem>>
      %dma_start3A_166 = arith.constant 0 : i32
      %dma_start3A_167 = arith.constant 0 : i32
      %dma_start3A_168 = tpu.memref_slice %arg11[%dma_start3A_166, %dma_start3A_167] : memref<10240x128xf32, #tpu.memory_space<vmem_shared>> -> memref<10240x128xf32, #tpu.memory_space<vmem_shared>>
      tpu.enqueue_indirect_dma source(%arg10 : memref<128x128xf32, #tpu.memory_space<vmem>>) target(%dma_start3A_168 : memref<10240x128xf32, #tpu.memory_space<vmem_shared>>) offsets(%dma_start3A_165 : memref<128xi32, #tpu.memory_space<vmem>>) semaphore(%arg15 : memref<!tpu.dma_semaphore, #tpu.memory_space<semaphore_mem>>) {add = true}
      %add3A_169 = arith.constant 2 : i32
      %add3A_170 = arith.addi %mul3A_141, %add3A_169 : i32
      %lt3A = arith.constant 40 : i32
      %lt3A_171 = arith.cmpi slt, %add3A_170, %lt3A : i32
      %convert_element_type3A = arith.extui %lt3A_171 : i1 to i32
      %cond3A = arith.constant 0 : i32
      %cond3A_172 = arith.cmpi ne, %convert_element_type3A, %cond3A : i32
      scf.if %cond3A_172 {
        %dma_wait3A_180 = arith.constant 0 : i32
        %dma_wait3A_181 = arith.constant 0 : i32
        %dma_wait3A_182 = tpu.memref_slice %arg8[%dma_wait3A_180, %dma_wait3A_181] : memref<40x128xi32, #tpu.memory_space<vmem>> -> memref<1x128xi32, #tpu.memory_space<vmem>>
        %dma_wait3A_183 = tpu.memref_squeeze %dma_wait3A_182 : memref<1x128xi32, #tpu.memory_space<vmem>> -> memref<128xi32, #tpu.memory_space<vmem>>
        %dma_wait3A_184 = arith.constant 0 : i32
        %dma_wait3A_185 = arith.constant 0 : i32
        %dma_wait3A_186 = tpu.memref_slice %arg11[%dma_wait3A_184, %dma_wait3A_185] : memref<10240x128xf32, #tpu.memory_space<vmem_shared>> -> memref<10240x128xf32, #tpu.memory_space<vmem_shared>>
        tpu.wait_indirect_dma semaphore(%arg14 : memref<!tpu.dma_semaphore, #tpu.memory_space<semaphore_mem>>) src(%arg9 : memref<128x128xf32, #tpu.memory_space<vmem>>) dst(%dma_wait3A_186 : memref<10240x128xf32, #tpu.memory_space<vmem_shared>>)
        %add3A_187 = arith.constant 2 : i32
        %add3A_188 = arith.addi %mul3A_141, %add3A_187 : i32
        %dma_start3A_189 = arith.constant 0 : i32
        %dma_start3A_190 = tpu.memref_slice %arg7[%add3A_188, %dma_start3A_189] : memref<40x128xi32, #tpu.memory_space<vmem>> -> memref<1x128xi32, #tpu.memory_space<vmem>>
        %dma_start3A_191 = tpu.memref_squeeze %dma_start3A_190 : memref<1x128xi32, #tpu.memory_space<vmem>> -> memref<128xi32, #tpu.memory_space<vmem>>
        %dma_start3A_192 = arith.constant 0 : i32
        %dma_start3A_193 = arith.constant 0 : i32
        %dma_start3A_194 = tpu.memref_slice %arg2[%dma_start3A_192, %dma_start3A_193] : memref<20000x128xf32, #tpu.memory_space<hbm>> -> memref<20000x128xf32, #tpu.memory_space<hbm>>
        tpu.enqueue_indirect_dma source(%dma_start3A_194 : memref<20000x128xf32, #tpu.memory_space<hbm>>) target(%arg9 : memref<128x128xf32, #tpu.memory_space<vmem>>) offsets(%dma_start3A_191 : memref<128xi32, #tpu.memory_space<vmem>>) semaphore(%arg12 : memref<!tpu.dma_semaphore, #tpu.memory_space<semaphore_mem>>)
      } else {
      }
      %add3A_173 = arith.constant 3 : i32
      %add3A_174 = arith.addi %mul3A_141, %add3A_173 : i32
      %lt3A_175 = arith.constant 40 : i32
      %lt3A_176 = arith.cmpi slt, %add3A_174, %lt3A_175 : i32
      %convert_element_type3A_177 = arith.extui %lt3A_176 : i1 to i32
      %cond3A_178 = arith.constant 0 : i32
      %cond3A_179 = arith.cmpi ne, %convert_element_type3A_177, %cond3A_178 : i32
      scf.if %cond3A_179 {
        %dma_wait3A_180 = arith.constant 0 : i32
        %dma_wait3A_181 = arith.constant 0 : i32
        %dma_wait3A_182 = tpu.memref_slice %arg8[%dma_wait3A_180, %dma_wait3A_181] : memref<40x128xi32, #tpu.memory_space<vmem>> -> memref<1x128xi32, #tpu.memory_space<vmem>>
        %dma_wait3A_183 = tpu.memref_squeeze %dma_wait3A_182 : memref<1x128xi32, #tpu.memory_space<vmem>> -> memref<128xi32, #tpu.memory_space<vmem>>
        %dma_wait3A_184 = arith.constant 0 : i32
        %dma_wait3A_185 = arith.constant 0 : i32
        %dma_wait3A_186 = tpu.memref_slice %arg11[%dma_wait3A_184, %dma_wait3A_185] : memref<10240x128xf32, #tpu.memory_space<vmem_shared>> -> memref<10240x128xf32, #tpu.memory_space<vmem_shared>>
        tpu.wait_indirect_dma semaphore(%arg15 : memref<!tpu.dma_semaphore, #tpu.memory_space<semaphore_mem>>) src(%arg10 : memref<128x128xf32, #tpu.memory_space<vmem>>) dst(%dma_wait3A_186 : memref<10240x128xf32, #tpu.memory_space<vmem_shared>>)
        %add3A_187 = arith.constant 3 : i32
        %add3A_188 = arith.addi %mul3A_141, %add3A_187 : i32
        %dma_start3A_189 = arith.constant 0 : i32
        %dma_start3A_190 = tpu.memref_slice %arg7[%add3A_188, %dma_start3A_189] : memref<40x128xi32, #tpu.memory_space<vmem>> -> memref<1x128xi32, #tpu.memory_space<vmem>>
        %dma_start3A_191 = tpu.memref_squeeze %dma_start3A_190 : memref<1x128xi32, #tpu.memory_space<vmem>> -> memref<128xi32, #tpu.memory_space<vmem>>
        %dma_start3A_192 = arith.constant 0 : i32
        %dma_start3A_193 = arith.constant 0 : i32
        %dma_start3A_194 = tpu.memref_slice %arg2[%dma_start3A_192, %dma_start3A_193] : memref<20000x128xf32, #tpu.memory_space<hbm>> -> memref<20000x128xf32, #tpu.memory_space<hbm>>
        tpu.enqueue_indirect_dma source(%dma_start3A_194 : memref<20000x128xf32, #tpu.memory_space<hbm>>) target(%arg10 : memref<128x128xf32, #tpu.memory_space<vmem>>) offsets(%dma_start3A_191 : memref<128xi32, #tpu.memory_space<vmem>>) semaphore(%arg13 : memref<!tpu.dma_semaphore, #tpu.memory_space<semaphore_mem>>)
      } else {
      }
    }
    %scan3A_51 = arith.constant 20 : i32
    %dma_wait3A_52 = arith.constant 0 : i32
    %dma_wait3A_53 = arith.constant 0 : i32
    %dma_wait3A_54 = tpu.memref_slice %arg8[%dma_wait3A_52, %dma_wait3A_53] : memref<40x128xi32, #tpu.memory_space<vmem>> -> memref<1x128xi32, #tpu.memory_space<vmem>>
    %dma_wait3A_55 = tpu.memref_squeeze %dma_wait3A_54 : memref<1x128xi32, #tpu.memory_space<vmem>> -> memref<128xi32, #tpu.memory_space<vmem>>
    %dma_wait3A_56 = arith.constant 0 : i32
    %dma_wait3A_57 = arith.constant 0 : i32
    %dma_wait3A_58 = tpu.memref_slice %arg11[%dma_wait3A_56, %dma_wait3A_57] : memref<10240x128xf32, #tpu.memory_space<vmem_shared>> -> memref<10240x128xf32, #tpu.memory_space<vmem_shared>>
    tpu.wait_indirect_dma semaphore(%arg14 : memref<!tpu.dma_semaphore, #tpu.memory_space<semaphore_mem>>) src(%arg9 : memref<128x128xf32, #tpu.memory_space<vmem>>) dst(%dma_wait3A_58 : memref<10240x128xf32, #tpu.memory_space<vmem_shared>>)
    %dma_wait3A_59 = arith.constant 0 : i32
    %dma_wait3A_60 = arith.constant 0 : i32
    %dma_wait3A_61 = tpu.memref_slice %arg8[%dma_wait3A_59, %dma_wait3A_60] : memref<40x128xi32, #tpu.memory_space<vmem>> -> memref<1x128xi32, #tpu.memory_space<vmem>>
    %dma_wait3A_62 = tpu.memref_squeeze %dma_wait3A_61 : memref<1x128xi32, #tpu.memory_space<vmem>> -> memref<128xi32, #tpu.memory_space<vmem>>
    %dma_wait3A_63 = arith.constant 0 : i32
    %dma_wait3A_64 = arith.constant 0 : i32
    %dma_wait3A_65 = tpu.memref_slice %arg11[%dma_wait3A_63, %dma_wait3A_64] : memref<10240x128xf32, #tpu.memory_space<vmem_shared>> -> memref<10240x128xf32, #tpu.memory_space<vmem_shared>>
    tpu.wait_indirect_dma semaphore(%arg15 : memref<!tpu.dma_semaphore, #tpu.memory_space<semaphore_mem>>) src(%arg10 : memref<128x128xf32, #tpu.memory_space<vmem>>) dst(%dma_wait3A_65 : memref<10240x128xf32, #tpu.memory_space<vmem_shared>>)
    "tpu.region"() ({
      %run_scoped3A = tpu.sem_alloc : memref<!tpu.dma_semaphore, #tpu.memory_space<semaphore_mem>>
      %dma_start3A_139 = arith.constant 80 : i32
      %dma_start3A_140 = arith.constant 0 : i32
      %dma_start3A_141 = tpu.memref_slice %arg3[%arg0, %arg1, %dma_start3A_139, %dma_start3A_140] : memref<2x16x160x128xi32, #tpu.memory_space<hbm>> -> memref<1x1x40x128xi32, #tpu.memory_space<hbm>>
      %dma_start3A_142 = tpu.memref_squeeze %dma_start3A_141 : memref<1x1x40x128xi32, #tpu.memory_space<hbm>> -> memref<40x128xi32, #tpu.memory_space<hbm>>
      %dma_start3A_143 = arith.constant 80 : i32
      %dma_start3A_144 = arith.constant 0 : i32
      %dma_start3A_145 = tpu.memref_slice %arg3[%arg0, %arg1, %dma_start3A_143, %dma_start3A_144] : memref<2x16x160x128xi32, #tpu.memory_space<hbm>> -> memref<1x1x40x128xi32, #tpu.memory_space<hbm>>
      %dma_start3A_146 = tpu.memref_squeeze %dma_start3A_145 : memref<1x1x40x128xi32, #tpu.memory_space<hbm>> -> memref<40x128xi32, #tpu.memory_space<hbm>>
      tpu.enqueue_dma source(%dma_start3A_146 : memref<40x128xi32, #tpu.memory_space<hbm>>) target(%arg7 : memref<40x128xi32, #tpu.memory_space<vmem>>) target_semaphore(%run_scoped3A : memref<!tpu.dma_semaphore, #tpu.memory_space<semaphore_mem>>)
      %dma_wait3A_147 = arith.constant 80 : i32
      %dma_wait3A_148 = arith.constant 0 : i32
      %dma_wait3A_149 = tpu.memref_slice %arg3[%arg0, %arg1, %dma_wait3A_147, %dma_wait3A_148] : memref<2x16x160x128xi32, #tpu.memory_space<hbm>> -> memref<1x1x40x128xi32, #tpu.memory_space<hbm>>
      %dma_wait3A_150 = tpu.memref_squeeze %dma_wait3A_149 : memref<1x1x40x128xi32, #tpu.memory_space<hbm>> -> memref<40x128xi32, #tpu.memory_space<hbm>>
      %dma_wait3A_151 = arith.constant 80 : i32
      %dma_wait3A_152 = arith.constant 0 : i32
      %dma_wait3A_153 = tpu.memref_slice %arg3[%arg0, %arg1, %dma_wait3A_151, %dma_wait3A_152] : memref<2x16x160x128xi32, #tpu.memory_space<hbm>> -> memref<1x1x40x128xi32, #tpu.memory_space<hbm>>
      %dma_wait3A_154 = tpu.memref_squeeze %dma_wait3A_153 : memref<1x1x40x128xi32, #tpu.memory_space<hbm>> -> memref<40x128xi32, #tpu.memory_space<hbm>>
      tpu.wait_dma2 semaphore(%run_scoped3A : memref<!tpu.dma_semaphore, #tpu.memory_space<semaphore_mem>>) src(%dma_wait3A_154 : memref<40x128xi32, #tpu.memory_space<hbm>>) dst(%arg7 : memref<40x128xi32, #tpu.memory_space<vmem>>)
      tpu.yield
    }) : () -> ()
    "tpu.region"() ({
      %run_scoped3A = tpu.sem_alloc : memref<!tpu.dma_semaphore, #tpu.memory_space<semaphore_mem>>
      %dma_start3A_139 = arith.constant 80 : i32
      %dma_start3A_140 = arith.constant 0 : i32
      %dma_start3A_141 = tpu.memref_slice %arg4[%arg0, %arg1, %dma_start3A_139, %dma_start3A_140] : memref<2x16x160x128xi32, #tpu.memory_space<hbm>> -> memref<1x1x40x128xi32, #tpu.memory_space<hbm>>
      %dma_start3A_142 = tpu.memref_squeeze %dma_start3A_141 : memref<1x1x40x128xi32, #tpu.memory_space<hbm>> -> memref<40x128xi32, #tpu.memory_space<hbm>>
      %dma_start3A_143 = arith.constant 80 : i32
      %dma_start3A_144 = arith.constant 0 : i32
      %dma_start3A_145 = tpu.memref_slice %arg4[%arg0, %arg1, %dma_start3A_143, %dma_start3A_144] : memref<2x16x160x128xi32, #tpu.memory_space<hbm>> -> memref<1x1x40x128xi32, #tpu.memory_space<hbm>>
      %dma_start3A_146 = tpu.memref_squeeze %dma_start3A_145 : memref<1x1x40x128xi32, #tpu.memory_space<hbm>> -> memref<40x128xi32, #tpu.memory_space<hbm>>
      tpu.enqueue_dma source(%dma_start3A_146 : memref<40x128xi32, #tpu.memory_space<hbm>>) target(%arg8 : memref<40x128xi32, #tpu.memory_space<vmem>>) target_semaphore(%run_scoped3A : memref<!tpu.dma_semaphore, #tpu.memory_space<semaphore_mem>>)
      %dma_wait3A_147 = arith.constant 80 : i32
      %dma_wait3A_148 = arith.constant 0 : i32
      %dma_wait3A_149 = tpu.memref_slice %arg4[%arg0, %arg1, %dma_wait3A_147, %dma_wait3A_148] : memref<2x16x160x128xi32, #tpu.memory_space<hbm>> -> memref<1x1x40x128xi32, #tpu.memory_space<hbm>>
      %dma_wait3A_150 = tpu.memref_squeeze %dma_wait3A_149 : memref<1x1x40x128xi32, #tpu.memory_space<hbm>> -> memref<40x128xi32, #tpu.memory_space<hbm>>
      %dma_wait3A_151 = arith.constant 80 : i32
      %dma_wait3A_152 = arith.constant 0 : i32
      %dma_wait3A_153 = tpu.memref_slice %arg4[%arg0, %arg1, %dma_wait3A_151, %dma_wait3A_152] : memref<2x16x160x128xi32, #tpu.memory_space<hbm>> -> memref<1x1x40x128xi32, #tpu.memory_space<hbm>>
      %dma_wait3A_154 = tpu.memref_squeeze %dma_wait3A_153 : memref<1x1x40x128xi32, #tpu.memory_space<hbm>> -> memref<40x128xi32, #tpu.memory_space<hbm>>
      tpu.wait_dma2 semaphore(%run_scoped3A : memref<!tpu.dma_semaphore, #tpu.memory_space<semaphore_mem>>) src(%dma_wait3A_154 : memref<40x128xi32, #tpu.memory_space<hbm>>) dst(%arg8 : memref<40x128xi32, #tpu.memory_space<vmem>>)
      tpu.yield
    }) : () -> ()
    %dma_start3A_66 = arith.constant 0 : i32
    %dma_start3A_67 = arith.constant 0 : i32
    %dma_start3A_68 = tpu.memref_slice %arg7[%dma_start3A_66, %dma_start3A_67] : memref<40x128xi32, #tpu.memory_space<vmem>> -> memref<1x128xi32, #tpu.memory_space<vmem>>
    %dma_start3A_69 = tpu.memref_squeeze %dma_start3A_68 : memref<1x128xi32, #tpu.memory_space<vmem>> -> memref<128xi32, #tpu.memory_space<vmem>>
    %dma_start3A_70 = arith.constant 0 : i32
    %dma_start3A_71 = arith.constant 0 : i32
    %dma_start3A_72 = tpu.memref_slice %arg2[%dma_start3A_70, %dma_start3A_71] : memref<20000x128xf32, #tpu.memory_space<hbm>> -> memref<20000x128xf32, #tpu.memory_space<hbm>>
    tpu.enqueue_indirect_dma source(%dma_start3A_72 : memref<20000x128xf32, #tpu.memory_space<hbm>>) target(%arg9 : memref<128x128xf32, #tpu.memory_space<vmem>>) offsets(%dma_start3A_69 : memref<128xi32, #tpu.memory_space<vmem>>) semaphore(%arg12 : memref<!tpu.dma_semaphore, #tpu.memory_space<semaphore_mem>>)
    %dma_start3A_73 = arith.constant 1 : i32
    %dma_start3A_74 = arith.constant 0 : i32
    %dma_start3A_75 = tpu.memref_slice %arg7[%dma_start3A_73, %dma_start3A_74] : memref<40x128xi32, #tpu.memory_space<vmem>> -> memref<1x128xi32, #tpu.memory_space<vmem>>
    %dma_start3A_76 = tpu.memref_squeeze %dma_start3A_75 : memref<1x128xi32, #tpu.memory_space<vmem>> -> memref<128xi32, #tpu.memory_space<vmem>>
    %dma_start3A_77 = arith.constant 0 : i32
    %dma_start3A_78 = arith.constant 0 : i32
    %dma_start3A_79 = tpu.memref_slice %arg2[%dma_start3A_77, %dma_start3A_78] : memref<20000x128xf32, #tpu.memory_space<hbm>> -> memref<20000x128xf32, #tpu.memory_space<hbm>>
    tpu.enqueue_indirect_dma source(%dma_start3A_79 : memref<20000x128xf32, #tpu.memory_space<hbm>>) target(%arg10 : memref<128x128xf32, #tpu.memory_space<vmem>>) offsets(%dma_start3A_76 : memref<128xi32, #tpu.memory_space<vmem>>) semaphore(%arg13 : memref<!tpu.dma_semaphore, #tpu.memory_space<semaphore_mem>>)
    %scan3A_80 = arith.constant 0 : i32
    %scan3A_81 = arith.constant 0 : i32
    %scan3A_82 = arith.constant 20 : i32
    %scan3A_83 = arith.addi %scan3A_81, %scan3A_82 : i32
    %scan3A_84 = arith.constant 1 : i32
    scf.for %scan3A_139 = %scan3A_81 to %scan3A_83 step %scan3A_84  : i32 {
      %mul3A_140 = arith.constant 2 : i32
      %mul3A_141 = arith.muli %mul3A_140, %scan3A_139 : i32
      %dma_wait3A_142 = arith.constant 0 : i32
      %dma_wait3A_143 = arith.constant 0 : i32
      %dma_wait3A_144 = tpu.memref_slice %arg7[%dma_wait3A_142, %dma_wait3A_143] : memref<40x128xi32, #tpu.memory_space<vmem>> -> memref<1x128xi32, #tpu.memory_space<vmem>>
      %dma_wait3A_145 = tpu.memref_squeeze %dma_wait3A_144 : memref<1x128xi32, #tpu.memory_space<vmem>> -> memref<128xi32, #tpu.memory_space<vmem>>
      %dma_wait3A_146 = arith.constant 0 : i32
      %dma_wait3A_147 = arith.constant 0 : i32
      %dma_wait3A_148 = tpu.memref_slice %arg2[%dma_wait3A_146, %dma_wait3A_147] : memref<20000x128xf32, #tpu.memory_space<hbm>> -> memref<20000x128xf32, #tpu.memory_space<hbm>>
      tpu.wait_indirect_dma semaphore(%arg12 : memref<!tpu.dma_semaphore, #tpu.memory_space<semaphore_mem>>) src(%dma_wait3A_148 : memref<20000x128xf32, #tpu.memory_space<hbm>>) dst(%arg9 : memref<128x128xf32, #tpu.memory_space<vmem>>)
      %dma_start3A_149 = arith.constant 0 : i32
      %dma_start3A_150 = tpu.memref_slice %arg8[%mul3A_141, %dma_start3A_149] : memref<40x128xi32, #tpu.memory_space<vmem>> -> memref<1x128xi32, #tpu.memory_space<vmem>>
      %dma_start3A_151 = tpu.memref_squeeze %dma_start3A_150 : memref<1x128xi32, #tpu.memory_space<vmem>> -> memref<128xi32, #tpu.memory_space<vmem>>
      %dma_start3A_152 = arith.constant 0 : i32
      %dma_start3A_153 = arith.constant 0 : i32
      %dma_start3A_154 = tpu.memref_slice %arg11[%dma_start3A_152, %dma_start3A_153] : memref<10240x128xf32, #tpu.memory_space<vmem_shared>> -> memref<10240x128xf32, #tpu.memory_space<vmem_shared>>
      tpu.enqueue_indirect_dma source(%arg9 : memref<128x128xf32, #tpu.memory_space<vmem>>) target(%dma_start3A_154 : memref<10240x128xf32, #tpu.memory_space<vmem_shared>>) offsets(%dma_start3A_151 : memref<128xi32, #tpu.memory_space<vmem>>) semaphore(%arg14 : memref<!tpu.dma_semaphore, #tpu.memory_space<semaphore_mem>>) {add = true}
      %dma_wait3A_155 = arith.constant 0 : i32
      %dma_wait3A_156 = arith.constant 0 : i32
      %dma_wait3A_157 = tpu.memref_slice %arg7[%dma_wait3A_155, %dma_wait3A_156] : memref<40x128xi32, #tpu.memory_space<vmem>> -> memref<1x128xi32, #tpu.memory_space<vmem>>
      %dma_wait3A_158 = tpu.memref_squeeze %dma_wait3A_157 : memref<1x128xi32, #tpu.memory_space<vmem>> -> memref<128xi32, #tpu.memory_space<vmem>>
      %dma_wait3A_159 = arith.constant 0 : i32
      %dma_wait3A_160 = arith.constant 0 : i32
      %dma_wait3A_161 = tpu.memref_slice %arg2[%dma_wait3A_159, %dma_wait3A_160] : memref<20000x128xf32, #tpu.memory_space<hbm>> -> memref<20000x128xf32, #tpu.memory_space<hbm>>
      tpu.wait_indirect_dma semaphore(%arg13 : memref<!tpu.dma_semaphore, #tpu.memory_space<semaphore_mem>>) src(%dma_wait3A_161 : memref<20000x128xf32, #tpu.memory_space<hbm>>) dst(%arg10 : memref<128x128xf32, #tpu.memory_space<vmem>>)
      %add3A = arith.constant 1 : i32
      %add3A_162 = arith.addi %mul3A_141, %add3A : i32
      %dma_start3A_163 = arith.constant 0 : i32
      %dma_start3A_164 = tpu.memref_slice %arg8[%add3A_162, %dma_start3A_163] : memref<40x128xi32, #tpu.memory_space<vmem>> -> memref<1x128xi32, #tpu.memory_space<vmem>>
      %dma_start3A_165 = tpu.memref_squeeze %dma_start3A_164 : memref<1x128xi32, #tpu.memory_space<vmem>> -> memref<128xi32, #tpu.memory_space<vmem>>
      %dma_start3A_166 = arith.constant 0 : i32
      %dma_start3A_167 = arith.constant 0 : i32
      %dma_start3A_168 = tpu.memref_slice %arg11[%dma_start3A_166, %dma_start3A_167] : memref<10240x128xf32, #tpu.memory_space<vmem_shared>> -> memref<10240x128xf32, #tpu.memory_space<vmem_shared>>
      tpu.enqueue_indirect_dma source(%arg10 : memref<128x128xf32, #tpu.memory_space<vmem>>) target(%dma_start3A_168 : memref<10240x128xf32, #tpu.memory_space<vmem_shared>>) offsets(%dma_start3A_165 : memref<128xi32, #tpu.memory_space<vmem>>) semaphore(%arg15 : memref<!tpu.dma_semaphore, #tpu.memory_space<semaphore_mem>>) {add = true}
      %add3A_169 = arith.constant 2 : i32
      %add3A_170 = arith.addi %mul3A_141, %add3A_169 : i32
      %lt3A = arith.constant 40 : i32
      %lt3A_171 = arith.cmpi slt, %add3A_170, %lt3A : i32
      %convert_element_type3A = arith.extui %lt3A_171 : i1 to i32
      %cond3A = arith.constant 0 : i32
      %cond3A_172 = arith.cmpi ne, %convert_element_type3A, %cond3A : i32
      scf.if %cond3A_172 {
        %dma_wait3A_180 = arith.constant 0 : i32
        %dma_wait3A_181 = arith.constant 0 : i32
        %dma_wait3A_182 = tpu.memref_slice %arg8[%dma_wait3A_180, %dma_wait3A_181] : memref<40x128xi32, #tpu.memory_space<vmem>> -> memref<1x128xi32, #tpu.memory_space<vmem>>
        %dma_wait3A_183 = tpu.memref_squeeze %dma_wait3A_182 : memref<1x128xi32, #tpu.memory_space<vmem>> -> memref<128xi32, #tpu.memory_space<vmem>>
        %dma_wait3A_184 = arith.constant 0 : i32
        %dma_wait3A_185 = arith.constant 0 : i32
        %dma_wait3A_186 = tpu.memref_slice %arg11[%dma_wait3A_184, %dma_wait3A_185] : memref<10240x128xf32, #tpu.memory_space<vmem_shared>> -> memref<10240x128xf32, #tpu.memory_space<vmem_shared>>
        tpu.wait_indirect_dma semaphore(%arg14 : memref<!tpu.dma_semaphore, #tpu.memory_space<semaphore_mem>>) src(%arg9 : memref<128x128xf32, #tpu.memory_space<vmem>>) dst(%dma_wait3A_186 : memref<10240x128xf32, #tpu.memory_space<vmem_shared>>)
        %add3A_187 = arith.constant 2 : i32
        %add3A_188 = arith.addi %mul3A_141, %add3A_187 : i32
        %dma_start3A_189 = arith.constant 0 : i32
        %dma_start3A_190 = tpu.memref_slice %arg7[%add3A_188, %dma_start3A_189] : memref<40x128xi32, #tpu.memory_space<vmem>> -> memref<1x128xi32, #tpu.memory_space<vmem>>
        %dma_start3A_191 = tpu.memref_squeeze %dma_start3A_190 : memref<1x128xi32, #tpu.memory_space<vmem>> -> memref<128xi32, #tpu.memory_space<vmem>>
        %dma_start3A_192 = arith.constant 0 : i32
        %dma_start3A_193 = arith.constant 0 : i32
        %dma_start3A_194 = tpu.memref_slice %arg2[%dma_start3A_192, %dma_start3A_193] : memref<20000x128xf32, #tpu.memory_space<hbm>> -> memref<20000x128xf32, #tpu.memory_space<hbm>>
        tpu.enqueue_indirect_dma source(%dma_start3A_194 : memref<20000x128xf32, #tpu.memory_space<hbm>>) target(%arg9 : memref<128x128xf32, #tpu.memory_space<vmem>>) offsets(%dma_start3A_191 : memref<128xi32, #tpu.memory_space<vmem>>) semaphore(%arg12 : memref<!tpu.dma_semaphore, #tpu.memory_space<semaphore_mem>>)
      } else {
      }
      %add3A_173 = arith.constant 3 : i32
      %add3A_174 = arith.addi %mul3A_141, %add3A_173 : i32
      %lt3A_175 = arith.constant 40 : i32
      %lt3A_176 = arith.cmpi slt, %add3A_174, %lt3A_175 : i32
      %convert_element_type3A_177 = arith.extui %lt3A_176 : i1 to i32
      %cond3A_178 = arith.constant 0 : i32
      %cond3A_179 = arith.cmpi ne, %convert_element_type3A_177, %cond3A_178 : i32
      scf.if %cond3A_179 {
        %dma_wait3A_180 = arith.constant 0 : i32
        %dma_wait3A_181 = arith.constant 0 : i32
        %dma_wait3A_182 = tpu.memref_slice %arg8[%dma_wait3A_180, %dma_wait3A_181] : memref<40x128xi32, #tpu.memory_space<vmem>> -> memref<1x128xi32, #tpu.memory_space<vmem>>
        %dma_wait3A_183 = tpu.memref_squeeze %dma_wait3A_182 : memref<1x128xi32, #tpu.memory_space<vmem>> -> memref<128xi32, #tpu.memory_space<vmem>>
        %dma_wait3A_184 = arith.constant 0 : i32
        %dma_wait3A_185 = arith.constant 0 : i32
        %dma_wait3A_186 = tpu.memref_slice %arg11[%dma_wait3A_184, %dma_wait3A_185] : memref<10240x128xf32, #tpu.memory_space<vmem_shared>> -> memref<10240x128xf32, #tpu.memory_space<vmem_shared>>
        tpu.wait_indirect_dma semaphore(%arg15 : memref<!tpu.dma_semaphore, #tpu.memory_space<semaphore_mem>>) src(%arg10 : memref<128x128xf32, #tpu.memory_space<vmem>>) dst(%dma_wait3A_186 : memref<10240x128xf32, #tpu.memory_space<vmem_shared>>)
        %add3A_187 = arith.constant 3 : i32
        %add3A_188 = arith.addi %mul3A_141, %add3A_187 : i32
        %dma_start3A_189 = arith.constant 0 : i32
        %dma_start3A_190 = tpu.memref_slice %arg7[%add3A_188, %dma_start3A_189] : memref<40x128xi32, #tpu.memory_space<vmem>> -> memref<1x128xi32, #tpu.memory_space<vmem>>
        %dma_start3A_191 = tpu.memref_squeeze %dma_start3A_190 : memref<1x128xi32, #tpu.memory_space<vmem>> -> memref<128xi32, #tpu.memory_space<vmem>>
        %dma_start3A_192 = arith.constant 0 : i32
        %dma_start3A_193 = arith.constant 0 : i32
        %dma_start3A_194 = tpu.memref_slice %arg2[%dma_start3A_192, %dma_start3A_193] : memref<20000x128xf32, #tpu.memory_space<hbm>> -> memref<20000x128xf32, #tpu.memory_space<hbm>>
        tpu.enqueue_indirect_dma source(%dma_start3A_194 : memref<20000x128xf32, #tpu.memory_space<hbm>>) target(%arg10 : memref<128x128xf32, #tpu.memory_space<vmem>>) offsets(%dma_start3A_191 : memref<128xi32, #tpu.memory_space<vmem>>) semaphore(%arg13 : memref<!tpu.dma_semaphore, #tpu.memory_space<semaphore_mem>>)
      } else {
      }
    }
    %scan3A_85 = arith.constant 20 : i32
    %dma_wait3A_86 = arith.constant 0 : i32
    %dma_wait3A_87 = arith.constant 0 : i32
    %dma_wait3A_88 = tpu.memref_slice %arg8[%dma_wait3A_86, %dma_wait3A_87] : memref<40x128xi32, #tpu.memory_space<vmem>> -> memref<1x128xi32, #tpu.memory_space<vmem>>
    %dma_wait3A_89 = tpu.memref_squeeze %dma_wait3A_88 : memref<1x128xi32, #tpu.memory_space<vmem>> -> memref<128xi32, #tpu.memory_space<vmem>>
    %dma_wait3A_90 = arith.constant 0 : i32
    %dma_wait3A_91 = arith.constant 0 : i32
    %dma_wait3A_92 = tpu.memref_slice %arg11[%dma_wait3A_90, %dma_wait3A_91] : memref<10240x128xf32, #tpu.memory_space<vmem_shared>> -> memref<10240x128xf32, #tpu.memory_space<vmem_shared>>
    tpu.wait_indirect_dma semaphore(%arg14 : memref<!tpu.dma_semaphore, #tpu.memory_space<semaphore_mem>>) src(%arg9 : memref<128x128xf32, #tpu.memory_space<vmem>>) dst(%dma_wait3A_92 : memref<10240x128xf32, #tpu.memory_space<vmem_shared>>)
    %dma_wait3A_93 = arith.constant 0 : i32
    %dma_wait3A_94 = arith.constant 0 : i32
    %dma_wait3A_95 = tpu.memref_slice %arg8[%dma_wait3A_93, %dma_wait3A_94] : memref<40x128xi32, #tpu.memory_space<vmem>> -> memref<1x128xi32, #tpu.memory_space<vmem>>
    %dma_wait3A_96 = tpu.memref_squeeze %dma_wait3A_95 : memref<1x128xi32, #tpu.memory_space<vmem>> -> memref<128xi32, #tpu.memory_space<vmem>>
    %dma_wait3A_97 = arith.constant 0 : i32
    %dma_wait3A_98 = arith.constant 0 : i32
    %dma_wait3A_99 = tpu.memref_slice %arg11[%dma_wait3A_97, %dma_wait3A_98] : memref<10240x128xf32, #tpu.memory_space<vmem_shared>> -> memref<10240x128xf32, #tpu.memory_space<vmem_shared>>
    tpu.wait_indirect_dma semaphore(%arg15 : memref<!tpu.dma_semaphore, #tpu.memory_space<semaphore_mem>>) src(%arg10 : memref<128x128xf32, #tpu.memory_space<vmem>>) dst(%dma_wait3A_99 : memref<10240x128xf32, #tpu.memory_space<vmem_shared>>)
    "tpu.region"() ({
      %run_scoped3A = tpu.sem_alloc : memref<!tpu.dma_semaphore, #tpu.memory_space<semaphore_mem>>
      %dma_start3A_139 = arith.constant 120 : i32
      %dma_start3A_140 = arith.constant 0 : i32
      %dma_start3A_141 = tpu.memref_slice %arg3[%arg0, %arg1, %dma_start3A_139, %dma_start3A_140] : memref<2x16x160x128xi32, #tpu.memory_space<hbm>> -> memref<1x1x40x128xi32, #tpu.memory_space<hbm>>
      %dma_start3A_142 = tpu.memref_squeeze %dma_start3A_141 : memref<1x1x40x128xi32, #tpu.memory_space<hbm>> -> memref<40x128xi32, #tpu.memory_space<hbm>>
      %dma_start3A_143 = arith.constant 120 : i32
      %dma_start3A_144 = arith.constant 0 : i32
      %dma_start3A_145 = tpu.memref_slice %arg3[%arg0, %arg1, %dma_start3A_143, %dma_start3A_144] : memref<2x16x160x128xi32, #tpu.memory_space<hbm>> -> memref<1x1x40x128xi32, #tpu.memory_space<hbm>>
      %dma_start3A_146 = tpu.memref_squeeze %dma_start3A_145 : memref<1x1x40x128xi32, #tpu.memory_space<hbm>> -> memref<40x128xi32, #tpu.memory_space<hbm>>
      tpu.enqueue_dma source(%dma_start3A_146 : memref<40x128xi32, #tpu.memory_space<hbm>>) target(%arg7 : memref<40x128xi32, #tpu.memory_space<vmem>>) target_semaphore(%run_scoped3A : memref<!tpu.dma_semaphore, #tpu.memory_space<semaphore_mem>>)
      %dma_wait3A_147 = arith.constant 120 : i32
      %dma_wait3A_148 = arith.constant 0 : i32
      %dma_wait3A_149 = tpu.memref_slice %arg3[%arg0, %arg1, %dma_wait3A_147, %dma_wait3A_148] : memref<2x16x160x128xi32, #tpu.memory_space<hbm>> -> memref<1x1x40x128xi32, #tpu.memory_space<hbm>>
      %dma_wait3A_150 = tpu.memref_squeeze %dma_wait3A_149 : memref<1x1x40x128xi32, #tpu.memory_space<hbm>> -> memref<40x128xi32, #tpu.memory_space<hbm>>
      %dma_wait3A_151 = arith.constant 120 : i32
      %dma_wait3A_152 = arith.constant 0 : i32
      %dma_wait3A_153 = tpu.memref_slice %arg3[%arg0, %arg1, %dma_wait3A_151, %dma_wait3A_152] : memref<2x16x160x128xi32, #tpu.memory_space<hbm>> -> memref<1x1x40x128xi32, #tpu.memory_space<hbm>>
      %dma_wait3A_154 = tpu.memref_squeeze %dma_wait3A_153 : memref<1x1x40x128xi32, #tpu.memory_space<hbm>> -> memref<40x128xi32, #tpu.memory_space<hbm>>
      tpu.wait_dma2 semaphore(%run_scoped3A : memref<!tpu.dma_semaphore, #tpu.memory_space<semaphore_mem>>) src(%dma_wait3A_154 : memref<40x128xi32, #tpu.memory_space<hbm>>) dst(%arg7 : memref<40x128xi32, #tpu.memory_space<vmem>>)
      tpu.yield
    }) : () -> ()
    "tpu.region"() ({
      %run_scoped3A = tpu.sem_alloc : memref<!tpu.dma_semaphore, #tpu.memory_space<semaphore_mem>>
      %dma_start3A_139 = arith.constant 120 : i32
      %dma_start3A_140 = arith.constant 0 : i32
      %dma_start3A_141 = tpu.memref_slice %arg4[%arg0, %arg1, %dma_start3A_139, %dma_start3A_140] : memref<2x16x160x128xi32, #tpu.memory_space<hbm>> -> memref<1x1x40x128xi32, #tpu.memory_space<hbm>>
      %dma_start3A_142 = tpu.memref_squeeze %dma_start3A_141 : memref<1x1x40x128xi32, #tpu.memory_space<hbm>> -> memref<40x128xi32, #tpu.memory_space<hbm>>
      %dma_start3A_143 = arith.constant 120 : i32
      %dma_start3A_144 = arith.constant 0 : i32
      %dma_start3A_145 = tpu.memref_slice %arg4[%arg0, %arg1, %dma_start3A_143, %dma_start3A_144] : memref<2x16x160x128xi32, #tpu.memory_space<hbm>> -> memref<1x1x40x128xi32, #tpu.memory_space<hbm>>
      %dma_start3A_146 = tpu.memref_squeeze %dma_start3A_145 : memref<1x1x40x128xi32, #tpu.memory_space<hbm>> -> memref<40x128xi32, #tpu.memory_space<hbm>>
      tpu.enqueue_dma source(%dma_start3A_146 : memref<40x128xi32, #tpu.memory_space<hbm>>) target(%arg8 : memref<40x128xi32, #tpu.memory_space<vmem>>) target_semaphore(%run_scoped3A : memref<!tpu.dma_semaphore, #tpu.memory_space<semaphore_mem>>)
      %dma_wait3A_147 = arith.constant 120 : i32
      %dma_wait3A_148 = arith.constant 0 : i32
      %dma_wait3A_149 = tpu.memref_slice %arg4[%arg0, %arg1, %dma_wait3A_147, %dma_wait3A_148] : memref<2x16x160x128xi32, #tpu.memory_space<hbm>> -> memref<1x1x40x128xi32, #tpu.memory_space<hbm>>
      %dma_wait3A_150 = tpu.memref_squeeze %dma_wait3A_149 : memref<1x1x40x128xi32, #tpu.memory_space<hbm>> -> memref<40x128xi32, #tpu.memory_space<hbm>>
      %dma_wait3A_151 = arith.constant 120 : i32
      %dma_wait3A_152 = arith.constant 0 : i32
      %dma_wait3A_153 = tpu.memref_slice %arg4[%arg0, %arg1, %dma_wait3A_151, %dma_wait3A_152] : memref<2x16x160x128xi32, #tpu.memory_space<hbm>> -> memref<1x1x40x128xi32, #tpu.memory_space<hbm>>
      %dma_wait3A_154 = tpu.memref_squeeze %dma_wait3A_153 : memref<1x1x40x128xi32, #tpu.memory_space<hbm>> -> memref<40x128xi32, #tpu.memory_space<hbm>>
      tpu.wait_dma2 semaphore(%run_scoped3A : memref<!tpu.dma_semaphore, #tpu.memory_space<semaphore_mem>>) src(%dma_wait3A_154 : memref<40x128xi32, #tpu.memory_space<hbm>>) dst(%arg8 : memref<40x128xi32, #tpu.memory_space<vmem>>)
      tpu.yield
    }) : () -> ()
    %dma_start3A_100 = arith.constant 0 : i32
    %dma_start3A_101 = arith.constant 0 : i32
    %dma_start3A_102 = tpu.memref_slice %arg7[%dma_start3A_100, %dma_start3A_101] : memref<40x128xi32, #tpu.memory_space<vmem>> -> memref<1x128xi32, #tpu.memory_space<vmem>>
    %dma_start3A_103 = tpu.memref_squeeze %dma_start3A_102 : memref<1x128xi32, #tpu.memory_space<vmem>> -> memref<128xi32, #tpu.memory_space<vmem>>
    %dma_start3A_104 = arith.constant 0 : i32
    %dma_start3A_105 = arith.constant 0 : i32
    %dma_start3A_106 = tpu.memref_slice %arg2[%dma_start3A_104, %dma_start3A_105] : memref<20000x128xf32, #tpu.memory_space<hbm>> -> memref<20000x128xf32, #tpu.memory_space<hbm>>
    tpu.enqueue_indirect_dma source(%dma_start3A_106 : memref<20000x128xf32, #tpu.memory_space<hbm>>) target(%arg9 : memref<128x128xf32, #tpu.memory_space<vmem>>) offsets(%dma_start3A_103 : memref<128xi32, #tpu.memory_space<vmem>>) semaphore(%arg12 : memref<!tpu.dma_semaphore, #tpu.memory_space<semaphore_mem>>)
    %dma_start3A_107 = arith.constant 1 : i32
    %dma_start3A_108 = arith.constant 0 : i32
    %dma_start3A_109 = tpu.memref_slice %arg7[%dma_start3A_107, %dma_start3A_108] : memref<40x128xi32, #tpu.memory_space<vmem>> -> memref<1x128xi32, #tpu.memory_space<vmem>>
    %dma_start3A_110 = tpu.memref_squeeze %dma_start3A_109 : memref<1x128xi32, #tpu.memory_space<vmem>> -> memref<128xi32, #tpu.memory_space<vmem>>
    %dma_start3A_111 = arith.constant 0 : i32
    %dma_start3A_112 = arith.constant 0 : i32
    %dma_start3A_113 = tpu.memref_slice %arg2[%dma_start3A_111, %dma_start3A_112] : memref<20000x128xf32, #tpu.memory_space<hbm>> -> memref<20000x128xf32, #tpu.memory_space<hbm>>
    tpu.enqueue_indirect_dma source(%dma_start3A_113 : memref<20000x128xf32, #tpu.memory_space<hbm>>) target(%arg10 : memref<128x128xf32, #tpu.memory_space<vmem>>) offsets(%dma_start3A_110 : memref<128xi32, #tpu.memory_space<vmem>>) semaphore(%arg13 : memref<!tpu.dma_semaphore, #tpu.memory_space<semaphore_mem>>)
    %scan3A_114 = arith.constant 0 : i32
    %scan3A_115 = arith.constant 0 : i32
    %scan3A_116 = arith.constant 20 : i32
    %scan3A_117 = arith.addi %scan3A_115, %scan3A_116 : i32
    %scan3A_118 = arith.constant 1 : i32
    scf.for %scan3A_139 = %scan3A_115 to %scan3A_117 step %scan3A_118  : i32 {
      %mul3A_140 = arith.constant 2 : i32
      %mul3A_141 = arith.muli %mul3A_140, %scan3A_139 : i32
      %dma_wait3A_142 = arith.constant 0 : i32
      %dma_wait3A_143 = arith.constant 0 : i32
      %dma_wait3A_144 = tpu.memref_slice %arg7[%dma_wait3A_142, %dma_wait3A_143] : memref<40x128xi32, #tpu.memory_space<vmem>> -> memref<1x128xi32, #tpu.memory_space<vmem>>
      %dma_wait3A_145 = tpu.memref_squeeze %dma_wait3A_144 : memref<1x128xi32, #tpu.memory_space<vmem>> -> memref<128xi32, #tpu.memory_space<vmem>>
      %dma_wait3A_146 = arith.constant 0 : i32
      %dma_wait3A_147 = arith.constant 0 : i32
      %dma_wait3A_148 = tpu.memref_slice %arg2[%dma_wait3A_146, %dma_wait3A_147] : memref<20000x128xf32, #tpu.memory_space<hbm>> -> memref<20000x128xf32, #tpu.memory_space<hbm>>
      tpu.wait_indirect_dma semaphore(%arg12 : memref<!tpu.dma_semaphore, #tpu.memory_space<semaphore_mem>>) src(%dma_wait3A_148 : memref<20000x128xf32, #tpu.memory_space<hbm>>) dst(%arg9 : memref<128x128xf32, #tpu.memory_space<vmem>>)
      %dma_start3A_149 = arith.constant 0 : i32
      %dma_start3A_150 = tpu.memref_slice %arg8[%mul3A_141, %dma_start3A_149] : memref<40x128xi32, #tpu.memory_space<vmem>> -> memref<1x128xi32, #tpu.memory_space<vmem>>
      %dma_start3A_151 = tpu.memref_squeeze %dma_start3A_150 : memref<1x128xi32, #tpu.memory_space<vmem>> -> memref<128xi32, #tpu.memory_space<vmem>>
      %dma_start3A_152 = arith.constant 0 : i32
      %dma_start3A_153 = arith.constant 0 : i32
      %dma_start3A_154 = tpu.memref_slice %arg11[%dma_start3A_152, %dma_start3A_153] : memref<10240x128xf32, #tpu.memory_space<vmem_shared>> -> memref<10240x128xf32, #tpu.memory_space<vmem_shared>>
      tpu.enqueue_indirect_dma source(%arg9 : memref<128x128xf32, #tpu.memory_space<vmem>>) target(%dma_start3A_154 : memref<10240x128xf32, #tpu.memory_space<vmem_shared>>) offsets(%dma_start3A_151 : memref<128xi32, #tpu.memory_space<vmem>>) semaphore(%arg14 : memref<!tpu.dma_semaphore, #tpu.memory_space<semaphore_mem>>) {add = true}
      %dma_wait3A_155 = arith.constant 0 : i32
      %dma_wait3A_156 = arith.constant 0 : i32
      %dma_wait3A_157 = tpu.memref_slice %arg7[%dma_wait3A_155, %dma_wait3A_156] : memref<40x128xi32, #tpu.memory_space<vmem>> -> memref<1x128xi32, #tpu.memory_space<vmem>>
      %dma_wait3A_158 = tpu.memref_squeeze %dma_wait3A_157 : memref<1x128xi32, #tpu.memory_space<vmem>> -> memref<128xi32, #tpu.memory_space<vmem>>
      %dma_wait3A_159 = arith.constant 0 : i32
      %dma_wait3A_160 = arith.constant 0 : i32
      %dma_wait3A_161 = tpu.memref_slice %arg2[%dma_wait3A_159, %dma_wait3A_160] : memref<20000x128xf32, #tpu.memory_space<hbm>> -> memref<20000x128xf32, #tpu.memory_space<hbm>>
      tpu.wait_indirect_dma semaphore(%arg13 : memref<!tpu.dma_semaphore, #tpu.memory_space<semaphore_mem>>) src(%dma_wait3A_161 : memref<20000x128xf32, #tpu.memory_space<hbm>>) dst(%arg10 : memref<128x128xf32, #tpu.memory_space<vmem>>)
      %add3A = arith.constant 1 : i32
      %add3A_162 = arith.addi %mul3A_141, %add3A : i32
      %dma_start3A_163 = arith.constant 0 : i32
      %dma_start3A_164 = tpu.memref_slice %arg8[%add3A_162, %dma_start3A_163] : memref<40x128xi32, #tpu.memory_space<vmem>> -> memref<1x128xi32, #tpu.memory_space<vmem>>
      %dma_start3A_165 = tpu.memref_squeeze %dma_start3A_164 : memref<1x128xi32, #tpu.memory_space<vmem>> -> memref<128xi32, #tpu.memory_space<vmem>>
      %dma_start3A_166 = arith.constant 0 : i32
      %dma_start3A_167 = arith.constant 0 : i32
      %dma_start3A_168 = tpu.memref_slice %arg11[%dma_start3A_166, %dma_start3A_167] : memref<10240x128xf32, #tpu.memory_space<vmem_shared>> -> memref<10240x128xf32, #tpu.memory_space<vmem_shared>>
      tpu.enqueue_indirect_dma source(%arg10 : memref<128x128xf32, #tpu.memory_space<vmem>>) target(%dma_start3A_168 : memref<10240x128xf32, #tpu.memory_space<vmem_shared>>) offsets(%dma_start3A_165 : memref<128xi32, #tpu.memory_space<vmem>>) semaphore(%arg15 : memref<!tpu.dma_semaphore, #tpu.memory_space<semaphore_mem>>) {add = true}
      %add3A_169 = arith.constant 2 : i32
      %add3A_170 = arith.addi %mul3A_141, %add3A_169 : i32
      %lt3A = arith.constant 40 : i32
      %lt3A_171 = arith.cmpi slt, %add3A_170, %lt3A : i32
      %convert_element_type3A = arith.extui %lt3A_171 : i1 to i32
      %cond3A = arith.constant 0 : i32
      %cond3A_172 = arith.cmpi ne, %convert_element_type3A, %cond3A : i32
      scf.if %cond3A_172 {
        %dma_wait3A_180 = arith.constant 0 : i32
        %dma_wait3A_181 = arith.constant 0 : i32
        %dma_wait3A_182 = tpu.memref_slice %arg8[%dma_wait3A_180, %dma_wait3A_181] : memref<40x128xi32, #tpu.memory_space<vmem>> -> memref<1x128xi32, #tpu.memory_space<vmem>>
        %dma_wait3A_183 = tpu.memref_squeeze %dma_wait3A_182 : memref<1x128xi32, #tpu.memory_space<vmem>> -> memref<128xi32, #tpu.memory_space<vmem>>
        %dma_wait3A_184 = arith.constant 0 : i32
        %dma_wait3A_185 = arith.constant 0 : i32
        %dma_wait3A_186 = tpu.memref_slice %arg11[%dma_wait3A_184, %dma_wait3A_185] : memref<10240x128xf32, #tpu.memory_space<vmem_shared>> -> memref<10240x128xf32, #tpu.memory_space<vmem_shared>>
        tpu.wait_indirect_dma semaphore(%arg14 : memref<!tpu.dma_semaphore, #tpu.memory_space<semaphore_mem>>) src(%arg9 : memref<128x128xf32, #tpu.memory_space<vmem>>) dst(%dma_wait3A_186 : memref<10240x128xf32, #tpu.memory_space<vmem_shared>>)
        %add3A_187 = arith.constant 2 : i32
        %add3A_188 = arith.addi %mul3A_141, %add3A_187 : i32
        %dma_start3A_189 = arith.constant 0 : i32
        %dma_start3A_190 = tpu.memref_slice %arg7[%add3A_188, %dma_start3A_189] : memref<40x128xi32, #tpu.memory_space<vmem>> -> memref<1x128xi32, #tpu.memory_space<vmem>>
        %dma_start3A_191 = tpu.memref_squeeze %dma_start3A_190 : memref<1x128xi32, #tpu.memory_space<vmem>> -> memref<128xi32, #tpu.memory_space<vmem>>
        %dma_start3A_192 = arith.constant 0 : i32
        %dma_start3A_193 = arith.constant 0 : i32
        %dma_start3A_194 = tpu.memref_slice %arg2[%dma_start3A_192, %dma_start3A_193] : memref<20000x128xf32, #tpu.memory_space<hbm>> -> memref<20000x128xf32, #tpu.memory_space<hbm>>
        tpu.enqueue_indirect_dma source(%dma_start3A_194 : memref<20000x128xf32, #tpu.memory_space<hbm>>) target(%arg9 : memref<128x128xf32, #tpu.memory_space<vmem>>) offsets(%dma_start3A_191 : memref<128xi32, #tpu.memory_space<vmem>>) semaphore(%arg12 : memref<!tpu.dma_semaphore, #tpu.memory_space<semaphore_mem>>)
      } else {
      }
      %add3A_173 = arith.constant 3 : i32
      %add3A_174 = arith.addi %mul3A_141, %add3A_173 : i32
      %lt3A_175 = arith.constant 40 : i32
      %lt3A_176 = arith.cmpi slt, %add3A_174, %lt3A_175 : i32
      %convert_element_type3A_177 = arith.extui %lt3A_176 : i1 to i32
      %cond3A_178 = arith.constant 0 : i32
      %cond3A_179 = arith.cmpi ne, %convert_element_type3A_177, %cond3A_178 : i32
      scf.if %cond3A_179 {
        %dma_wait3A_180 = arith.constant 0 : i32
        %dma_wait3A_181 = arith.constant 0 : i32
        %dma_wait3A_182 = tpu.memref_slice %arg8[%dma_wait3A_180, %dma_wait3A_181] : memref<40x128xi32, #tpu.memory_space<vmem>> -> memref<1x128xi32, #tpu.memory_space<vmem>>
        %dma_wait3A_183 = tpu.memref_squeeze %dma_wait3A_182 : memref<1x128xi32, #tpu.memory_space<vmem>> -> memref<128xi32, #tpu.memory_space<vmem>>
        %dma_wait3A_184 = arith.constant 0 : i32
        %dma_wait3A_185 = arith.constant 0 : i32
        %dma_wait3A_186 = tpu.memref_slice %arg11[%dma_wait3A_184, %dma_wait3A_185] : memref<10240x128xf32, #tpu.memory_space<vmem_shared>> -> memref<10240x128xf32, #tpu.memory_space<vmem_shared>>
        tpu.wait_indirect_dma semaphore(%arg15 : memref<!tpu.dma_semaphore, #tpu.memory_space<semaphore_mem>>) src(%arg10 : memref<128x128xf32, #tpu.memory_space<vmem>>) dst(%dma_wait3A_186 : memref<10240x128xf32, #tpu.memory_space<vmem_shared>>)
        %add3A_187 = arith.constant 3 : i32
        %add3A_188 = arith.addi %mul3A_141, %add3A_187 : i32
        %dma_start3A_189 = arith.constant 0 : i32
        %dma_start3A_190 = tpu.memref_slice %arg7[%add3A_188, %dma_start3A_189] : memref<40x128xi32, #tpu.memory_space<vmem>> -> memref<1x128xi32, #tpu.memory_space<vmem>>
        %dma_start3A_191 = tpu.memref_squeeze %dma_start3A_190 : memref<1x128xi32, #tpu.memory_space<vmem>> -> memref<128xi32, #tpu.memory_space<vmem>>
        %dma_start3A_192 = arith.constant 0 : i32
        %dma_start3A_193 = arith.constant 0 : i32
        %dma_start3A_194 = tpu.memref_slice %arg2[%dma_start3A_192, %dma_start3A_193] : memref<20000x128xf32, #tpu.memory_space<hbm>> -> memref<20000x128xf32, #tpu.memory_space<hbm>>
        tpu.enqueue_indirect_dma source(%dma_start3A_194 : memref<20000x128xf32, #tpu.memory_space<hbm>>) target(%arg10 : memref<128x128xf32, #tpu.memory_space<vmem>>) offsets(%dma_start3A_191 : memref<128xi32, #tpu.memory_space<vmem>>) semaphore(%arg13 : memref<!tpu.dma_semaphore, #tpu.memory_space<semaphore_mem>>)
      } else {
      }
    }
    %scan3A_119 = arith.constant 20 : i32
    %dma_wait3A_120 = arith.constant 0 : i32
    %dma_wait3A_121 = arith.constant 0 : i32
    %dma_wait3A_122 = tpu.memref_slice %arg8[%dma_wait3A_120, %dma_wait3A_121] : memref<40x128xi32, #tpu.memory_space<vmem>> -> memref<1x128xi32, #tpu.memory_space<vmem>>
    %dma_wait3A_123 = tpu.memref_squeeze %dma_wait3A_122 : memref<1x128xi32, #tpu.memory_space<vmem>> -> memref<128xi32, #tpu.memory_space<vmem>>
    %dma_wait3A_124 = arith.constant 0 : i32
    %dma_wait3A_125 = arith.constant 0 : i32
    %dma_wait3A_126 = tpu.memref_slice %arg11[%dma_wait3A_124, %dma_wait3A_125] : memref<10240x128xf32, #tpu.memory_space<vmem_shared>> -> memref<10240x128xf32, #tpu.memory_space<vmem_shared>>
    tpu.wait_indirect_dma semaphore(%arg14 : memref<!tpu.dma_semaphore, #tpu.memory_space<semaphore_mem>>) src(%arg9 : memref<128x128xf32, #tpu.memory_space<vmem>>) dst(%dma_wait3A_126 : memref<10240x128xf32, #tpu.memory_space<vmem_shared>>)
    %dma_wait3A_127 = arith.constant 0 : i32
    %dma_wait3A_128 = arith.constant 0 : i32
    %dma_wait3A_129 = tpu.memref_slice %arg8[%dma_wait3A_127, %dma_wait3A_128] : memref<40x128xi32, #tpu.memory_space<vmem>> -> memref<1x128xi32, #tpu.memory_space<vmem>>
    %dma_wait3A_130 = tpu.memref_squeeze %dma_wait3A_129 : memref<1x128xi32, #tpu.memory_space<vmem>> -> memref<128xi32, #tpu.memory_space<vmem>>
    %dma_wait3A_131 = arith.constant 0 : i32
    %dma_wait3A_132 = arith.constant 0 : i32
    %dma_wait3A_133 = tpu.memref_slice %arg11[%dma_wait3A_131, %dma_wait3A_132] : memref<10240x128xf32, #tpu.memory_space<vmem_shared>> -> memref<10240x128xf32, #tpu.memory_space<vmem_shared>>
    tpu.wait_indirect_dma semaphore(%arg15 : memref<!tpu.dma_semaphore, #tpu.memory_space<semaphore_mem>>) src(%arg10 : memref<128x128xf32, #tpu.memory_space<vmem>>) dst(%dma_wait3A_133 : memref<10240x128xf32, #tpu.memory_space<vmem_shared>>)
    %barrier3A_134 = arith.constant 0 : index
    tpu.barrier barrier_id(%barrier3A_134)
    %mul3A_135 = arith.constant 640 : i32
    %mul3A_136 = arith.muli %arg1, %mul3A_135 : i32
    %mul3A_137 = arith.constant 640 : i32
    %mul3A_138 = arith.muli %arg1, %mul3A_137 : i32
    "tpu.region"() ({
      %run_scoped3A = tpu.sem_alloc : memref<!tpu.dma_semaphore, #tpu.memory_space<semaphore_mem>>
      %dma_start3A_139 = arith.constant 0 : i32
      %dma_start3A_140 = tpu.memref_slice %arg6[%arg0, %mul3A_138, %dma_start3A_139] : memref<2x10240x128xf32, #tpu.memory_space<hbm>> -> memref<1x640x128xf32, #tpu.memory_space<hbm>>
      %dma_start3A_141 = tpu.memref_squeeze %dma_start3A_140 : memref<1x640x128xf32, #tpu.memory_space<hbm>> -> memref<640x128xf32, #tpu.memory_space<hbm>>
      %dma_start3A_142 = arith.constant 0 : i32
      %dma_start3A_143 = tpu.memref_slice %arg11[%mul3A_136, %dma_start3A_142] : memref<10240x128xf32, #tpu.memory_space<vmem_shared>> -> memref<640x128xf32, #tpu.memory_space<vmem_shared>>
      tpu.enqueue_dma source(%dma_start3A_143 : memref<640x128xf32, #tpu.memory_space<vmem_shared>>) target(%dma_start3A_141 : memref<640x128xf32, #tpu.memory_space<hbm>>) target_semaphore(%run_scoped3A : memref<!tpu.dma_semaphore, #tpu.memory_space<semaphore_mem>>)
      %dma_wait3A_144 = arith.constant 0 : i32
      %dma_wait3A_145 = tpu.memref_slice %arg6[%arg0, %mul3A_138, %dma_wait3A_144] : memref<2x10240x128xf32, #tpu.memory_space<hbm>> -> memref<1x640x128xf32, #tpu.memory_space<hbm>>
      %dma_wait3A_146 = tpu.memref_squeeze %dma_wait3A_145 : memref<1x640x128xf32, #tpu.memory_space<hbm>> -> memref<640x128xf32, #tpu.memory_space<hbm>>
      %dma_wait3A_147 = arith.constant 0 : i32
      %dma_wait3A_148 = tpu.memref_slice %arg11[%mul3A_136, %dma_wait3A_147] : memref<10240x128xf32, #tpu.memory_space<vmem_shared>> -> memref<640x128xf32, #tpu.memory_space<vmem_shared>>
      tpu.wait_dma2 semaphore(%run_scoped3A : memref<!tpu.dma_semaphore, #tpu.memory_space<semaphore_mem>>) src(%dma_wait3A_148 : memref<640x128xf32, #tpu.memory_space<vmem_shared>>) dst(%dma_wait3A_146 : memref<640x128xf32, #tpu.memory_space<hbm>>)
      tpu.yield
    }) : () -> ()
    return
  }
}

#map = affine_map<(d0, d1) -> (0, 0)>
#map1 = affine_map<(d0, d1) -> (0, 0, 0, 0)>
#map2 = affine_map<(d0, d1) -> (0, 0, 0)>
module attributes {stable_mosaic.version = 14 : i64} {
  func.func @agg(%arg0: i32, %arg1: i32, %arg2: memref<20000x128xf32, #tpu.memory_space<hbm>>, %arg3: memref<2x16x160x128xi32, #tpu.memory_space<hbm>>, %arg4: memref<2x16x160x128xi32, #tpu.memory_space<hbm>>, %arg5: memref<640x128xf32, #tpu.memory_space<hbm>>, %arg6: memref<2x10240x128xf32, #tpu.memory_space<hbm>>, %arg7: memref<40x128xi32, #tpu.memory_space<vmem>>, %arg8: memref<40x128xi32, #tpu.memory_space<vmem>>, %arg9: memref<128x128xf32, #tpu.memory_space<vmem>>, %arg10: memref<128x128xf32, #tpu.memory_space<vmem>>, %arg11: memref<10240x128xf32, #tpu.memory_space<vmem_shared>>, %arg12: memref<!tpu.dma_semaphore, #tpu.memory_space<semaphore_mem>>, %arg13: memref<!tpu.dma_semaphore, #tpu.memory_space<semaphore_mem>>, %arg14: memref<!tpu.dma_semaphore, #tpu.memory_space<semaphore_mem>>, %arg15: memref<!tpu.dma_semaphore, #tpu.memory_space<semaphore_mem>>) attributes {dimension_semantics = [#tpu.dimension_semantics<core_parallel>, #tpu.dimension_semantics<subcore_parallel>], iteration_bounds = array<i64: 2, 16>, scalar_prefetch = 0 : i64, scratch_operands = 9 : i64, tpu.core_type = #tpu.core_type<sc_vector_subcore>, window_params = [{transform_indices = #map}, {transform_indices = #map1}, {transform_indices = #map1}, {transform_indices = #map}, {transform_indices = #map2}]} {
    %mul3A = arith.constant 640 : i32
    %mul3A_0 = arith.muli %arg1, %mul3A : i32
    "tpu.region"() ({
      %run_scoped3A = tpu.sem_alloc : memref<!tpu.dma_semaphore, #tpu.memory_space<semaphore_mem>>
      %dma_start3A_139 = arith.constant 0 : i32
      %dma_start3A_140 = tpu.memref_slice %arg11[%mul3A_0, %dma_start3A_139] : memref<10240x128xf32, #tpu.memory_space<vmem_shared>> -> memref<640x128xf32, #tpu.memory_space<vmem_shared>>
      tpu.enqueue_dma source(%arg5 : memref<640x128xf32, #tpu.memory_space<hbm>>) target(%dma_start3A_140 : memref<640x128xf32, #tpu.memory_space<vmem_shared>>) target_semaphore(%run_scoped3A : memref<!tpu.dma_semaphore, #tpu.memory_space<semaphore_mem>>)
      %dma_wait3A_141 = arith.constant 0 : i32
      %dma_wait3A_142 = tpu.memref_slice %arg11[%mul3A_0, %dma_wait3A_141] : memref<10240x128xf32, #tpu.memory_space<vmem_shared>> -> memref<640x128xf32, #tpu.memory_space<vmem_shared>>
      tpu.wait_dma2 semaphore(%run_scoped3A : memref<!tpu.dma_semaphore, #tpu.memory_space<semaphore_mem>>) src(%arg5 : memref<640x128xf32, #tpu.memory_space<hbm>>) dst(%dma_wait3A_142 : memref<640x128xf32, #tpu.memory_space<vmem_shared>>)
      tpu.yield
    }) : () -> ()
    %barrier3A = arith.constant 0 : index
    tpu.barrier barrier_id(%barrier3A)
    "tpu.region"() ({
      %run_scoped3A = tpu.sem_alloc : memref<!tpu.dma_semaphore, #tpu.memory_space<semaphore_mem>>
      %dma_start3A_139 = arith.constant 0 : i32
      %dma_start3A_140 = arith.constant 0 : i32
      %dma_start3A_141 = tpu.memref_slice %arg3[%arg0, %arg1, %dma_start3A_139, %dma_start3A_140] : memref<2x16x160x128xi32, #tpu.memory_space<hbm>> -> memref<1x1x40x128xi32, #tpu.memory_space<hbm>>
      %dma_start3A_142 = tpu.memref_squeeze %dma_start3A_141 : memref<1x1x40x128xi32, #tpu.memory_space<hbm>> -> memref<40x128xi32, #tpu.memory_space<hbm>>
      %dma_start3A_143 = arith.constant 0 : i32
      %dma_start3A_144 = arith.constant 0 : i32
      %dma_start3A_145 = tpu.memref_slice %arg3[%arg0, %arg1, %dma_start3A_143, %dma_start3A_144] : memref<2x16x160x128xi32, #tpu.memory_space<hbm>> -> memref<1x1x40x128xi32, #tpu.memory_space<hbm>>
      %dma_start3A_146 = tpu.memref_squeeze %dma_start3A_145 : memref<1x1x40x128xi32, #tpu.memory_space<hbm>> -> memref<40x128xi32, #tpu.memory_space<hbm>>
      tpu.enqueue_dma source(%dma_start3A_146 : memref<40x128xi32, #tpu.memory_space<hbm>>) target(%arg7 : memref<40x128xi32, #tpu.memory_space<vmem>>) target_semaphore(%run_scoped3A : memref<!tpu.dma_semaphore, #tpu.memory_space<semaphore_mem>>)
      %dma_wait3A_147 = arith.constant 0 : i32
      %dma_wait3A_148 = arith.constant 0 : i32
      %dma_wait3A_149 = tpu.memref_slice %arg3[%arg0, %arg1, %dma_wait3A_147, %dma_wait3A_148] : memref<2x16x160x128xi32, #tpu.memory_space<hbm>> -> memref<1x1x40x128xi32, #tpu.memory_space<hbm>>
      %dma_wait3A_150 = tpu.memref_squeeze %dma_wait3A_149 : memref<1x1x40x128xi32, #tpu.memory_space<hbm>> -> memref<40x128xi32, #tpu.memory_space<hbm>>
      %dma_wait3A_151 = arith.constant 0 : i32
      %dma_wait3A_152 = arith.constant 0 : i32
      %dma_wait3A_153 = tpu.memref_slice %arg3[%arg0, %arg1, %dma_wait3A_151, %dma_wait3A_152] : memref<2x16x160x128xi32, #tpu.memory_space<hbm>> -> memref<1x1x40x128xi32, #tpu.memory_space<hbm>>
      %dma_wait3A_154 = tpu.memref_squeeze %dma_wait3A_153 : memref<1x1x40x128xi32, #tpu.memory_space<hbm>> -> memref<40x128xi32, #tpu.memory_space<hbm>>
      tpu.wait_dma2 semaphore(%run_scoped3A : memref<!tpu.dma_semaphore, #tpu.memory_space<semaphore_mem>>) src(%dma_wait3A_154 : memref<40x128xi32, #tpu.memory_space<hbm>>) dst(%arg7 : memref<40x128xi32, #tpu.memory_space<vmem>>)
      tpu.yield
    }) : () -> ()
    "tpu.region"() ({
      %run_scoped3A = tpu.sem_alloc : memref<!tpu.dma_semaphore, #tpu.memory_space<semaphore_mem>>
      %dma_start3A_139 = arith.constant 0 : i32
      %dma_start3A_140 = arith.constant 0 : i32
      %dma_start3A_141 = tpu.memref_slice %arg4[%arg0, %arg1, %dma_start3A_139, %dma_start3A_140] : memref<2x16x160x128xi32, #tpu.memory_space<hbm>> -> memref<1x1x40x128xi32, #tpu.memory_space<hbm>>
      %dma_start3A_142 = tpu.memref_squeeze %dma_start3A_141 : memref<1x1x40x128xi32, #tpu.memory_space<hbm>> -> memref<40x128xi32, #tpu.memory_space<hbm>>
      %dma_start3A_143 = arith.constant 0 : i32
      %dma_start3A_144 = arith.constant 0 : i32
      %dma_start3A_145 = tpu.memref_slice %arg4[%arg0, %arg1, %dma_start3A_143, %dma_start3A_144] : memref<2x16x160x128xi32, #tpu.memory_space<hbm>> -> memref<1x1x40x128xi32, #tpu.memory_space<hbm>>
      %dma_start3A_146 = tpu.memref_squeeze %dma_start3A_145 : memref<1x1x40x128xi32, #tpu.memory_space<hbm>> -> memref<40x128xi32, #tpu.memory_space<hbm>>
      tpu.enqueue_dma source(%dma_start3A_146 : memref<40x128xi32, #tpu.memory_space<hbm>>) target(%arg8 : memref<40x128xi32, #tpu.memory_space<vmem>>) target_semaphore(%run_scoped3A : memref<!tpu.dma_semaphore, #tpu.memory_space<semaphore_mem>>)
      %dma_wait3A_147 = arith.constant 0 : i32
      %dma_wait3A_148 = arith.constant 0 : i32
      %dma_wait3A_149 = tpu.memref_slice %arg4[%arg0, %arg1, %dma_wait3A_147, %dma_wait3A_148] : memref<2x16x160x128xi32, #tpu.memory_space<hbm>> -> memref<1x1x40x128xi32, #tpu.memory_space<hbm>>
      %dma_wait3A_150 = tpu.memref_squeeze %dma_wait3A_149 : memref<1x1x40x128xi32, #tpu.memory_space<hbm>> -> memref<40x128xi32, #tpu.memory_space<hbm>>
      %dma_wait3A_151 = arith.constant 0 : i32
      %dma_wait3A_152 = arith.constant 0 : i32
      %dma_wait3A_153 = tpu.memref_slice %arg4[%arg0, %arg1, %dma_wait3A_151, %dma_wait3A_152] : memref<2x16x160x128xi32, #tpu.memory_space<hbm>> -> memref<1x1x40x128xi32, #tpu.memory_space<hbm>>
      %dma_wait3A_154 = tpu.memref_squeeze %dma_wait3A_153 : memref<1x1x40x128xi32, #tpu.memory_space<hbm>> -> memref<40x128xi32, #tpu.memory_space<hbm>>
      tpu.wait_dma2 semaphore(%run_scoped3A : memref<!tpu.dma_semaphore, #tpu.memory_space<semaphore_mem>>) src(%dma_wait3A_154 : memref<40x128xi32, #tpu.memory_space<hbm>>) dst(%arg8 : memref<40x128xi32, #tpu.memory_space<vmem>>)
      tpu.yield
    }) : () -> ()
    %dma_start3A = arith.constant 0 : i32
    %dma_start3A_1 = arith.constant 0 : i32
    %dma_start3A_2 = tpu.memref_slice %arg7[%dma_start3A, %dma_start3A_1] : memref<40x128xi32, #tpu.memory_space<vmem>> -> memref<1x128xi32, #tpu.memory_space<vmem>>
    %dma_start3A_3 = tpu.memref_squeeze %dma_start3A_2 : memref<1x128xi32, #tpu.memory_space<vmem>> -> memref<128xi32, #tpu.memory_space<vmem>>
    %dma_start3A_4 = arith.constant 0 : i32
    %dma_start3A_5 = arith.constant 0 : i32
    %dma_start3A_6 = tpu.memref_slice %arg2[%dma_start3A_4, %dma_start3A_5] : memref<20000x128xf32, #tpu.memory_space<hbm>> -> memref<20000x128xf32, #tpu.memory_space<hbm>>
    tpu.enqueue_indirect_dma source(%dma_start3A_6 : memref<20000x128xf32, #tpu.memory_space<hbm>>) target(%arg9 : memref<128x128xf32, #tpu.memory_space<vmem>>) offsets(%dma_start3A_3 : memref<128xi32, #tpu.memory_space<vmem>>) semaphore(%arg12 : memref<!tpu.dma_semaphore, #tpu.memory_space<semaphore_mem>>)
    %dma_start3A_7 = arith.constant 1 : i32
    %dma_start3A_8 = arith.constant 0 : i32
    %dma_start3A_9 = tpu.memref_slice %arg7[%dma_start3A_7, %dma_start3A_8] : memref<40x128xi32, #tpu.memory_space<vmem>> -> memref<1x128xi32, #tpu.memory_space<vmem>>
    %dma_start3A_10 = tpu.memref_squeeze %dma_start3A_9 : memref<1x128xi32, #tpu.memory_space<vmem>> -> memref<128xi32, #tpu.memory_space<vmem>>
    %dma_start3A_11 = arith.constant 0 : i32
    %dma_start3A_12 = arith.constant 0 : i32
    %dma_start3A_13 = tpu.memref_slice %arg2[%dma_start3A_11, %dma_start3A_12] : memref<20000x128xf32, #tpu.memory_space<hbm>> -> memref<20000x128xf32, #tpu.memory_space<hbm>>
    tpu.enqueue_indirect_dma source(%dma_start3A_13 : memref<20000x128xf32, #tpu.memory_space<hbm>>) target(%arg10 : memref<128x128xf32, #tpu.memory_space<vmem>>) offsets(%dma_start3A_10 : memref<128xi32, #tpu.memory_space<vmem>>) semaphore(%arg13 : memref<!tpu.dma_semaphore, #tpu.memory_space<semaphore_mem>>)
    %scan3A = arith.constant 0 : i32
    %scan3A_14 = arith.constant 0 : i32
    %scan3A_15 = arith.constant 20 : i32
    %scan3A_16 = arith.addi %scan3A_14, %scan3A_15 : i32
    %scan3A_17 = arith.constant 1 : i32
    scf.for %scan3A_139 = %scan3A_14 to %scan3A_16 step %scan3A_17  : i32 {
      %mul3A_140 = arith.constant 2 : i32
      %mul3A_141 = arith.muli %mul3A_140, %scan3A_139 : i32
      %dma_wait3A_142 = arith.constant 0 : i32
      %dma_wait3A_143 = arith.constant 0 : i32
      %dma_wait3A_144 = tpu.memref_slice %arg7[%dma_wait3A_142, %dma_wait3A_143] : memref<40x128xi32, #tpu.memory_space<vmem>> -> memref<1x128xi32, #tpu.memory_space<vmem>>
      %dma_wait3A_145 = tpu.memref_squeeze %dma_wait3A_144 : memref<1x128xi32, #tpu.memory_space<vmem>> -> memref<128xi32, #tpu.memory_space<vmem>>
      %dma_wait3A_146 = arith.constant 0 : i32
      %dma_wait3A_147 = arith.constant 0 : i32
      %dma_wait3A_148 = tpu.memref_slice %arg2[%dma_wait3A_146, %dma_wait3A_147] : memref<20000x128xf32, #tpu.memory_space<hbm>> -> memref<20000x128xf32, #tpu.memory_space<hbm>>
      tpu.wait_indirect_dma semaphore(%arg12 : memref<!tpu.dma_semaphore, #tpu.memory_space<semaphore_mem>>) src(%dma_wait3A_148 : memref<20000x128xf32, #tpu.memory_space<hbm>>) dst(%arg9 : memref<128x128xf32, #tpu.memory_space<vmem>>)
      %dma_start3A_149 = arith.constant 0 : i32
      %dma_start3A_150 = tpu.memref_slice %arg8[%mul3A_141, %dma_start3A_149] : memref<40x128xi32, #tpu.memory_space<vmem>> -> memref<1x128xi32, #tpu.memory_space<vmem>>
      %dma_start3A_151 = tpu.memref_squeeze %dma_start3A_150 : memref<1x128xi32, #tpu.memory_space<vmem>> -> memref<128xi32, #tpu.memory_space<vmem>>
      %dma_start3A_152 = arith.constant 0 : i32
      %dma_start3A_153 = arith.constant 0 : i32
      %dma_start3A_154 = tpu.memref_slice %arg11[%dma_start3A_152, %dma_start3A_153] : memref<10240x128xf32, #tpu.memory_space<vmem_shared>> -> memref<10240x128xf32, #tpu.memory_space<vmem_shared>>
      tpu.enqueue_indirect_dma source(%arg9 : memref<128x128xf32, #tpu.memory_space<vmem>>) target(%dma_start3A_154 : memref<10240x128xf32, #tpu.memory_space<vmem_shared>>) offsets(%dma_start3A_151 : memref<128xi32, #tpu.memory_space<vmem>>) semaphore(%arg14 : memref<!tpu.dma_semaphore, #tpu.memory_space<semaphore_mem>>) {add = true}
      %dma_wait3A_155 = arith.constant 0 : i32
      %dma_wait3A_156 = arith.constant 0 : i32
      %dma_wait3A_157 = tpu.memref_slice %arg7[%dma_wait3A_155, %dma_wait3A_156] : memref<40x128xi32, #tpu.memory_space<vmem>> -> memref<1x128xi32, #tpu.memory_space<vmem>>
      %dma_wait3A_158 = tpu.memref_squeeze %dma_wait3A_157 : memref<1x128xi32, #tpu.memory_space<vmem>> -> memref<128xi32, #tpu.memory_space<vmem>>
      %dma_wait3A_159 = arith.constant 0 : i32
      %dma_wait3A_160 = arith.constant 0 : i32
      %dma_wait3A_161 = tpu.memref_slice %arg2[%dma_wait3A_159, %dma_wait3A_160] : memref<20000x128xf32, #tpu.memory_space<hbm>> -> memref<20000x128xf32, #tpu.memory_space<hbm>>
      tpu.wait_indirect_dma semaphore(%arg13 : memref<!tpu.dma_semaphore, #tpu.memory_space<semaphore_mem>>) src(%dma_wait3A_161 : memref<20000x128xf32, #tpu.memory_space<hbm>>) dst(%arg10 : memref<128x128xf32, #tpu.memory_space<vmem>>)
      %add3A = arith.constant 1 : i32
      %add3A_162 = arith.addi %mul3A_141, %add3A : i32
      %dma_start3A_163 = arith.constant 0 : i32
      %dma_start3A_164 = tpu.memref_slice %arg8[%add3A_162, %dma_start3A_163] : memref<40x128xi32, #tpu.memory_space<vmem>> -> memref<1x128xi32, #tpu.memory_space<vmem>>
      %dma_start3A_165 = tpu.memref_squeeze %dma_start3A_164 : memref<1x128xi32, #tpu.memory_space<vmem>> -> memref<128xi32, #tpu.memory_space<vmem>>
      %dma_start3A_166 = arith.constant 0 : i32
      %dma_start3A_167 = arith.constant 0 : i32
      %dma_start3A_168 = tpu.memref_slice %arg11[%dma_start3A_166, %dma_start3A_167] : memref<10240x128xf32, #tpu.memory_space<vmem_shared>> -> memref<10240x128xf32, #tpu.memory_space<vmem_shared>>
      tpu.enqueue_indirect_dma source(%arg10 : memref<128x128xf32, #tpu.memory_space<vmem>>) target(%dma_start3A_168 : memref<10240x128xf32, #tpu.memory_space<vmem_shared>>) offsets(%dma_start3A_165 : memref<128xi32, #tpu.memory_space<vmem>>) semaphore(%arg15 : memref<!tpu.dma_semaphore, #tpu.memory_space<semaphore_mem>>) {add = true}
      %add3A_169 = arith.constant 2 : i32
      %add3A_170 = arith.addi %mul3A_141, %add3A_169 : i32
      %lt3A = arith.constant 40 : i32
      %lt3A_171 = arith.cmpi slt, %add3A_170, %lt3A : i32
      %convert_element_type3A = arith.extui %lt3A_171 : i1 to i32
      %cond3A = arith.constant 0 : i32
      %cond3A_172 = arith.cmpi ne, %convert_element_type3A, %cond3A : i32
      scf.if %cond3A_172 {
        %dma_wait3A_180 = arith.constant 0 : i32
        %dma_wait3A_181 = arith.constant 0 : i32
        %dma_wait3A_182 = tpu.memref_slice %arg8[%dma_wait3A_180, %dma_wait3A_181] : memref<40x128xi32, #tpu.memory_space<vmem>> -> memref<1x128xi32, #tpu.memory_space<vmem>>
        %dma_wait3A_183 = tpu.memref_squeeze %dma_wait3A_182 : memref<1x128xi32, #tpu.memory_space<vmem>> -> memref<128xi32, #tpu.memory_space<vmem>>
        %dma_wait3A_184 = arith.constant 0 : i32
        %dma_wait3A_185 = arith.constant 0 : i32
        %dma_wait3A_186 = tpu.memref_slice %arg11[%dma_wait3A_184, %dma_wait3A_185] : memref<10240x128xf32, #tpu.memory_space<vmem_shared>> -> memref<10240x128xf32, #tpu.memory_space<vmem_shared>>
        tpu.wait_indirect_dma semaphore(%arg14 : memref<!tpu.dma_semaphore, #tpu.memory_space<semaphore_mem>>) src(%arg9 : memref<128x128xf32, #tpu.memory_space<vmem>>) dst(%dma_wait3A_186 : memref<10240x128xf32, #tpu.memory_space<vmem_shared>>)
        %add3A_187 = arith.constant 2 : i32
        %add3A_188 = arith.addi %mul3A_141, %add3A_187 : i32
        %dma_start3A_189 = arith.constant 0 : i32
        %dma_start3A_190 = tpu.memref_slice %arg7[%add3A_188, %dma_start3A_189] : memref<40x128xi32, #tpu.memory_space<vmem>> -> memref<1x128xi32, #tpu.memory_space<vmem>>
        %dma_start3A_191 = tpu.memref_squeeze %dma_start3A_190 : memref<1x128xi32, #tpu.memory_space<vmem>> -> memref<128xi32, #tpu.memory_space<vmem>>
        %dma_start3A_192 = arith.constant 0 : i32
        %dma_start3A_193 = arith.constant 0 : i32
        %dma_start3A_194 = tpu.memref_slice %arg2[%dma_start3A_192, %dma_start3A_193] : memref<20000x128xf32, #tpu.memory_space<hbm>> -> memref<20000x128xf32, #tpu.memory_space<hbm>>
        tpu.enqueue_indirect_dma source(%dma_start3A_194 : memref<20000x128xf32, #tpu.memory_space<hbm>>) target(%arg9 : memref<128x128xf32, #tpu.memory_space<vmem>>) offsets(%dma_start3A_191 : memref<128xi32, #tpu.memory_space<vmem>>) semaphore(%arg12 : memref<!tpu.dma_semaphore, #tpu.memory_space<semaphore_mem>>)
      } else {
      }
      %add3A_173 = arith.constant 3 : i32
      %add3A_174 = arith.addi %mul3A_141, %add3A_173 : i32
      %lt3A_175 = arith.constant 40 : i32
      %lt3A_176 = arith.cmpi slt, %add3A_174, %lt3A_175 : i32
      %convert_element_type3A_177 = arith.extui %lt3A_176 : i1 to i32
      %cond3A_178 = arith.constant 0 : i32
      %cond3A_179 = arith.cmpi ne, %convert_element_type3A_177, %cond3A_178 : i32
      scf.if %cond3A_179 {
        %dma_wait3A_180 = arith.constant 0 : i32
        %dma_wait3A_181 = arith.constant 0 : i32
        %dma_wait3A_182 = tpu.memref_slice %arg8[%dma_wait3A_180, %dma_wait3A_181] : memref<40x128xi32, #tpu.memory_space<vmem>> -> memref<1x128xi32, #tpu.memory_space<vmem>>
        %dma_wait3A_183 = tpu.memref_squeeze %dma_wait3A_182 : memref<1x128xi32, #tpu.memory_space<vmem>> -> memref<128xi32, #tpu.memory_space<vmem>>
        %dma_wait3A_184 = arith.constant 0 : i32
        %dma_wait3A_185 = arith.constant 0 : i32
        %dma_wait3A_186 = tpu.memref_slice %arg11[%dma_wait3A_184, %dma_wait3A_185] : memref<10240x128xf32, #tpu.memory_space<vmem_shared>> -> memref<10240x128xf32, #tpu.memory_space<vmem_shared>>
        tpu.wait_indirect_dma semaphore(%arg15 : memref<!tpu.dma_semaphore, #tpu.memory_space<semaphore_mem>>) src(%arg10 : memref<128x128xf32, #tpu.memory_space<vmem>>) dst(%dma_wait3A_186 : memref<10240x128xf32, #tpu.memory_space<vmem_shared>>)
        %add3A_187 = arith.constant 3 : i32
        %add3A_188 = arith.addi %mul3A_141, %add3A_187 : i32
        %dma_start3A_189 = arith.constant 0 : i32
        %dma_start3A_190 = tpu.memref_slice %arg7[%add3A_188, %dma_start3A_189] : memref<40x128xi32, #tpu.memory_space<vmem>> -> memref<1x128xi32, #tpu.memory_space<vmem>>
        %dma_start3A_191 = tpu.memref_squeeze %dma_start3A_190 : memref<1x128xi32, #tpu.memory_space<vmem>> -> memref<128xi32, #tpu.memory_space<vmem>>
        %dma_start3A_192 = arith.constant 0 : i32
        %dma_start3A_193 = arith.constant 0 : i32
        %dma_start3A_194 = tpu.memref_slice %arg2[%dma_start3A_192, %dma_start3A_193] : memref<20000x128xf32, #tpu.memory_space<hbm>> -> memref<20000x128xf32, #tpu.memory_space<hbm>>
        tpu.enqueue_indirect_dma source(%dma_start3A_194 : memref<20000x128xf32, #tpu.memory_space<hbm>>) target(%arg10 : memref<128x128xf32, #tpu.memory_space<vmem>>) offsets(%dma_start3A_191 : memref<128xi32, #tpu.memory_space<vmem>>) semaphore(%arg13 : memref<!tpu.dma_semaphore, #tpu.memory_space<semaphore_mem>>)
      } else {
      }
    }
    %scan3A_18 = arith.constant 20 : i32
    %dma_wait3A = arith.constant 0 : i32
    %dma_wait3A_19 = arith.constant 0 : i32
    %dma_wait3A_20 = tpu.memref_slice %arg8[%dma_wait3A, %dma_wait3A_19] : memref<40x128xi32, #tpu.memory_space<vmem>> -> memref<1x128xi32, #tpu.memory_space<vmem>>
    %dma_wait3A_21 = tpu.memref_squeeze %dma_wait3A_20 : memref<1x128xi32, #tpu.memory_space<vmem>> -> memref<128xi32, #tpu.memory_space<vmem>>
    %dma_wait3A_22 = arith.constant 0 : i32
    %dma_wait3A_23 = arith.constant 0 : i32
    %dma_wait3A_24 = tpu.memref_slice %arg11[%dma_wait3A_22, %dma_wait3A_23] : memref<10240x128xf32, #tpu.memory_space<vmem_shared>> -> memref<10240x128xf32, #tpu.memory_space<vmem_shared>>
    tpu.wait_indirect_dma semaphore(%arg14 : memref<!tpu.dma_semaphore, #tpu.memory_space<semaphore_mem>>) src(%arg9 : memref<128x128xf32, #tpu.memory_space<vmem>>) dst(%dma_wait3A_24 : memref<10240x128xf32, #tpu.memory_space<vmem_shared>>)
    %dma_wait3A_25 = arith.constant 0 : i32
    %dma_wait3A_26 = arith.constant 0 : i32
    %dma_wait3A_27 = tpu.memref_slice %arg8[%dma_wait3A_25, %dma_wait3A_26] : memref<40x128xi32, #tpu.memory_space<vmem>> -> memref<1x128xi32, #tpu.memory_space<vmem>>
    %dma_wait3A_28 = tpu.memref_squeeze %dma_wait3A_27 : memref<1x128xi32, #tpu.memory_space<vmem>> -> memref<128xi32, #tpu.memory_space<vmem>>
    %dma_wait3A_29 = arith.constant 0 : i32
    %dma_wait3A_30 = arith.constant 0 : i32
    %dma_wait3A_31 = tpu.memref_slice %arg11[%dma_wait3A_29, %dma_wait3A_30] : memref<10240x128xf32, #tpu.memory_space<vmem_shared>> -> memref<10240x128xf32, #tpu.memory_space<vmem_shared>>
    tpu.wait_indirect_dma semaphore(%arg15 : memref<!tpu.dma_semaphore, #tpu.memory_space<semaphore_mem>>) src(%arg10 : memref<128x128xf32, #tpu.memory_space<vmem>>) dst(%dma_wait3A_31 : memref<10240x128xf32, #tpu.memory_space<vmem_shared>>)
    "tpu.region"() ({
      %run_scoped3A = tpu.sem_alloc : memref<!tpu.dma_semaphore, #tpu.memory_space<semaphore_mem>>
      %dma_start3A_139 = arith.constant 40 : i32
      %dma_start3A_140 = arith.constant 0 : i32
      %dma_start3A_141 = tpu.memref_slice %arg3[%arg0, %arg1, %dma_start3A_139, %dma_start3A_140] : memref<2x16x160x128xi32, #tpu.memory_space<hbm>> -> memref<1x1x40x128xi32, #tpu.memory_space<hbm>>
      %dma_start3A_142 = tpu.memref_squeeze %dma_start3A_141 : memref<1x1x40x128xi32, #tpu.memory_space<hbm>> -> memref<40x128xi32, #tpu.memory_space<hbm>>
      %dma_start3A_143 = arith.constant 40 : i32
      %dma_start3A_144 = arith.constant 0 : i32
      %dma_start3A_145 = tpu.memref_slice %arg3[%arg0, %arg1, %dma_start3A_143, %dma_start3A_144] : memref<2x16x160x128xi32, #tpu.memory_space<hbm>> -> memref<1x1x40x128xi32, #tpu.memory_space<hbm>>
      %dma_start3A_146 = tpu.memref_squeeze %dma_start3A_145 : memref<1x1x40x128xi32, #tpu.memory_space<hbm>> -> memref<40x128xi32, #tpu.memory_space<hbm>>
      tpu.enqueue_dma source(%dma_start3A_146 : memref<40x128xi32, #tpu.memory_space<hbm>>) target(%arg7 : memref<40x128xi32, #tpu.memory_space<vmem>>) target_semaphore(%run_scoped3A : memref<!tpu.dma_semaphore, #tpu.memory_space<semaphore_mem>>)
      %dma_wait3A_147 = arith.constant 40 : i32
      %dma_wait3A_148 = arith.constant 0 : i32
      %dma_wait3A_149 = tpu.memref_slice %arg3[%arg0, %arg1, %dma_wait3A_147, %dma_wait3A_148] : memref<2x16x160x128xi32, #tpu.memory_space<hbm>> -> memref<1x1x40x128xi32, #tpu.memory_space<hbm>>
      %dma_wait3A_150 = tpu.memref_squeeze %dma_wait3A_149 : memref<1x1x40x128xi32, #tpu.memory_space<hbm>> -> memref<40x128xi32, #tpu.memory_space<hbm>>
      %dma_wait3A_151 = arith.constant 40 : i32
      %dma_wait3A_152 = arith.constant 0 : i32
      %dma_wait3A_153 = tpu.memref_slice %arg3[%arg0, %arg1, %dma_wait3A_151, %dma_wait3A_152] : memref<2x16x160x128xi32, #tpu.memory_space<hbm>> -> memref<1x1x40x128xi32, #tpu.memory_space<hbm>>
      %dma_wait3A_154 = tpu.memref_squeeze %dma_wait3A_153 : memref<1x1x40x128xi32, #tpu.memory_space<hbm>> -> memref<40x128xi32, #tpu.memory_space<hbm>>
      tpu.wait_dma2 semaphore(%run_scoped3A : memref<!tpu.dma_semaphore, #tpu.memory_space<semaphore_mem>>) src(%dma_wait3A_154 : memref<40x128xi32, #tpu.memory_space<hbm>>) dst(%arg7 : memref<40x128xi32, #tpu.memory_space<vmem>>)
      tpu.yield
    }) : () -> ()
    "tpu.region"() ({
      %run_scoped3A = tpu.sem_alloc : memref<!tpu.dma_semaphore, #tpu.memory_space<semaphore_mem>>
      %dma_start3A_139 = arith.constant 40 : i32
      %dma_start3A_140 = arith.constant 0 : i32
      %dma_start3A_141 = tpu.memref_slice %arg4[%arg0, %arg1, %dma_start3A_139, %dma_start3A_140] : memref<2x16x160x128xi32, #tpu.memory_space<hbm>> -> memref<1x1x40x128xi32, #tpu.memory_space<hbm>>
      %dma_start3A_142 = tpu.memref_squeeze %dma_start3A_141 : memref<1x1x40x128xi32, #tpu.memory_space<hbm>> -> memref<40x128xi32, #tpu.memory_space<hbm>>
      %dma_start3A_143 = arith.constant 40 : i32
      %dma_start3A_144 = arith.constant 0 : i32
      %dma_start3A_145 = tpu.memref_slice %arg4[%arg0, %arg1, %dma_start3A_143, %dma_start3A_144] : memref<2x16x160x128xi32, #tpu.memory_space<hbm>> -> memref<1x1x40x128xi32, #tpu.memory_space<hbm>>
      %dma_start3A_146 = tpu.memref_squeeze %dma_start3A_145 : memref<1x1x40x128xi32, #tpu.memory_space<hbm>> -> memref<40x128xi32, #tpu.memory_space<hbm>>
      tpu.enqueue_dma source(%dma_start3A_146 : memref<40x128xi32, #tpu.memory_space<hbm>>) target(%arg8 : memref<40x128xi32, #tpu.memory_space<vmem>>) target_semaphore(%run_scoped3A : memref<!tpu.dma_semaphore, #tpu.memory_space<semaphore_mem>>)
      %dma_wait3A_147 = arith.constant 40 : i32
      %dma_wait3A_148 = arith.constant 0 : i32
      %dma_wait3A_149 = tpu.memref_slice %arg4[%arg0, %arg1, %dma_wait3A_147, %dma_wait3A_148] : memref<2x16x160x128xi32, #tpu.memory_space<hbm>> -> memref<1x1x40x128xi32, #tpu.memory_space<hbm>>
      %dma_wait3A_150 = tpu.memref_squeeze %dma_wait3A_149 : memref<1x1x40x128xi32, #tpu.memory_space<hbm>> -> memref<40x128xi32, #tpu.memory_space<hbm>>
      %dma_wait3A_151 = arith.constant 40 : i32
      %dma_wait3A_152 = arith.constant 0 : i32
      %dma_wait3A_153 = tpu.memref_slice %arg4[%arg0, %arg1, %dma_wait3A_151, %dma_wait3A_152] : memref<2x16x160x128xi32, #tpu.memory_space<hbm>> -> memref<1x1x40x128xi32, #tpu.memory_space<hbm>>
      %dma_wait3A_154 = tpu.memref_squeeze %dma_wait3A_153 : memref<1x1x40x128xi32, #tpu.memory_space<hbm>> -> memref<40x128xi32, #tpu.memory_space<hbm>>
      tpu.wait_dma2 semaphore(%run_scoped3A : memref<!tpu.dma_semaphore, #tpu.memory_space<semaphore_mem>>) src(%dma_wait3A_154 : memref<40x128xi32, #tpu.memory_space<hbm>>) dst(%arg8 : memref<40x128xi32, #tpu.memory_space<vmem>>)
      tpu.yield
    }) : () -> ()
    %dma_start3A_32 = arith.constant 0 : i32
    %dma_start3A_33 = arith.constant 0 : i32
    %dma_start3A_34 = tpu.memref_slice %arg7[%dma_start3A_32, %dma_start3A_33] : memref<40x128xi32, #tpu.memory_space<vmem>> -> memref<1x128xi32, #tpu.memory_space<vmem>>
    %dma_start3A_35 = tpu.memref_squeeze %dma_start3A_34 : memref<1x128xi32, #tpu.memory_space<vmem>> -> memref<128xi32, #tpu.memory_space<vmem>>
    %dma_start3A_36 = arith.constant 0 : i32
    %dma_start3A_37 = arith.constant 0 : i32
    %dma_start3A_38 = tpu.memref_slice %arg2[%dma_start3A_36, %dma_start3A_37] : memref<20000x128xf32, #tpu.memory_space<hbm>> -> memref<20000x128xf32, #tpu.memory_space<hbm>>
    tpu.enqueue_indirect_dma source(%dma_start3A_38 : memref<20000x128xf32, #tpu.memory_space<hbm>>) target(%arg9 : memref<128x128xf32, #tpu.memory_space<vmem>>) offsets(%dma_start3A_35 : memref<128xi32, #tpu.memory_space<vmem>>) semaphore(%arg12 : memref<!tpu.dma_semaphore, #tpu.memory_space<semaphore_mem>>)
    %dma_start3A_39 = arith.constant 1 : i32
    %dma_start3A_40 = arith.constant 0 : i32
    %dma_start3A_41 = tpu.memref_slice %arg7[%dma_start3A_39, %dma_start3A_40] : memref<40x128xi32, #tpu.memory_space<vmem>> -> memref<1x128xi32, #tpu.memory_space<vmem>>
    %dma_start3A_42 = tpu.memref_squeeze %dma_start3A_41 : memref<1x128xi32, #tpu.memory_space<vmem>> -> memref<128xi32, #tpu.memory_space<vmem>>
    %dma_start3A_43 = arith.constant 0 : i32
    %dma_start3A_44 = arith.constant 0 : i32
    %dma_start3A_45 = tpu.memref_slice %arg2[%dma_start3A_43, %dma_start3A_44] : memref<20000x128xf32, #tpu.memory_space<hbm>> -> memref<20000x128xf32, #tpu.memory_space<hbm>>
    tpu.enqueue_indirect_dma source(%dma_start3A_45 : memref<20000x128xf32, #tpu.memory_space<hbm>>) target(%arg10 : memref<128x128xf32, #tpu.memory_space<vmem>>) offsets(%dma_start3A_42 : memref<128xi32, #tpu.memory_space<vmem>>) semaphore(%arg13 : memref<!tpu.dma_semaphore, #tpu.memory_space<semaphore_mem>>)
    %scan3A_46 = arith.constant 0 : i32
    %scan3A_47 = arith.constant 0 : i32
    %scan3A_48 = arith.constant 20 : i32
    %scan3A_49 = arith.addi %scan3A_47, %scan3A_48 : i32
    %scan3A_50 = arith.constant 1 : i32
    scf.for %scan3A_139 = %scan3A_47 to %scan3A_49 step %scan3A_50  : i32 {
      %mul3A_140 = arith.constant 2 : i32
      %mul3A_141 = arith.muli %mul3A_140, %scan3A_139 : i32
      %dma_wait3A_142 = arith.constant 0 : i32
      %dma_wait3A_143 = arith.constant 0 : i32
      %dma_wait3A_144 = tpu.memref_slice %arg7[%dma_wait3A_142, %dma_wait3A_143] : memref<40x128xi32, #tpu.memory_space<vmem>> -> memref<1x128xi32, #tpu.memory_space<vmem>>
      %dma_wait3A_145 = tpu.memref_squeeze %dma_wait3A_144 : memref<1x128xi32, #tpu.memory_space<vmem>> -> memref<128xi32, #tpu.memory_space<vmem>>
      %dma_wait3A_146 = arith.constant 0 : i32
      %dma_wait3A_147 = arith.constant 0 : i32
      %dma_wait3A_148 = tpu.memref_slice %arg2[%dma_wait3A_146, %dma_wait3A_147] : memref<20000x128xf32, #tpu.memory_space<hbm>> -> memref<20000x128xf32, #tpu.memory_space<hbm>>
      tpu.wait_indirect_dma semaphore(%arg12 : memref<!tpu.dma_semaphore, #tpu.memory_space<semaphore_mem>>) src(%dma_wait3A_148 : memref<20000x128xf32, #tpu.memory_space<hbm>>) dst(%arg9 : memref<128x128xf32, #tpu.memory_space<vmem>>)
      %dma_start3A_149 = arith.constant 0 : i32
      %dma_start3A_150 = tpu.memref_slice %arg8[%mul3A_141, %dma_start3A_149] : memref<40x128xi32, #tpu.memory_space<vmem>> -> memref<1x128xi32, #tpu.memory_space<vmem>>
      %dma_start3A_151 = tpu.memref_squeeze %dma_start3A_150 : memref<1x128xi32, #tpu.memory_space<vmem>> -> memref<128xi32, #tpu.memory_space<vmem>>
      %dma_start3A_152 = arith.constant 0 : i32
      %dma_start3A_153 = arith.constant 0 : i32
      %dma_start3A_154 = tpu.memref_slice %arg11[%dma_start3A_152, %dma_start3A_153] : memref<10240x128xf32, #tpu.memory_space<vmem_shared>> -> memref<10240x128xf32, #tpu.memory_space<vmem_shared>>
      tpu.enqueue_indirect_dma source(%arg9 : memref<128x128xf32, #tpu.memory_space<vmem>>) target(%dma_start3A_154 : memref<10240x128xf32, #tpu.memory_space<vmem_shared>>) offsets(%dma_start3A_151 : memref<128xi32, #tpu.memory_space<vmem>>) semaphore(%arg14 : memref<!tpu.dma_semaphore, #tpu.memory_space<semaphore_mem>>) {add = true}
      %dma_wait3A_155 = arith.constant 0 : i32
      %dma_wait3A_156 = arith.constant 0 : i32
      %dma_wait3A_157 = tpu.memref_slice %arg7[%dma_wait3A_155, %dma_wait3A_156] : memref<40x128xi32, #tpu.memory_space<vmem>> -> memref<1x128xi32, #tpu.memory_space<vmem>>
      %dma_wait3A_158 = tpu.memref_squeeze %dma_wait3A_157 : memref<1x128xi32, #tpu.memory_space<vmem>> -> memref<128xi32, #tpu.memory_space<vmem>>
      %dma_wait3A_159 = arith.constant 0 : i32
      %dma_wait3A_160 = arith.constant 0 : i32
      %dma_wait3A_161 = tpu.memref_slice %arg2[%dma_wait3A_159, %dma_wait3A_160] : memref<20000x128xf32, #tpu.memory_space<hbm>> -> memref<20000x128xf32, #tpu.memory_space<hbm>>
      tpu.wait_indirect_dma semaphore(%arg13 : memref<!tpu.dma_semaphore, #tpu.memory_space<semaphore_mem>>) src(%dma_wait3A_161 : memref<20000x128xf32, #tpu.memory_space<hbm>>) dst(%arg10 : memref<128x128xf32, #tpu.memory_space<vmem>>)
      %add3A = arith.constant 1 : i32
      %add3A_162 = arith.addi %mul3A_141, %add3A : i32
      %dma_start3A_163 = arith.constant 0 : i32
      %dma_start3A_164 = tpu.memref_slice %arg8[%add3A_162, %dma_start3A_163] : memref<40x128xi32, #tpu.memory_space<vmem>> -> memref<1x128xi32, #tpu.memory_space<vmem>>
      %dma_start3A_165 = tpu.memref_squeeze %dma_start3A_164 : memref<1x128xi32, #tpu.memory_space<vmem>> -> memref<128xi32, #tpu.memory_space<vmem>>
      %dma_start3A_166 = arith.constant 0 : i32
      %dma_start3A_167 = arith.constant 0 : i32
      %dma_start3A_168 = tpu.memref_slice %arg11[%dma_start3A_166, %dma_start3A_167] : memref<10240x128xf32, #tpu.memory_space<vmem_shared>> -> memref<10240x128xf32, #tpu.memory_space<vmem_shared>>
      tpu.enqueue_indirect_dma source(%arg10 : memref<128x128xf32, #tpu.memory_space<vmem>>) target(%dma_start3A_168 : memref<10240x128xf32, #tpu.memory_space<vmem_shared>>) offsets(%dma_start3A_165 : memref<128xi32, #tpu.memory_space<vmem>>) semaphore(%arg15 : memref<!tpu.dma_semaphore, #tpu.memory_space<semaphore_mem>>) {add = true}
      %add3A_169 = arith.constant 2 : i32
      %add3A_170 = arith.addi %mul3A_141, %add3A_169 : i32
      %lt3A = arith.constant 40 : i32
      %lt3A_171 = arith.cmpi slt, %add3A_170, %lt3A : i32
      %convert_element_type3A = arith.extui %lt3A_171 : i1 to i32
      %cond3A = arith.constant 0 : i32
      %cond3A_172 = arith.cmpi ne, %convert_element_type3A, %cond3A : i32
      scf.if %cond3A_172 {
        %dma_wait3A_180 = arith.constant 0 : i32
        %dma_wait3A_181 = arith.constant 0 : i32
        %dma_wait3A_182 = tpu.memref_slice %arg8[%dma_wait3A_180, %dma_wait3A_181] : memref<40x128xi32, #tpu.memory_space<vmem>> -> memref<1x128xi32, #tpu.memory_space<vmem>>
        %dma_wait3A_183 = tpu.memref_squeeze %dma_wait3A_182 : memref<1x128xi32, #tpu.memory_space<vmem>> -> memref<128xi32, #tpu.memory_space<vmem>>
        %dma_wait3A_184 = arith.constant 0 : i32
        %dma_wait3A_185 = arith.constant 0 : i32
        %dma_wait3A_186 = tpu.memref_slice %arg11[%dma_wait3A_184, %dma_wait3A_185] : memref<10240x128xf32, #tpu.memory_space<vmem_shared>> -> memref<10240x128xf32, #tpu.memory_space<vmem_shared>>
        tpu.wait_indirect_dma semaphore(%arg14 : memref<!tpu.dma_semaphore, #tpu.memory_space<semaphore_mem>>) src(%arg9 : memref<128x128xf32, #tpu.memory_space<vmem>>) dst(%dma_wait3A_186 : memref<10240x128xf32, #tpu.memory_space<vmem_shared>>)
        %add3A_187 = arith.constant 2 : i32
        %add3A_188 = arith.addi %mul3A_141, %add3A_187 : i32
        %dma_start3A_189 = arith.constant 0 : i32
        %dma_start3A_190 = tpu.memref_slice %arg7[%add3A_188, %dma_start3A_189] : memref<40x128xi32, #tpu.memory_space<vmem>> -> memref<1x128xi32, #tpu.memory_space<vmem>>
        %dma_start3A_191 = tpu.memref_squeeze %dma_start3A_190 : memref<1x128xi32, #tpu.memory_space<vmem>> -> memref<128xi32, #tpu.memory_space<vmem>>
        %dma_start3A_192 = arith.constant 0 : i32
        %dma_start3A_193 = arith.constant 0 : i32
        %dma_start3A_194 = tpu.memref_slice %arg2[%dma_start3A_192, %dma_start3A_193] : memref<20000x128xf32, #tpu.memory_space<hbm>> -> memref<20000x128xf32, #tpu.memory_space<hbm>>
        tpu.enqueue_indirect_dma source(%dma_start3A_194 : memref<20000x128xf32, #tpu.memory_space<hbm>>) target(%arg9 : memref<128x128xf32, #tpu.memory_space<vmem>>) offsets(%dma_start3A_191 : memref<128xi32, #tpu.memory_space<vmem>>) semaphore(%arg12 : memref<!tpu.dma_semaphore, #tpu.memory_space<semaphore_mem>>)
      } else {
      }
      %add3A_173 = arith.constant 3 : i32
      %add3A_174 = arith.addi %mul3A_141, %add3A_173 : i32
      %lt3A_175 = arith.constant 40 : i32
      %lt3A_176 = arith.cmpi slt, %add3A_174, %lt3A_175 : i32
      %convert_element_type3A_177 = arith.extui %lt3A_176 : i1 to i32
      %cond3A_178 = arith.constant 0 : i32
      %cond3A_179 = arith.cmpi ne, %convert_element_type3A_177, %cond3A_178 : i32
      scf.if %cond3A_179 {
        %dma_wait3A_180 = arith.constant 0 : i32
        %dma_wait3A_181 = arith.constant 0 : i32
        %dma_wait3A_182 = tpu.memref_slice %arg8[%dma_wait3A_180, %dma_wait3A_181] : memref<40x128xi32, #tpu.memory_space<vmem>> -> memref<1x128xi32, #tpu.memory_space<vmem>>
        %dma_wait3A_183 = tpu.memref_squeeze %dma_wait3A_182 : memref<1x128xi32, #tpu.memory_space<vmem>> -> memref<128xi32, #tpu.memory_space<vmem>>
        %dma_wait3A_184 = arith.constant 0 : i32
        %dma_wait3A_185 = arith.constant 0 : i32
        %dma_wait3A_186 = tpu.memref_slice %arg11[%dma_wait3A_184, %dma_wait3A_185] : memref<10240x128xf32, #tpu.memory_space<vmem_shared>> -> memref<10240x128xf32, #tpu.memory_space<vmem_shared>>
        tpu.wait_indirect_dma semaphore(%arg15 : memref<!tpu.dma_semaphore, #tpu.memory_space<semaphore_mem>>) src(%arg10 : memref<128x128xf32, #tpu.memory_space<vmem>>) dst(%dma_wait3A_186 : memref<10240x128xf32, #tpu.memory_space<vmem_shared>>)
        %add3A_187 = arith.constant 3 : i32
        %add3A_188 = arith.addi %mul3A_141, %add3A_187 : i32
        %dma_start3A_189 = arith.constant 0 : i32
        %dma_start3A_190 = tpu.memref_slice %arg7[%add3A_188, %dma_start3A_189] : memref<40x128xi32, #tpu.memory_space<vmem>> -> memref<1x128xi32, #tpu.memory_space<vmem>>
        %dma_start3A_191 = tpu.memref_squeeze %dma_start3A_190 : memref<1x128xi32, #tpu.memory_space<vmem>> -> memref<128xi32, #tpu.memory_space<vmem>>
        %dma_start3A_192 = arith.constant 0 : i32
        %dma_start3A_193 = arith.constant 0 : i32
        %dma_start3A_194 = tpu.memref_slice %arg2[%dma_start3A_192, %dma_start3A_193] : memref<20000x128xf32, #tpu.memory_space<hbm>> -> memref<20000x128xf32, #tpu.memory_space<hbm>>
        tpu.enqueue_indirect_dma source(%dma_start3A_194 : memref<20000x128xf32, #tpu.memory_space<hbm>>) target(%arg10 : memref<128x128xf32, #tpu.memory_space<vmem>>) offsets(%dma_start3A_191 : memref<128xi32, #tpu.memory_space<vmem>>) semaphore(%arg13 : memref<!tpu.dma_semaphore, #tpu.memory_space<semaphore_mem>>)
      } else {
      }
    }
    %scan3A_51 = arith.constant 20 : i32
    %dma_wait3A_52 = arith.constant 0 : i32
    %dma_wait3A_53 = arith.constant 0 : i32
    %dma_wait3A_54 = tpu.memref_slice %arg8[%dma_wait3A_52, %dma_wait3A_53] : memref<40x128xi32, #tpu.memory_space<vmem>> -> memref<1x128xi32, #tpu.memory_space<vmem>>
    %dma_wait3A_55 = tpu.memref_squeeze %dma_wait3A_54 : memref<1x128xi32, #tpu.memory_space<vmem>> -> memref<128xi32, #tpu.memory_space<vmem>>
    %dma_wait3A_56 = arith.constant 0 : i32
    %dma_wait3A_57 = arith.constant 0 : i32
    %dma_wait3A_58 = tpu.memref_slice %arg11[%dma_wait3A_56, %dma_wait3A_57] : memref<10240x128xf32, #tpu.memory_space<vmem_shared>> -> memref<10240x128xf32, #tpu.memory_space<vmem_shared>>
    tpu.wait_indirect_dma semaphore(%arg14 : memref<!tpu.dma_semaphore, #tpu.memory_space<semaphore_mem>>) src(%arg9 : memref<128x128xf32, #tpu.memory_space<vmem>>) dst(%dma_wait3A_58 : memref<10240x128xf32, #tpu.memory_space<vmem_shared>>)
    %dma_wait3A_59 = arith.constant 0 : i32
    %dma_wait3A_60 = arith.constant 0 : i32
    %dma_wait3A_61 = tpu.memref_slice %arg8[%dma_wait3A_59, %dma_wait3A_60] : memref<40x128xi32, #tpu.memory_space<vmem>> -> memref<1x128xi32, #tpu.memory_space<vmem>>
    %dma_wait3A_62 = tpu.memref_squeeze %dma_wait3A_61 : memref<1x128xi32, #tpu.memory_space<vmem>> -> memref<128xi32, #tpu.memory_space<vmem>>
    %dma_wait3A_63 = arith.constant 0 : i32
    %dma_wait3A_64 = arith.constant 0 : i32
    %dma_wait3A_65 = tpu.memref_slice %arg11[%dma_wait3A_63, %dma_wait3A_64] : memref<10240x128xf32, #tpu.memory_space<vmem_shared>> -> memref<10240x128xf32, #tpu.memory_space<vmem_shared>>
    tpu.wait_indirect_dma semaphore(%arg15 : memref<!tpu.dma_semaphore, #tpu.memory_space<semaphore_mem>>) src(%arg10 : memref<128x128xf32, #tpu.memory_space<vmem>>) dst(%dma_wait3A_65 : memref<10240x128xf32, #tpu.memory_space<vmem_shared>>)
    "tpu.region"() ({
      %run_scoped3A = tpu.sem_alloc : memref<!tpu.dma_semaphore, #tpu.memory_space<semaphore_mem>>
      %dma_start3A_139 = arith.constant 80 : i32
      %dma_start3A_140 = arith.constant 0 : i32
      %dma_start3A_141 = tpu.memref_slice %arg3[%arg0, %arg1, %dma_start3A_139, %dma_start3A_140] : memref<2x16x160x128xi32, #tpu.memory_space<hbm>> -> memref<1x1x40x128xi32, #tpu.memory_space<hbm>>
      %dma_start3A_142 = tpu.memref_squeeze %dma_start3A_141 : memref<1x1x40x128xi32, #tpu.memory_space<hbm>> -> memref<40x128xi32, #tpu.memory_space<hbm>>
      %dma_start3A_143 = arith.constant 80 : i32
      %dma_start3A_144 = arith.constant 0 : i32
      %dma_start3A_145 = tpu.memref_slice %arg3[%arg0, %arg1, %dma_start3A_143, %dma_start3A_144] : memref<2x16x160x128xi32, #tpu.memory_space<hbm>> -> memref<1x1x40x128xi32, #tpu.memory_space<hbm>>
      %dma_start3A_146 = tpu.memref_squeeze %dma_start3A_145 : memref<1x1x40x128xi32, #tpu.memory_space<hbm>> -> memref<40x128xi32, #tpu.memory_space<hbm>>
      tpu.enqueue_dma source(%dma_start3A_146 : memref<40x128xi32, #tpu.memory_space<hbm>>) target(%arg7 : memref<40x128xi32, #tpu.memory_space<vmem>>) target_semaphore(%run_scoped3A : memref<!tpu.dma_semaphore, #tpu.memory_space<semaphore_mem>>)
      %dma_wait3A_147 = arith.constant 80 : i32
      %dma_wait3A_148 = arith.constant 0 : i32
      %dma_wait3A_149 = tpu.memref_slice %arg3[%arg0, %arg1, %dma_wait3A_147, %dma_wait3A_148] : memref<2x16x160x128xi32, #tpu.memory_space<hbm>> -> memref<1x1x40x128xi32, #tpu.memory_space<hbm>>
      %dma_wait3A_150 = tpu.memref_squeeze %dma_wait3A_149 : memref<1x1x40x128xi32, #tpu.memory_space<hbm>> -> memref<40x128xi32, #tpu.memory_space<hbm>>
      %dma_wait3A_151 = arith.constant 80 : i32
      %dma_wait3A_152 = arith.constant 0 : i32
      %dma_wait3A_153 = tpu.memref_slice %arg3[%arg0, %arg1, %dma_wait3A_151, %dma_wait3A_152] : memref<2x16x160x128xi32, #tpu.memory_space<hbm>> -> memref<1x1x40x128xi32, #tpu.memory_space<hbm>>
      %dma_wait3A_154 = tpu.memref_squeeze %dma_wait3A_153 : memref<1x1x40x128xi32, #tpu.memory_space<hbm>> -> memref<40x128xi32, #tpu.memory_space<hbm>>
      tpu.wait_dma2 semaphore(%run_scoped3A : memref<!tpu.dma_semaphore, #tpu.memory_space<semaphore_mem>>) src(%dma_wait3A_154 : memref<40x128xi32, #tpu.memory_space<hbm>>) dst(%arg7 : memref<40x128xi32, #tpu.memory_space<vmem>>)
      tpu.yield
    }) : () -> ()
    "tpu.region"() ({
      %run_scoped3A = tpu.sem_alloc : memref<!tpu.dma_semaphore, #tpu.memory_space<semaphore_mem>>
      %dma_start3A_139 = arith.constant 80 : i32
      %dma_start3A_140 = arith.constant 0 : i32
      %dma_start3A_141 = tpu.memref_slice %arg4[%arg0, %arg1, %dma_start3A_139, %dma_start3A_140] : memref<2x16x160x128xi32, #tpu.memory_space<hbm>> -> memref<1x1x40x128xi32, #tpu.memory_space<hbm>>
      %dma_start3A_142 = tpu.memref_squeeze %dma_start3A_141 : memref<1x1x40x128xi32, #tpu.memory_space<hbm>> -> memref<40x128xi32, #tpu.memory_space<hbm>>
      %dma_start3A_143 = arith.constant 80 : i32
      %dma_start3A_144 = arith.constant 0 : i32
      %dma_start3A_145 = tpu.memref_slice %arg4[%arg0, %arg1, %dma_start3A_143, %dma_start3A_144] : memref<2x16x160x128xi32, #tpu.memory_space<hbm>> -> memref<1x1x40x128xi32, #tpu.memory_space<hbm>>
      %dma_start3A_146 = tpu.memref_squeeze %dma_start3A_145 : memref<1x1x40x128xi32, #tpu.memory_space<hbm>> -> memref<40x128xi32, #tpu.memory_space<hbm>>
      tpu.enqueue_dma source(%dma_start3A_146 : memref<40x128xi32, #tpu.memory_space<hbm>>) target(%arg8 : memref<40x128xi32, #tpu.memory_space<vmem>>) target_semaphore(%run_scoped3A : memref<!tpu.dma_semaphore, #tpu.memory_space<semaphore_mem>>)
      %dma_wait3A_147 = arith.constant 80 : i32
      %dma_wait3A_148 = arith.constant 0 : i32
      %dma_wait3A_149 = tpu.memref_slice %arg4[%arg0, %arg1, %dma_wait3A_147, %dma_wait3A_148] : memref<2x16x160x128xi32, #tpu.memory_space<hbm>> -> memref<1x1x40x128xi32, #tpu.memory_space<hbm>>
      %dma_wait3A_150 = tpu.memref_squeeze %dma_wait3A_149 : memref<1x1x40x128xi32, #tpu.memory_space<hbm>> -> memref<40x128xi32, #tpu.memory_space<hbm>>
      %dma_wait3A_151 = arith.constant 80 : i32
      %dma_wait3A_152 = arith.constant 0 : i32
      %dma_wait3A_153 = tpu.memref_slice %arg4[%arg0, %arg1, %dma_wait3A_151, %dma_wait3A_152] : memref<2x16x160x128xi32, #tpu.memory_space<hbm>> -> memref<1x1x40x128xi32, #tpu.memory_space<hbm>>
      %dma_wait3A_154 = tpu.memref_squeeze %dma_wait3A_153 : memref<1x1x40x128xi32, #tpu.memory_space<hbm>> -> memref<40x128xi32, #tpu.memory_space<hbm>>
      tpu.wait_dma2 semaphore(%run_scoped3A : memref<!tpu.dma_semaphore, #tpu.memory_space<semaphore_mem>>) src(%dma_wait3A_154 : memref<40x128xi32, #tpu.memory_space<hbm>>) dst(%arg8 : memref<40x128xi32, #tpu.memory_space<vmem>>)
      tpu.yield
    }) : () -> ()
    %dma_start3A_66 = arith.constant 0 : i32
    %dma_start3A_67 = arith.constant 0 : i32
    %dma_start3A_68 = tpu.memref_slice %arg7[%dma_start3A_66, %dma_start3A_67] : memref<40x128xi32, #tpu.memory_space<vmem>> -> memref<1x128xi32, #tpu.memory_space<vmem>>
    %dma_start3A_69 = tpu.memref_squeeze %dma_start3A_68 : memref<1x128xi32, #tpu.memory_space<vmem>> -> memref<128xi32, #tpu.memory_space<vmem>>
    %dma_start3A_70 = arith.constant 0 : i32
    %dma_start3A_71 = arith.constant 0 : i32
    %dma_start3A_72 = tpu.memref_slice %arg2[%dma_start3A_70, %dma_start3A_71] : memref<20000x128xf32, #tpu.memory_space<hbm>> -> memref<20000x128xf32, #tpu.memory_space<hbm>>
    tpu.enqueue_indirect_dma source(%dma_start3A_72 : memref<20000x128xf32, #tpu.memory_space<hbm>>) target(%arg9 : memref<128x128xf32, #tpu.memory_space<vmem>>) offsets(%dma_start3A_69 : memref<128xi32, #tpu.memory_space<vmem>>) semaphore(%arg12 : memref<!tpu.dma_semaphore, #tpu.memory_space<semaphore_mem>>)
    %dma_start3A_73 = arith.constant 1 : i32
    %dma_start3A_74 = arith.constant 0 : i32
    %dma_start3A_75 = tpu.memref_slice %arg7[%dma_start3A_73, %dma_start3A_74] : memref<40x128xi32, #tpu.memory_space<vmem>> -> memref<1x128xi32, #tpu.memory_space<vmem>>
    %dma_start3A_76 = tpu.memref_squeeze %dma_start3A_75 : memref<1x128xi32, #tpu.memory_space<vmem>> -> memref<128xi32, #tpu.memory_space<vmem>>
    %dma_start3A_77 = arith.constant 0 : i32
    %dma_start3A_78 = arith.constant 0 : i32
    %dma_start3A_79 = tpu.memref_slice %arg2[%dma_start3A_77, %dma_start3A_78] : memref<20000x128xf32, #tpu.memory_space<hbm>> -> memref<20000x128xf32, #tpu.memory_space<hbm>>
    tpu.enqueue_indirect_dma source(%dma_start3A_79 : memref<20000x128xf32, #tpu.memory_space<hbm>>) target(%arg10 : memref<128x128xf32, #tpu.memory_space<vmem>>) offsets(%dma_start3A_76 : memref<128xi32, #tpu.memory_space<vmem>>) semaphore(%arg13 : memref<!tpu.dma_semaphore, #tpu.memory_space<semaphore_mem>>)
    %scan3A_80 = arith.constant 0 : i32
    %scan3A_81 = arith.constant 0 : i32
    %scan3A_82 = arith.constant 20 : i32
    %scan3A_83 = arith.addi %scan3A_81, %scan3A_82 : i32
    %scan3A_84 = arith.constant 1 : i32
    scf.for %scan3A_139 = %scan3A_81 to %scan3A_83 step %scan3A_84  : i32 {
      %mul3A_140 = arith.constant 2 : i32
      %mul3A_141 = arith.muli %mul3A_140, %scan3A_139 : i32
      %dma_wait3A_142 = arith.constant 0 : i32
      %dma_wait3A_143 = arith.constant 0 : i32
      %dma_wait3A_144 = tpu.memref_slice %arg7[%dma_wait3A_142, %dma_wait3A_143] : memref<40x128xi32, #tpu.memory_space<vmem>> -> memref<1x128xi32, #tpu.memory_space<vmem>>
      %dma_wait3A_145 = tpu.memref_squeeze %dma_wait3A_144 : memref<1x128xi32, #tpu.memory_space<vmem>> -> memref<128xi32, #tpu.memory_space<vmem>>
      %dma_wait3A_146 = arith.constant 0 : i32
      %dma_wait3A_147 = arith.constant 0 : i32
      %dma_wait3A_148 = tpu.memref_slice %arg2[%dma_wait3A_146, %dma_wait3A_147] : memref<20000x128xf32, #tpu.memory_space<hbm>> -> memref<20000x128xf32, #tpu.memory_space<hbm>>
      tpu.wait_indirect_dma semaphore(%arg12 : memref<!tpu.dma_semaphore, #tpu.memory_space<semaphore_mem>>) src(%dma_wait3A_148 : memref<20000x128xf32, #tpu.memory_space<hbm>>) dst(%arg9 : memref<128x128xf32, #tpu.memory_space<vmem>>)
      %dma_start3A_149 = arith.constant 0 : i32
      %dma_start3A_150 = tpu.memref_slice %arg8[%mul3A_141, %dma_start3A_149] : memref<40x128xi32, #tpu.memory_space<vmem>> -> memref<1x128xi32, #tpu.memory_space<vmem>>
      %dma_start3A_151 = tpu.memref_squeeze %dma_start3A_150 : memref<1x128xi32, #tpu.memory_space<vmem>> -> memref<128xi32, #tpu.memory_space<vmem>>
      %dma_start3A_152 = arith.constant 0 : i32
      %dma_start3A_153 = arith.constant 0 : i32
      %dma_start3A_154 = tpu.memref_slice %arg11[%dma_start3A_152, %dma_start3A_153] : memref<10240x128xf32, #tpu.memory_space<vmem_shared>> -> memref<10240x128xf32, #tpu.memory_space<vmem_shared>>
      tpu.enqueue_indirect_dma source(%arg9 : memref<128x128xf32, #tpu.memory_space<vmem>>) target(%dma_start3A_154 : memref<10240x128xf32, #tpu.memory_space<vmem_shared>>) offsets(%dma_start3A_151 : memref<128xi32, #tpu.memory_space<vmem>>) semaphore(%arg14 : memref<!tpu.dma_semaphore, #tpu.memory_space<semaphore_mem>>) {add = true}
      %dma_wait3A_155 = arith.constant 0 : i32
      %dma_wait3A_156 = arith.constant 0 : i32
      %dma_wait3A_157 = tpu.memref_slice %arg7[%dma_wait3A_155, %dma_wait3A_156] : memref<40x128xi32, #tpu.memory_space<vmem>> -> memref<1x128xi32, #tpu.memory_space<vmem>>
      %dma_wait3A_158 = tpu.memref_squeeze %dma_wait3A_157 : memref<1x128xi32, #tpu.memory_space<vmem>> -> memref<128xi32, #tpu.memory_space<vmem>>
      %dma_wait3A_159 = arith.constant 0 : i32
      %dma_wait3A_160 = arith.constant 0 : i32
      %dma_wait3A_161 = tpu.memref_slice %arg2[%dma_wait3A_159, %dma_wait3A_160] : memref<20000x128xf32, #tpu.memory_space<hbm>> -> memref<20000x128xf32, #tpu.memory_space<hbm>>
      tpu.wait_indirect_dma semaphore(%arg13 : memref<!tpu.dma_semaphore, #tpu.memory_space<semaphore_mem>>) src(%dma_wait3A_161 : memref<20000x128xf32, #tpu.memory_space<hbm>>) dst(%arg10 : memref<128x128xf32, #tpu.memory_space<vmem>>)
      %add3A = arith.constant 1 : i32
      %add3A_162 = arith.addi %mul3A_141, %add3A : i32
      %dma_start3A_163 = arith.constant 0 : i32
      %dma_start3A_164 = tpu.memref_slice %arg8[%add3A_162, %dma_start3A_163] : memref<40x128xi32, #tpu.memory_space<vmem>> -> memref<1x128xi32, #tpu.memory_space<vmem>>
      %dma_start3A_165 = tpu.memref_squeeze %dma_start3A_164 : memref<1x128xi32, #tpu.memory_space<vmem>> -> memref<128xi32, #tpu.memory_space<vmem>>
      %dma_start3A_166 = arith.constant 0 : i32
      %dma_start3A_167 = arith.constant 0 : i32
      %dma_start3A_168 = tpu.memref_slice %arg11[%dma_start3A_166, %dma_start3A_167] : memref<10240x128xf32, #tpu.memory_space<vmem_shared>> -> memref<10240x128xf32, #tpu.memory_space<vmem_shared>>
      tpu.enqueue_indirect_dma source(%arg10 : memref<128x128xf32, #tpu.memory_space<vmem>>) target(%dma_start3A_168 : memref<10240x128xf32, #tpu.memory_space<vmem_shared>>) offsets(%dma_start3A_165 : memref<128xi32, #tpu.memory_space<vmem>>) semaphore(%arg15 : memref<!tpu.dma_semaphore, #tpu.memory_space<semaphore_mem>>) {add = true}
      %add3A_169 = arith.constant 2 : i32
      %add3A_170 = arith.addi %mul3A_141, %add3A_169 : i32
      %lt3A = arith.constant 40 : i32
      %lt3A_171 = arith.cmpi slt, %add3A_170, %lt3A : i32
      %convert_element_type3A = arith.extui %lt3A_171 : i1 to i32
      %cond3A = arith.constant 0 : i32
      %cond3A_172 = arith.cmpi ne, %convert_element_type3A, %cond3A : i32
      scf.if %cond3A_172 {
        %dma_wait3A_180 = arith.constant 0 : i32
        %dma_wait3A_181 = arith.constant 0 : i32
        %dma_wait3A_182 = tpu.memref_slice %arg8[%dma_wait3A_180, %dma_wait3A_181] : memref<40x128xi32, #tpu.memory_space<vmem>> -> memref<1x128xi32, #tpu.memory_space<vmem>>
        %dma_wait3A_183 = tpu.memref_squeeze %dma_wait3A_182 : memref<1x128xi32, #tpu.memory_space<vmem>> -> memref<128xi32, #tpu.memory_space<vmem>>
        %dma_wait3A_184 = arith.constant 0 : i32
        %dma_wait3A_185 = arith.constant 0 : i32
        %dma_wait3A_186 = tpu.memref_slice %arg11[%dma_wait3A_184, %dma_wait3A_185] : memref<10240x128xf32, #tpu.memory_space<vmem_shared>> -> memref<10240x128xf32, #tpu.memory_space<vmem_shared>>
        tpu.wait_indirect_dma semaphore(%arg14 : memref<!tpu.dma_semaphore, #tpu.memory_space<semaphore_mem>>) src(%arg9 : memref<128x128xf32, #tpu.memory_space<vmem>>) dst(%dma_wait3A_186 : memref<10240x128xf32, #tpu.memory_space<vmem_shared>>)
        %add3A_187 = arith.constant 2 : i32
        %add3A_188 = arith.addi %mul3A_141, %add3A_187 : i32
        %dma_start3A_189 = arith.constant 0 : i32
        %dma_start3A_190 = tpu.memref_slice %arg7[%add3A_188, %dma_start3A_189] : memref<40x128xi32, #tpu.memory_space<vmem>> -> memref<1x128xi32, #tpu.memory_space<vmem>>
        %dma_start3A_191 = tpu.memref_squeeze %dma_start3A_190 : memref<1x128xi32, #tpu.memory_space<vmem>> -> memref<128xi32, #tpu.memory_space<vmem>>
        %dma_start3A_192 = arith.constant 0 : i32
        %dma_start3A_193 = arith.constant 0 : i32
        %dma_start3A_194 = tpu.memref_slice %arg2[%dma_start3A_192, %dma_start3A_193] : memref<20000x128xf32, #tpu.memory_space<hbm>> -> memref<20000x128xf32, #tpu.memory_space<hbm>>
        tpu.enqueue_indirect_dma source(%dma_start3A_194 : memref<20000x128xf32, #tpu.memory_space<hbm>>) target(%arg9 : memref<128x128xf32, #tpu.memory_space<vmem>>) offsets(%dma_start3A_191 : memref<128xi32, #tpu.memory_space<vmem>>) semaphore(%arg12 : memref<!tpu.dma_semaphore, #tpu.memory_space<semaphore_mem>>)
      } else {
      }
      %add3A_173 = arith.constant 3 : i32
      %add3A_174 = arith.addi %mul3A_141, %add3A_173 : i32
      %lt3A_175 = arith.constant 40 : i32
      %lt3A_176 = arith.cmpi slt, %add3A_174, %lt3A_175 : i32
      %convert_element_type3A_177 = arith.extui %lt3A_176 : i1 to i32
      %cond3A_178 = arith.constant 0 : i32
      %cond3A_179 = arith.cmpi ne, %convert_element_type3A_177, %cond3A_178 : i32
      scf.if %cond3A_179 {
        %dma_wait3A_180 = arith.constant 0 : i32
        %dma_wait3A_181 = arith.constant 0 : i32
        %dma_wait3A_182 = tpu.memref_slice %arg8[%dma_wait3A_180, %dma_wait3A_181] : memref<40x128xi32, #tpu.memory_space<vmem>> -> memref<1x128xi32, #tpu.memory_space<vmem>>
        %dma_wait3A_183 = tpu.memref_squeeze %dma_wait3A_182 : memref<1x128xi32, #tpu.memory_space<vmem>> -> memref<128xi32, #tpu.memory_space<vmem>>
        %dma_wait3A_184 = arith.constant 0 : i32
        %dma_wait3A_185 = arith.constant 0 : i32
        %dma_wait3A_186 = tpu.memref_slice %arg11[%dma_wait3A_184, %dma_wait3A_185] : memref<10240x128xf32, #tpu.memory_space<vmem_shared>> -> memref<10240x128xf32, #tpu.memory_space<vmem_shared>>
        tpu.wait_indirect_dma semaphore(%arg15 : memref<!tpu.dma_semaphore, #tpu.memory_space<semaphore_mem>>) src(%arg10 : memref<128x128xf32, #tpu.memory_space<vmem>>) dst(%dma_wait3A_186 : memref<10240x128xf32, #tpu.memory_space<vmem_shared>>)
        %add3A_187 = arith.constant 3 : i32
        %add3A_188 = arith.addi %mul3A_141, %add3A_187 : i32
        %dma_start3A_189 = arith.constant 0 : i32
        %dma_start3A_190 = tpu.memref_slice %arg7[%add3A_188, %dma_start3A_189] : memref<40x128xi32, #tpu.memory_space<vmem>> -> memref<1x128xi32, #tpu.memory_space<vmem>>
        %dma_start3A_191 = tpu.memref_squeeze %dma_start3A_190 : memref<1x128xi32, #tpu.memory_space<vmem>> -> memref<128xi32, #tpu.memory_space<vmem>>
        %dma_start3A_192 = arith.constant 0 : i32
        %dma_start3A_193 = arith.constant 0 : i32
        %dma_start3A_194 = tpu.memref_slice %arg2[%dma_start3A_192, %dma_start3A_193] : memref<20000x128xf32, #tpu.memory_space<hbm>> -> memref<20000x128xf32, #tpu.memory_space<hbm>>
        tpu.enqueue_indirect_dma source(%dma_start3A_194 : memref<20000x128xf32, #tpu.memory_space<hbm>>) target(%arg10 : memref<128x128xf32, #tpu.memory_space<vmem>>) offsets(%dma_start3A_191 : memref<128xi32, #tpu.memory_space<vmem>>) semaphore(%arg13 : memref<!tpu.dma_semaphore, #tpu.memory_space<semaphore_mem>>)
      } else {
      }
    }
    %scan3A_85 = arith.constant 20 : i32
    %dma_wait3A_86 = arith.constant 0 : i32
    %dma_wait3A_87 = arith.constant 0 : i32
    %dma_wait3A_88 = tpu.memref_slice %arg8[%dma_wait3A_86, %dma_wait3A_87] : memref<40x128xi32, #tpu.memory_space<vmem>> -> memref<1x128xi32, #tpu.memory_space<vmem>>
    %dma_wait3A_89 = tpu.memref_squeeze %dma_wait3A_88 : memref<1x128xi32, #tpu.memory_space<vmem>> -> memref<128xi32, #tpu.memory_space<vmem>>
    %dma_wait3A_90 = arith.constant 0 : i32
    %dma_wait3A_91 = arith.constant 0 : i32
    %dma_wait3A_92 = tpu.memref_slice %arg11[%dma_wait3A_90, %dma_wait3A_91] : memref<10240x128xf32, #tpu.memory_space<vmem_shared>> -> memref<10240x128xf32, #tpu.memory_space<vmem_shared>>
    tpu.wait_indirect_dma semaphore(%arg14 : memref<!tpu.dma_semaphore, #tpu.memory_space<semaphore_mem>>) src(%arg9 : memref<128x128xf32, #tpu.memory_space<vmem>>) dst(%dma_wait3A_92 : memref<10240x128xf32, #tpu.memory_space<vmem_shared>>)
    %dma_wait3A_93 = arith.constant 0 : i32
    %dma_wait3A_94 = arith.constant 0 : i32
    %dma_wait3A_95 = tpu.memref_slice %arg8[%dma_wait3A_93, %dma_wait3A_94] : memref<40x128xi32, #tpu.memory_space<vmem>> -> memref<1x128xi32, #tpu.memory_space<vmem>>
    %dma_wait3A_96 = tpu.memref_squeeze %dma_wait3A_95 : memref<1x128xi32, #tpu.memory_space<vmem>> -> memref<128xi32, #tpu.memory_space<vmem>>
    %dma_wait3A_97 = arith.constant 0 : i32
    %dma_wait3A_98 = arith.constant 0 : i32
    %dma_wait3A_99 = tpu.memref_slice %arg11[%dma_wait3A_97, %dma_wait3A_98] : memref<10240x128xf32, #tpu.memory_space<vmem_shared>> -> memref<10240x128xf32, #tpu.memory_space<vmem_shared>>
    tpu.wait_indirect_dma semaphore(%arg15 : memref<!tpu.dma_semaphore, #tpu.memory_space<semaphore_mem>>) src(%arg10 : memref<128x128xf32, #tpu.memory_space<vmem>>) dst(%dma_wait3A_99 : memref<10240x128xf32, #tpu.memory_space<vmem_shared>>)
    "tpu.region"() ({
      %run_scoped3A = tpu.sem_alloc : memref<!tpu.dma_semaphore, #tpu.memory_space<semaphore_mem>>
      %dma_start3A_139 = arith.constant 120 : i32
      %dma_start3A_140 = arith.constant 0 : i32
      %dma_start3A_141 = tpu.memref_slice %arg3[%arg0, %arg1, %dma_start3A_139, %dma_start3A_140] : memref<2x16x160x128xi32, #tpu.memory_space<hbm>> -> memref<1x1x40x128xi32, #tpu.memory_space<hbm>>
      %dma_start3A_142 = tpu.memref_squeeze %dma_start3A_141 : memref<1x1x40x128xi32, #tpu.memory_space<hbm>> -> memref<40x128xi32, #tpu.memory_space<hbm>>
      %dma_start3A_143 = arith.constant 120 : i32
      %dma_start3A_144 = arith.constant 0 : i32
      %dma_start3A_145 = tpu.memref_slice %arg3[%arg0, %arg1, %dma_start3A_143, %dma_start3A_144] : memref<2x16x160x128xi32, #tpu.memory_space<hbm>> -> memref<1x1x40x128xi32, #tpu.memory_space<hbm>>
      %dma_start3A_146 = tpu.memref_squeeze %dma_start3A_145 : memref<1x1x40x128xi32, #tpu.memory_space<hbm>> -> memref<40x128xi32, #tpu.memory_space<hbm>>
      tpu.enqueue_dma source(%dma_start3A_146 : memref<40x128xi32, #tpu.memory_space<hbm>>) target(%arg7 : memref<40x128xi32, #tpu.memory_space<vmem>>) target_semaphore(%run_scoped3A : memref<!tpu.dma_semaphore, #tpu.memory_space<semaphore_mem>>)
      %dma_wait3A_147 = arith.constant 120 : i32
      %dma_wait3A_148 = arith.constant 0 : i32
      %dma_wait3A_149 = tpu.memref_slice %arg3[%arg0, %arg1, %dma_wait3A_147, %dma_wait3A_148] : memref<2x16x160x128xi32, #tpu.memory_space<hbm>> -> memref<1x1x40x128xi32, #tpu.memory_space<hbm>>
      %dma_wait3A_150 = tpu.memref_squeeze %dma_wait3A_149 : memref<1x1x40x128xi32, #tpu.memory_space<hbm>> -> memref<40x128xi32, #tpu.memory_space<hbm>>
      %dma_wait3A_151 = arith.constant 120 : i32
      %dma_wait3A_152 = arith.constant 0 : i32
      %dma_wait3A_153 = tpu.memref_slice %arg3[%arg0, %arg1, %dma_wait3A_151, %dma_wait3A_152] : memref<2x16x160x128xi32, #tpu.memory_space<hbm>> -> memref<1x1x40x128xi32, #tpu.memory_space<hbm>>
      %dma_wait3A_154 = tpu.memref_squeeze %dma_wait3A_153 : memref<1x1x40x128xi32, #tpu.memory_space<hbm>> -> memref<40x128xi32, #tpu.memory_space<hbm>>
      tpu.wait_dma2 semaphore(%run_scoped3A : memref<!tpu.dma_semaphore, #tpu.memory_space<semaphore_mem>>) src(%dma_wait3A_154 : memref<40x128xi32, #tpu.memory_space<hbm>>) dst(%arg7 : memref<40x128xi32, #tpu.memory_space<vmem>>)
      tpu.yield
    }) : () -> ()
    "tpu.region"() ({
      %run_scoped3A = tpu.sem_alloc : memref<!tpu.dma_semaphore, #tpu.memory_space<semaphore_mem>>
      %dma_start3A_139 = arith.constant 120 : i32
      %dma_start3A_140 = arith.constant 0 : i32
      %dma_start3A_141 = tpu.memref_slice %arg4[%arg0, %arg1, %dma_start3A_139, %dma_start3A_140] : memref<2x16x160x128xi32, #tpu.memory_space<hbm>> -> memref<1x1x40x128xi32, #tpu.memory_space<hbm>>
      %dma_start3A_142 = tpu.memref_squeeze %dma_start3A_141 : memref<1x1x40x128xi32, #tpu.memory_space<hbm>> -> memref<40x128xi32, #tpu.memory_space<hbm>>
      %dma_start3A_143 = arith.constant 120 : i32
      %dma_start3A_144 = arith.constant 0 : i32
      %dma_start3A_145 = tpu.memref_slice %arg4[%arg0, %arg1, %dma_start3A_143, %dma_start3A_144] : memref<2x16x160x128xi32, #tpu.memory_space<hbm>> -> memref<1x1x40x128xi32, #tpu.memory_space<hbm>>
      %dma_start3A_146 = tpu.memref_squeeze %dma_start3A_145 : memref<1x1x40x128xi32, #tpu.memory_space<hbm>> -> memref<40x128xi32, #tpu.memory_space<hbm>>
      tpu.enqueue_dma source(%dma_start3A_146 : memref<40x128xi32, #tpu.memory_space<hbm>>) target(%arg8 : memref<40x128xi32, #tpu.memory_space<vmem>>) target_semaphore(%run_scoped3A : memref<!tpu.dma_semaphore, #tpu.memory_space<semaphore_mem>>)
      %dma_wait3A_147 = arith.constant 120 : i32
      %dma_wait3A_148 = arith.constant 0 : i32
      %dma_wait3A_149 = tpu.memref_slice %arg4[%arg0, %arg1, %dma_wait3A_147, %dma_wait3A_148] : memref<2x16x160x128xi32, #tpu.memory_space<hbm>> -> memref<1x1x40x128xi32, #tpu.memory_space<hbm>>
      %dma_wait3A_150 = tpu.memref_squeeze %dma_wait3A_149 : memref<1x1x40x128xi32, #tpu.memory_space<hbm>> -> memref<40x128xi32, #tpu.memory_space<hbm>>
      %dma_wait3A_151 = arith.constant 120 : i32
      %dma_wait3A_152 = arith.constant 0 : i32
      %dma_wait3A_153 = tpu.memref_slice %arg4[%arg0, %arg1, %dma_wait3A_151, %dma_wait3A_152] : memref<2x16x160x128xi32, #tpu.memory_space<hbm>> -> memref<1x1x40x128xi32, #tpu.memory_space<hbm>>
      %dma_wait3A_154 = tpu.memref_squeeze %dma_wait3A_153 : memref<1x1x40x128xi32, #tpu.memory_space<hbm>> -> memref<40x128xi32, #tpu.memory_space<hbm>>
      tpu.wait_dma2 semaphore(%run_scoped3A : memref<!tpu.dma_semaphore, #tpu.memory_space<semaphore_mem>>) src(%dma_wait3A_154 : memref<40x128xi32, #tpu.memory_space<hbm>>) dst(%arg8 : memref<40x128xi32, #tpu.memory_space<vmem>>)
      tpu.yield
    }) : () -> ()
    %dma_start3A_100 = arith.constant 0 : i32
    %dma_start3A_101 = arith.constant 0 : i32
    %dma_start3A_102 = tpu.memref_slice %arg7[%dma_start3A_100, %dma_start3A_101] : memref<40x128xi32, #tpu.memory_space<vmem>> -> memref<1x128xi32, #tpu.memory_space<vmem>>
    %dma_start3A_103 = tpu.memref_squeeze %dma_start3A_102 : memref<1x128xi32, #tpu.memory_space<vmem>> -> memref<128xi32, #tpu.memory_space<vmem>>
    %dma_start3A_104 = arith.constant 0 : i32
    %dma_start3A_105 = arith.constant 0 : i32
    %dma_start3A_106 = tpu.memref_slice %arg2[%dma_start3A_104, %dma_start3A_105] : memref<20000x128xf32, #tpu.memory_space<hbm>> -> memref<20000x128xf32, #tpu.memory_space<hbm>>
    tpu.enqueue_indirect_dma source(%dma_start3A_106 : memref<20000x128xf32, #tpu.memory_space<hbm>>) target(%arg9 : memref<128x128xf32, #tpu.memory_space<vmem>>) offsets(%dma_start3A_103 : memref<128xi32, #tpu.memory_space<vmem>>) semaphore(%arg12 : memref<!tpu.dma_semaphore, #tpu.memory_space<semaphore_mem>>)
    %dma_start3A_107 = arith.constant 1 : i32
    %dma_start3A_108 = arith.constant 0 : i32
    %dma_start3A_109 = tpu.memref_slice %arg7[%dma_start3A_107, %dma_start3A_108] : memref<40x128xi32, #tpu.memory_space<vmem>> -> memref<1x128xi32, #tpu.memory_space<vmem>>
    %dma_start3A_110 = tpu.memref_squeeze %dma_start3A_109 : memref<1x128xi32, #tpu.memory_space<vmem>> -> memref<128xi32, #tpu.memory_space<vmem>>
    %dma_start3A_111 = arith.constant 0 : i32
    %dma_start3A_112 = arith.constant 0 : i32
    %dma_start3A_113 = tpu.memref_slice %arg2[%dma_start3A_111, %dma_start3A_112] : memref<20000x128xf32, #tpu.memory_space<hbm>> -> memref<20000x128xf32, #tpu.memory_space<hbm>>
    tpu.enqueue_indirect_dma source(%dma_start3A_113 : memref<20000x128xf32, #tpu.memory_space<hbm>>) target(%arg10 : memref<128x128xf32, #tpu.memory_space<vmem>>) offsets(%dma_start3A_110 : memref<128xi32, #tpu.memory_space<vmem>>) semaphore(%arg13 : memref<!tpu.dma_semaphore, #tpu.memory_space<semaphore_mem>>)
    %scan3A_114 = arith.constant 0 : i32
    %scan3A_115 = arith.constant 0 : i32
    %scan3A_116 = arith.constant 20 : i32
    %scan3A_117 = arith.addi %scan3A_115, %scan3A_116 : i32
    %scan3A_118 = arith.constant 1 : i32
    scf.for %scan3A_139 = %scan3A_115 to %scan3A_117 step %scan3A_118  : i32 {
      %mul3A_140 = arith.constant 2 : i32
      %mul3A_141 = arith.muli %mul3A_140, %scan3A_139 : i32
      %dma_wait3A_142 = arith.constant 0 : i32
      %dma_wait3A_143 = arith.constant 0 : i32
      %dma_wait3A_144 = tpu.memref_slice %arg7[%dma_wait3A_142, %dma_wait3A_143] : memref<40x128xi32, #tpu.memory_space<vmem>> -> memref<1x128xi32, #tpu.memory_space<vmem>>
      %dma_wait3A_145 = tpu.memref_squeeze %dma_wait3A_144 : memref<1x128xi32, #tpu.memory_space<vmem>> -> memref<128xi32, #tpu.memory_space<vmem>>
      %dma_wait3A_146 = arith.constant 0 : i32
      %dma_wait3A_147 = arith.constant 0 : i32
      %dma_wait3A_148 = tpu.memref_slice %arg2[%dma_wait3A_146, %dma_wait3A_147] : memref<20000x128xf32, #tpu.memory_space<hbm>> -> memref<20000x128xf32, #tpu.memory_space<hbm>>
      tpu.wait_indirect_dma semaphore(%arg12 : memref<!tpu.dma_semaphore, #tpu.memory_space<semaphore_mem>>) src(%dma_wait3A_148 : memref<20000x128xf32, #tpu.memory_space<hbm>>) dst(%arg9 : memref<128x128xf32, #tpu.memory_space<vmem>>)
      %dma_start3A_149 = arith.constant 0 : i32
      %dma_start3A_150 = tpu.memref_slice %arg8[%mul3A_141, %dma_start3A_149] : memref<40x128xi32, #tpu.memory_space<vmem>> -> memref<1x128xi32, #tpu.memory_space<vmem>>
      %dma_start3A_151 = tpu.memref_squeeze %dma_start3A_150 : memref<1x128xi32, #tpu.memory_space<vmem>> -> memref<128xi32, #tpu.memory_space<vmem>>
      %dma_start3A_152 = arith.constant 0 : i32
      %dma_start3A_153 = arith.constant 0 : i32
      %dma_start3A_154 = tpu.memref_slice %arg11[%dma_start3A_152, %dma_start3A_153] : memref<10240x128xf32, #tpu.memory_space<vmem_shared>> -> memref<10240x128xf32, #tpu.memory_space<vmem_shared>>
      tpu.enqueue_indirect_dma source(%arg9 : memref<128x128xf32, #tpu.memory_space<vmem>>) target(%dma_start3A_154 : memref<10240x128xf32, #tpu.memory_space<vmem_shared>>) offsets(%dma_start3A_151 : memref<128xi32, #tpu.memory_space<vmem>>) semaphore(%arg14 : memref<!tpu.dma_semaphore, #tpu.memory_space<semaphore_mem>>) {add = true}
      %dma_wait3A_155 = arith.constant 0 : i32
      %dma_wait3A_156 = arith.constant 0 : i32
      %dma_wait3A_157 = tpu.memref_slice %arg7[%dma_wait3A_155, %dma_wait3A_156] : memref<40x128xi32, #tpu.memory_space<vmem>> -> memref<1x128xi32, #tpu.memory_space<vmem>>
      %dma_wait3A_158 = tpu.memref_squeeze %dma_wait3A_157 : memref<1x128xi32, #tpu.memory_space<vmem>> -> memref<128xi32, #tpu.memory_space<vmem>>
      %dma_wait3A_159 = arith.constant 0 : i32
      %dma_wait3A_160 = arith.constant 0 : i32
      %dma_wait3A_161 = tpu.memref_slice %arg2[%dma_wait3A_159, %dma_wait3A_160] : memref<20000x128xf32, #tpu.memory_space<hbm>> -> memref<20000x128xf32, #tpu.memory_space<hbm>>
      tpu.wait_indirect_dma semaphore(%arg13 : memref<!tpu.dma_semaphore, #tpu.memory_space<semaphore_mem>>) src(%dma_wait3A_161 : memref<20000x128xf32, #tpu.memory_space<hbm>>) dst(%arg10 : memref<128x128xf32, #tpu.memory_space<vmem>>)
      %add3A = arith.constant 1 : i32
      %add3A_162 = arith.addi %mul3A_141, %add3A : i32
      %dma_start3A_163 = arith.constant 0 : i32
      %dma_start3A_164 = tpu.memref_slice %arg8[%add3A_162, %dma_start3A_163] : memref<40x128xi32, #tpu.memory_space<vmem>> -> memref<1x128xi32, #tpu.memory_space<vmem>>
      %dma_start3A_165 = tpu.memref_squeeze %dma_start3A_164 : memref<1x128xi32, #tpu.memory_space<vmem>> -> memref<128xi32, #tpu.memory_space<vmem>>
      %dma_start3A_166 = arith.constant 0 : i32
      %dma_start3A_167 = arith.constant 0 : i32
      %dma_start3A_168 = tpu.memref_slice %arg11[%dma_start3A_166, %dma_start3A_167] : memref<10240x128xf32, #tpu.memory_space<vmem_shared>> -> memref<10240x128xf32, #tpu.memory_space<vmem_shared>>
      tpu.enqueue_indirect_dma source(%arg10 : memref<128x128xf32, #tpu.memory_space<vmem>>) target(%dma_start3A_168 : memref<10240x128xf32, #tpu.memory_space<vmem_shared>>) offsets(%dma_start3A_165 : memref<128xi32, #tpu.memory_space<vmem>>) semaphore(%arg15 : memref<!tpu.dma_semaphore, #tpu.memory_space<semaphore_mem>>) {add = true}
      %add3A_169 = arith.constant 2 : i32
      %add3A_170 = arith.addi %mul3A_141, %add3A_169 : i32
      %lt3A = arith.constant 40 : i32
      %lt3A_171 = arith.cmpi slt, %add3A_170, %lt3A : i32
      %convert_element_type3A = arith.extui %lt3A_171 : i1 to i32
      %cond3A = arith.constant 0 : i32
      %cond3A_172 = arith.cmpi ne, %convert_element_type3A, %cond3A : i32
      scf.if %cond3A_172 {
        %dma_wait3A_180 = arith.constant 0 : i32
        %dma_wait3A_181 = arith.constant 0 : i32
        %dma_wait3A_182 = tpu.memref_slice %arg8[%dma_wait3A_180, %dma_wait3A_181] : memref<40x128xi32, #tpu.memory_space<vmem>> -> memref<1x128xi32, #tpu.memory_space<vmem>>
        %dma_wait3A_183 = tpu.memref_squeeze %dma_wait3A_182 : memref<1x128xi32, #tpu.memory_space<vmem>> -> memref<128xi32, #tpu.memory_space<vmem>>
        %dma_wait3A_184 = arith.constant 0 : i32
        %dma_wait3A_185 = arith.constant 0 : i32
        %dma_wait3A_186 = tpu.memref_slice %arg11[%dma_wait3A_184, %dma_wait3A_185] : memref<10240x128xf32, #tpu.memory_space<vmem_shared>> -> memref<10240x128xf32, #tpu.memory_space<vmem_shared>>
        tpu.wait_indirect_dma semaphore(%arg14 : memref<!tpu.dma_semaphore, #tpu.memory_space<semaphore_mem>>) src(%arg9 : memref<128x128xf32, #tpu.memory_space<vmem>>) dst(%dma_wait3A_186 : memref<10240x128xf32, #tpu.memory_space<vmem_shared>>)
        %add3A_187 = arith.constant 2 : i32
        %add3A_188 = arith.addi %mul3A_141, %add3A_187 : i32
        %dma_start3A_189 = arith.constant 0 : i32
        %dma_start3A_190 = tpu.memref_slice %arg7[%add3A_188, %dma_start3A_189] : memref<40x128xi32, #tpu.memory_space<vmem>> -> memref<1x128xi32, #tpu.memory_space<vmem>>
        %dma_start3A_191 = tpu.memref_squeeze %dma_start3A_190 : memref<1x128xi32, #tpu.memory_space<vmem>> -> memref<128xi32, #tpu.memory_space<vmem>>
        %dma_start3A_192 = arith.constant 0 : i32
        %dma_start3A_193 = arith.constant 0 : i32
        %dma_start3A_194 = tpu.memref_slice %arg2[%dma_start3A_192, %dma_start3A_193] : memref<20000x128xf32, #tpu.memory_space<hbm>> -> memref<20000x128xf32, #tpu.memory_space<hbm>>
        tpu.enqueue_indirect_dma source(%dma_start3A_194 : memref<20000x128xf32, #tpu.memory_space<hbm>>) target(%arg9 : memref<128x128xf32, #tpu.memory_space<vmem>>) offsets(%dma_start3A_191 : memref<128xi32, #tpu.memory_space<vmem>>) semaphore(%arg12 : memref<!tpu.dma_semaphore, #tpu.memory_space<semaphore_mem>>)
      } else {
      }
      %add3A_173 = arith.constant 3 : i32
      %add3A_174 = arith.addi %mul3A_141, %add3A_173 : i32
      %lt3A_175 = arith.constant 40 : i32
      %lt3A_176 = arith.cmpi slt, %add3A_174, %lt3A_175 : i32
      %convert_element_type3A_177 = arith.extui %lt3A_176 : i1 to i32
      %cond3A_178 = arith.constant 0 : i32
      %cond3A_179 = arith.cmpi ne, %convert_element_type3A_177, %cond3A_178 : i32
      scf.if %cond3A_179 {
        %dma_wait3A_180 = arith.constant 0 : i32
        %dma_wait3A_181 = arith.constant 0 : i32
        %dma_wait3A_182 = tpu.memref_slice %arg8[%dma_wait3A_180, %dma_wait3A_181] : memref<40x128xi32, #tpu.memory_space<vmem>> -> memref<1x128xi32, #tpu.memory_space<vmem>>
        %dma_wait3A_183 = tpu.memref_squeeze %dma_wait3A_182 : memref<1x128xi32, #tpu.memory_space<vmem>> -> memref<128xi32, #tpu.memory_space<vmem>>
        %dma_wait3A_184 = arith.constant 0 : i32
        %dma_wait3A_185 = arith.constant 0 : i32
        %dma_wait3A_186 = tpu.memref_slice %arg11[%dma_wait3A_184, %dma_wait3A_185] : memref<10240x128xf32, #tpu.memory_space<vmem_shared>> -> memref<10240x128xf32, #tpu.memory_space<vmem_shared>>
        tpu.wait_indirect_dma semaphore(%arg15 : memref<!tpu.dma_semaphore, #tpu.memory_space<semaphore_mem>>) src(%arg10 : memref<128x128xf32, #tpu.memory_space<vmem>>) dst(%dma_wait3A_186 : memref<10240x128xf32, #tpu.memory_space<vmem_shared>>)
        %add3A_187 = arith.constant 3 : i32
        %add3A_188 = arith.addi %mul3A_141, %add3A_187 : i32
        %dma_start3A_189 = arith.constant 0 : i32
        %dma_start3A_190 = tpu.memref_slice %arg7[%add3A_188, %dma_start3A_189] : memref<40x128xi32, #tpu.memory_space<vmem>> -> memref<1x128xi32, #tpu.memory_space<vmem>>
        %dma_start3A_191 = tpu.memref_squeeze %dma_start3A_190 : memref<1x128xi32, #tpu.memory_space<vmem>> -> memref<128xi32, #tpu.memory_space<vmem>>
        %dma_start3A_192 = arith.constant 0 : i32
        %dma_start3A_193 = arith.constant 0 : i32
        %dma_start3A_194 = tpu.memref_slice %arg2[%dma_start3A_192, %dma_start3A_193] : memref<20000x128xf32, #tpu.memory_space<hbm>> -> memref<20000x128xf32, #tpu.memory_space<hbm>>
        tpu.enqueue_indirect_dma source(%dma_start3A_194 : memref<20000x128xf32, #tpu.memory_space<hbm>>) target(%arg10 : memref<128x128xf32, #tpu.memory_space<vmem>>) offsets(%dma_start3A_191 : memref<128xi32, #tpu.memory_space<vmem>>) semaphore(%arg13 : memref<!tpu.dma_semaphore, #tpu.memory_space<semaphore_mem>>)
      } else {
      }
    }
    %scan3A_119 = arith.constant 20 : i32
    %dma_wait3A_120 = arith.constant 0 : i32
    %dma_wait3A_121 = arith.constant 0 : i32
    %dma_wait3A_122 = tpu.memref_slice %arg8[%dma_wait3A_120, %dma_wait3A_121] : memref<40x128xi32, #tpu.memory_space<vmem>> -> memref<1x128xi32, #tpu.memory_space<vmem>>
    %dma_wait3A_123 = tpu.memref_squeeze %dma_wait3A_122 : memref<1x128xi32, #tpu.memory_space<vmem>> -> memref<128xi32, #tpu.memory_space<vmem>>
    %dma_wait3A_124 = arith.constant 0 : i32
    %dma_wait3A_125 = arith.constant 0 : i32
    %dma_wait3A_126 = tpu.memref_slice %arg11[%dma_wait3A_124, %dma_wait3A_125] : memref<10240x128xf32, #tpu.memory_space<vmem_shared>> -> memref<10240x128xf32, #tpu.memory_space<vmem_shared>>
    tpu.wait_indirect_dma semaphore(%arg14 : memref<!tpu.dma_semaphore, #tpu.memory_space<semaphore_mem>>) src(%arg9 : memref<128x128xf32, #tpu.memory_space<vmem>>) dst(%dma_wait3A_126 : memref<10240x128xf32, #tpu.memory_space<vmem_shared>>)
    %dma_wait3A_127 = arith.constant 0 : i32
    %dma_wait3A_128 = arith.constant 0 : i32
    %dma_wait3A_129 = tpu.memref_slice %arg8[%dma_wait3A_127, %dma_wait3A_128] : memref<40x128xi32, #tpu.memory_space<vmem>> -> memref<1x128xi32, #tpu.memory_space<vmem>>
    %dma_wait3A_130 = tpu.memref_squeeze %dma_wait3A_129 : memref<1x128xi32, #tpu.memory_space<vmem>> -> memref<128xi32, #tpu.memory_space<vmem>>
    %dma_wait3A_131 = arith.constant 0 : i32
    %dma_wait3A_132 = arith.constant 0 : i32
    %dma_wait3A_133 = tpu.memref_slice %arg11[%dma_wait3A_131, %dma_wait3A_132] : memref<10240x128xf32, #tpu.memory_space<vmem_shared>> -> memref<10240x128xf32, #tpu.memory_space<vmem_shared>>
    tpu.wait_indirect_dma semaphore(%arg15 : memref<!tpu.dma_semaphore, #tpu.memory_space<semaphore_mem>>) src(%arg10 : memref<128x128xf32, #tpu.memory_space<vmem>>) dst(%dma_wait3A_133 : memref<10240x128xf32, #tpu.memory_space<vmem_shared>>)
    %barrier3A_134 = arith.constant 0 : index
    tpu.barrier barrier_id(%barrier3A_134)
    %mul3A_135 = arith.constant 640 : i32
    %mul3A_136 = arith.muli %arg1, %mul3A_135 : i32
    %mul3A_137 = arith.constant 640 : i32
    %mul3A_138 = arith.muli %arg1, %mul3A_137 : i32
    "tpu.region"() ({
      %run_scoped3A = tpu.sem_alloc : memref<!tpu.dma_semaphore, #tpu.memory_space<semaphore_mem>>
      %dma_start3A_139 = arith.constant 0 : i32
      %dma_start3A_140 = tpu.memref_slice %arg6[%arg0, %mul3A_138, %dma_start3A_139] : memref<2x10240x128xf32, #tpu.memory_space<hbm>> -> memref<1x640x128xf32, #tpu.memory_space<hbm>>
      %dma_start3A_141 = tpu.memref_squeeze %dma_start3A_140 : memref<1x640x128xf32, #tpu.memory_space<hbm>> -> memref<640x128xf32, #tpu.memory_space<hbm>>
      %dma_start3A_142 = arith.constant 0 : i32
      %dma_start3A_143 = tpu.memref_slice %arg11[%mul3A_136, %dma_start3A_142] : memref<10240x128xf32, #tpu.memory_space<vmem_shared>> -> memref<640x128xf32, #tpu.memory_space<vmem_shared>>
      tpu.enqueue_dma source(%dma_start3A_143 : memref<640x128xf32, #tpu.memory_space<vmem_shared>>) target(%dma_start3A_141 : memref<640x128xf32, #tpu.memory_space<hbm>>) target_semaphore(%run_scoped3A : memref<!tpu.dma_semaphore, #tpu.memory_space<semaphore_mem>>)
      %dma_wait3A_144 = arith.constant 0 : i32
      %dma_wait3A_145 = tpu.memref_slice %arg6[%arg0, %mul3A_138, %dma_wait3A_144] : memref<2x10240x128xf32, #tpu.memory_space<hbm>> -> memref<1x640x128xf32, #tpu.memory_space<hbm>>
      %dma_wait3A_146 = tpu.memref_squeeze %dma_wait3A_145 : memref<1x640x128xf32, #tpu.memory_space<hbm>> -> memref<640x128xf32, #tpu.memory_space<hbm>>
      %dma_wait3A_147 = arith.constant 0 : i32
      %dma_wait3A_148 = tpu.memref_slice %arg11[%mul3A_136, %dma_wait3A_147] : memref<10240x128xf32, #tpu.memory_space<vmem_shared>> -> memref<640x128xf32, #tpu.memory_space<vmem_shared>>
      tpu.wait_dma2 semaphore(%run_scoped3A : memref<!tpu.dma_semaphore, #tpu.memory_space<semaphore_mem>>) src(%dma_wait3A_148 : memref<640x128xf32, #tpu.memory_space<vmem_shared>>) dst(%dma_wait3A_146 : memref<640x128xf32, #tpu.memory_space<hbm>>)
      tpu.yield
    }) : () -> ()
    return
  }
}

module attributes {stable_mosaic.version = 14 : i64} {
  func.func @body(%arg0: i32, %arg1: memref<400x128xf32, #tpu.memory_space<vmem>>, %arg2: memref<2x400x128xf32, #tpu.memory_space<vmem>>, %arg3: memref<128x256xf32, #tpu.memory_space<vmem>>, %arg4: memref<1x256xf32, #tpu.memory_space<vmem>>, %arg5: memref<256x256xf32, #tpu.memory_space<vmem>>, %arg6: memref<1x256xf32, #tpu.memory_space<vmem>>, %arg7: memref<2x400x128xf32, #tpu.memory_space<vmem>>) attributes {dimension_semantics = [#tpu.dimension_semantics<arbitrary>], iteration_bounds = array<i64: 25>, scalar_prefetch = 0 : i64, scratch_operands = 0 : i64, tpu.core_type = #tpu.core_type<tc>, window_params = [{transform_indices = @transform_0, window_bounds = array<i64: 400, 128>}, {transform_indices = @transform_1, window_bounds = array<i64: 2, 400, 128>}, {pipeline_mode = #tpu.pipeline_mode<synchronous>, transform_indices = @transform_2, window_bounds = array<i64: 128, 256>}, {pipeline_mode = #tpu.pipeline_mode<synchronous>, transform_indices = @transform_3, window_bounds = array<i64: 1, 256>}, {pipeline_mode = #tpu.pipeline_mode<synchronous>, transform_indices = @transform_4, window_bounds = array<i64: 256, 256>}, {pipeline_mode = #tpu.pipeline_mode<synchronous>, transform_indices = @transform_5, window_bounds = array<i64: 1, 256>}, {transform_indices = @transform_6, window_bounds = array<i64: 2, 400, 128>}]} {
    %get3A = arith.constant 0 : index
    %get3A_0 = arith.constant 0 : index
    %get3A_1 = vector.load %arg1[%get3A, %get3A_0] : memref<400x128xf32, #tpu.memory_space<vmem>>, vector<400x128xf32>
    %get3A_2 = arith.constant 0 : index
    %get3A_3 = arith.constant 0 : index
    %get3A_4 = arith.constant 0 : index
    %get3A_5 = vector.load %arg2[%get3A_2, %get3A_3, %get3A_4] : memref<2x400x128xf32, #tpu.memory_space<vmem>>, vector<1x400x128xf32>
    %get3A_6 = vector.shape_cast %get3A_5 : vector<1x400x128xf32> to vector<400x128xf32>
    %add3A = arith.addf %get3A_1, %get3A_6 : vector<400x128xf32>
    %get3A_7 = arith.constant 1 : index
    %get3A_8 = arith.constant 0 : index
    %get3A_9 = arith.constant 0 : index
    %get3A_10 = vector.load %arg2[%get3A_7, %get3A_8, %get3A_9] : memref<2x400x128xf32, #tpu.memory_space<vmem>>, vector<1x400x128xf32>
    %get3A_11 = vector.shape_cast %get3A_10 : vector<1x400x128xf32> to vector<400x128xf32>
    %add3A_12 = arith.addf %add3A, %get3A_11 : vector<400x128xf32>
    %get3A_13 = arith.constant 0 : index
    %get3A_14 = arith.constant 0 : index
    %get3A_15 = vector.load %arg3[%get3A_13, %get3A_14] : memref<128x256xf32, #tpu.memory_space<vmem>>, vector<128x256xf32>
    %convert_element_type3A = arith.truncf %add3A_12 : vector<400x128xf32> to vector<400x128xbf16>
    %convert_element_type3A_16 = arith.truncf %get3A_15 : vector<128x256xf32> to vector<128x256xbf16>
    %dot_general3A = arith.constant dense<0.000000e+00> : vector<400x256xf32>
    %dot_general3A_17 = tpu.matmul %convert_element_type3A, %convert_element_type3A_16, %dot_general3A {dimension_numbers = #tpu.dot_dimension_numbers<[1], [0], [0], [1], [0, 0, 1, 1], [], []>, transpose_lhs_hint = false} : vector<400x128xbf16>, vector<128x256xbf16>, vector<400x256xf32> -> vector<400x256xf32>
    %get3A_18 = arith.constant 0 : index
    %get3A_19 = arith.constant 0 : index
    %get3A_20 = vector.load %arg4[%get3A_18, %get3A_19] : memref<1x256xf32, #tpu.memory_space<vmem>>, vector<1x256xf32>
    %add3A_21 = vector.broadcast %get3A_20 : vector<1x256xf32> to vector<400x256xf32>
    %add3A_22 = arith.addf %dot_general3A_17, %add3A_21 : vector<400x256xf32>
    %max3A = arith.constant 0.000000e+00 : f32
    %max3A_23 = vector.broadcast %max3A : f32 to vector<400x256xf32>
    %max3A_24 = arith.maximumf %add3A_22, %max3A_23 : vector<400x256xf32>
    %get3A_25 = arith.constant 0 : index
    %get3A_26 = arith.constant 0 : index
    %get3A_27 = vector.load %arg5[%get3A_25, %get3A_26] : memref<256x256xf32, #tpu.memory_space<vmem>>, vector<256x256xf32>
    %convert_element_type3A_28 = arith.truncf %max3A_24 : vector<400x256xf32> to vector<400x256xbf16>
    %convert_element_type3A_29 = arith.truncf %get3A_27 : vector<256x256xf32> to vector<256x256xbf16>
    %dot_general3A_30 = arith.constant dense<0.000000e+00> : vector<400x256xf32>
    %dot_general3A_31 = tpu.matmul %convert_element_type3A_28, %convert_element_type3A_29, %dot_general3A_30 {dimension_numbers = #tpu.dot_dimension_numbers<[1], [0], [0], [1], [0, 0, 1, 1], [], []>, transpose_lhs_hint = false} : vector<400x256xbf16>, vector<256x256xbf16>, vector<400x256xf32> -> vector<400x256xf32>
    %get3A_32 = arith.constant 0 : index
    %get3A_33 = arith.constant 0 : index
    %get3A_34 = vector.load %arg6[%get3A_32, %get3A_33] : memref<1x256xf32, #tpu.memory_space<vmem>>, vector<1x256xf32>
    %add3A_35 = vector.broadcast %get3A_34 : vector<1x256xf32> to vector<400x256xf32>
    %add3A_36 = arith.addf %dot_general3A_31, %add3A_35 : vector<400x256xf32>
    %slice3A = vector.extract_strided_slice %add3A_36 {offsets = [0, 0], sizes = [400, 128], strides = [1, 1]} : vector<400x256xf32> to vector<400x128xf32>
    %swap3A = arith.constant 0 : index
    %swap3A_37 = arith.constant 0 : index
    %swap3A_38 = arith.constant 0 : index
    %swap3A_39 = vector.load %arg7[%swap3A, %swap3A_37, %swap3A_38] : memref<2x400x128xf32, #tpu.memory_space<vmem>>, vector<1x400x128xf32>
    %swap3A_40 = vector.shape_cast %swap3A_39 : vector<1x400x128xf32> to vector<400x128xf32>
    %swap3A_41 = vector.shape_cast %slice3A : vector<400x128xf32> to vector<1x400x128xf32>
    tpu.vector_store %arg7[%swap3A, %swap3A_37, %swap3A_38], %swap3A_41 {strides = array<i32>} : memref<2x400x128xf32, #tpu.memory_space<vmem>>, vector<1x400x128xf32>,
    %slice3A_42 = vector.extract_strided_slice %add3A_36 {offsets = [0, 128], sizes = [400, 128], strides = [1, 1]} : vector<400x256xf32> to vector<400x128xf32>
    %swap3A_43 = arith.constant 1 : index
    %swap3A_44 = arith.constant 0 : index
    %swap3A_45 = arith.constant 0 : index
    %swap3A_46 = vector.load %arg7[%swap3A_43, %swap3A_44, %swap3A_45] : memref<2x400x128xf32, #tpu.memory_space<vmem>>, vector<1x400x128xf32>
    %swap3A_47 = vector.shape_cast %swap3A_46 : vector<1x400x128xf32> to vector<400x128xf32>
    %swap3A_48 = vector.shape_cast %slice3A_42 : vector<400x128xf32> to vector<1x400x128xf32>
    tpu.vector_store %arg7[%swap3A_43, %swap3A_44, %swap3A_45], %swap3A_48 {strides = array<i32>} : memref<2x400x128xf32, #tpu.memory_space<vmem>>, vector<1x400x128xf32>,
    return
  }
  func.func @transform_0(%arg0: i32) -> (i32, i32) {
    %c0_i32 = arith.constant 0 : i32
    %c0_i32_0 = arith.constant 0 : i32
    return %arg0, %c0_i32 : i32, i32
  }
  func.func @transform_1(%arg0: i32) -> (i32, i32, i32) {
    %c0_i32 = arith.constant 0 : i32
    %c0_i32_0 = arith.constant 0 : i32
    %c0_i32_1 = arith.constant 0 : i32
    return %c0_i32, %arg0, %c0_i32_0 : i32, i32, i32
  }
  func.func @transform_2(%arg0: i32) -> (i32, i32) {
    %c0_i32 = arith.constant 0 : i32
    %c0_i32_0 = arith.constant 0 : i32
    %c0_i32_1 = arith.constant 0 : i32
    return %c0_i32, %c0_i32_0 : i32, i32
  }
  func.func @transform_3(%arg0: i32) -> (i32, i32) {
    %c0_i32 = arith.constant 0 : i32
    %c0_i32_0 = arith.constant 0 : i32
    %c0_i32_1 = arith.constant 0 : i32
    return %c0_i32, %c0_i32_0 : i32, i32
  }
  func.func @transform_4(%arg0: i32) -> (i32, i32) {
    %c0_i32 = arith.constant 0 : i32
    %c0_i32_0 = arith.constant 0 : i32
    %c0_i32_1 = arith.constant 0 : i32
    return %c0_i32, %c0_i32_0 : i32, i32
  }
  func.func @transform_5(%arg0: i32) -> (i32, i32) {
    %c0_i32 = arith.constant 0 : i32
    %c0_i32_0 = arith.constant 0 : i32
    %c0_i32_1 = arith.constant 0 : i32
    return %c0_i32, %c0_i32_0 : i32, i32
  }
  func.func @transform_6(%arg0: i32) -> (i32, i32, i32) {
    %c0_i32 = arith.constant 0 : i32
    %c0_i32_0 = arith.constant 0 : i32
    %c0_i32_1 = arith.constant 0 : i32
    return %c0_i32, %arg0, %c0_i32_0 : i32, i32, i32
  }
}

module attributes {stable_mosaic.version = 14 : i64} {
  func.func @body(%arg0: i32, %arg1: memref<2x400x128xf32, #tpu.memory_space<vmem>>, %arg2: memref<2x400x128xf32, #tpu.memory_space<vmem>>, %arg3: memref<256x256xf32, #tpu.memory_space<vmem>>, %arg4: memref<1x256xf32, #tpu.memory_space<vmem>>, %arg5: memref<256x256xf32, #tpu.memory_space<vmem>>, %arg6: memref<1x256xf32, #tpu.memory_space<vmem>>, %arg7: memref<2x400x128xf32, #tpu.memory_space<vmem>>) attributes {dimension_semantics = [#tpu.dimension_semantics<arbitrary>], iteration_bounds = array<i64: 25>, scalar_prefetch = 0 : i64, scratch_operands = 0 : i64, tpu.core_type = #tpu.core_type<tc>, window_params = [{transform_indices = @transform_0, window_bounds = array<i64: 2, 400, 128>}, {transform_indices = @transform_1, window_bounds = array<i64: 2, 400, 128>}, {pipeline_mode = #tpu.pipeline_mode<synchronous>, transform_indices = @transform_2, window_bounds = array<i64: 256, 256>}, {pipeline_mode = #tpu.pipeline_mode<synchronous>, transform_indices = @transform_3, window_bounds = array<i64: 1, 256>}, {pipeline_mode = #tpu.pipeline_mode<synchronous>, transform_indices = @transform_4, window_bounds = array<i64: 256, 256>}, {pipeline_mode = #tpu.pipeline_mode<synchronous>, transform_indices = @transform_5, window_bounds = array<i64: 1, 256>}, {transform_indices = @transform_6, window_bounds = array<i64: 2, 400, 128>}]} {
    %get3A = arith.constant 0 : index
    %get3A_0 = arith.constant 0 : index
    %get3A_1 = arith.constant 0 : index
    %get3A_2 = vector.load %arg1[%get3A, %get3A_0, %get3A_1] : memref<2x400x128xf32, #tpu.memory_space<vmem>>, vector<1x400x128xf32>
    %get3A_3 = vector.shape_cast %get3A_2 : vector<1x400x128xf32> to vector<400x128xf32>
    %get3A_4 = arith.constant 0 : index
    %get3A_5 = arith.constant 0 : index
    %get3A_6 = arith.constant 0 : index
    %get3A_7 = vector.load %arg2[%get3A_4, %get3A_5, %get3A_6] : memref<2x400x128xf32, #tpu.memory_space<vmem>>, vector<1x400x128xf32>
    %get3A_8 = vector.shape_cast %get3A_7 : vector<1x400x128xf32> to vector<400x128xf32>
    %add3A = arith.addf %get3A_3, %get3A_8 : vector<400x128xf32>
    %get3A_9 = arith.constant 1 : index
    %get3A_10 = arith.constant 0 : index
    %get3A_11 = arith.constant 0 : index
    %get3A_12 = vector.load %arg1[%get3A_9, %get3A_10, %get3A_11] : memref<2x400x128xf32, #tpu.memory_space<vmem>>, vector<1x400x128xf32>
    %get3A_13 = vector.shape_cast %get3A_12 : vector<1x400x128xf32> to vector<400x128xf32>
    %get3A_14 = arith.constant 1 : index
    %get3A_15 = arith.constant 0 : index
    %get3A_16 = arith.constant 0 : index
    %get3A_17 = vector.load %arg2[%get3A_14, %get3A_15, %get3A_16] : memref<2x400x128xf32, #tpu.memory_space<vmem>>, vector<1x400x128xf32>
    %get3A_18 = vector.shape_cast %get3A_17 : vector<1x400x128xf32> to vector<400x128xf32>
    %add3A_19 = arith.addf %get3A_13, %get3A_18 : vector<400x128xf32>
    %concatenate3A = tpu.concatenate %add3A, %add3A_19 in 1 : vector<400x128xf32>, vector<400x128xf32> -> vector<400x256xf32>
    %get3A_20 = arith.constant 0 : index
    %get3A_21 = arith.constant 0 : index
    %get3A_22 = vector.load %arg3[%get3A_20, %get3A_21] : memref<256x256xf32, #tpu.memory_space<vmem>>, vector<256x256xf32>
    %convert_element_type3A = arith.truncf %concatenate3A : vector<400x256xf32> to vector<400x256xbf16>
    %convert_element_type3A_23 = arith.truncf %get3A_22 : vector<256x256xf32> to vector<256x256xbf16>
    %dot_general3A = arith.constant dense<0.000000e+00> : vector<400x256xf32>
    %dot_general3A_24 = tpu.matmul %convert_element_type3A, %convert_element_type3A_23, %dot_general3A {dimension_numbers = #tpu.dot_dimension_numbers<[1], [0], [0], [1], [0, 0, 1, 1], [], []>, transpose_lhs_hint = false} : vector<400x256xbf16>, vector<256x256xbf16>, vector<400x256xf32> -> vector<400x256xf32>
    %get3A_25 = arith.constant 0 : index
    %get3A_26 = arith.constant 0 : index
    %get3A_27 = vector.load %arg4[%get3A_25, %get3A_26] : memref<1x256xf32, #tpu.memory_space<vmem>>, vector<1x256xf32>
    %add3A_28 = vector.broadcast %get3A_27 : vector<1x256xf32> to vector<400x256xf32>
    %add3A_29 = arith.addf %dot_general3A_24, %add3A_28 : vector<400x256xf32>
    %max3A = arith.constant 0.000000e+00 : f32
    %max3A_30 = vector.broadcast %max3A : f32 to vector<400x256xf32>
    %max3A_31 = arith.maximumf %add3A_29, %max3A_30 : vector<400x256xf32>
    %get3A_32 = arith.constant 0 : index
    %get3A_33 = arith.constant 0 : index
    %get3A_34 = vector.load %arg5[%get3A_32, %get3A_33] : memref<256x256xf32, #tpu.memory_space<vmem>>, vector<256x256xf32>
    %convert_element_type3A_35 = arith.truncf %max3A_31 : vector<400x256xf32> to vector<400x256xbf16>
    %convert_element_type3A_36 = arith.truncf %get3A_34 : vector<256x256xf32> to vector<256x256xbf16>
    %dot_general3A_37 = arith.constant dense<0.000000e+00> : vector<400x256xf32>
    %dot_general3A_38 = tpu.matmul %convert_element_type3A_35, %convert_element_type3A_36, %dot_general3A_37 {dimension_numbers = #tpu.dot_dimension_numbers<[1], [0], [0], [1], [0, 0, 1, 1], [], []>, transpose_lhs_hint = false} : vector<400x256xbf16>, vector<256x256xbf16>, vector<400x256xf32> -> vector<400x256xf32>
    %get3A_39 = arith.constant 0 : index
    %get3A_40 = arith.constant 0 : index
    %get3A_41 = vector.load %arg6[%get3A_39, %get3A_40] : memref<1x256xf32, #tpu.memory_space<vmem>>, vector<1x256xf32>
    %add3A_42 = vector.broadcast %get3A_41 : vector<1x256xf32> to vector<400x256xf32>
    %add3A_43 = arith.addf %dot_general3A_38, %add3A_42 : vector<400x256xf32>
    %slice3A = vector.extract_strided_slice %add3A_43 {offsets = [0, 0], sizes = [400, 128], strides = [1, 1]} : vector<400x256xf32> to vector<400x128xf32>
    %swap3A = arith.constant 0 : index
    %swap3A_44 = arith.constant 0 : index
    %swap3A_45 = arith.constant 0 : index
    %swap3A_46 = vector.load %arg7[%swap3A, %swap3A_44, %swap3A_45] : memref<2x400x128xf32, #tpu.memory_space<vmem>>, vector<1x400x128xf32>
    %swap3A_47 = vector.shape_cast %swap3A_46 : vector<1x400x128xf32> to vector<400x128xf32>
    %swap3A_48 = vector.shape_cast %slice3A : vector<400x128xf32> to vector<1x400x128xf32>
    tpu.vector_store %arg7[%swap3A, %swap3A_44, %swap3A_45], %swap3A_48 {strides = array<i32>} : memref<2x400x128xf32, #tpu.memory_space<vmem>>, vector<1x400x128xf32>,
    %slice3A_49 = vector.extract_strided_slice %add3A_43 {offsets = [0, 128], sizes = [400, 128], strides = [1, 1]} : vector<400x256xf32> to vector<400x128xf32>
    %swap3A_50 = arith.constant 1 : index
    %swap3A_51 = arith.constant 0 : index
    %swap3A_52 = arith.constant 0 : index
    %swap3A_53 = vector.load %arg7[%swap3A_50, %swap3A_51, %swap3A_52] : memref<2x400x128xf32, #tpu.memory_space<vmem>>, vector<1x400x128xf32>
    %swap3A_54 = vector.shape_cast %swap3A_53 : vector<1x400x128xf32> to vector<400x128xf32>
    %swap3A_55 = vector.shape_cast %slice3A_49 : vector<400x128xf32> to vector<1x400x128xf32>
    tpu.vector_store %arg7[%swap3A_50, %swap3A_51, %swap3A_52], %swap3A_55 {strides = array<i32>} : memref<2x400x128xf32, #tpu.memory_space<vmem>>, vector<1x400x128xf32>,
    return
  }
  func.func @transform_0(%arg0: i32) -> (i32, i32, i32) {
    %c0_i32 = arith.constant 0 : i32
    %c0_i32_0 = arith.constant 0 : i32
    %c0_i32_1 = arith.constant 0 : i32
    return %c0_i32, %arg0, %c0_i32_0 : i32, i32, i32
  }
  func.func @transform_1(%arg0: i32) -> (i32, i32, i32) {
    %c0_i32 = arith.constant 0 : i32
    %c0_i32_0 = arith.constant 0 : i32
    %c0_i32_1 = arith.constant 0 : i32
    return %c0_i32, %arg0, %c0_i32_0 : i32, i32, i32
  }
  func.func @transform_2(%arg0: i32) -> (i32, i32) {
    %c0_i32 = arith.constant 0 : i32
    %c0_i32_0 = arith.constant 0 : i32
    %c0_i32_1 = arith.constant 0 : i32
    return %c0_i32, %c0_i32_0 : i32, i32
  }
  func.func @transform_3(%arg0: i32) -> (i32, i32) {
    %c0_i32 = arith.constant 0 : i32
    %c0_i32_0 = arith.constant 0 : i32
    %c0_i32_1 = arith.constant 0 : i32
    return %c0_i32, %c0_i32_0 : i32, i32
  }
  func.func @transform_4(%arg0: i32) -> (i32, i32) {
    %c0_i32 = arith.constant 0 : i32
    %c0_i32_0 = arith.constant 0 : i32
    %c0_i32_1 = arith.constant 0 : i32
    return %c0_i32, %c0_i32_0 : i32, i32
  }
  func.func @transform_5(%arg0: i32) -> (i32, i32) {
    %c0_i32 = arith.constant 0 : i32
    %c0_i32_0 = arith.constant 0 : i32
    %c0_i32_1 = arith.constant 0 : i32
    return %c0_i32, %c0_i32_0 : i32, i32
  }
  func.func @transform_6(%arg0: i32) -> (i32, i32, i32) {
    %c0_i32 = arith.constant 0 : i32
    %c0_i32_0 = arith.constant 0 : i32
    %c0_i32_1 = arith.constant 0 : i32
    return %c0_i32, %arg0, %c0_i32_0 : i32, i32, i32
  }
}

module attributes {stable_mosaic.version = 14 : i64} {
  func.func @body(%arg0: i32, %arg1: memref<2x400x128xf32, #tpu.memory_space<vmem>>, %arg2: memref<2x400x128xf32, #tpu.memory_space<vmem>>, %arg3: memref<256x256xf32, #tpu.memory_space<vmem>>, %arg4: memref<1x256xf32, #tpu.memory_space<vmem>>, %arg5: memref<256x1xf32, #tpu.memory_space<vmem>>, %arg6: memref<1x1xf32, #tpu.memory_space<vmem>>, %arg7: memref<400x1xf32, #tpu.memory_space<vmem>>) attributes {dimension_semantics = [#tpu.dimension_semantics<arbitrary>], iteration_bounds = array<i64: 25>, scalar_prefetch = 0 : i64, scratch_operands = 0 : i64, tpu.core_type = #tpu.core_type<tc>, window_params = [{transform_indices = @transform_0, window_bounds = array<i64: 2, 400, 128>}, {transform_indices = @transform_1, window_bounds = array<i64: 2, 400, 128>}, {pipeline_mode = #tpu.pipeline_mode<synchronous>, transform_indices = @transform_2, window_bounds = array<i64: 256, 256>}, {pipeline_mode = #tpu.pipeline_mode<synchronous>, transform_indices = @transform_3, window_bounds = array<i64: 1, 256>}, {pipeline_mode = #tpu.pipeline_mode<synchronous>, transform_indices = @transform_4, window_bounds = array<i64: 256, 1>}, {pipeline_mode = #tpu.pipeline_mode<synchronous>, transform_indices = @transform_5, window_bounds = array<i64: 1, 1>}, {transform_indices = @transform_6, window_bounds = array<i64: 400, 1>}]} {
    %get3A = arith.constant 0 : index
    %get3A_0 = arith.constant 0 : index
    %get3A_1 = arith.constant 0 : index
    %get3A_2 = vector.load %arg1[%get3A, %get3A_0, %get3A_1] : memref<2x400x128xf32, #tpu.memory_space<vmem>>, vector<1x400x128xf32>
    %get3A_3 = vector.shape_cast %get3A_2 : vector<1x400x128xf32> to vector<400x128xf32>
    %get3A_4 = arith.constant 0 : index
    %get3A_5 = arith.constant 0 : index
    %get3A_6 = arith.constant 0 : index
    %get3A_7 = vector.load %arg2[%get3A_4, %get3A_5, %get3A_6] : memref<2x400x128xf32, #tpu.memory_space<vmem>>, vector<1x400x128xf32>
    %get3A_8 = vector.shape_cast %get3A_7 : vector<1x400x128xf32> to vector<400x128xf32>
    %add3A = arith.addf %get3A_3, %get3A_8 : vector<400x128xf32>
    %get3A_9 = arith.constant 1 : index
    %get3A_10 = arith.constant 0 : index
    %get3A_11 = arith.constant 0 : index
    %get3A_12 = vector.load %arg1[%get3A_9, %get3A_10, %get3A_11] : memref<2x400x128xf32, #tpu.memory_space<vmem>>, vector<1x400x128xf32>
    %get3A_13 = vector.shape_cast %get3A_12 : vector<1x400x128xf32> to vector<400x128xf32>
    %get3A_14 = arith.constant 1 : index
    %get3A_15 = arith.constant 0 : index
    %get3A_16 = arith.constant 0 : index
    %get3A_17 = vector.load %arg2[%get3A_14, %get3A_15, %get3A_16] : memref<2x400x128xf32, #tpu.memory_space<vmem>>, vector<1x400x128xf32>
    %get3A_18 = vector.shape_cast %get3A_17 : vector<1x400x128xf32> to vector<400x128xf32>
    %add3A_19 = arith.addf %get3A_13, %get3A_18 : vector<400x128xf32>
    %concatenate3A = tpu.concatenate %add3A, %add3A_19 in 1 : vector<400x128xf32>, vector<400x128xf32> -> vector<400x256xf32>
    %get3A_20 = arith.constant 0 : index
    %get3A_21 = arith.constant 0 : index
    %get3A_22 = vector.load %arg3[%get3A_20, %get3A_21] : memref<256x256xf32, #tpu.memory_space<vmem>>, vector<256x256xf32>
    %convert_element_type3A = arith.truncf %concatenate3A : vector<400x256xf32> to vector<400x256xbf16>
    %convert_element_type3A_23 = arith.truncf %get3A_22 : vector<256x256xf32> to vector<256x256xbf16>
    %dot_general3A = arith.constant dense<0.000000e+00> : vector<400x256xf32>
    %dot_general3A_24 = tpu.matmul %convert_element_type3A, %convert_element_type3A_23, %dot_general3A {dimension_numbers = #tpu.dot_dimension_numbers<[1], [0], [0], [1], [0, 0, 1, 1], [], []>, transpose_lhs_hint = false} : vector<400x256xbf16>, vector<256x256xbf16>, vector<400x256xf32> -> vector<400x256xf32>
    %get3A_25 = arith.constant 0 : index
    %get3A_26 = arith.constant 0 : index
    %get3A_27 = vector.load %arg4[%get3A_25, %get3A_26] : memref<1x256xf32, #tpu.memory_space<vmem>>, vector<1x256xf32>
    %add3A_28 = vector.broadcast %get3A_27 : vector<1x256xf32> to vector<400x256xf32>
    %add3A_29 = arith.addf %dot_general3A_24, %add3A_28 : vector<400x256xf32>
    %max3A = arith.constant 0.000000e+00 : f32
    %max3A_30 = vector.broadcast %max3A : f32 to vector<400x256xf32>
    %max3A_31 = arith.maximumf %add3A_29, %max3A_30 : vector<400x256xf32>
    %get3A_32 = arith.constant 0 : index
    %get3A_33 = arith.constant 0 : index
    %get3A_34 = vector.load %arg5[%get3A_32, %get3A_33] : memref<256x1xf32, #tpu.memory_space<vmem>>, vector<256x1xf32>
    %convert_element_type3A_35 = arith.truncf %max3A_31 : vector<400x256xf32> to vector<400x256xbf16>
    %convert_element_type3A_36 = arith.truncf %get3A_34 : vector<256x1xf32> to vector<256x1xbf16>
    %dot_general3A_37 = arith.constant dense<0.000000e+00> : vector<400x1xf32>
    %dot_general3A_38 = tpu.matmul %convert_element_type3A_35, %convert_element_type3A_36, %dot_general3A_37 {dimension_numbers = #tpu.dot_dimension_numbers<[1], [0], [0], [1], [0, 0, 1, 1], [], []>, transpose_lhs_hint = false} : vector<400x256xbf16>, vector<256x1xbf16>, vector<400x1xf32> -> vector<400x1xf32>
    %get3A_39 = arith.constant 0 : index
    %get3A_40 = arith.constant 0 : index
    %get3A_41 = vector.load %arg6[%get3A_39, %get3A_40] : memref<1x1xf32, #tpu.memory_space<vmem>>, vector<1x1xf32>
    %add3A_42 = vector.broadcast %get3A_41 : vector<1x1xf32> to vector<400x1xf32>
    %add3A_43 = arith.addf %dot_general3A_38, %add3A_42 : vector<400x1xf32>
    %swap3A = arith.constant 0 : index
    %swap3A_44 = arith.constant 0 : index
    %swap3A_45 = vector.load %arg7[%swap3A, %swap3A_44] : memref<400x1xf32, #tpu.memory_space<vmem>>, vector<400x1xf32>
    tpu.vector_store %arg7[%swap3A, %swap3A_44], %add3A_43 {strides = array<i32>} : memref<400x1xf32, #tpu.memory_space<vmem>>, vector<400x1xf32>,
    return
  }
  func.func @transform_0(%arg0: i32) -> (i32, i32, i32) {
    %c0_i32 = arith.constant 0 : i32
    %c0_i32_0 = arith.constant 0 : i32
    %c0_i32_1 = arith.constant 0 : i32
    return %c0_i32, %arg0, %c0_i32_0 : i32, i32, i32
  }
  func.func @transform_1(%arg0: i32) -> (i32, i32, i32) {
    %c0_i32 = arith.constant 0 : i32
    %c0_i32_0 = arith.constant 0 : i32
    %c0_i32_1 = arith.constant 0 : i32
    return %c0_i32, %arg0, %c0_i32_0 : i32, i32, i32
  }
  func.func @transform_2(%arg0: i32) -> (i32, i32) {
    %c0_i32 = arith.constant 0 : i32
    %c0_i32_0 = arith.constant 0 : i32
    %c0_i32_1 = arith.constant 0 : i32
    return %c0_i32, %c0_i32_0 : i32, i32
  }
  func.func @transform_3(%arg0: i32) -> (i32, i32) {
    %c0_i32 = arith.constant 0 : i32
    %c0_i32_0 = arith.constant 0 : i32
    %c0_i32_1 = arith.constant 0 : i32
    return %c0_i32, %c0_i32_0 : i32, i32
  }
  func.func @transform_4(%arg0: i32) -> (i32, i32) {
    %c0_i32 = arith.constant 0 : i32
    %c0_i32_0 = arith.constant 0 : i32
    %c0_i32_1 = arith.constant 0 : i32
    return %c0_i32, %c0_i32_0 : i32, i32
  }
  func.func @transform_5(%arg0: i32) -> (i32, i32) {
    %c0_i32 = arith.constant 0 : i32
    %c0_i32_0 = arith.constant 0 : i32
    %c0_i32_1 = arith.constant 0 : i32
    return %c0_i32, %c0_i32_0 : i32, i32
  }
  func.func @transform_6(%arg0: i32) -> (i32, i32) {
    %c0_i32 = arith.constant 0 : i32
    %c0_i32_0 = arith.constant 0 : i32
    return %arg0, %c0_i32 : i32, i32
  }
}

</mosaic_0001>

<sc_bundles>
// kernel: kernel.11.cloned.1.call-start
scs
__scs_entry_jumppad:
0x0: {  	(pc) =	sbr.rel $0x88, $3  }
0x1: {  	(tag) =	ssettag $0x0;
	lr =	simm.s32 $0x1  }
0x2: {  	[smem:$0x3F93] =	sst lr;
	_ =	strace $0xD0000000  }
0x3: {  	_ = 	snop  }
0x4: {  	_ = 	snop  }
0x5: {  	_ = 	snop  }
0x6: {  	_ = 	snop  }
0x7: {  	_ = 	snop  }
__scs_overlays_trampoline_lowered:
0x8: {  	[smem:$0x3FA2] =	sst s0  }
0x9: {  	[smem:$0x3FA3] =	sst s1  }
0xa: {  	[smem:$0x3FA4] =	sst s2  }
0xb: {  	[smem:$0x3FA5] =	sst s3  }
0xc: {  	[smem:$0x3FA6] =	sst s4  }
0xd: {  	[smem:$0x3FA7] =	sst s5  }
0xe: {  	[smem:$0x3FA8] =	sst s6  }
0xf: {  	[smem:$0x3FA9] =	sst s7  }
0x10: {  	[smem:$0x3FAA] =	sst s8  }
0x11: {  	[smem:$0x3FAB] =	sst s9;
	s0 =	simm.s32 @!p0 $0x0  }
0x12: {  	s1 =	sld [smem:$0x3F91];
	s0 =	simm.s32 @p0 $0x1  }
0x13: {  	[smem:$0x3FAC] =	sst s0;
	s0 =	simm.s32 @!p1 $0x0  }
0x14: {  	s2 =	sld [smem:$0x3F90];
	s0 =	simm.s32 @p1 $0x1  }
0x15: {  	[smem:$0x3FAD] =	sst s0;
	s0 =	simm.s32 @!p2 $0x0  }
0x16: {  	s3 =	sld [smem:$0x3FDB];
	s0 =	simm.s32 @p2 $0x1  }
0x17: {  	s4 =	simm.s32 $0x1BF5;
	[smem:$0x3FAF] =	sst s0  }
0x18: {  	s0 =	sld [smem:$0x3F92];
	_ =	swait.ge [sflag:s4], $0x0  }
0x19: {  	s7 =	sld [smem:$0x3F93]  }
0x1a: {  	s8 =	sadd.s32 $0xFFFFE003, lr  }
0x1b: {  	s9 =	sadd.s32 $0xFFFFFEF7, lr;
	s5 =	simm.s32 $0xFFFFFFFF;
	p2 =	slt.u32 s8, $0xFFFFF086  }
0x1c: {  	p1 =	slt.u32 s9, $0xF7A;
	s5 =	simm.s32 @!p2 $0x0  }
0x1d: {  	s5 =	simm.s32 @p1 $0x1;
	p0 =	seq.s32 s7, s2  }
0x1e: {  	s7 =	smul.u32 @!p0 $0xF7A, s2;
	p2 =	seq.s32 @!p0 s5, $0x0  }
0x1f: {  	s9 =	smul.u32 $0xF7A, s1;
	s8 =	simm.s32 @!p0 $0x1BF5;
	p2 =	por !p2, p0  }
0x20: {  	[sflag:s8] =	ssyncset.s32 @!p0 $0xFFFFF086;
	s6 =	sadd.s32 @!p0 s3, s7;
	s7 =	simm.s32 @!p0 $0x108  }
0x21: {  	s3 =	sadd.s32 s3, s9;
	s6 =	sadd.s32 @!p0 $0x88, s6;
	s7 =	simm.s32 @p2 $0x1082  }
0x22: {  	[simem:s7], [sflag:s8] =	dma.local @!p0 [hbm:s6], $0xF7A  }
0x23: {  	s9 =	sor.u32 $0xD0000000, s2;
	s6 =	simm.s32 $0x108;
	_ =	swait.ge @!p0 [sflag:s8], $0x0  }
0x24: {  	s3 =	sadd.s32 $0x88, s3;
	s6 =	simm.s32 @!p1 $0x1082;
	[sflag:s4] =	ssyncset.s32 $0xFFFFF086  }
0x25: {  	[simem:s6], [sflag:s4] =	dma.local [hbm:s3], $0xF7A  }
0x26: {  	[smem:$0x3F93] =	sst s1;
	(tag) =	ssettag s2;
	_ =	strace s9  }
0x27: {  	s1 =	sld [smem:$0x3FA3]  }
0x28: {  	s2 =	sld [smem:$0x3FA4]  }
0x29: {  	s4 =	sld [smem:$0x3FA6]  }
0x2a: {  	p0 =	seq.s32 s5, $0x0;
	s5 =	sld [smem:$0x3FA7]  }
0x2b: {  	s6 =	sld [smem:$0x3FA8]  }
0x2c: {  	s7 =	sld [smem:$0x3FA9]  }
0x2d: {  	s3 =	simm.s32 $0x108;
	s8 =	sld [smem:$0x3FAA]  }
0x2e: {  	s3 =	simm.s32 @!p0 $0x1082;
	s9 =	sld [smem:$0x3FAB]  }
0x2f: {  	lr =	sadd.s32 s0, s3;
	s0 =	sld [smem:$0x3FA2]  }
0x30: {  	s3 =	sld [smem:$0x3FA5]  }
0x31: {  	[smem:$0x3FAE] =	sst s10  }
0x32: {  	s10 =	sld [smem:$0x3FAC];
	_ =	sdelay $0x3  }
0x33: {  	p0 =	seq.s32 s10, $0x1;
	s10 =	sld [smem:$0x3FAE];
	_ =	sdelay $0x3  }
0x34: {  	[smem:$0x3FAE] =	sst s10  }
0x35: {  	s10 =	sld [smem:$0x3FAD];
	_ =	sdelay $0x3  }
0x36: {  	p1 =	seq.s32 s10, $0x1;
	s10 =	sld [smem:$0x3FAE];
	_ =	sdelay $0x3  }
0x37: {  	[smem:$0x3FAE] =	sst s10  }
0x38: {  	s10 =	sld [smem:$0x3FAF]  }
0x39: {  	_ = 	snop;
	(pc) =	sbr.ind lr, $3  }
0x3a: {  	_ = 	snop  }
0x3b: {  	_ = 	snop  }
0x3c: {  	p2 =	seq.s32 s10, $0x1;
	s10 =	sld [smem:$0x3FAE]  }
0x3d: {  	_ =	shalt  }
0x3e: {  	_ =	shalt  }
0x3f: {  	_ =	shalt  }
0x40: {  	_ =	shalt  }
0x41: {  	_ =	shalt  }
0x42: {  	_ =	shalt  }
0x43: {  	_ =	shalt  }
0x44: {  	_ =	shalt  }
0x45: {  	_ =	shalt  }
0x46: {  	_ =	shalt  }
0x47: {  	_ =	shalt  }
0x48: {  	_ =	shalt  }
0x49: {  	_ =	shalt  }
0x4a: {  	_ =	shalt  }
0x4b: {  	_ =	shalt  }
0x4c: {  	_ =	shalt  }
0x4d: {  	_ =	shalt  }
0x4e: {  	_ =	shalt  }
0x4f: {  	_ =	shalt  }
0x50: {  	_ =	shalt  }
0x51: {  	_ =	shalt  }
0x52: {  	_ =	shalt  }
0x53: {  	_ =	shalt  }
0x54: {  	_ =	shalt  }
0x55: {  	_ =	shalt  }
0x56: {  	_ =	shalt  }
0x57: {  	_ =	shalt  }
0x58: {  	_ =	shalt  }
0x59: {  	_ =	shalt  }
0x5a: {  	_ =	shalt  }
0x5b: {  	_ =	shalt  }
0x5c: {  	_ =	shalt  }
0x5d: {  	_ =	shalt  }
0x5e: {  	_ =	shalt  }
0x5f: {  	_ =	shalt  }
0x60: {  	_ =	shalt  }
0x61: {  	_ =	shalt  }
0x62: {  	_ =	shalt  }
0x63: {  	_ =	shalt  }
0x64: {  	_ =	shalt  }
0x65: {  	_ =	shalt  }
0x66: {  	_ =	shalt  }
0x67: {  	_ =	shalt  }
0x68: {  	_ =	shalt  }
0x69: {  	_ =	shalt  }
0x6a: {  	_ =	shalt  }
0x6b: {  	_ =	shalt  }
0x6c: {  	_ =	shalt  }
0x6d: {  	_ =	shalt  }
0x6e: {  	_ =	shalt  }
0x6f: {  	_ =	shalt  }
0x70: {  	_ =	shalt  }
0x71: {  	_ =	shalt  }
0x72: {  	_ =	shalt  }
0x73: {  	_ =	shalt  }
0x74: {  	_ =	shalt  }
0x75: {  	_ =	shalt  }
0x76: {  	_ =	shalt  }
0x77: {  	_ =	shalt  }
0x78: {  	_ =	shalt  }
0x79: {  	_ =	shalt  }
0x7a: {  	_ =	shalt  }
0x7b: {  	_ =	shalt  }
0x7c: {  	_ =	shalt  }
0x7d: {  	_ =	shalt  }
0x7e: {  	_ =	shalt  }
0x7f: {  	_ =	shalt  }
0x80: {  	_ =	shalt  }
0x81: {  	_ =	shalt  }
0x82: {  	_ =	shalt  }
0x83: {  	_ =	shalt  }
0x84: {  	_ =	shalt  }
0x85: {  	_ =	shalt  }
0x86: {  	_ =	shalt  }
0x87: {  	_ =	shalt  }
.Lfunc_end0:
.L_simem_size_0:
called_computation.1_lowered:
.L_overlay_start_0:
0x88: {  	s2 =	sld [smem:$0x3FD9]  }
0x89: {  	s3 =	sld [smem:$0x3FFE];
	_ =	sdelay $0x1  }
0x8a: {  	s1 =	srdreg.scid  }
0x8b: {  	s0 =	sand.u32 $0x1, s1  }
0x8c: {  	s16 =	sshll.u32 s0, $0xA;
	s2 =	sadd.s32 s3, s2  }
0x8d: {  	s2 =	sadd.s32 s2, s16  }
0x8e: {  	[smem:$0x3FBA] =	sst s2  }
0x8f: {  	_ = 	snop  }
0x90: {  	(tm) =	ssettm $0x1  }
0x91: {  	s17 =	sld [smem:$0x3FFB];
	_ =	sdelay $0x3  }
0x92: {  	_ =	strace s17  }
0x93: {  	s2 =	sld [smem:$0x3FFC];
	_ =	sdelay $0x3  }
0x94: {  	_ =	strace s2  }
0x95: {  	s2 =	sld [smem:$0x3FFD];
	_ =	sdelay $0x3  }
0x96: {  	_ =	strace s2  }
0x97: {  	_ =	strace $0x8FFFFFFF  }
0x98: {  	s18 =	sld [smem:$0x3FDB];
	_ =	sdelay $0x1  }
0x99: {  	s19 =	simm.s32 $_scs_section_size  }
0x9a: {  	s4 =	simm.s32 $_size__tile_overlayer_lowered;
	s5 =	simm.s32 $_tile_overlayer_lowered  }
0x9b: {  	s22 =	simm.s32 $0x1BFF;
	s21 =	sshll.u32 s5, $0x1;
	s2 =	sadd.s32 s19, s18  }
0x9c: {  	s6 =	simm.s32 $0x0;
	s20 =	sshll.u32 s4, $0x1;
	s4 =	sadd.s32 s21, s2  }
0x9d: {  	[timem:s6], [sflag:s22] =	dma.local [hbm:s4], s20  }
0x9e: {  	_ =	swait.ge [sflag:s22], s20  }
0x9f: {  	s3 =	ssub.s32 $0x0, s20;
	[sflag:s22] =	ssyncset.done $0x0  }
0xa0: {  	[sflag:s22] =	ssyncadd.s32 s3;
	_ =	sdelay $0x1  }
0xa1: {  	s23 =	simm.s32 $0x1B8B  }
0xa2: {  	_ =	swait.ge [sflag:s23], $0x1  }
0xa3: {  	[sflag:s23] =	ssyncset.done $0x0  }
0xa4: {  	s25 =	simm.s32 $0x1B8E;
	s24 =	sld [smem:$0x3FFE];
	[sflag:s23] =	ssyncadd.s32 $0xFFFFFFFF  }
0xa5: {  	s26 =	simm.s32 $execute0_lowered;
	[smem:$0x3FD2] =	sst s25  }
0xa6: {  	s4 =	sshll.u32 s26, $0x1;
	_ =	strace $0x80000049;
	[dreg:$0x1] =	wrdreg $0xFFFFFFFF  }
0xa7: {  	s28 =	simm.s32 $_size_execute0_lowered;
	s2 =	sadd.s32 s2, s4;
	[dreg:$0x0] =	wrdreg $0x0  }
0xa8: {  	s4 =	sshll.u32 s28, $0x1;
	[dreg:$0x2] =	wrdreg s2  }
0xa9: {  	[dreg:$0x3] =	wrdreg s4  }
0xaa: {  	[dreg:$0x4] =	wrdreg $0xC0  }
0xab: {  	_ =	task [dreg:s6], $0x5FFFF  }
0xac: {  	[dreg:$0x1] =	wrdreg $0xFFFFFFFF  }
0xad: {  	[dreg:$0x0] =	wrdreg $0x60  }
0xae: {  	[dreg:$0x2] =	wrdreg s24  }
0xaf: {  	[dreg:$0x3] =	wrdreg $0xA8000  }
0xb0: {  	[dreg:$0x4] =	wrdreg $0x9  }
0xb1: {  	_ =	task.clear_ibuf [dreg:s6], $0x5FFFF;
	_ =	strace $0x90000049  }
0xb2: {  	s29 =	simm.s32 $0x9;
	_ =	strace $0x8000004B  }
0xb3: {  	_ =	swait.ge [sflag:s29], $0x1  }
0xb4: {  	[sflag:s29] =	ssyncadd.s32 $0xFFFFFFFF  }
0xb5: {  	_ =	strace $0x9000004B  }
0xb6: {  	_ =	sfence  }
0xb7: {  	s30 =	sld [smem:$0x0];
	_ =	sdelay $0x2  }
0xb8: {  	s31 =	sshll.u32 s1, $0xD;
	s1 =	sshrl.u32 s1, $0x2  }
0xb9: {  	s3 =	sand.u32 $0x4000, s31;
	s1 =	sadd.s32 s1, s30  }
0xba: {  	s0 =	sor.u32 s3, s0;
	s1 =	sshll.u32 s1, $0x11  }
0xbb: {  	s0 =	sor.u32 s1, s0  }
0xbc: {  	s0 =	sadd.s32 $0x8F2B, s0  }
0xbd: {  	[sflag:s0] =	ssyncadd.remote.s32 $0x1  }
0xbe: {  	_ =	sfence.sel $0xFFFF  }
0xbf: {  	[dreg:$0x0] =	wrdreg $0xFFFFFFFF;
	(pc) =	sbr.abs _section_cstart, $3  }
0xc0: {  	[dreg:$0x1] =	wrdreg $0xFFFFFFFF  }
0xc1: {  	_ =	task.clear_ibuf [dreg:s6], $0x2FFFF;
	_ =	strace $0x9FFFFFFF  }
0xc2: {  	(tm) =	ssettm $0x7FFFFFFF  }
0xc3: {  	_ =	shalt  }
tec
execute0_lowered:
.L_overlay_start_1:
0x0: {  	(tag) =	ssettag $0x1  }
0x1: {  	s0 =	rddreg [dreg:$0x0]  }
0x2: {  	s1 =	rddreg [dreg:$0x1];
	s3 =	simm.s32 $0x0;
	s2 =	srdreg.scid  }
0x3: {  	s22 =	stileid.u32;
	s19 =	simm.s32 $0x1400;
	s20 =	simm.s32 $0x80  }
0x4: {  	s21 =	simm.s32 $0x2800;
	s28 =	simm.s32 $0x2700;
	s29 =	simm.s32 $0x2780  }
0x5: {  	s30 =	simm.s32 $0x0;
	[smem:$0x7FF] =	sst s3;
	s7 =	smul.u32 $0x14000, s22  }
0x6: {  	s5 =	sand.u32 $0x1, s2;
	s4 =	sadd.s32 $0x1AC00, s0;
	s8 =	smul.u32 $0x50000, s22  }
0x7: {  	s13 =	sadd.s32 $0x6AC00, s0;
	s14 =	sadd.s32 $0x4400, s0;
	s10 =	smul.u32 $0x5000, s22  }
0x8: {  	s26 =	sshll.u32 s22, $0x6;
	s22 =	simm.s32 $0x6800;
	s6 =	smul.u32 $0x140000, s5  }
0x9: {  	_ =	strace $0x8000004A;
	s23 =	smul.u32 $0x50000, s5;
	s9 =	ssub.s32 $0x2, s5  }
0xa: {  	s5 =	sadd.s32 $0x18400, s0;
	s24 =	sshrl.u32 s9, $0x1;
	s25 =	sshrl.u32 s8, $0x2  }
0xb: {  	s6 =	sadd.s32 s7, s6;
	s16 =	ssub.s32 s9, s24;
	s7 =	sadd.s32 s10, s23  }
0xc: {  	s17 =	sadd.s32 s25, s1;
	s23 =	simm.s32 $0x1;
	s24 =	simm.s32 $0x2  }
0xd: {  	s25 =	simm.s32 $0x3;
	s6 =	sshrl.u32 s6, $0x3;
	s12 =	sshrl.u32 s7, $0x3  }
0xe: {  	s16 =	smax.u32 s16, $0x1;
	s17 =	sshrl.u32 s17, $0x3;
	s0 =	sadd.s32 s6, s0  }
0xf: {  	s6 =	sor.u32 $0x1C05, s26;
	s7 =	sadd.s32 s13, s12;
	s31 =	sadd.s32 $0x280, s12  }
0x10: {  	s8 =	sadd.s32 s14, s12;
	s15 =	sadd.s32 $0x500, s12;
	s18 =	sadd.s32 $0x780, s12  }
0x11: {  	s26 =	simm.s32 $0x4;
	s9 =	sadd.s32 s13, s31;
	s10 =	sadd.s32 s14, s31  }
0x12: {  	s11 =	sadd.s32 s13, s15;
	s12 =	sadd.s32 s14, s15;
	s13 =	sadd.s32 s13, s18  }
0x13: {  	s14 =	sadd.s32 s14, s18;
	s15 =	sadd.s32 $0x7EC00, s0;
	s18 =	simm.s32 $0x5  }
.LBB2_1:
0x14: {  	[spmem:s17], [sflag:s6] =	dma.local [hbm:s5], $0x2800  }
0x15: {  	_ =	swait.ge [sflag:s18], $0x2800  }
0x16: {  	[sflag:s18] =	ssyncset.done $0x0  }
0x17: {  	[sflag:s18] =	ssyncadd.s32 $0xFFFFD800  }
0x18: {  	[bflag:$0x0] =	sbarrier.arrive $0xFFFF  }
0x19: {  	[tilespmem:s3], [sflag:$0x5] =	stream.linear.gather [hbm4b:s7+s3], $0x1400, $0x38;
	[tilespmem:$0x1E800] =	vst v63  }
0x1a: {  	_ =	swait.ge [sflag:s18], $0x1400  }
0x1b: {  	[sflag:s18] =	ssyncset.done $0x0  }
0x1c: {  	[sflag:s18] =	ssyncadd.s32 $0xFFFFEC00  }
0x1d: {  	[tilespmem:s19], [sflag:$0x5] =	stream.linear.gather [hbm4b:s8+s3], $0x1400, $0x38;
	[tilespmem:$0x1E800] =	vst v63  }
0x1e: {  	_ =	swait.ge [sflag:s18], $0x1400  }
0x1f: {  	[sflag:s18] =	ssyncset.done $0x0  }
0x20: {  	[sflag:s18] =	ssyncadd.s32 $0xFFFFEC00  }
0x21: {  	[tilespmem:s21], [sflag:$0x1] =	stream.indirect.gather [hbm4b:s4+s20], $0x80, s3, s20, $0xb8;
	[tilespmem:$0x1E800] =	vst v63  }
0x22: {  	_ = 	snop  }
0x23: {  	[tilespmem:s22], [sflag:$0x2] =	stream.indirect.gather [hbm4b:s4+s20], $0x80, s20, s20, $0xb8;
	[tilespmem:$0x1E800] =	vst v63  }
0x24: {  	_ =	swait.ge [sflag:s23], $0x4000  }
0x25: {  	[sflag:s23] =	ssyncset.done $0x0  }
0x26: {  	s0 =	simm.s32 $0x1400;
	[sflag:s23] =	ssyncadd.s32 $0xFFFFC000  }
0x27: {  	[spmem:s1] =	stream.indirect.scatter.add.f32 [tilespmem:s21], [sflag:$0x3], $0x80, s0, s20, $0xb8;
	[tilespmem:$0x1E800] =	vst v63  }
0x28: {  	_ =	swait.ge [sflag:s24], $0x4000  }
0x29: {  	[sflag:s24] =	ssyncset.done $0x0  }
0x2a: {  	s2 =	simm.s32 $0x1480;
	[sflag:s24] =	ssyncadd.s32 $0xFFFFC000  }
0x2b: {  	[spmem:s1] =	stream.indirect.scatter.add.f32 [tilespmem:s22], [sflag:$0x4], $0x80, s2, s20, $0xb8;
	[tilespmem:$0x1E800] =	vst v63  }
0x2c: {  	_ =	swait.ge [sflag:s25], $0x4000  }
0x2d: {  	[sflag:s25] =	ssyncset.done $0x0  }
0x2e: {  	s2 =	simm.s32 $0x100;
	[sflag:s25] =	ssyncadd.s32 $0xFFFFC000  }
0x2f: {  	[tilespmem:s21], [sflag:$0x1] =	stream.indirect.gather [hbm4b:s4+s20], $0x80, s2, s20, $0xb8;
	[tilespmem:$0x1E800] =	vst v63  }
0x30: {  	_ =	swait.ge [sflag:s26], $0x4000  }
0x31: {  	[sflag:s26] =	ssyncset.done $0x0  }
0x32: {  	s31 =	simm.s32 $0x400;
	s0 =	simm.s32 $0x180;
	[sflag:s26] =	ssyncadd.s32 $0xFFFFC000  }
.LBB2_2:
0x33: {  	[tilespmem:s22], [sflag:$0x2] =	stream.indirect.gather [hbm4b:s4+s20], $0x80, s0, s20, $0xb8;
	[tilespmem:$0x1E800] =	vst v63  }
0x34: {  	s0 =	smov.u32 s31  }
0x35: {  	p0 =	sne.s32 s31, $0x4800;
	s31 =	sadd.s32 $0x400, s31;
	_ =	swait.ge [sflag:s23], $0x4000  }
0x36: {  	s0 =	sshra.s32 s0, $0x2;
	[sflag:s23] =	ssyncset.done $0x0  }
0x37: {  	s2 =	sadd.s32 $0x1400, s0;
	[sflag:s23] =	ssyncadd.s32 $0xFFFFC000  }
0x38: {  	[spmem:s1] =	stream.indirect.scatter.add.f32 [tilespmem:s21], [sflag:$0x3], $0x80, s2, s20, $0xb8;
	[tilespmem:$0x1E800] =	vst v63  }
0x39: {  	_ =	swait.ge [sflag:s24], $0x4000  }
0x3a: {  	[sflag:s24] =	ssyncset.done $0x0  }
0x3b: {  	s2 =	sadd.s32 $0x1480, s0;
	[sflag:s24] =	ssyncadd.s32 $0xFFFFC000  }
0x3c: {  	[spmem:s1] =	stream.indirect.scatter.add.f32 [tilespmem:s22], [sflag:$0x4], $0x80, s2, s20, $0xb8;
	[tilespmem:$0x1E800] =	vst v63  }
0x3d: {  	_ =	swait.ge [sflag:s25], $0x4000  }
0x3e: {  	[sflag:s25] =	ssyncset.done $0x0  }
.Ltmp0:
0x3f: {  	s2 =	sadd.s32 $0x100, s0;
	[sflag:s25] =	ssyncadd.s32 $0xFFFFC000;
	(pc) =	sbr.rel @p0 .LBB2_2-.Ltmp0, $4  }
0x40: {  	[tilespmem:s21], [sflag:$0x1] =	stream.indirect.gather [hbm4b:s4+s20], $0x80, s2, s20, $0xb8;
	[tilespmem:$0x1E800] =	vst v63  }
0x41: {  	_ =	swait.ge [sflag:s26], $0x4000  }
0x42: {  	[sflag:s26] =	ssyncset.done $0x0  }
0x43: {  	s0 =	sadd.s32 $0x180, s0;
	[sflag:s26] =	ssyncadd.s32 $0xFFFFC000  }
0x44: {  	[tilespmem:s22], [sflag:$0x2] =	stream.indirect.gather [hbm4b:s4+s20], $0x80, s0, s20, $0xb8;
	[tilespmem:$0x1E800] =	vst v63  }
0x45: {  	_ =	swait.ge [sflag:s23], $0x4000  }
0x46: {  	[sflag:s23] =	ssyncset.done $0x0  }
0x47: {  	[sflag:s23] =	ssyncadd.s32 $0xFFFFC000  }
0x48: {  	[spmem:s1] =	stream.indirect.scatter.add.f32 [tilespmem:s21], [sflag:$0x3], $0x80, s28, s20, $0xb8;
	[tilespmem:$0x1E800] =	vst v63  }
0x49: {  	_ =	swait.ge [sflag:s24], $0x4000  }
0x4a: {  	[sflag:s24] =	ssyncset.done $0x0  }
0x4b: {  	[sflag:s24] =	ssyncadd.s32 $0xFFFFC000  }
0x4c: {  	[spmem:s1] =	stream.indirect.scatter.add.f32 [tilespmem:s22], [sflag:$0x4], $0x80, s29, s20, $0xb8;
	[tilespmem:$0x1E800] =	vst v63  }
0x4d: {  	_ =	swait.ge [sflag:s25], $0x4000  }
0x4e: {  	[sflag:s25] =	ssyncset.done $0x0  }
0x4f: {  	[sflag:s25] =	ssyncadd.s32 $0xFFFFC000  }
0x50: {  	_ =	swait.ge [sflag:s26], $0x4000  }
0x51: {  	[sflag:s26] =	ssyncset.done $0x0  }
0x52: {  	s2 =	simm.s32 $0x0;
	[sflag:s26] =	ssyncadd.s32 $0xFFFFC000  }
0x53: {  	[tilespmem:s2], [sflag:$0x5] =	stream.linear.gather [hbm4b:s9+s2], $0x1400, $0x38;
	[tilespmem:$0x1E800] =	vst v63  }
0x54: {  	_ =	swait.ge [sflag:s18], $0x1400  }
0x55: {  	[sflag:s18] =	ssyncset.done $0x0  }
0x56: {  	[sflag:s18] =	ssyncadd.s32 $0xFFFFEC00  }
0x57: {  	[tilespmem:s19], [sflag:$0x5] =	stream.linear.gather [hbm4b:s10+s2], $0x1400, $0x38;
	[tilespmem:$0x1E800] =	vst v63  }
0x58: {  	_ =	swait.ge [sflag:s18], $0x1400  }
0x59: {  	[sflag:s18] =	ssyncset.done $0x0  }
0x5a: {  	[sflag:s18] =	ssyncadd.s32 $0xFFFFEC00  }
0x5b: {  	[tilespmem:s21], [sflag:$0x1] =	stream.indirect.gather [hbm4b:s4+s20], $0x80, s2, s20, $0xb8;
	[tilespmem:$0x1E800] =	vst v63  }
0x5c: {  	_ = 	snop  }
0x5d: {  	[tilespmem:s22], [sflag:$0x2] =	stream.indirect.gather [hbm4b:s4+s20], $0x80, s20, s20, $0xb8;
	[tilespmem:$0x1E800] =	vst v63  }
0x5e: {  	_ =	swait.ge [sflag:s23], $0x4000  }
0x5f: {  	[sflag:s23] =	ssyncset.done $0x0  }
0x60: {  	s2 =	simm.s32 $0x1400;
	[sflag:s23] =	ssyncadd.s32 $0xFFFFC000  }
0x61: {  	[spmem:s1] =	stream.indirect.scatter.add.f32 [tilespmem:s21], [sflag:$0x3], $0x80, s2, s20, $0xb8;
	[tilespmem:$0x1E800] =	vst v63  }
0x62: {  	_ =	swait.ge [sflag:s24], $0x4000  }
0x63: {  	[sflag:s24] =	ssyncset.done $0x0  }
0x64: {  	s2 =	simm.s32 $0x1480;
	[sflag:s24] =	ssyncadd.s32 $0xFFFFC000  }
0x65: {  	[spmem:s1] =	stream.indirect.scatter.add.f32 [tilespmem:s22], [sflag:$0x4], $0x80, s2, s20, $0xb8;
	[tilespmem:$0x1E800] =	vst v63  }
0x66: {  	_ =	swait.ge [sflag:s25], $0x4000  }
0x67: {  	[sflag:s25] =	ssyncset.done $0x0  }
0x68: {  	s2 =	simm.s32 $0x100;
	[sflag:s25] =	ssyncadd.s32 $0xFFFFC000  }
0x69: {  	[tilespmem:s21], [sflag:$0x1] =	stream.indirect.gather [hbm4b:s4+s20], $0x80, s2, s20, $0xb8;
	[tilespmem:$0x1E800] =	vst v63  }
0x6a: {  	_ =	swait.ge [sflag:s26], $0x4000  }
0x6b: {  	[sflag:s26] =	ssyncset.done $0x0  }
0x6c: {  	s31 =	simm.s32 $0x400;
	s0 =	simm.s32 $0x180;
	[sflag:s26] =	ssyncadd.s32 $0xFFFFC000  }
.LBB2_4:
0x6d: {  	[tilespmem:s22], [sflag:$0x2] =	stream.indirect.gather [hbm4b:s4+s20], $0x80, s0, s20, $0xb8;
	[tilespmem:$0x1E800] =	vst v63  }
0x6e: {  	s0 =	smov.u32 s31  }
0x6f: {  	p0 =	sne.s32 s31, $0x4800;
	s31 =	sadd.s32 $0x400, s31;
	_ =	swait.ge [sflag:s23], $0x4000  }
0x70: {  	s0 =	sshra.s32 s0, $0x2;
	[sflag:s23] =	ssyncset.done $0x0  }
0x71: {  	s2 =	sadd.s32 $0x1400, s0;
	[sflag:s23] =	ssyncadd.s32 $0xFFFFC000  }
0x72: {  	[spmem:s1] =	stream.indirect.scatter.add.f32 [tilespmem:s21], [sflag:$0x3], $0x80, s2, s20, $0xb8;
	[tilespmem:$0x1E800] =	vst v63  }
0x73: {  	_ =	swait.ge [sflag:s24], $0x4000  }
0x74: {  	[sflag:s24] =	ssyncset.done $0x0  }
0x75: {  	s2 =	sadd.s32 $0x1480, s0;
	[sflag:s24] =	ssyncadd.s32 $0xFFFFC000  }
0x76: {  	[spmem:s1] =	stream.indirect.scatter.add.f32 [tilespmem:s22], [sflag:$0x4], $0x80, s2, s20, $0xb8;
	[tilespmem:$0x1E800] =	vst v63  }
0x77: {  	_ =	swait.ge [sflag:s25], $0x4000  }
0x78: {  	[sflag:s25] =	ssyncset.done $0x0  }
.Ltmp1:
0x79: {  	s2 =	sadd.s32 $0x100, s0;
	[sflag:s25] =	ssyncadd.s32 $0xFFFFC000;
	(pc) =	sbr.rel @p0 .LBB2_4-.Ltmp1, $4  }
0x7a: {  	[tilespmem:s21], [sflag:$0x1] =	stream.indirect.gather [hbm4b:s4+s20], $0x80, s2, s20, $0xb8;
	[tilespmem:$0x1E800] =	vst v63  }
0x7b: {  	_ =	swait.ge [sflag:s26], $0x4000  }
0x7c: {  	[sflag:s26] =	ssyncset.done $0x0  }
0x7d: {  	s0 =	sadd.s32 $0x180, s0;
	[sflag:s26] =	ssyncadd.s32 $0xFFFFC000  }
0x7e: {  	[tilespmem:s22], [sflag:$0x2] =	stream.indirect.gather [hbm4b:s4+s20], $0x80, s0, s20, $0xb8;
	[tilespmem:$0x1E800] =	vst v63  }
0x7f: {  	_ =	swait.ge [sflag:s23], $0x4000  }
0x80: {  	[sflag:s23] =	ssyncset.done $0x0  }
0x81: {  	[sflag:s23] =	ssyncadd.s32 $0xFFFFC000  }
0x82: {  	[spmem:s1] =	stream.indirect.scatter.add.f32 [tilespmem:s21], [sflag:$0x3], $0x80, s28, s20, $0xb8;
	[tilespmem:$0x1E800] =	vst v63  }
0x83: {  	_ =	swait.ge [sflag:s24], $0x4000  }
0x84: {  	[sflag:s24] =	ssyncset.done $0x0  }
0x85: {  	[sflag:s24] =	ssyncadd.s32 $0xFFFFC000  }
0x86: {  	[spmem:s1] =	stream.indirect.scatter.add.f32 [tilespmem:s22], [sflag:$0x4], $0x80, s29, s20, $0xb8;
	[tilespmem:$0x1E800] =	vst v63  }
0x87: {  	_ =	swait.ge [sflag:s25], $0x4000  }
0x88: {  	[sflag:s25] =	ssyncset.done $0x0  }
0x89: {  	[sflag:s25] =	ssyncadd.s32 $0xFFFFC000  }
0x8a: {  	_ =	swait.ge [sflag:s26], $0x4000  }
0x8b: {  	[sflag:s26] =	ssyncset.done $0x0  }
0x8c: {  	s2 =	simm.s32 $0x0;
	[sflag:s26] =	ssyncadd.s32 $0xFFFFC000  }
0x8d: {  	[tilespmem:s2], [sflag:$0x5] =	stream.linear.gather [hbm4b:s11+s2], $0x1400, $0x38;
	[tilespmem:$0x1E800] =	vst v63  }
0x8e: {  	_ =	swait.ge [sflag:s18], $0x1400  }
0x8f: {  	[sflag:s18] =	ssyncset.done $0x0  }
0x90: {  	[sflag:s18] =	ssyncadd.s32 $0xFFFFEC00  }
0x91: {  	[tilespmem:s19], [sflag:$0x5] =	stream.linear.gather [hbm4b:s12+s2], $0x1400, $0x38;
	[tilespmem:$0x1E800] =	vst v63  }
0x92: {  	_ =	swait.ge [sflag:s18], $0x1400  }
0x93: {  	[sflag:s18] =	ssyncset.done $0x0  }
0x94: {  	[sflag:s18] =	ssyncadd.s32 $0xFFFFEC00  }
0x95: {  	[tilespmem:s21], [sflag:$0x1] =	stream.indirect.gather [hbm4b:s4+s20], $0x80, s2, s20, $0xb8;
	[tilespmem:$0x1E800] =	vst v63  }
0x96: {  	_ = 	snop  }
0x97: {  	[tilespmem:s22], [sflag:$0x2] =	stream.indirect.gather [hbm4b:s4+s20], $0x80, s20, s20, $0xb8;
	[tilespmem:$0x1E800] =	vst v63  }
0x98: {  	_ =	swait.ge [sflag:s23], $0x4000  }
0x99: {  	[sflag:s23] =	ssyncset.done $0x0  }
0x9a: {  	s2 =	simm.s32 $0x1400;
	[sflag:s23] =	ssyncadd.s32 $0xFFFFC000  }
0x9b: {  	[spmem:s1] =	stream.indirect.scatter.add.f32 [tilespmem:s21], [sflag:$0x3], $0x80, s2, s20, $0xb8;
	[tilespmem:$0x1E800] =	vst v63  }
0x9c: {  	_ =	swait.ge [sflag:s24], $0x4000  }
0x9d: {  	[sflag:s24] =	ssyncset.done $0x0  }
0x9e: {  	s2 =	simm.s32 $0x1480;
	[sflag:s24] =	ssyncadd.s32 $0xFFFFC000  }
0x9f: {  	[spmem:s1] =	stream.indirect.scatter.add.f32 [tilespmem:s22], [sflag:$0x4], $0x80, s2, s20, $0xb8;
	[tilespmem:$0x1E800] =	vst v63  }
0xa0: {  	_ =	swait.ge [sflag:s25], $0x4000  }
0xa1: {  	[sflag:s25] =	ssyncset.done $0x0  }
0xa2: {  	s2 =	simm.s32 $0x100;
	[sflag:s25] =	ssyncadd.s32 $0xFFFFC000  }
0xa3: {  	[tilespmem:s21], [sflag:$0x1] =	stream.indirect.gather [hbm4b:s4+s20], $0x80, s2, s20, $0xb8;
	[tilespmem:$0x1E800] =	vst v63  }
0xa4: {  	_ =	swait.ge [sflag:s26], $0x4000  }
0xa5: {  	[sflag:s26] =	ssyncset.done $0x0  }
0xa6: {  	s31 =	simm.s32 $0x400;
	s0 =	simm.s32 $0x180;
	[sflag:s26] =	ssyncadd.s32 $0xFFFFC000  }
.LBB2_6:
0xa7: {  	[tilespmem:s22], [sflag:$0x2] =	stream.indirect.gather [hbm4b:s4+s20], $0x80, s0, s20, $0xb8;
	[tilespmem:$0x1E800] =	vst v63  }
0xa8: {  	s0 =	smov.u32 s31  }
0xa9: {  	p0 =	sne.s32 s31, $0x4800;
	s31 =	sadd.s32 $0x400, s31;
	_ =	swait.ge [sflag:s23], $0x4000  }
0xaa: {  	s0 =	sshra.s32 s0, $0x2;
	[sflag:s23] =	ssyncset.done $0x0  }
0xab: {  	s2 =	sadd.s32 $0x1400, s0;
	[sflag:s23] =	ssyncadd.s32 $0xFFFFC000  }
0xac: {  	[spmem:s1] =	stream.indirect.scatter.add.f32 [tilespmem:s21], [sflag:$0x3], $0x80, s2, s20, $0xb8;
	[tilespmem:$0x1E800] =	vst v63  }
0xad: {  	_ =	swait.ge [sflag:s24], $0x4000  }
0xae: {  	[sflag:s24] =	ssyncset.done $0x0  }
0xaf: {  	s2 =	sadd.s32 $0x1480, s0;
	[sflag:s24] =	ssyncadd.s32 $0xFFFFC000  }
0xb0: {  	[spmem:s1] =	stream.indirect.scatter.add.f32 [tilespmem:s22], [sflag:$0x4], $0x80, s2, s20, $0xb8;
	[tilespmem:$0x1E800] =	vst v63  }
0xb1: {  	_ =	swait.ge [sflag:s25], $0x4000  }
0xb2: {  	[sflag:s25] =	ssyncset.done $0x0  }
.Ltmp2:
0xb3: {  	s2 =	sadd.s32 $0x100, s0;
	[sflag:s25] =	ssyncadd.s32 $0xFFFFC000;
	(pc) =	sbr.rel @p0 .LBB2_6-.Ltmp2, $4  }
0xb4: {  	[tilespmem:s21], [sflag:$0x1] =	stream.indirect.gather [hbm4b:s4+s20], $0x80, s2, s20, $0xb8;
	[tilespmem:$0x1E800] =	vst v63  }
0xb5: {  	_ =	swait.ge [sflag:s26], $0x4000  }
0xb6: {  	[sflag:s26] =	ssyncset.done $0x0  }
0xb7: {  	s0 =	sadd.s32 $0x180, s0;
	[sflag:s26] =	ssyncadd.s32 $0xFFFFC000  }
0xb8: {  	[tilespmem:s22], [sflag:$0x2] =	stream.indirect.gather [hbm4b:s4+s20], $0x80, s0, s20, $0xb8;
	[tilespmem:$0x1E800] =	vst v63  }
0xb9: {  	_ =	swait.ge [sflag:s23], $0x4000  }
0xba: {  	[sflag:s23] =	ssyncset.done $0x0  }
0xbb: {  	[sflag:s23] =	ssyncadd.s32 $0xFFFFC000  }
0xbc: {  	[spmem:s1] =	stream.indirect.scatter.add.f32 [tilespmem:s21], [sflag:$0x3], $0x80, s28, s20, $0xb8;
	[tilespmem:$0x1E800] =	vst v63  }
0xbd: {  	_ =	swait.ge [sflag:s24], $0x4000  }
0xbe: {  	[sflag:s24] =	ssyncset.done $0x0  }
0xbf: {  	[sflag:s24] =	ssyncadd.s32 $0xFFFFC000  }
0xc0: {  	[spmem:s1] =	stream.indirect.scatter.add.f32 [tilespmem:s22], [sflag:$0x4], $0x80, s29, s20, $0xb8;
	[tilespmem:$0x1E800] =	vst v63  }
0xc1: {  	_ =	swait.ge [sflag:s25], $0x4000  }
0xc2: {  	[sflag:s25] =	ssyncset.done $0x0  }
0xc3: {  	[sflag:s25] =	ssyncadd.s32 $0xFFFFC000  }
0xc4: {  	_ =	swait.ge [sflag:s26], $0x4000  }
0xc5: {  	[sflag:s26] =	ssyncset.done $0x0  }
0xc6: {  	s2 =	simm.s32 $0x0;
	[sflag:s26] =	ssyncadd.s32 $0xFFFFC000  }
0xc7: {  	[tilespmem:s2], [sflag:$0x5] =	stream.linear.gather [hbm4b:s13+s2], $0x1400, $0x38;
	[tilespmem:$0x1E800] =	vst v63  }
0xc8: {  	_ =	swait.ge [sflag:s18], $0x1400  }
0xc9: {  	[sflag:s18] =	ssyncset.done $0x0  }
0xca: {  	[sflag:s18] =	ssyncadd.s32 $0xFFFFEC00  }
0xcb: {  	[tilespmem:s19], [sflag:$0x5] =	stream.linear.gather [hbm4b:s14+s2], $0x1400, $0x38;
	[tilespmem:$0x1E800] =	vst v63  }
0xcc: {  	_ =	swait.ge [sflag:s18], $0x1400  }
0xcd: {  	[sflag:s18] =	ssyncset.done $0x0  }
0xce: {  	[sflag:s18] =	ssyncadd.s32 $0xFFFFEC00  }
0xcf: {  	[tilespmem:s21], [sflag:$0x1] =	stream.indirect.gather [hbm4b:s4+s20], $0x80, s2, s20, $0xb8;
	[tilespmem:$0x1E800] =	vst v63  }
0xd0: {  	_ = 	snop  }
0xd1: {  	[tilespmem:s22], [sflag:$0x2] =	stream.indirect.gather [hbm4b:s4+s20], $0x80, s20, s20, $0xb8;
	[tilespmem:$0x1E800] =	vst v63  }
0xd2: {  	_ =	swait.ge [sflag:s23], $0x4000  }
0xd3: {  	[sflag:s23] =	ssyncset.done $0x0  }
0xd4: {  	s2 =	simm.s32 $0x1400;
	[sflag:s23] =	ssyncadd.s32 $0xFFFFC000  }
0xd5: {  	[spmem:s1] =	stream.indirect.scatter.add.f32 [tilespmem:s21], [sflag:$0x3], $0x80, s2, s20, $0xb8;
	[tilespmem:$0x1E800] =	vst v63  }
0xd6: {  	_ =	swait.ge [sflag:s24], $0x4000  }
0xd7: {  	[sflag:s24] =	ssyncset.done $0x0  }
0xd8: {  	s2 =	simm.s32 $0x1480;
	[sflag:s24] =	ssyncadd.s32 $0xFFFFC000  }
0xd9: {  	[spmem:s1] =	stream.indirect.scatter.add.f32 [tilespmem:s22], [sflag:$0x4], $0x80, s2, s20, $0xb8;
	[tilespmem:$0x1E800] =	vst v63  }
0xda: {  	_ =	swait.ge [sflag:s25], $0x4000  }
0xdb: {  	[sflag:s25] =	ssyncset.done $0x0  }
0xdc: {  	s2 =	simm.s32 $0x100;
	[sflag:s25] =	ssyncadd.s32 $0xFFFFC000  }
0xdd: {  	[tilespmem:s21], [sflag:$0x1] =	stream.indirect.gather [hbm4b:s4+s20], $0x80, s2, s20, $0xb8;
	[tilespmem:$0x1E800] =	vst v63  }
0xde: {  	_ =	swait.ge [sflag:s26], $0x4000  }
0xdf: {  	[sflag:s26] =	ssyncset.done $0x0  }
0xe0: {  	s31 =	simm.s32 $0x400;
	s0 =	simm.s32 $0x180;
	[sflag:s26] =	ssyncadd.s32 $0xFFFFC000  }
.LBB2_8:
0xe1: {  	[tilespmem:s22], [sflag:$0x2] =	stream.indirect.gather [hbm4b:s4+s20], $0x80, s0, s20, $0xb8;
	[tilespmem:$0x1E800] =	vst v63  }
0xe2: {  	s0 =	smov.u32 s31  }
0xe3: {  	p0 =	sne.s32 s31, $0x4800;
	s31 =	sadd.s32 $0x400, s31;
	_ =	swait.ge [sflag:s23], $0x4000  }
0xe4: {  	s0 =	sshra.s32 s0, $0x2;
	[sflag:s23] =	ssyncset.done $0x0  }
0xe5: {  	s2 =	sadd.s32 $0x1400, s0;
	[sflag:s23] =	ssyncadd.s32 $0xFFFFC000  }
0xe6: {  	[spmem:s1] =	stream.indirect.scatter.add.f32 [tilespmem:s21], [sflag:$0x3], $0x80, s2, s20, $0xb8;
	[tilespmem:$0x1E800] =	vst v63  }
0xe7: {  	_ =	swait.ge [sflag:s24], $0x4000  }
0xe8: {  	[sflag:s24] =	ssyncset.done $0x0  }
0xe9: {  	s2 =	sadd.s32 $0x1480, s0;
	[sflag:s24] =	ssyncadd.s32 $0xFFFFC000  }
0xea: {  	[spmem:s1] =	stream.indirect.scatter.add.f32 [tilespmem:s22], [sflag:$0x4], $0x80, s2, s20, $0xb8;
	[tilespmem:$0x1E800] =	vst v63  }
0xeb: {  	_ =	swait.ge [sflag:s25], $0x4000  }
0xec: {  	[sflag:s25] =	ssyncset.done $0x0  }
.Ltmp3:
0xed: {  	s2 =	sadd.s32 $0x100, s0;
	[sflag:s25] =	ssyncadd.s32 $0xFFFFC000;
	(pc) =	sbr.rel @p0 .LBB2_8-.Ltmp3, $4  }
0xee: {  	[tilespmem:s21], [sflag:$0x1] =	stream.indirect.gather [hbm4b:s4+s20], $0x80, s2, s20, $0xb8;
	[tilespmem:$0x1E800] =	vst v63  }
0xef: {  	_ =	swait.ge [sflag:s26], $0x4000  }
0xf0: {  	[sflag:s26] =	ssyncset.done $0x0  }
0xf1: {  	s0 =	sadd.s32 $0x180, s0;
	[sflag:s26] =	ssyncadd.s32 $0xFFFFC000  }
0xf2: {  	[tilespmem:s22], [sflag:$0x2] =	stream.indirect.gather [hbm4b:s4+s20], $0x80, s0, s20, $0xb8;
	[tilespmem:$0x1E800] =	vst v63  }
0xf3: {  	_ =	swait.ge [sflag:s23], $0x4000  }
0xf4: {  	[sflag:s23] =	ssyncset.done $0x0  }
0xf5: {  	[sflag:s23] =	ssyncadd.s32 $0xFFFFC000  }
0xf6: {  	[spmem:s1] =	stream.indirect.scatter.add.f32 [tilespmem:s21], [sflag:$0x3], $0x80, s28, s20, $0xb8;
	[tilespmem:$0x1E800] =	vst v63  }
0xf7: {  	_ =	swait.ge [sflag:s24], $0x4000  }
0xf8: {  	[sflag:s24] =	ssyncset.done $0x0  }
0xf9: {  	[sflag:s24] =	ssyncadd.s32 $0xFFFFC000  }
0xfa: {  	[spmem:s1] =	stream.indirect.scatter.add.f32 [tilespmem:s22], [sflag:$0x4], $0x80, s29, s20, $0xb8;
	[tilespmem:$0x1E800] =	vst v63  }
0xfb: {  	_ =	swait.ge [sflag:s25], $0x4000  }
0xfc: {  	[sflag:s25] =	ssyncset.done $0x0  }
0xfd: {  	[sflag:s25] =	ssyncadd.s32 $0xFFFFC000  }
0xfe: {  	_ =	swait.ge [sflag:s26], $0x4000  }
0xff: {  	s30 =	sadd.s32 $0x1, s30;
	[sflag:s26] =	ssyncset.done $0x0  }
0x100: {  	p0 =	sne.s32 s30, s16;
	[sflag:s26] =	ssyncadd.s32 $0xFFFFC000  }
.Ltmp4:
0x101: {  	[bflag:$0x0] =	sbarrier.arrive $0xFFFF;
	(pc) =	sbr.rel @p0 .LBB2_1-.Ltmp4, $4  }
0x102: {  	[hbm:s15], [sflag:s6] =	dma.local [spmem:s17], $0x2800  }
0x103: {  	_ =	swait.ge [sflag:s18], $0x2800  }
0x104: {  	[sflag:s18] =	ssyncset.done $0x0  }
0x105: {  	[sflag:s18] =	ssyncadd.s32 $0xFFFFD800  }
0x106: {  	_ =	sfence.sel $0x180000  }
0x107: {  	[bflag:$0x0] =	sbarrier.arrive $0xFFFF  }
0x108: {  	_ =	strace $0x9000004A  }
0x109: {  	s0 =	stileid.u32;
	[bflag:$0x2] =	sbarrier.arrive $0xFFFF  }
0x10a: {  	p0 =	sne.s32 s0, $0x0;
	s0 =	rddreg [dreg:$0x2]  }
0x10b: {  	s0 =	sadd.s32 @!p0 $0x100000, s0  }
0x10c: {  	[sflag:s0] =	ssyncadd.tile.s32 @!p0 $0x1;
	_ =	shalt  }
.Lfunc_end2:
_tile_overlayer_lowered:
.L_overlay_start_2:
0x10d: {  	(tag) =	ssettag $0x2  }
0x10e: {  	s0 =	rddreg [dreg:$0x0];
	s2 =	stileid.u32  }
0x10f: {  	s1 =	rddreg [dreg:$0x1];
	p0 =	sne.s32 s2, $0x0  }
0x110: {  	s3 =	rddreg [dreg:$0x2];
	[bflag:$0x3] =	sbarrier.arrive $0xFFFF;
	s2 =	simm.s32 @!p0 $0x1C05  }
0x111: {  	[timem:s3], [sflag:s2] =	dma.local @!p0 [hbm:s0], s1  }
0x112: {  	s0 =	simm.s32 @!p0 $0x5  }
0x113: {  	_ =	swait.ge @!p0 [sflag:s0], s1  }
0x114: {  	s1 =	ssub.s32 @!p0 $0x0, s1;
	[sflag:s0] =	ssyncset.done @!p0 $0x0  }
0x115: {  	[sflag:s0] =	ssyncadd.s32 @!p0 s1  }
0x116: {  	[bflag:$0x3] =	sbarrier.arrive $0xFFFF  }
0x117: {  	_ =	shalt  }

// kernel: kernel.14.cloned.1.call-start
scs
__scs_entry_jumppad:
0x0: {  	(pc) =	sbr.rel $0x88, $3  }
0x1: {  	(tag) =	ssettag $0x0;
	lr =	simm.s32 $0x1  }
0x2: {  	[smem:$0x3F93] =	sst lr;
	_ =	strace $0xD0000000  }
0x3: {  	_ = 	snop  }
0x4: {  	_ = 	snop  }
0x5: {  	_ = 	snop  }
0x6: {  	_ = 	snop  }
0x7: {  	_ = 	snop  }
__scs_overlays_trampoline_lowered:
0x8: {  	[smem:$0x3FA2] =	sst s0  }
0x9: {  	[smem:$0x3FA3] =	sst s1  }
0xa: {  	[smem:$0x3FA4] =	sst s2  }
0xb: {  	[smem:$0x3FA5] =	sst s3  }
0xc: {  	[smem:$0x3FA6] =	sst s4  }
0xd: {  	[smem:$0x3FA7] =	sst s5  }
0xe: {  	[smem:$0x3FA8] =	sst s6  }
0xf: {  	[smem:$0x3FA9] =	sst s7  }
0x10: {  	[smem:$0x3FAA] =	sst s8  }
0x11: {  	[smem:$0x3FAB] =	sst s9;
	s0 =	simm.s32 @!p0 $0x0  }
0x12: {  	s1 =	sld [smem:$0x3F91];
	s0 =	simm.s32 @p0 $0x1  }
0x13: {  	[smem:$0x3FAC] =	sst s0;
	s0 =	simm.s32 @!p1 $0x0  }
0x14: {  	s2 =	sld [smem:$0x3F90];
	s0 =	simm.s32 @p1 $0x1  }
0x15: {  	[smem:$0x3FAD] =	sst s0;
	s0 =	simm.s32 @!p2 $0x0  }
0x16: {  	s3 =	sld [smem:$0x3FDB];
	s0 =	simm.s32 @p2 $0x1  }
0x17: {  	s4 =	simm.s32 $0x1BF5;
	[smem:$0x3FAF] =	sst s0  }
0x18: {  	s0 =	sld [smem:$0x3F92];
	_ =	swait.ge [sflag:s4], $0x0  }
0x19: {  	s7 =	sld [smem:$0x3F93]  }
0x1a: {  	s8 =	sadd.s32 $0xFFFFE003, lr  }
0x1b: {  	s9 =	sadd.s32 $0xFFFFFEF7, lr;
	s5 =	simm.s32 $0xFFFFFFFF;
	p2 =	slt.u32 s8, $0xFFFFF086  }
0x1c: {  	p1 =	slt.u32 s9, $0xF7A;
	s5 =	simm.s32 @!p2 $0x0  }
0x1d: {  	s5 =	simm.s32 @p1 $0x1;
	p0 =	seq.s32 s7, s2  }
0x1e: {  	s7 =	smul.u32 @!p0 $0xF7A, s2;
	p2 =	seq.s32 @!p0 s5, $0x0  }
0x1f: {  	s9 =	smul.u32 $0xF7A, s1;
	s8 =	simm.s32 @!p0 $0x1BF5;
	p2 =	por !p2, p0  }
0x20: {  	[sflag:s8] =	ssyncset.s32 @!p0 $0xFFFFF086;
	s6 =	sadd.s32 @!p0 s3, s7;
	s7 =	simm.s32 @!p0 $0x108  }
0x21: {  	s3 =	sadd.s32 s3, s9;
	s6 =	sadd.s32 @!p0 $0x88, s6;
	s7 =	simm.s32 @p2 $0x1082  }
0x22: {  	[simem:s7], [sflag:s8] =	dma.local @!p0 [hbm:s6], $0xF7A  }
0x23: {  	s9 =	sor.u32 $0xD0000000, s2;
	s6 =	simm.s32 $0x108;
	_ =	swait.ge @!p0 [sflag:s8], $0x0  }
0x24: {  	s3 =	sadd.s32 $0x88, s3;
	s6 =	simm.s32 @!p1 $0x1082;
	[sflag:s4] =	ssyncset.s32 $0xFFFFF086  }
0x25: {  	[simem:s6], [sflag:s4] =	dma.local [hbm:s3], $0xF7A  }
0x26: {  	[smem:$0x3F93] =	sst s1;
	(tag) =	ssettag s2;
	_ =	strace s9  }
0x27: {  	s1 =	sld [smem:$0x3FA3]  }
0x28: {  	s2 =	sld [smem:$0x3FA4]  }
0x29: {  	s4 =	sld [smem:$0x3FA6]  }
0x2a: {  	p0 =	seq.s32 s5, $0x0;
	s5 =	sld [smem:$0x3FA7]  }
0x2b: {  	s6 =	sld [smem:$0x3FA8]  }
0x2c: {  	s7 =	sld [smem:$0x3FA9]  }
0x2d: {  	s3 =	simm.s32 $0x108;
	s8 =	sld [smem:$0x3FAA]  }
0x2e: {  	s3 =	simm.s32 @!p0 $0x1082;
	s9 =	sld [smem:$0x3FAB]  }
0x2f: {  	lr =	sadd.s32 s0, s3;
	s0 =	sld [smem:$0x3FA2]  }
0x30: {  	s3 =	sld [smem:$0x3FA5]  }
0x31: {  	[smem:$0x3FAE] =	sst s10  }
0x32: {  	s10 =	sld [smem:$0x3FAC];
	_ =	sdelay $0x3  }
0x33: {  	p0 =	seq.s32 s10, $0x1;
	s10 =	sld [smem:$0x3FAE];
	_ =	sdelay $0x3  }
0x34: {  	[smem:$0x3FAE] =	sst s10  }
0x35: {  	s10 =	sld [smem:$0x3FAD];
	_ =	sdelay $0x3  }
0x36: {  	p1 =	seq.s32 s10, $0x1;
	s10 =	sld [smem:$0x3FAE];
	_ =	sdelay $0x3  }
0x37: {  	[smem:$0x3FAE] =	sst s10  }
0x38: {  	s10 =	sld [smem:$0x3FAF]  }
0x39: {  	_ = 	snop;
	(pc) =	sbr.ind lr, $3  }
0x3a: {  	_ = 	snop  }
0x3b: {  	_ = 	snop  }
0x3c: {  	p2 =	seq.s32 s10, $0x1;
	s10 =	sld [smem:$0x3FAE]  }
0x3d: {  	_ =	shalt  }
0x3e: {  	_ =	shalt  }
0x3f: {  	_ =	shalt  }
0x40: {  	_ =	shalt  }
0x41: {  	_ =	shalt  }
0x42: {  	_ =	shalt  }
0x43: {  	_ =	shalt  }
0x44: {  	_ =	shalt  }
0x45: {  	_ =	shalt  }
0x46: {  	_ =	shalt  }
0x47: {  	_ =	shalt  }
0x48: {  	_ =	shalt  }
0x49: {  	_ =	shalt  }
0x4a: {  	_ =	shalt  }
0x4b: {  	_ =	shalt  }
0x4c: {  	_ =	shalt  }
0x4d: {  	_ =	shalt  }
0x4e: {  	_ =	shalt  }
0x4f: {  	_ =	shalt  }
0x50: {  	_ =	shalt  }
0x51: {  	_ =	shalt  }
0x52: {  	_ =	shalt  }
0x53: {  	_ =	shalt  }
0x54: {  	_ =	shalt  }
0x55: {  	_ =	shalt  }
0x56: {  	_ =	shalt  }
0x57: {  	_ =	shalt  }
0x58: {  	_ =	shalt  }
0x59: {  	_ =	shalt  }
0x5a: {  	_ =	shalt  }
0x5b: {  	_ =	shalt  }
0x5c: {  	_ =	shalt  }
0x5d: {  	_ =	shalt  }
0x5e: {  	_ =	shalt  }
0x5f: {  	_ =	shalt  }
0x60: {  	_ =	shalt  }
0x61: {  	_ =	shalt  }
0x62: {  	_ =	shalt  }
0x63: {  	_ =	shalt  }
0x64: {  	_ =	shalt  }
0x65: {  	_ =	shalt  }
0x66: {  	_ =	shalt  }
0x67: {  	_ =	shalt  }
0x68: {  	_ =	shalt  }
0x69: {  	_ =	shalt  }
0x6a: {  	_ =	shalt  }
0x6b: {  	_ =	shalt  }
0x6c: {  	_ =	shalt  }
0x6d: {  	_ =	shalt  }
0x6e: {  	_ =	shalt  }
0x6f: {  	_ =	shalt  }
0x70: {  	_ =	shalt  }
0x71: {  	_ =	shalt  }
0x72: {  	_ =	shalt  }
0x73: {  	_ =	shalt  }
0x74: {  	_ =	shalt  }
0x75: {  	_ =	shalt  }
0x76: {  	_ =	shalt  }
0x77: {  	_ =	shalt  }
0x78: {  	_ =	shalt  }
0x79: {  	_ =	shalt  }
0x7a: {  	_ =	shalt  }
0x7b: {  	_ =	shalt  }
0x7c: {  	_ =	shalt  }
0x7d: {  	_ =	shalt  }
0x7e: {  	_ =	shalt  }
0x7f: {  	_ =	shalt  }
0x80: {  	_ =	shalt  }
0x81: {  	_ =	shalt  }
0x82: {  	_ =	shalt  }
0x83: {  	_ =	shalt  }
0x84: {  	_ =	shalt  }
0x85: {  	_ =	shalt  }
0x86: {  	_ =	shalt  }
0x87: {  	_ =	shalt  }
.Lfunc_end0:
.L_simem_size_0:
called_computation.2_lowered:
.L_overlay_start_0:
0x88: {  	s2 =	sld [smem:$0x3FD9]  }
0x89: {  	s3 =	sld [smem:$0x3FFE];
	_ =	sdelay $0x1  }
0x8a: {  	s1 =	srdreg.scid  }
0x8b: {  	s0 =	sand.u32 $0x1, s1  }
0x8c: {  	s16 =	sshll.u32 s0, $0xA;
	s2 =	sadd.s32 s3, s2  }
0x8d: {  	s2 =	sadd.s32 s2, s16  }
0x8e: {  	[smem:$0x3FBA] =	sst s2  }
0x8f: {  	_ = 	snop  }
0x90: {  	(tm) =	ssettm $0x1  }
0x91: {  	s17 =	sld [smem:$0x3FFB];
	_ =	sdelay $0x3  }
0x92: {  	_ =	strace s17  }
0x93: {  	s2 =	sld [smem:$0x3FFC];
	_ =	sdelay $0x3  }
0x94: {  	_ =	strace s2  }
0x95: {  	s2 =	sld [smem:$0x3FFD];
	_ =	sdelay $0x3  }
0x96: {  	_ =	strace s2  }
0x97: {  	_ =	strace $0x8FFFFFFF  }
0x98: {  	s18 =	sld [smem:$0x3FDB];
	_ =	sdelay $0x1  }
0x99: {  	s19 =	simm.s32 $_scs_section_size  }
0x9a: {  	s4 =	simm.s32 $_size__tile_overlayer_lowered;
	s5 =	simm.s32 $_tile_overlayer_lowered  }
0x9b: {  	s22 =	simm.s32 $0x1BFF;
	s21 =	sshll.u32 s5, $0x1;
	s2 =	sadd.s32 s19, s18  }
0x9c: {  	s6 =	simm.s32 $0x0;
	s20 =	sshll.u32 s4, $0x1;
	s4 =	sadd.s32 s21, s2  }
0x9d: {  	[timem:s6], [sflag:s22] =	dma.local [hbm:s4], s20  }
0x9e: {  	_ =	swait.ge [sflag:s22], s20  }
0x9f: {  	s3 =	ssub.s32 $0x0, s20;
	[sflag:s22] =	ssyncset.done $0x0  }
0xa0: {  	[sflag:s22] =	ssyncadd.s32 s3;
	_ =	sdelay $0x1  }
0xa1: {  	s23 =	simm.s32 $0x1B8B  }
0xa2: {  	_ =	swait.ge [sflag:s23], $0x1  }
0xa3: {  	[sflag:s23] =	ssyncset.done $0x0  }
0xa4: {  	s25 =	simm.s32 $0x1B8E;
	s24 =	sld [smem:$0x3FFE];
	[sflag:s23] =	ssyncadd.s32 $0xFFFFFFFF  }
0xa5: {  	s26 =	simm.s32 $execute0_lowered;
	[smem:$0x3FD2] =	sst s25  }
0xa6: {  	s4 =	sshll.u32 s26, $0x1;
	_ =	strace $0x8000004C;
	[dreg:$0x1] =	wrdreg $0xFFFFFFFF  }
0xa7: {  	s28 =	simm.s32 $_size_execute0_lowered;
	s2 =	sadd.s32 s2, s4;
	[dreg:$0x0] =	wrdreg $0x0  }
0xa8: {  	s4 =	sshll.u32 s28, $0x1;
	[dreg:$0x2] =	wrdreg s2  }
0xa9: {  	[dreg:$0x3] =	wrdreg s4  }
0xaa: {  	[dreg:$0x4] =	wrdreg $0xC0  }
0xab: {  	_ =	task [dreg:s6], $0x5FFFF  }
0xac: {  	[dreg:$0x1] =	wrdreg $0xFFFFFFFF  }
0xad: {  	[dreg:$0x0] =	wrdreg $0x60  }
0xae: {  	[dreg:$0x2] =	wrdreg s24  }
0xaf: {  	[dreg:$0x3] =	wrdreg $0xA8000  }
0xb0: {  	[dreg:$0x4] =	wrdreg $0x9  }
0xb1: {  	_ =	task.clear_ibuf [dreg:s6], $0x5FFFF;
	_ =	strace $0x9000004C  }
0xb2: {  	s29 =	simm.s32 $0x9;
	_ =	strace $0x8000004E  }
0xb3: {  	_ =	swait.ge [sflag:s29], $0x1  }
0xb4: {  	[sflag:s29] =	ssyncadd.s32 $0xFFFFFFFF  }
0xb5: {  	_ =	strace $0x9000004E  }
0xb6: {  	_ =	sfence  }
0xb7: {  	s30 =	sld [smem:$0x0];
	_ =	sdelay $0x2  }
0xb8: {  	s31 =	sshll.u32 s1, $0xD;
	s1 =	sshrl.u32 s1, $0x2  }
0xb9: {  	s3 =	sand.u32 $0x4000, s31;
	s1 =	sadd.s32 s1, s30  }
0xba: {  	s0 =	sor.u32 s3, s0;
	s1 =	sshll.u32 s1, $0x11  }
0xbb: {  	s0 =	sor.u32 s1, s0  }
0xbc: {  	s0 =	sadd.s32 $0x8F2B, s0  }
0xbd: {  	[sflag:s0] =	ssyncadd.remote.s32 $0x1  }
0xbe: {  	_ =	sfence.sel $0xFFFF  }
0xbf: {  	[dreg:$0x0] =	wrdreg $0xFFFFFFFF;
	(pc) =	sbr.abs _section_cstart, $3  }
0xc0: {  	[dreg:$0x1] =	wrdreg $0xFFFFFFFF  }
0xc1: {  	_ =	task.clear_ibuf [dreg:s6], $0x2FFFF;
	_ =	strace $0x9FFFFFFF  }
0xc2: {  	(tm) =	ssettm $0x7FFFFFFF  }
0xc3: {  	_ =	shalt  }
tec
execute0_lowered:
.L_overlay_start_1:
0x0: {  	(tag) =	ssettag $0x1  }
0x1: {  	s0 =	rddreg [dreg:$0x0]  }
0x2: {  	s1 =	rddreg [dreg:$0x1];
	s3 =	simm.s32 $0x0;
	s2 =	srdreg.scid  }
0x3: {  	s22 =	stileid.u32;
	s19 =	simm.s32 $0x1400;
	s20 =	simm.s32 $0x80  }
0x4: {  	s21 =	simm.s32 $0x2800;
	s28 =	simm.s32 $0x2700;
	s29 =	simm.s32 $0x2780  }
0x5: {  	s30 =	simm.s32 $0x0;
	[smem:$0x7FF] =	sst s3;
	s7 =	smul.u32 $0x14000, s22  }
0x6: {  	s5 =	sand.u32 $0x1, s2;
	s4 =	sadd.s32 $0x1AC00, s0;
	s8 =	smul.u32 $0x50000, s22  }
0x7: {  	s13 =	sadd.s32 $0x6AC00, s0;
	s14 =	sadd.s32 $0x4400, s0;
	s10 =	smul.u32 $0x5000, s22  }
0x8: {  	s26 =	sshll.u32 s22, $0x6;
	s22 =	simm.s32 $0x6800;
	s6 =	smul.u32 $0x140000, s5  }
0x9: {  	_ =	strace $0x8000004D;
	s23 =	smul.u32 $0x50000, s5;
	s9 =	ssub.s32 $0x2, s5  }
0xa: {  	s5 =	sadd.s32 $0x18400, s0;
	s24 =	sshrl.u32 s9, $0x1;
	s25 =	sshrl.u32 s8, $0x2  }
0xb: {  	s6 =	sadd.s32 s7, s6;
	s16 =	ssub.s32 s9, s24;
	s7 =	sadd.s32 s10, s23  }
0xc: {  	s17 =	sadd.s32 s25, s1;
	s23 =	simm.s32 $0x1;
	s24 =	simm.s32 $0x2  }
0xd: {  	s25 =	simm.s32 $0x3;
	s6 =	sshrl.u32 s6, $0x3;
	s12 =	sshrl.u32 s7, $0x3  }
0xe: {  	s16 =	smax.u32 s16, $0x1;
	s17 =	sshrl.u32 s17, $0x3;
	s0 =	sadd.s32 s6, s0  }
0xf: {  	s6 =	sor.u32 $0x1C05, s26;
	s7 =	sadd.s32 s13, s12;
	s31 =	sadd.s32 $0x280, s12  }
0x10: {  	s8 =	sadd.s32 s14, s12;
	s15 =	sadd.s32 $0x500, s12;
	s18 =	sadd.s32 $0x780, s12  }
0x11: {  	s26 =	simm.s32 $0x4;
	s9 =	sadd.s32 s13, s31;
	s10 =	sadd.s32 s14, s31  }
0x12: {  	s11 =	sadd.s32 s13, s15;
	s12 =	sadd.s32 s14, s15;
	s13 =	sadd.s32 s13, s18  }
0x13: {  	s14 =	sadd.s32 s14, s18;
	s15 =	sadd.s32 $0x7EC00, s0;
	s18 =	simm.s32 $0x5  }
.LBB2_1:
0x14: {  	[spmem:s17], [sflag:s6] =	dma.local [hbm:s5], $0x2800  }
0x15: {  	_ =	swait.ge [sflag:s18], $0x2800  }
0x16: {  	[sflag:s18] =	ssyncset.done $0x0  }
0x17: {  	[sflag:s18] =	ssyncadd.s32 $0xFFFFD800  }
0x18: {  	[bflag:$0x0] =	sbarrier.arrive $0xFFFF  }
0x19: {  	[tilespmem:s3], [sflag:$0x5] =	stream.linear.gather [hbm4b:s7+s3], $0x1400, $0x38;
	[tilespmem:$0x1E800] =	vst v63  }
0x1a: {  	_ =	swait.ge [sflag:s18], $0x1400  }
0x1b: {  	[sflag:s18] =	ssyncset.done $0x0  }
0x1c: {  	[sflag:s18] =	ssyncadd.s32 $0xFFFFEC00  }
0x1d: {  	[tilespmem:s19], [sflag:$0x5] =	stream.linear.gather [hbm4b:s8+s3], $0x1400, $0x38;
	[tilespmem:$0x1E800] =	vst v63  }
0x1e: {  	_ =	swait.ge [sflag:s18], $0x1400  }
0x1f: {  	[sflag:s18] =	ssyncset.done $0x0  }
0x20: {  	[sflag:s18] =	ssyncadd.s32 $0xFFFFEC00  }
0x21: {  	[tilespmem:s21], [sflag:$0x1] =	stream.indirect.gather [hbm4b:s4+s20], $0x80, s3, s20, $0xb8;
	[tilespmem:$0x1E800] =	vst v63  }
0x22: {  	_ = 	snop  }
0x23: {  	[tilespmem:s22], [sflag:$0x2] =	stream.indirect.gather [hbm4b:s4+s20], $0x80, s20, s20, $0xb8;
	[tilespmem:$0x1E800] =	vst v63  }
0x24: {  	_ =	swait.ge [sflag:s23], $0x4000  }
0x25: {  	[sflag:s23] =	ssyncset.done $0x0  }
0x26: {  	s0 =	simm.s32 $0x1400;
	[sflag:s23] =	ssyncadd.s32 $0xFFFFC000  }
0x27: {  	[spmem:s1] =	stream.indirect.scatter.add.f32 [tilespmem:s21], [sflag:$0x3], $0x80, s0, s20, $0xb8;
	[tilespmem:$0x1E800] =	vst v63  }
0x28: {  	_ =	swait.ge [sflag:s24], $0x4000  }
0x29: {  	[sflag:s24] =	ssyncset.done $0x0  }
0x2a: {  	s2 =	simm.s32 $0x1480;
	[sflag:s24] =	ssyncadd.s32 $0xFFFFC000  }
0x2b: {  	[spmem:s1] =	stream.indirect.scatter.add.f32 [tilespmem:s22], [sflag:$0x4], $0x80, s2, s20, $0xb8;
	[tilespmem:$0x1E800] =	vst v63  }
0x2c: {  	_ =	swait.ge [sflag:s25], $0x4000  }
0x2d: {  	[sflag:s25] =	ssyncset.done $0x0  }
0x2e: {  	s2 =	simm.s32 $0x100;
	[sflag:s25] =	ssyncadd.s32 $0xFFFFC000  }
0x2f: {  	[tilespmem:s21], [sflag:$0x1] =	stream.indirect.gather [hbm4b:s4+s20], $0x80, s2, s20, $0xb8;
	[tilespmem:$0x1E800] =	vst v63  }
0x30: {  	_ =	swait.ge [sflag:s26], $0x4000  }
0x31: {  	[sflag:s26] =	ssyncset.done $0x0  }
0x32: {  	s31 =	simm.s32 $0x400;
	s0 =	simm.s32 $0x180;
	[sflag:s26] =	ssyncadd.s32 $0xFFFFC000  }
.LBB2_2:
0x33: {  	[tilespmem:s22], [sflag:$0x2] =	stream.indirect.gather [hbm4b:s4+s20], $0x80, s0, s20, $0xb8;
	[tilespmem:$0x1E800] =	vst v63  }
0x34: {  	s0 =	smov.u32 s31  }
0x35: {  	p0 =	sne.s32 s31, $0x4800;
	s31 =	sadd.s32 $0x400, s31;
	_ =	swait.ge [sflag:s23], $0x4000  }
0x36: {  	s0 =	sshra.s32 s0, $0x2;
	[sflag:s23] =	ssyncset.done $0x0  }
0x37: {  	s2 =	sadd.s32 $0x1400, s0;
	[sflag:s23] =	ssyncadd.s32 $0xFFFFC000  }
0x38: {  	[spmem:s1] =	stream.indirect.scatter.add.f32 [tilespmem:s21], [sflag:$0x3], $0x80, s2, s20, $0xb8;
	[tilespmem:$0x1E800] =	vst v63  }
0x39: {  	_ =	swait.ge [sflag:s24], $0x4000  }
0x3a: {  	[sflag:s24] =	ssyncset.done $0x0  }
0x3b: {  	s2 =	sadd.s32 $0x1480, s0;
	[sflag:s24] =	ssyncadd.s32 $0xFFFFC000  }
0x3c: {  	[spmem:s1] =	stream.indirect.scatter.add.f32 [tilespmem:s22], [sflag:$0x4], $0x80, s2, s20, $0xb8;
	[tilespmem:$0x1E800] =	vst v63  }
0x3d: {  	_ =	swait.ge [sflag:s25], $0x4000  }
0x3e: {  	[sflag:s25] =	ssyncset.done $0x0  }
.Ltmp0:
0x3f: {  	s2 =	sadd.s32 $0x100, s0;
	[sflag:s25] =	ssyncadd.s32 $0xFFFFC000;
	(pc) =	sbr.rel @p0 .LBB2_2-.Ltmp0, $4  }
0x40: {  	[tilespmem:s21], [sflag:$0x1] =	stream.indirect.gather [hbm4b:s4+s20], $0x80, s2, s20, $0xb8;
	[tilespmem:$0x1E800] =	vst v63  }
0x41: {  	_ =	swait.ge [sflag:s26], $0x4000  }
0x42: {  	[sflag:s26] =	ssyncset.done $0x0  }
0x43: {  	s0 =	sadd.s32 $0x180, s0;
	[sflag:s26] =	ssyncadd.s32 $0xFFFFC000  }
0x44: {  	[tilespmem:s22], [sflag:$0x2] =	stream.indirect.gather [hbm4b:s4+s20], $0x80, s0, s20, $0xb8;
	[tilespmem:$0x1E800] =	vst v63  }
0x45: {  	_ =	swait.ge [sflag:s23], $0x4000  }
0x46: {  	[sflag:s23] =	ssyncset.done $0x0  }
0x47: {  	[sflag:s23] =	ssyncadd.s32 $0xFFFFC000  }
0x48: {  	[spmem:s1] =	stream.indirect.scatter.add.f32 [tilespmem:s21], [sflag:$0x3], $0x80, s28, s20, $0xb8;
	[tilespmem:$0x1E800] =	vst v63  }
0x49: {  	_ =	swait.ge [sflag:s24], $0x4000  }
0x4a: {  	[sflag:s24] =	ssyncset.done $0x0  }
0x4b: {  	[sflag:s24] =	ssyncadd.s32 $0xFFFFC000  }
0x4c: {  	[spmem:s1] =	stream.indirect.scatter.add.f32 [tilespmem:s22], [sflag:$0x4], $0x80, s29, s20, $0xb8;
	[tilespmem:$0x1E800] =	vst v63  }
0x4d: {  	_ =	swait.ge [sflag:s25], $0x4000  }
0x4e: {  	[sflag:s25] =	ssyncset.done $0x0  }
0x4f: {  	[sflag:s25] =	ssyncadd.s32 $0xFFFFC000  }
0x50: {  	_ =	swait.ge [sflag:s26], $0x4000  }
0x51: {  	[sflag:s26] =	ssyncset.done $0x0  }
0x52: {  	s2 =	simm.s32 $0x0;
	[sflag:s26] =	ssyncadd.s32 $0xFFFFC000  }
0x53: {  	[tilespmem:s2], [sflag:$0x5] =	stream.linear.gather [hbm4b:s9+s2], $0x1400, $0x38;
	[tilespmem:$0x1E800] =	vst v63  }
0x54: {  	_ =	swait.ge [sflag:s18], $0x1400  }
0x55: {  	[sflag:s18] =	ssyncset.done $0x0  }
0x56: {  	[sflag:s18] =	ssyncadd.s32 $0xFFFFEC00  }
0x57: {  	[tilespmem:s19], [sflag:$0x5] =	stream.linear.gather [hbm4b:s10+s2], $0x1400, $0x38;
	[tilespmem:$0x1E800] =	vst v63  }
0x58: {  	_ =	swait.ge [sflag:s18], $0x1400  }
0x59: {  	[sflag:s18] =	ssyncset.done $0x0  }
0x5a: {  	[sflag:s18] =	ssyncadd.s32 $0xFFFFEC00  }
0x5b: {  	[tilespmem:s21], [sflag:$0x1] =	stream.indirect.gather [hbm4b:s4+s20], $0x80, s2, s20, $0xb8;
	[tilespmem:$0x1E800] =	vst v63  }
0x5c: {  	_ = 	snop  }
0x5d: {  	[tilespmem:s22], [sflag:$0x2] =	stream.indirect.gather [hbm4b:s4+s20], $0x80, s20, s20, $0xb8;
	[tilespmem:$0x1E800] =	vst v63  }
0x5e: {  	_ =	swait.ge [sflag:s23], $0x4000  }
0x5f: {  	[sflag:s23] =	ssyncset.done $0x0  }
0x60: {  	s2 =	simm.s32 $0x1400;
	[sflag:s23] =	ssyncadd.s32 $0xFFFFC000  }
0x61: {  	[spmem:s1] =	stream.indirect.scatter.add.f32 [tilespmem:s21], [sflag:$0x3], $0x80, s2, s20, $0xb8;
	[tilespmem:$0x1E800] =	vst v63  }
0x62: {  	_ =	swait.ge [sflag:s24], $0x4000  }
0x63: {  	[sflag:s24] =	ssyncset.done $0x0  }
0x64: {  	s2 =	simm.s32 $0x1480;
	[sflag:s24] =	ssyncadd.s32 $0xFFFFC000  }
0x65: {  	[spmem:s1] =	stream.indirect.scatter.add.f32 [tilespmem:s22], [sflag:$0x4], $0x80, s2, s20, $0xb8;
	[tilespmem:$0x1E800] =	vst v63  }
0x66: {  	_ =	swait.ge [sflag:s25], $0x4000  }
0x67: {  	[sflag:s25] =	ssyncset.done $0x0  }
0x68: {  	s2 =	simm.s32 $0x100;
	[sflag:s25] =	ssyncadd.s32 $0xFFFFC000  }
0x69: {  	[tilespmem:s21], [sflag:$0x1] =	stream.indirect.gather [hbm4b:s4+s20], $0x80, s2, s20, $0xb8;
	[tilespmem:$0x1E800] =	vst v63  }
0x6a: {  	_ =	swait.ge [sflag:s26], $0x4000  }
0x6b: {  	[sflag:s26] =	ssyncset.done $0x0  }
0x6c: {  	s31 =	simm.s32 $0x400;
	s0 =	simm.s32 $0x180;
	[sflag:s26] =	ssyncadd.s32 $0xFFFFC000  }
.LBB2_4:
0x6d: {  	[tilespmem:s22], [sflag:$0x2] =	stream.indirect.gather [hbm4b:s4+s20], $0x80, s0, s20, $0xb8;
	[tilespmem:$0x1E800] =	vst v63  }
0x6e: {  	s0 =	smov.u32 s31  }
0x6f: {  	p0 =	sne.s32 s31, $0x4800;
	s31 =	sadd.s32 $0x400, s31;
	_ =	swait.ge [sflag:s23], $0x4000  }
0x70: {  	s0 =	sshra.s32 s0, $0x2;
	[sflag:s23] =	ssyncset.done $0x0  }
0x71: {  	s2 =	sadd.s32 $0x1400, s0;
	[sflag:s23] =	ssyncadd.s32 $0xFFFFC000  }
0x72: {  	[spmem:s1] =	stream.indirect.scatter.add.f32 [tilespmem:s21], [sflag:$0x3], $0x80, s2, s20, $0xb8;
	[tilespmem:$0x1E800] =	vst v63  }
0x73: {  	_ =	swait.ge [sflag:s24], $0x4000  }
0x74: {  	[sflag:s24] =	ssyncset.done $0x0  }
0x75: {  	s2 =	sadd.s32 $0x1480, s0;
	[sflag:s24] =	ssyncadd.s32 $0xFFFFC000  }
0x76: {  	[spmem:s1] =	stream.indirect.scatter.add.f32 [tilespmem:s22], [sflag:$0x4], $0x80, s2, s20, $0xb8;
	[tilespmem:$0x1E800] =	vst v63  }
0x77: {  	_ =	swait.ge [sflag:s25], $0x4000  }
0x78: {  	[sflag:s25] =	ssyncset.done $0x0  }
.Ltmp1:
0x79: {  	s2 =	sadd.s32 $0x100, s0;
	[sflag:s25] =	ssyncadd.s32 $0xFFFFC000;
	(pc) =	sbr.rel @p0 .LBB2_4-.Ltmp1, $4  }
0x7a: {  	[tilespmem:s21], [sflag:$0x1] =	stream.indirect.gather [hbm4b:s4+s20], $0x80, s2, s20, $0xb8;
	[tilespmem:$0x1E800] =	vst v63  }
0x7b: {  	_ =	swait.ge [sflag:s26], $0x4000  }
0x7c: {  	[sflag:s26] =	ssyncset.done $0x0  }
0x7d: {  	s0 =	sadd.s32 $0x180, s0;
	[sflag:s26] =	ssyncadd.s32 $0xFFFFC000  }
0x7e: {  	[tilespmem:s22], [sflag:$0x2] =	stream.indirect.gather [hbm4b:s4+s20], $0x80, s0, s20, $0xb8;
	[tilespmem:$0x1E800] =	vst v63  }
0x7f: {  	_ =	swait.ge [sflag:s23], $0x4000  }
0x80: {  	[sflag:s23] =	ssyncset.done $0x0  }
0x81: {  	[sflag:s23] =	ssyncadd.s32 $0xFFFFC000  }
0x82: {  	[spmem:s1] =	stream.indirect.scatter.add.f32 [tilespmem:s21], [sflag:$0x3], $0x80, s28, s20, $0xb8;
	[tilespmem:$0x1E800] =	vst v63  }
0x83: {  	_ =	swait.ge [sflag:s24], $0x4000  }
0x84: {  	[sflag:s24] =	ssyncset.done $0x0  }
0x85: {  	[sflag:s24] =	ssyncadd.s32 $0xFFFFC000  }
0x86: {  	[spmem:s1] =	stream.indirect.scatter.add.f32 [tilespmem:s22], [sflag:$0x4], $0x80, s29, s20, $0xb8;
	[tilespmem:$0x1E800] =	vst v63  }
0x87: {  	_ =	swait.ge [sflag:s25], $0x4000  }
0x88: {  	[sflag:s25] =	ssyncset.done $0x0  }
0x89: {  	[sflag:s25] =	ssyncadd.s32 $0xFFFFC000  }
0x8a: {  	_ =	swait.ge [sflag:s26], $0x4000  }
0x8b: {  	[sflag:s26] =	ssyncset.done $0x0  }
0x8c: {  	s2 =	simm.s32 $0x0;
	[sflag:s26] =	ssyncadd.s32 $0xFFFFC000  }
0x8d: {  	[tilespmem:s2], [sflag:$0x5] =	stream.linear.gather [hbm4b:s11+s2], $0x1400, $0x38;
	[tilespmem:$0x1E800] =	vst v63  }
0x8e: {  	_ =	swait.ge [sflag:s18], $0x1400  }
0x8f: {  	[sflag:s18] =	ssyncset.done $0x0  }
0x90: {  	[sflag:s18] =	ssyncadd.s32 $0xFFFFEC00  }
0x91: {  	[tilespmem:s19], [sflag:$0x5] =	stream.linear.gather [hbm4b:s12+s2], $0x1400, $0x38;
	[tilespmem:$0x1E800] =	vst v63  }
0x92: {  	_ =	swait.ge [sflag:s18], $0x1400  }
0x93: {  	[sflag:s18] =	ssyncset.done $0x0  }
0x94: {  	[sflag:s18] =	ssyncadd.s32 $0xFFFFEC00  }
0x95: {  	[tilespmem:s21], [sflag:$0x1] =	stream.indirect.gather [hbm4b:s4+s20], $0x80, s2, s20, $0xb8;
	[tilespmem:$0x1E800] =	vst v63  }
0x96: {  	_ = 	snop  }
0x97: {  	[tilespmem:s22], [sflag:$0x2] =	stream.indirect.gather [hbm4b:s4+s20], $0x80, s20, s20, $0xb8;
	[tilespmem:$0x1E800] =	vst v63  }
0x98: {  	_ =	swait.ge [sflag:s23], $0x4000  }
0x99: {  	[sflag:s23] =	ssyncset.done $0x0  }
0x9a: {  	s2 =	simm.s32 $0x1400;
	[sflag:s23] =	ssyncadd.s32 $0xFFFFC000  }
0x9b: {  	[spmem:s1] =	stream.indirect.scatter.add.f32 [tilespmem:s21], [sflag:$0x3], $0x80, s2, s20, $0xb8;
	[tilespmem:$0x1E800] =	vst v63  }
0x9c: {  	_ =	swait.ge [sflag:s24], $0x4000  }
0x9d: {  	[sflag:s24] =	ssyncset.done $0x0  }
0x9e: {  	s2 =	simm.s32 $0x1480;
	[sflag:s24] =	ssyncadd.s32 $0xFFFFC000  }
0x9f: {  	[spmem:s1] =	stream.indirect.scatter.add.f32 [tilespmem:s22], [sflag:$0x4], $0x80, s2, s20, $0xb8;
	[tilespmem:$0x1E800] =	vst v63  }
0xa0: {  	_ =	swait.ge [sflag:s25], $0x4000  }
0xa1: {  	[sflag:s25] =	ssyncset.done $0x0  }
0xa2: {  	s2 =	simm.s32 $0x100;
	[sflag:s25] =	ssyncadd.s32 $0xFFFFC000  }
0xa3: {  	[tilespmem:s21], [sflag:$0x1] =	stream.indirect.gather [hbm4b:s4+s20], $0x80, s2, s20, $0xb8;
	[tilespmem:$0x1E800] =	vst v63  }
0xa4: {  	_ =	swait.ge [sflag:s26], $0x4000  }
0xa5: {  	[sflag:s26] =	ssyncset.done $0x0  }
0xa6: {  	s31 =	simm.s32 $0x400;
	s0 =	simm.s32 $0x180;
	[sflag:s26] =	ssyncadd.s32 $0xFFFFC000  }
.LBB2_6:
0xa7: {  	[tilespmem:s22], [sflag:$0x2] =	stream.indirect.gather [hbm4b:s4+s20], $0x80, s0, s20, $0xb8;
	[tilespmem:$0x1E800] =	vst v63  }
0xa8: {  	s0 =	smov.u32 s31  }
0xa9: {  	p0 =	sne.s32 s31, $0x4800;
	s31 =	sadd.s32 $0x400, s31;
	_ =	swait.ge [sflag:s23], $0x4000  }
0xaa: {  	s0 =	sshra.s32 s0, $0x2;
	[sflag:s23] =	ssyncset.done $0x0  }
0xab: {  	s2 =	sadd.s32 $0x1400, s0;
	[sflag:s23] =	ssyncadd.s32 $0xFFFFC000  }
0xac: {  	[spmem:s1] =	stream.indirect.scatter.add.f32 [tilespmem:s21], [sflag:$0x3], $0x80, s2, s20, $0xb8;
	[tilespmem:$0x1E800] =	vst v63  }
0xad: {  	_ =	swait.ge [sflag:s24], $0x4000  }
0xae: {  	[sflag:s24] =	ssyncset.done $0x0  }
0xaf: {  	s2 =	sadd.s32 $0x1480, s0;
	[sflag:s24] =	ssyncadd.s32 $0xFFFFC000  }
0xb0: {  	[spmem:s1] =	stream.indirect.scatter.add.f32 [tilespmem:s22], [sflag:$0x4], $0x80, s2, s20, $0xb8;
	[tilespmem:$0x1E800] =	vst v63  }
0xb1: {  	_ =	swait.ge [sflag:s25], $0x4000  }
0xb2: {  	[sflag:s25] =	ssyncset.done $0x0  }
.Ltmp2:
0xb3: {  	s2 =	sadd.s32 $0x100, s0;
	[sflag:s25] =	ssyncadd.s32 $0xFFFFC000;
	(pc) =	sbr.rel @p0 .LBB2_6-.Ltmp2, $4  }
0xb4: {  	[tilespmem:s21], [sflag:$0x1] =	stream.indirect.gather [hbm4b:s4+s20], $0x80, s2, s20, $0xb8;
	[tilespmem:$0x1E800] =	vst v63  }
0xb5: {  	_ =	swait.ge [sflag:s26], $0x4000  }
0xb6: {  	[sflag:s26] =	ssyncset.done $0x0  }
0xb7: {  	s0 =	sadd.s32 $0x180, s0;
	[sflag:s26] =	ssyncadd.s32 $0xFFFFC000  }
0xb8: {  	[tilespmem:s22], [sflag:$0x2] =	stream.indirect.gather [hbm4b:s4+s20], $0x80, s0, s20, $0xb8;
	[tilespmem:$0x1E800] =	vst v63  }
0xb9: {  	_ =	swait.ge [sflag:s23], $0x4000  }
0xba: {  	[sflag:s23] =	ssyncset.done $0x0  }
0xbb: {  	[sflag:s23] =	ssyncadd.s32 $0xFFFFC000  }
0xbc: {  	[spmem:s1] =	stream.indirect.scatter.add.f32 [tilespmem:s21], [sflag:$0x3], $0x80, s28, s20, $0xb8;
	[tilespmem:$0x1E800] =	vst v63  }
0xbd: {  	_ =	swait.ge [sflag:s24], $0x4000  }
0xbe: {  	[sflag:s24] =	ssyncset.done $0x0  }
0xbf: {  	[sflag:s24] =	ssyncadd.s32 $0xFFFFC000  }
0xc0: {  	[spmem:s1] =	stream.indirect.scatter.add.f32 [tilespmem:s22], [sflag:$0x4], $0x80, s29, s20, $0xb8;
	[tilespmem:$0x1E800] =	vst v63  }
0xc1: {  	_ =	swait.ge [sflag:s25], $0x4000  }
0xc2: {  	[sflag:s25] =	ssyncset.done $0x0  }
0xc3: {  	[sflag:s25] =	ssyncadd.s32 $0xFFFFC000  }
0xc4: {  	_ =	swait.ge [sflag:s26], $0x4000  }
0xc5: {  	[sflag:s26] =	ssyncset.done $0x0  }
0xc6: {  	s2 =	simm.s32 $0x0;
	[sflag:s26] =	ssyncadd.s32 $0xFFFFC000  }
0xc7: {  	[tilespmem:s2], [sflag:$0x5] =	stream.linear.gather [hbm4b:s13+s2], $0x1400, $0x38;
	[tilespmem:$0x1E800] =	vst v63  }
0xc8: {  	_ =	swait.ge [sflag:s18], $0x1400  }
0xc9: {  	[sflag:s18] =	ssyncset.done $0x0  }
0xca: {  	[sflag:s18] =	ssyncadd.s32 $0xFFFFEC00  }
0xcb: {  	[tilespmem:s19], [sflag:$0x5] =	stream.linear.gather [hbm4b:s14+s2], $0x1400, $0x38;
	[tilespmem:$0x1E800] =	vst v63  }
0xcc: {  	_ =	swait.ge [sflag:s18], $0x1400  }
0xcd: {  	[sflag:s18] =	ssyncset.done $0x0  }
0xce: {  	[sflag:s18] =	ssyncadd.s32 $0xFFFFEC00  }
0xcf: {  	[tilespmem:s21], [sflag:$0x1] =	stream.indirect.gather [hbm4b:s4+s20], $0x80, s2, s20, $0xb8;
	[tilespmem:$0x1E800] =	vst v63  }
0xd0: {  	_ = 	snop  }
0xd1: {  	[tilespmem:s22], [sflag:$0x2] =	stream.indirect.gather [hbm4b:s4+s20], $0x80, s20, s20, $0xb8;
	[tilespmem:$0x1E800] =	vst v63  }
0xd2: {  	_ =	swait.ge [sflag:s23], $0x4000  }
0xd3: {  	[sflag:s23] =	ssyncset.done $0x0  }
0xd4: {  	s2 =	simm.s32 $0x1400;
	[sflag:s23] =	ssyncadd.s32 $0xFFFFC000  }
0xd5: {  	[spmem:s1] =	stream.indirect.scatter.add.f32 [tilespmem:s21], [sflag:$0x3], $0x80, s2, s20, $0xb8;
	[tilespmem:$0x1E800] =	vst v63  }
0xd6: {  	_ =	swait.ge [sflag:s24], $0x4000  }
0xd7: {  	[sflag:s24] =	ssyncset.done $0x0  }
0xd8: {  	s2 =	simm.s32 $0x1480;
	[sflag:s24] =	ssyncadd.s32 $0xFFFFC000  }
0xd9: {  	[spmem:s1] =	stream.indirect.scatter.add.f32 [tilespmem:s22], [sflag:$0x4], $0x80, s2, s20, $0xb8;
	[tilespmem:$0x1E800] =	vst v63  }
0xda: {  	_ =	swait.ge [sflag:s25], $0x4000  }
0xdb: {  	[sflag:s25] =	ssyncset.done $0x0  }
0xdc: {  	s2 =	simm.s32 $0x100;
	[sflag:s25] =	ssyncadd.s32 $0xFFFFC000  }
0xdd: {  	[tilespmem:s21], [sflag:$0x1] =	stream.indirect.gather [hbm4b:s4+s20], $0x80, s2, s20, $0xb8;
	[tilespmem:$0x1E800] =	vst v63  }
0xde: {  	_ =	swait.ge [sflag:s26], $0x4000  }
0xdf: {  	[sflag:s26] =	ssyncset.done $0x0  }
0xe0: {  	s31 =	simm.s32 $0x400;
	s0 =	simm.s32 $0x180;
	[sflag:s26] =	ssyncadd.s32 $0xFFFFC000  }
.LBB2_8:
0xe1: {  	[tilespmem:s22], [sflag:$0x2] =	stream.indirect.gather [hbm4b:s4+s20], $0x80, s0, s20, $0xb8;
	[tilespmem:$0x1E800] =	vst v63  }
0xe2: {  	s0 =	smov.u32 s31  }
0xe3: {  	p0 =	sne.s32 s31, $0x4800;
	s31 =	sadd.s32 $0x400, s31;
	_ =	swait.ge [sflag:s23], $0x4000  }
0xe4: {  	s0 =	sshra.s32 s0, $0x2;
	[sflag:s23] =	ssyncset.done $0x0  }
0xe5: {  	s2 =	sadd.s32 $0x1400, s0;
	[sflag:s23] =	ssyncadd.s32 $0xFFFFC000  }
0xe6: {  	[spmem:s1] =	stream.indirect.scatter.add.f32 [tilespmem:s21], [sflag:$0x3], $0x80, s2, s20, $0xb8;
	[tilespmem:$0x1E800] =	vst v63  }
0xe7: {  	_ =	swait.ge [sflag:s24], $0x4000  }
0xe8: {  	[sflag:s24] =	ssyncset.done $0x0  }
0xe9: {  	s2 =	sadd.s32 $0x1480, s0;
	[sflag:s24] =	ssyncadd.s32 $0xFFFFC000  }
0xea: {  	[spmem:s1] =	stream.indirect.scatter.add.f32 [tilespmem:s22], [sflag:$0x4], $0x80, s2, s20, $0xb8;
	[tilespmem:$0x1E800] =	vst v63  }
0xeb: {  	_ =	swait.ge [sflag:s25], $0x4000  }
0xec: {  	[sflag:s25] =	ssyncset.done $0x0  }
.Ltmp3:
0xed: {  	s2 =	sadd.s32 $0x100, s0;
	[sflag:s25] =	ssyncadd.s32 $0xFFFFC000;
	(pc) =	sbr.rel @p0 .LBB2_8-.Ltmp3, $4  }
0xee: {  	[tilespmem:s21], [sflag:$0x1] =	stream.indirect.gather [hbm4b:s4+s20], $0x80, s2, s20, $0xb8;
	[tilespmem:$0x1E800] =	vst v63  }
0xef: {  	_ =	swait.ge [sflag:s26], $0x4000  }
0xf0: {  	[sflag:s26] =	ssyncset.done $0x0  }
0xf1: {  	s0 =	sadd.s32 $0x180, s0;
	[sflag:s26] =	ssyncadd.s32 $0xFFFFC000  }
0xf2: {  	[tilespmem:s22], [sflag:$0x2] =	stream.indirect.gather [hbm4b:s4+s20], $0x80, s0, s20, $0xb8;
	[tilespmem:$0x1E800] =	vst v63  }
0xf3: {  	_ =	swait.ge [sflag:s23], $0x4000  }
0xf4: {  	[sflag:s23] =	ssyncset.done $0x0  }
0xf5: {  	[sflag:s23] =	ssyncadd.s32 $0xFFFFC000  }
0xf6: {  	[spmem:s1] =	stream.indirect.scatter.add.f32 [tilespmem:s21], [sflag:$0x3], $0x80, s28, s20, $0xb8;
	[tilespmem:$0x1E800] =	vst v63  }
0xf7: {  	_ =	swait.ge [sflag:s24], $0x4000  }
0xf8: {  	[sflag:s24] =	ssyncset.done $0x0  }
0xf9: {  	[sflag:s24] =	ssyncadd.s32 $0xFFFFC000  }
0xfa: {  	[spmem:s1] =	stream.indirect.scatter.add.f32 [tilespmem:s22], [sflag:$0x4], $0x80, s29, s20, $0xb8;
	[tilespmem:$0x1E800] =	vst v63  }
0xfb: {  	_ =	swait.ge [sflag:s25], $0x4000  }
0xfc: {  	[sflag:s25] =	ssyncset.done $0x0  }
0xfd: {  	[sflag:s25] =	ssyncadd.s32 $0xFFFFC000  }
0xfe: {  	_ =	swait.ge [sflag:s26], $0x4000  }
0xff: {  	s30 =	sadd.s32 $0x1, s30;
	[sflag:s26] =	ssyncset.done $0x0  }
0x100: {  	p0 =	sne.s32 s30, s16;
	[sflag:s26] =	ssyncadd.s32 $0xFFFFC000  }
.Ltmp4:
0x101: {  	[bflag:$0x0] =	sbarrier.arrive $0xFFFF;
	(pc) =	sbr.rel @p0 .LBB2_1-.Ltmp4, $4  }
0x102: {  	[hbm:s15], [sflag:s6] =	dma.local [spmem:s17], $0x2800  }
0x103: {  	_ =	swait.ge [sflag:s18], $0x2800  }
0x104: {  	[sflag:s18] =	ssyncset.done $0x0  }
0x105: {  	[sflag:s18] =	ssyncadd.s32 $0xFFFFD800  }
0x106: {  	_ =	sfence.sel $0x180000  }
0x107: {  	[bflag:$0x0] =	sbarrier.arrive $0xFFFF  }
0x108: {  	_ =	strace $0x9000004D  }
0x109: {  	s0 =	stileid.u32;
	[bflag:$0x2] =	sbarrier.arrive $0xFFFF  }
0x10a: {  	p0 =	sne.s32 s0, $0x0;
	s0 =	rddreg [dreg:$0x2]  }
0x10b: {  	s0 =	sadd.s32 @!p0 $0x100000, s0  }
0x10c: {  	[sflag:s0] =	ssyncadd.tile.s32 @!p0 $0x1;
	_ =	shalt  }
.Lfunc_end2:
_tile_overlayer_lowered:
.L_overlay_start_2:
0x10d: {  	(tag) =	ssettag $0x2  }
0x10e: {  	s0 =	rddreg [dreg:$0x0];
	s2 =	stileid.u32  }
0x10f: {  	s1 =	rddreg [dreg:$0x1];
	p0 =	sne.s32 s2, $0x0  }
0x110: {  	s3 =	rddreg [dreg:$0x2];
	[bflag:$0x3] =	sbarrier.arrive $0xFFFF;
	s2 =	simm.s32 @!p0 $0x1C05  }
0x111: {  	[timem:s3], [sflag:s2] =	dma.local @!p0 [hbm:s0], s1  }
0x112: {  	s0 =	simm.s32 @!p0 $0x5  }
0x113: {  	_ =	swait.ge @!p0 [sflag:s0], s1  }
0x114: {  	s1 =	ssub.s32 @!p0 $0x0, s1;
	[sflag:s0] =	ssyncset.done @!p0 $0x0  }
0x115: {  	[sflag:s0] =	ssyncadd.s32 @!p0 s1  }
0x116: {  	[bflag:$0x3] =	sbarrier.arrive $0xFFFF  }
0x117: {  	_ =	shalt  }

// kernel: kernel.8.cloned.1.call-start
scs
__scs_entry_jumppad:
0x0: {  	(pc) =	sbr.rel $0x88, $3  }
0x1: {  	(tag) =	ssettag $0x0;
	lr =	simm.s32 $0x1  }
0x2: {  	[smem:$0x3F93] =	sst lr;
	_ =	strace $0xD0000000  }
0x3: {  	_ = 	snop  }
0x4: {  	_ = 	snop  }
0x5: {  	_ = 	snop  }
0x6: {  	_ = 	snop  }
0x7: {  	_ = 	snop  }
__scs_overlays_trampoline_lowered:
0x8: {  	[smem:$0x3FA2] =	sst s0  }
0x9: {  	[smem:$0x3FA3] =	sst s1  }
0xa: {  	[smem:$0x3FA4] =	sst s2  }
0xb: {  	[smem:$0x3FA5] =	sst s3  }
0xc: {  	[smem:$0x3FA6] =	sst s4  }
0xd: {  	[smem:$0x3FA7] =	sst s5  }
0xe: {  	[smem:$0x3FA8] =	sst s6  }
0xf: {  	[smem:$0x3FA9] =	sst s7  }
0x10: {  	[smem:$0x3FAA] =	sst s8  }
0x11: {  	[smem:$0x3FAB] =	sst s9;
	s0 =	simm.s32 @!p0 $0x0  }
0x12: {  	s1 =	sld [smem:$0x3F91];
	s0 =	simm.s32 @p0 $0x1  }
0x13: {  	[smem:$0x3FAC] =	sst s0;
	s0 =	simm.s32 @!p1 $0x0  }
0x14: {  	s2 =	sld [smem:$0x3F90];
	s0 =	simm.s32 @p1 $0x1  }
0x15: {  	[smem:$0x3FAD] =	sst s0;
	s0 =	simm.s32 @!p2 $0x0  }
0x16: {  	s3 =	sld [smem:$0x3FDB];
	s0 =	simm.s32 @p2 $0x1  }
0x17: {  	s4 =	simm.s32 $0x1BF5;
	[smem:$0x3FAF] =	sst s0  }
0x18: {  	s0 =	sld [smem:$0x3F92];
	_ =	swait.ge [sflag:s4], $0x0  }
0x19: {  	s7 =	sld [smem:$0x3F93]  }
0x1a: {  	s8 =	sadd.s32 $0xFFFFE003, lr  }
0x1b: {  	s9 =	sadd.s32 $0xFFFFFEF7, lr;
	s5 =	simm.s32 $0xFFFFFFFF;
	p2 =	slt.u32 s8, $0xFFFFF086  }
0x1c: {  	p1 =	slt.u32 s9, $0xF7A;
	s5 =	simm.s32 @!p2 $0x0  }
0x1d: {  	s5 =	simm.s32 @p1 $0x1;
	p0 =	seq.s32 s7, s2  }
0x1e: {  	s7 =	smul.u32 @!p0 $0xF7A, s2;
	p2 =	seq.s32 @!p0 s5, $0x0  }
0x1f: {  	s9 =	smul.u32 $0xF7A, s1;
	s8 =	simm.s32 @!p0 $0x1BF5;
	p2 =	por !p2, p0  }
0x20: {  	[sflag:s8] =	ssyncset.s32 @!p0 $0xFFFFF086;
	s6 =	sadd.s32 @!p0 s3, s7;
	s7 =	simm.s32 @!p0 $0x108  }
0x21: {  	s3 =	sadd.s32 s3, s9;
	s6 =	sadd.s32 @!p0 $0x88, s6;
	s7 =	simm.s32 @p2 $0x1082  }
0x22: {  	[simem:s7], [sflag:s8] =	dma.local @!p0 [hbm:s6], $0xF7A  }
0x23: {  	s9 =	sor.u32 $0xD0000000, s2;
	s6 =	simm.s32 $0x108;
	_ =	swait.ge @!p0 [sflag:s8], $0x0  }
0x24: {  	s3 =	sadd.s32 $0x88, s3;
	s6 =	simm.s32 @!p1 $0x1082;
	[sflag:s4] =	ssyncset.s32 $0xFFFFF086  }
0x25: {  	[simem:s6], [sflag:s4] =	dma.local [hbm:s3], $0xF7A  }
0x26: {  	[smem:$0x3F93] =	sst s1;
	(tag) =	ssettag s2;
	_ =	strace s9  }
0x27: {  	s1 =	sld [smem:$0x3FA3]  }
0x28: {  	s2 =	sld [smem:$0x3FA4]  }
0x29: {  	s4 =	sld [smem:$0x3FA6]  }
0x2a: {  	p0 =	seq.s32 s5, $0x0;
	s5 =	sld [smem:$0x3FA7]  }
0x2b: {  	s6 =	sld [smem:$0x3FA8]  }
0x2c: {  	s7 =	sld [smem:$0x3FA9]  }
0x2d: {  	s3 =	simm.s32 $0x108;
	s8 =	sld [smem:$0x3FAA]  }
0x2e: {  	s3 =	simm.s32 @!p0 $0x1082;
	s9 =	sld [smem:$0x3FAB]  }
0x2f: {  	lr =	sadd.s32 s0, s3;
	s0 =	sld [smem:$0x3FA2]  }
0x30: {  	s3 =	sld [smem:$0x3FA5]  }
0x31: {  	[smem:$0x3FAE] =	sst s10  }
0x32: {  	s10 =	sld [smem:$0x3FAC];
	_ =	sdelay $0x3  }
0x33: {  	p0 =	seq.s32 s10, $0x1;
	s10 =	sld [smem:$0x3FAE];
	_ =	sdelay $0x3  }
0x34: {  	[smem:$0x3FAE] =	sst s10  }
0x35: {  	s10 =	sld [smem:$0x3FAD];
	_ =	sdelay $0x3  }
0x36: {  	p1 =	seq.s32 s10, $0x1;
	s10 =	sld [smem:$0x3FAE];
	_ =	sdelay $0x3  }
0x37: {  	[smem:$0x3FAE] =	sst s10  }
0x38: {  	s10 =	sld [smem:$0x3FAF]  }
0x39: {  	_ = 	snop;
	(pc) =	sbr.ind lr, $3  }
0x3a: {  	_ = 	snop  }
0x3b: {  	_ = 	snop  }
0x3c: {  	p2 =	seq.s32 s10, $0x1;
	s10 =	sld [smem:$0x3FAE]  }
0x3d: {  	_ =	shalt  }
0x3e: {  	_ =	shalt  }
0x3f: {  	_ =	shalt  }
0x40: {  	_ =	shalt  }
0x41: {  	_ =	shalt  }
0x42: {  	_ =	shalt  }
0x43: {  	_ =	shalt  }
0x44: {  	_ =	shalt  }
0x45: {  	_ =	shalt  }
0x46: {  	_ =	shalt  }
0x47: {  	_ =	shalt  }
0x48: {  	_ =	shalt  }
0x49: {  	_ =	shalt  }
0x4a: {  	_ =	shalt  }
0x4b: {  	_ =	shalt  }
0x4c: {  	_ =	shalt  }
0x4d: {  	_ =	shalt  }
0x4e: {  	_ =	shalt  }
0x4f: {  	_ =	shalt  }
0x50: {  	_ =	shalt  }
0x51: {  	_ =	shalt  }
0x52: {  	_ =	shalt  }
0x53: {  	_ =	shalt  }
0x54: {  	_ =	shalt  }
0x55: {  	_ =	shalt  }
0x56: {  	_ =	shalt  }
0x57: {  	_ =	shalt  }
0x58: {  	_ =	shalt  }
0x59: {  	_ =	shalt  }
0x5a: {  	_ =	shalt  }
0x5b: {  	_ =	shalt  }
0x5c: {  	_ =	shalt  }
0x5d: {  	_ =	shalt  }
0x5e: {  	_ =	shalt  }
0x5f: {  	_ =	shalt  }
0x60: {  	_ =	shalt  }
0x61: {  	_ =	shalt  }
0x62: {  	_ =	shalt  }
0x63: {  	_ =	shalt  }
0x64: {  	_ =	shalt  }
0x65: {  	_ =	shalt  }
0x66: {  	_ =	shalt  }
0x67: {  	_ =	shalt  }
0x68: {  	_ =	shalt  }
0x69: {  	_ =	shalt  }
0x6a: {  	_ =	shalt  }
0x6b: {  	_ =	shalt  }
0x6c: {  	_ =	shalt  }
0x6d: {  	_ =	shalt  }
0x6e: {  	_ =	shalt  }
0x6f: {  	_ =	shalt  }
0x70: {  	_ =	shalt  }
0x71: {  	_ =	shalt  }
0x72: {  	_ =	shalt  }
0x73: {  	_ =	shalt  }
0x74: {  	_ =	shalt  }
0x75: {  	_ =	shalt  }
0x76: {  	_ =	shalt  }
0x77: {  	_ =	shalt  }
0x78: {  	_ =	shalt  }
0x79: {  	_ =	shalt  }
0x7a: {  	_ =	shalt  }
0x7b: {  	_ =	shalt  }
0x7c: {  	_ =	shalt  }
0x7d: {  	_ =	shalt  }
0x7e: {  	_ =	shalt  }
0x7f: {  	_ =	shalt  }
0x80: {  	_ =	shalt  }
0x81: {  	_ =	shalt  }
0x82: {  	_ =	shalt  }
0x83: {  	_ =	shalt  }
0x84: {  	_ =	shalt  }
0x85: {  	_ =	shalt  }
0x86: {  	_ =	shalt  }
0x87: {  	_ =	shalt  }
.Lfunc_end0:
.L_simem_size_0:
called_computation_lowered:
.L_overlay_start_0:
0x88: {  	s2 =	sld [smem:$0x3FD9]  }
0x89: {  	s3 =	sld [smem:$0x3FFE];
	_ =	sdelay $0x1  }
0x8a: {  	s1 =	srdreg.scid  }
0x8b: {  	s0 =	sand.u32 $0x1, s1  }
0x8c: {  	s17 =	sshll.u32 s0, $0xA;
	s2 =	sadd.s32 s3, s2  }
0x8d: {  	s2 =	sadd.s32 s2, s17  }
0x8e: {  	[smem:$0x3FBA] =	sst s2  }
0x8f: {  	_ = 	snop  }
0x90: {  	s2 =	sld [smem:$0x3FC9];
	(tm) =	ssettm $0x1  }
0x91: {  	s18 =	sld [smem:$0x3FFB];
	_ =	sdelay $0x3  }
0x92: {  	_ =	strace s18  }
0x93: {  	s3 =	sld [smem:$0x3FFC];
	_ =	sdelay $0x3  }
0x94: {  	_ =	strace s3  }
0x95: {  	s3 =	sld [smem:$0x3FFD];
	_ =	sdelay $0x3  }
0x96: {  	_ =	strace s3  }
0x97: {  	_ =	strace $0x8FFFFFFF  }
0x98: {  	s19 =	sld [smem:$0x3FDB];
	_ =	sdelay $0x1  }
0x99: {  	s4 =	simm.s32 $_scs_section_size  }
0x9a: {  	s5 =	simm.s32 $_size__tile_overlayer_lowered;
	s6 =	simm.s32 $_tile_overlayer_lowered  }
0x9b: {  	s22 =	simm.s32 $0x1BFF;
	s21 =	sshll.u32 s6, $0x1;
	s3 =	sadd.s32 s4, s19  }
0x9c: {  	s7 =	simm.s32 $0x0;
	s20 =	sshll.u32 s5, $0x1;
	s5 =	sadd.s32 s21, s3  }
0x9d: {  	[timem:s7], [sflag:s22] =	dma.local [hbm:s5], s20  }
0x9e: {  	_ =	swait.ge [sflag:s22], s20  }
0x9f: {  	s4 =	ssub.s32 $0x0, s20;
	[sflag:s22] =	ssyncset.done $0x0  }
0xa0: {  	[sflag:s22] =	ssyncadd.s32 s4;
	_ =	sdelay $0x1  }
0xa1: {  	s23 =	simm.s32 $0x1B8B  }
0xa2: {  	_ =	swait.ge [sflag:s23], $0x1  }
0xa3: {  	[sflag:s23] =	ssyncset.done $0x0  }
0xa4: {  	s25 =	simm.s32 $0x1B8E;
	s24 =	sld [smem:$0x3FFE];
	[sflag:s23] =	ssyncadd.s32 $0xFFFFFFFF  }
0xa5: {  	s26 =	simm.s32 $execute0_lowered;
	[smem:$0x3FD2] =	sst s25  }
0xa6: {  	s5 =	sshll.u32 s26, $0x1;
	_ =	strace $0x80000046;
	[dreg:$0x1] =	wrdreg $0xFFFFFFFF  }
0xa7: {  	s28 =	simm.s32 $_size_execute0_lowered;
	s3 =	sadd.s32 s3, s5;
	[dreg:$0x0] =	wrdreg $0x0  }
0xa8: {  	s5 =	sshll.u32 s28, $0x1;
	[dreg:$0x2] =	wrdreg s3  }
0xa9: {  	[dreg:$0x3] =	wrdreg s5  }
0xaa: {  	[dreg:$0x4] =	wrdreg $0xC0  }
0xab: {  	_ =	task [dreg:s7], $0x5FFFF  }
0xac: {  	[dreg:$0x1] =	wrdreg $0xFFFFFFFF  }
0xad: {  	[dreg:$0x0] =	wrdreg $0x60  }
0xae: {  	[dreg:$0x2] =	wrdreg s2  }
0xaf: {  	[dreg:$0x3] =	wrdreg s24  }
0xb0: {  	[dreg:$0x4] =	wrdreg $0xA8000  }
0xb1: {  	[dreg:$0x5] =	wrdreg $0x9  }
0xb2: {  	_ =	task.clear_ibuf [dreg:s7], $0x6FFFF;
	_ =	strace $0x90000046  }
0xb3: {  	s29 =	simm.s32 $0x9;
	_ =	strace $0x80000048  }
0xb4: {  	_ =	swait.ge [sflag:s29], $0x1  }
0xb5: {  	[sflag:s29] =	ssyncadd.s32 $0xFFFFFFFF  }
0xb6: {  	_ =	strace $0x90000048  }
0xb7: {  	_ =	sfence  }
0xb8: {  	s30 =	sld [smem:$0x0];
	_ =	sdelay $0x2  }
0xb9: {  	s31 =	sshll.u32 s1, $0xD;
	s1 =	sshrl.u32 s1, $0x2  }
0xba: {  	s3 =	sand.u32 $0x4000, s31;
	s1 =	sadd.s32 s1, s30  }
0xbb: {  	s0 =	sor.u32 s3, s0;
	s1 =	sshll.u32 s1, $0x11  }
0xbc: {  	s0 =	sor.u32 s1, s0  }
0xbd: {  	s0 =	sadd.s32 $0x8F2B, s0  }
0xbe: {  	[sflag:s0] =	ssyncadd.remote.s32 $0x1  }
0xbf: {  	_ =	sfence.sel $0xFFFF  }
0xc0: {  	[dreg:$0x0] =	wrdreg $0xFFFFFFFF;
	(pc) =	sbr.abs _section_cstart, $3  }
0xc1: {  	[dreg:$0x1] =	wrdreg $0xFFFFFFFF  }
0xc2: {  	_ =	task.clear_ibuf [dreg:s7], $0x2FFFF;
	_ =	strace $0x9FFFFFFF  }
0xc3: {  	(tm) =	ssettm $0x7FFFFFFF  }
tec
execute0_lowered:
.L_overlay_start_1:
0x0: {  	(tag) =	ssettag $0x1  }
0x1: {  	s1 =	rddreg [dreg:$0x0]  }
0x2: {  	s6 =	rddreg [dreg:$0x1]  }
0x3: {  	s2 =	rddreg [dreg:$0x2]  }
0x4: {  	s3 =	srdreg.scid;
	s0 =	rddreg [dreg:$0x3]  }
0x5: {  	s4 =	simm.s32 $0x0;
	s15 =	simm.s32 $0x1400;
	s16 =	simm.s32 $0x80  }
0x6: {  	s17 =	simm.s32 $0x2800;
	s18 =	simm.s32 $0x6800;
	s19 =	simm.s32 $0x1  }
0x7: {  	s20 =	simm.s32 $0x2;
	s21 =	simm.s32 $0x3;
	s5 =	sand.u32 $0x1, s3  }
0x8: {  	s22 =	simm.s32 $0x4;
	s3 =	stileid.u32;
	s7 =	smul.u32 $0x140000, s5  }
0x9: {  	s23 =	simm.s32 $0x2700;
	[smem:$0x7FF] =	sst s4;
	s8 =	smul.u32 $0x14000, s3  }
0xa: {  	s9 =	sadd.s32 $0x4400, s6;
	s11 =	sadd.s32 $0xE400, s6;
	s10 =	smul.u32 $0x50000, s3  }
0xb: {  	_ =	strace $0x80000047;
	s24 =	smul.u32 $0x28000, s5;
	s12 =	ssub.s32 $0x2, s5  }
0xc: {  	s13 =	smul.u32 $0x2800, s3;
	s5 =	sadd.s32 $0x18400, s6;
	s25 =	sshrl.u32 s12, $0x1  }
0xd: {  	s30 =	sshll.u32 s3, $0x6;
	s7 =	sadd.s32 s8, s7;
	s12 =	ssub.s32 s12, s25  }
0xe: {  	s26 =	sshrl.u32 s10, $0x2;
	s28 =	sadd.s32 s13, s24;
	s24 =	simm.s32 $0x2780  }
0xf: {  	s25 =	simm.s32 $0x0;
	s7 =	sshrl.u32 s7, $0x3;
	s29 =	sadd.s32 s26, s2  }
0x10: {  	s8 =	sshrl.u32 s28, $0x3;
	s12 =	smax.u32 s12, $0x1;
	s14 =	sadd.s32 s7, s6  }
0x11: {  	s6 =	sor.u32 $0x1C05, s30;
	s7 =	sadd.s32 s9, s8;
	s31 =	sadd.s32 $0x280, s8  }
0x12: {  	s8 =	sadd.s32 s11, s8;
	s13 =	sshrl.u32 s29, $0x3;
	s9 =	sadd.s32 s9, s31  }
0x13: {  	s10 =	sadd.s32 s11, s31;
	s11 =	sadd.s32 $0x1AC00, s14;
	s14 =	simm.s32 $0x5  }
.LBB2_1:
0x14: {  	[spmem:s13], [sflag:s6] =	dma.local [hbm:s5], $0x2800  }
0x15: {  	_ =	swait.ge [sflag:s14], $0x2800  }
0x16: {  	[sflag:s14] =	ssyncset.done $0x0  }
0x17: {  	[sflag:s14] =	ssyncadd.s32 $0xFFFFD800  }
0x18: {  	[bflag:$0x0] =	sbarrier.arrive $0xFFFF  }
0x19: {  	[tilespmem:s4], [sflag:$0x5] =	stream.linear.gather [hbm4b:s7+s4], $0x1400, $0x38;
	[tilespmem:$0x1E800] =	vst v63  }
0x1a: {  	_ =	swait.ge [sflag:s14], $0x1400  }
0x1b: {  	[sflag:s14] =	ssyncset.done $0x0  }
0x1c: {  	[sflag:s14] =	ssyncadd.s32 $0xFFFFEC00  }
0x1d: {  	[tilespmem:s15], [sflag:$0x5] =	stream.linear.gather [hbm4b:s8+s4], $0x1400, $0x38;
	[tilespmem:$0x1E800] =	vst v63  }
0x1e: {  	_ =	swait.ge [sflag:s14], $0x1400  }
0x1f: {  	[sflag:s14] =	ssyncset.done $0x0  }
0x20: {  	[sflag:s14] =	ssyncadd.s32 $0xFFFFEC00  }
0x21: {  	[tilespmem:s17], [sflag:$0x1] =	stream.indirect.gather [hbm4b:s1+s16], $0x80, s4, s16, $0xb8;
	[tilespmem:$0x1E800] =	vst v63  }
0x22: {  	_ = 	snop  }
0x23: {  	[tilespmem:s18], [sflag:$0x2] =	stream.indirect.gather [hbm4b:s1+s16], $0x80, s16, s16, $0xb8;
	[tilespmem:$0x1E800] =	vst v63  }
0x24: {  	_ =	swait.ge [sflag:s19], $0x4000  }
0x25: {  	[sflag:s19] =	ssyncset.done $0x0  }
0x26: {  	s26 =	simm.s32 $0x1400;
	[sflag:s19] =	ssyncadd.s32 $0xFFFFC000  }
0x27: {  	[spmem:s2] =	stream.indirect.scatter.add.f32 [tilespmem:s17], [sflag:$0x3], $0x80, s26, s16, $0xb8;
	[tilespmem:$0x1E800] =	vst v63  }
0x28: {  	_ =	swait.ge [sflag:s20], $0x4000  }
0x29: {  	[sflag:s20] =	ssyncset.done $0x0  }
0x2a: {  	s30 =	simm.s32 $0x1480;
	[sflag:s20] =	ssyncadd.s32 $0xFFFFC000  }
0x2b: {  	[spmem:s2] =	stream.indirect.scatter.add.f32 [tilespmem:s18], [sflag:$0x4], $0x80, s30, s16, $0xb8;
	[tilespmem:$0x1E800] =	vst v63  }
0x2c: {  	_ =	swait.ge [sflag:s21], $0x4000  }
0x2d: {  	[sflag:s21] =	ssyncset.done $0x0  }
0x2e: {  	s31 =	simm.s32 $0x100;
	[sflag:s21] =	ssyncadd.s32 $0xFFFFC000  }
0x2f: {  	[tilespmem:s17], [sflag:$0x1] =	stream.indirect.gather [hbm4b:s1+s16], $0x80, s31, s16, $0xb8;
	[tilespmem:$0x1E800] =	vst v63  }
0x30: {  	_ =	swait.ge [sflag:s22], $0x4000  }
0x31: {  	[sflag:s22] =	ssyncset.done $0x0  }
0x32: {  	s28 =	simm.s32 $0x180;
	s26 =	simm.s32 $0x400;
	[sflag:s22] =	ssyncadd.s32 $0xFFFFC000  }
.LBB2_2:
0x33: {  	[tilespmem:s18], [sflag:$0x2] =	stream.indirect.gather [hbm4b:s1+s16], $0x80, s28, s16, $0xb8;
	[tilespmem:$0x1E800] =	vst v63  }
0x34: {  	s28 =	smov.u32 s26  }
0x35: {  	p0 =	sne.s32 s26, $0x4800;
	s26 =	sadd.s32 $0x400, s26;
	_ =	swait.ge [sflag:s19], $0x4000  }
0x36: {  	s28 =	sshra.s32 s28, $0x2;
	[sflag:s19] =	ssyncset.done $0x0  }
0x37: {  	s29 =	sadd.s32 $0x1400, s28;
	[sflag:s19] =	ssyncadd.s32 $0xFFFFC000  }
0x38: {  	[spmem:s2] =	stream.indirect.scatter.add.f32 [tilespmem:s17], [sflag:$0x3], $0x80, s29, s16, $0xb8;
	[tilespmem:$0x1E800] =	vst v63  }
0x39: {  	_ =	swait.ge [sflag:s20], $0x4000  }
0x3a: {  	[sflag:s20] =	ssyncset.done $0x0  }
0x3b: {  	s29 =	sadd.s32 $0x1480, s28;
	[sflag:s20] =	ssyncadd.s32 $0xFFFFC000  }
0x3c: {  	[spmem:s2] =	stream.indirect.scatter.add.f32 [tilespmem:s18], [sflag:$0x4], $0x80, s29, s16, $0xb8;
	[tilespmem:$0x1E800] =	vst v63  }
0x3d: {  	_ =	swait.ge [sflag:s21], $0x4000  }
0x3e: {  	[sflag:s21] =	ssyncset.done $0x0  }
.Ltmp0:
0x3f: {  	s29 =	sadd.s32 $0x100, s28;
	[sflag:s21] =	ssyncadd.s32 $0xFFFFC000;
	(pc) =	sbr.rel @p0 .LBB2_2-.Ltmp0, $4  }
0x40: {  	[tilespmem:s17], [sflag:$0x1] =	stream.indirect.gather [hbm4b:s1+s16], $0x80, s29, s16, $0xb8;
	[tilespmem:$0x1E800] =	vst v63  }
0x41: {  	_ =	swait.ge [sflag:s22], $0x4000  }
0x42: {  	[sflag:s22] =	ssyncset.done $0x0  }
0x43: {  	s28 =	sadd.s32 $0x180, s28;
	[sflag:s22] =	ssyncadd.s32 $0xFFFFC000  }
0x44: {  	[tilespmem:s18], [sflag:$0x2] =	stream.indirect.gather [hbm4b:s1+s16], $0x80, s28, s16, $0xb8;
	[tilespmem:$0x1E800] =	vst v63  }
0x45: {  	_ =	swait.ge [sflag:s19], $0x4000  }
0x46: {  	[sflag:s19] =	ssyncset.done $0x0  }
0x47: {  	[sflag:s19] =	ssyncadd.s32 $0xFFFFC000  }
0x48: {  	[spmem:s2] =	stream.indirect.scatter.add.f32 [tilespmem:s17], [sflag:$0x3], $0x80, s23, s16, $0xb8;
	[tilespmem:$0x1E800] =	vst v63  }
0x49: {  	_ =	swait.ge [sflag:s20], $0x4000  }
0x4a: {  	[sflag:s20] =	ssyncset.done $0x0  }
0x4b: {  	[sflag:s20] =	ssyncadd.s32 $0xFFFFC000  }
0x4c: {  	[spmem:s2] =	stream.indirect.scatter.add.f32 [tilespmem:s18], [sflag:$0x4], $0x80, s24, s16, $0xb8;
	[tilespmem:$0x1E800] =	vst v63  }
0x4d: {  	_ =	swait.ge [sflag:s21], $0x4000  }
0x4e: {  	[sflag:s21] =	ssyncset.done $0x0  }
0x4f: {  	[sflag:s21] =	ssyncadd.s32 $0xFFFFC000  }
0x50: {  	_ =	swait.ge [sflag:s22], $0x4000  }
0x51: {  	[sflag:s22] =	ssyncset.done $0x0  }
0x52: {  	s26 =	simm.s32 $0x0;
	[sflag:s22] =	ssyncadd.s32 $0xFFFFC000  }
0x53: {  	[tilespmem:s26], [sflag:$0x5] =	stream.linear.gather [hbm4b:s9+s26], $0x1400, $0x38;
	[tilespmem:$0x1E800] =	vst v63  }
0x54: {  	_ =	swait.ge [sflag:s14], $0x1400  }
0x55: {  	[sflag:s14] =	ssyncset.done $0x0  }
0x56: {  	[sflag:s14] =	ssyncadd.s32 $0xFFFFEC00  }
0x57: {  	[tilespmem:s15], [sflag:$0x5] =	stream.linear.gather [hbm4b:s10+s26], $0x1400, $0x38;
	[tilespmem:$0x1E800] =	vst v63  }
0x58: {  	_ =	swait.ge [sflag:s14], $0x1400  }
0x59: {  	[sflag:s14] =	ssyncset.done $0x0  }
0x5a: {  	[sflag:s14] =	ssyncadd.s32 $0xFFFFEC00  }
0x5b: {  	[tilespmem:s17], [sflag:$0x1] =	stream.indirect.gather [hbm4b:s1+s16], $0x80, s26, s16, $0xb8;
	[tilespmem:$0x1E800] =	vst v63  }
0x5c: {  	_ = 	snop  }
0x5d: {  	[tilespmem:s18], [sflag:$0x2] =	stream.indirect.gather [hbm4b:s1+s16], $0x80, s16, s16, $0xb8;
	[tilespmem:$0x1E800] =	vst v63  }
0x5e: {  	_ =	swait.ge [sflag:s19], $0x4000  }
0x5f: {  	[sflag:s19] =	ssyncset.done $0x0  }
0x60: {  	s29 =	simm.s32 $0x1400;
	[sflag:s19] =	ssyncadd.s32 $0xFFFFC000  }
0x61: {  	[spmem:s2] =	stream.indirect.scatter.add.f32 [tilespmem:s17], [sflag:$0x3], $0x80, s29, s16, $0xb8;
	[tilespmem:$0x1E800] =	vst v63  }
0x62: {  	_ =	swait.ge [sflag:s20], $0x4000  }
0x63: {  	[sflag:s20] =	ssyncset.done $0x0  }
0x64: {  	s30 =	simm.s32 $0x1480;
	[sflag:s20] =	ssyncadd.s32 $0xFFFFC000  }
0x65: {  	[spmem:s2] =	stream.indirect.scatter.add.f32 [tilespmem:s18], [sflag:$0x4], $0x80, s30, s16, $0xb8;
	[tilespmem:$0x1E800] =	vst v63  }
0x66: {  	_ =	swait.ge [sflag:s21], $0x4000  }
0x67: {  	[sflag:s21] =	ssyncset.done $0x0  }
0x68: {  	s31 =	simm.s32 $0x100;
	[sflag:s21] =	ssyncadd.s32 $0xFFFFC000  }
0x69: {  	[tilespmem:s17], [sflag:$0x1] =	stream.indirect.gather [hbm4b:s1+s16], $0x80, s31, s16, $0xb8;
	[tilespmem:$0x1E800] =	vst v63  }
0x6a: {  	_ =	swait.ge [sflag:s22], $0x4000  }
0x6b: {  	[sflag:s22] =	ssyncset.done $0x0  }
0x6c: {  	s28 =	simm.s32 $0x180;
	s26 =	simm.s32 $0x400;
	[sflag:s22] =	ssyncadd.s32 $0xFFFFC000  }
.LBB2_4:
0x6d: {  	[tilespmem:s18], [sflag:$0x2] =	stream.indirect.gather [hbm4b:s1+s16], $0x80, s28, s16, $0xb8;
	[tilespmem:$0x1E800] =	vst v63  }
0x6e: {  	s28 =	smov.u32 s26  }
0x6f: {  	p0 =	sne.s32 s26, $0x4800;
	s26 =	sadd.s32 $0x400, s26;
	_ =	swait.ge [sflag:s19], $0x4000  }
0x70: {  	s28 =	sshra.s32 s28, $0x2;
	[sflag:s19] =	ssyncset.done $0x0  }
0x71: {  	s29 =	sadd.s32 $0x1400, s28;
	[sflag:s19] =	ssyncadd.s32 $0xFFFFC000  }
0x72: {  	[spmem:s2] =	stream.indirect.scatter.add.f32 [tilespmem:s17], [sflag:$0x3], $0x80, s29, s16, $0xb8;
	[tilespmem:$0x1E800] =	vst v63  }
0x73: {  	_ =	swait.ge [sflag:s20], $0x4000  }
0x74: {  	[sflag:s20] =	ssyncset.done $0x0  }
0x75: {  	s29 =	sadd.s32 $0x1480, s28;
	[sflag:s20] =	ssyncadd.s32 $0xFFFFC000  }
0x76: {  	[spmem:s2] =	stream.indirect.scatter.add.f32 [tilespmem:s18], [sflag:$0x4], $0x80, s29, s16, $0xb8;
	[tilespmem:$0x1E800] =	vst v63  }
0x77: {  	_ =	swait.ge [sflag:s21], $0x4000  }
0x78: {  	[sflag:s21] =	ssyncset.done $0x0  }
.Ltmp1:
0x79: {  	s29 =	sadd.s32 $0x100, s28;
	[sflag:s21] =	ssyncadd.s32 $0xFFFFC000;
	(pc) =	sbr.rel @p0 .LBB2_4-.Ltmp1, $4  }
0x7a: {  	[tilespmem:s17], [sflag:$0x1] =	stream.indirect.gather [hbm4b:s1+s16], $0x80, s29, s16, $0xb8;
	[tilespmem:$0x1E800] =	vst v63  }
0x7b: {  	_ =	swait.ge [sflag:s22], $0x4000  }
0x7c: {  	[sflag:s22] =	ssyncset.done $0x0  }
0x7d: {  	s28 =	sadd.s32 $0x180, s28;
	[sflag:s22] =	ssyncadd.s32 $0xFFFFC000  }
0x7e: {  	[tilespmem:s18], [sflag:$0x2] =	stream.indirect.gather [hbm4b:s1+s16], $0x80, s28, s16, $0xb8;
	[tilespmem:$0x1E800] =	vst v63  }
0x7f: {  	_ =	swait.ge [sflag:s19], $0x4000  }
0x80: {  	[sflag:s19] =	ssyncset.done $0x0  }
0x81: {  	[sflag:s19] =	ssyncadd.s32 $0xFFFFC000  }
0x82: {  	[spmem:s2] =	stream.indirect.scatter.add.f32 [tilespmem:s17], [sflag:$0x3], $0x80, s23, s16, $0xb8;
	[tilespmem:$0x1E800] =	vst v63  }
0x83: {  	_ =	swait.ge [sflag:s20], $0x4000  }
0x84: {  	[sflag:s20] =	ssyncset.done $0x0  }
0x85: {  	[sflag:s20] =	ssyncadd.s32 $0xFFFFC000  }
0x86: {  	[spmem:s2] =	stream.indirect.scatter.add.f32 [tilespmem:s18], [sflag:$0x4], $0x80, s24, s16, $0xb8;
	[tilespmem:$0x1E800] =	vst v63  }
0x87: {  	_ =	swait.ge [sflag:s21], $0x4000  }
0x88: {  	[sflag:s21] =	ssyncset.done $0x0  }
0x89: {  	[sflag:s21] =	ssyncadd.s32 $0xFFFFC000  }
0x8a: {  	_ =	swait.ge [sflag:s22], $0x4000  }
0x8b: {  	s25 =	sadd.s32 $0x1, s25;
	[sflag:s22] =	ssyncset.done $0x0  }
0x8c: {  	p0 =	sne.s32 s25, s12;
	[sflag:s22] =	ssyncadd.s32 $0xFFFFC000  }
.Ltmp2:
0x8d: {  	[bflag:$0x0] =	sbarrier.arrive $0xFFFF;
	(pc) =	sbr.rel @p0 .LBB2_1-.Ltmp2, $4  }
0x8e: {  	[hbm:s11], [sflag:s6] =	dma.local [spmem:s13], $0x2800  }
0x8f: {  	_ =	swait.ge [sflag:s14], $0x2800  }
0x90: {  	[sflag:s14] =	ssyncset.done $0x0  }
0x91: {  	[sflag:s14] =	ssyncadd.s32 $0xFFFFD800  }
0x92: {  	_ =	sfence.sel $0x180000  }
0x93: {  	[bflag:$0x0] =	sbarrier.arrive $0xFFFF  }
0x94: {  	p0 =	sne.s32 s3, $0x0;
	_ =	strace $0x90000047  }
0x95: {  	s0 =	sadd.s32 @!p0 $0x100000, s0;
	[bflag:$0x2] =	sbarrier.arrive $0xFFFF  }
0x96: {  	[sflag:s0] =	ssyncadd.tile.s32 @!p0 $0x1;
	_ =	shalt  }
.Lfunc_end2:
_tile_overlayer_lowered:
.L_overlay_start_2:
0x97: {  	(tag) =	ssettag $0x2  }
0x98: {  	s0 =	rddreg [dreg:$0x0];
	s2 =	stileid.u32  }
0x99: {  	s1 =	rddreg [dreg:$0x1];
	p0 =	sne.s32 s2, $0x0  }
0x9a: {  	s3 =	rddreg [dreg:$0x2];
	[bflag:$0x3] =	sbarrier.arrive $0xFFFF;
	s2 =	simm.s32 @!p0 $0x1C05  }
0x9b: {  	[timem:s3], [sflag:s2] =	dma.local @!p0 [hbm:s0], s1  }
0x9c: {  	s0 =	simm.s32 @!p0 $0x5  }
0x9d: {  	_ =	swait.ge @!p0 [sflag:s0], s1  }
0x9e: {  	s1 =	ssub.s32 @!p0 $0x0, s1;
	[sflag:s0] =	ssyncset.done @!p0 $0x0  }
0x9f: {  	[sflag:s0] =	ssyncadd.s32 @!p0 s1  }
0xa0: {  	[bflag:$0x3] =	sbarrier.arrive $0xFFFF  }
0xa1: {  	_ =	shalt  }

</sc_bundles>
